<compile_context>
chip_gen: v7x
topology: tpu7x:2x2x1
jax: 0.10.2.dev20260603
libtpu: 0.0.44.dev20260713+nightly
codegen_flags: <defaults>
</compile_context>

<pallas_src>
import functools

import numpy as np

import jax
import jax.numpy as jnp
from jax import lax
from jax.experimental import pallas as pl
from jax.experimental.pallas import tpu as pltpu
from jax.experimental.pallas import tpu_sc as plsc

_B = 128
_ROWCHUNK = 128
_CORE0_FRAC = 0.65


def _tc_pre_body(x_ref, w_ref, wp_ref, asrc_w_ref, adst_w_ref,
                 hb_ref, asrc_ref, adst_ref, amax_ref):
    h = jnp.dot(x_ref[...], w_ref[...], preferred_element_type=jnp.float32)
    hp = jnp.dot(x_ref[...], wp_ref[...], preferred_element_type=jnp.float32)
    hb_ref[...] = hp.astype(jnp.bfloat16)
    a_s = jnp.sum(h * asrc_w_ref[...], axis=1, keepdims=True)
    a_d = jnp.sum(h * adst_w_ref[...], axis=1, keepdims=True)
    asrc_ref[...] = a_s
    adst_ref[...] = a_d
    amax_ref[...] = jnp.full((1, 1), jnp.max(a_s), dtype=jnp.float32)


def _tc_merge_body(p_ref, d_ref, bias_ref, out_ref):
    n = out_ref.shape[0]
    p = p_ref[0, :n, :] + p_ref[1, :n, :]
    d = d_ref[0, :n] + d_ref[1, :n]
    out_ref[...] = p / (d[:, None] + 1e-16) + bias_ref[...][None, :]


def _sc_edge_kernel(n_chunks0, n_chunks1, rows_per_tile,
                    hb_hbm, asrc_hbm, adst_hbm, av_hbm, eidx_hbm,
                    part_hbm, den_hbm,
                    av_v,
                    e0, e1, e2, e3, rowsb0, rowsb1, rowsf,
                    as0, as1, ad0, ad1, w0, w1,
                    acc, dacc,
                    semg0, semg1, sema0, sema1, semd0, semd1,
                    sems, semw0, semw1):
    cid = lax.axis_index("c")
    sid = lax.axis_index("s")
    ebufs = (e0, e1, e2, e3)
    rbufs = (rowsb0, rowsb1)
    asbufs = (as0, as1)
    adbufs = (ad0, ad1)
    wbufs = (w0, w1)
    semgs = (semg0, semg1)
    semas = (sema0, sema1)
    semds = (semd0, semd1)
    semws = (semw0, semw1)

    pltpu.sync_copy(av_hbm, av_v)

    zeros16 = jnp.zeros((16,), jnp.float32)

    def _zero_row(j, _):
        for k in range(8):
            rowsf[j, pl.ds(k * 16, 16)] = zeros16
        return 0

    lax.fori_loop(0, _ROWCHUNK, _zero_row, 0)
    for k in range(_B // 16):
        w0[pl.ds(k * 16, 16)] = zeros16
    row_base = sid * rows_per_tile
    for r in range(rows_per_tile // _ROWCHUNK):
        pltpu.sync_copy(rowsf, acc.at[pl.ds(row_base + r * _ROWCHUNK, _ROWCHUNK)])
        pltpu.sync_copy(w0, dacc.at[pl.ds(row_base + r * _ROWCHUNK, _B)])
    plsc.subcore_barrier()

    is0 = cid == 0
    n_my = jnp.where(is0, n_chunks0, n_chunks1)
    chunk0 = jnp.where(is0, sid * n_chunks0, 16 * n_chunks0 + sid * n_chunks1)

    def _fetch(g, b4, b2):
        pltpu.sync_copy(eidx_hbm.at[pl.ds((chunk0 + g) * 2, 2)], ebufs[b4])
        pltpu.async_copy(hb_hbm.at[ebufs[b4].at[0]], rbufs[b2], semgs[b2])
        pltpu.async_copy(asrc_hbm.at[ebufs[b4].at[0]], asbufs[b2], semas[b2])
        pltpu.async_copy(adst_hbm.at[ebufs[b4].at[1]], adbufs[b2], semds[b2])

    _fetch(0, 0, 0)

    def _quad(q, _):
        for b4 in range(4):
            g = q * 4 + b4
            b2 = b4 % 2
            eb, rb, wv = ebufs[b4], rbufs[b2], wbufs[b2]

            @pl.when(g < n_my - 1)
            def _():
                _fetch(g + 1, (b4 + 1) % 4, 1 - b2)

            av = av_v[...]
            pltpu.make_async_copy(asrc_hbm.at[eb.at[0]], asbufs[b2],
                                  semas[b2]).wait()
            pltpu.make_async_copy(adst_hbm.at[eb.at[1]], adbufs[b2],
                                  semds[b2]).wait()

            @pl.when(g >= 2)
            def _():
                pltpu.make_async_copy(
                    wv, dacc.at[ebufs[(b4 + 2) % 4].at[1]], semws[b2]).wait()
            for j in range(_B // 16):
                a_s = asbufs[b2][pl.ds(j * 16, 16)]
                a_d = adbufs[b2][pl.ds(j * 16, 16)]
                t = a_s + a_d
                e = jnp.where(t > 0, t, 0.2 * t)
                u = av + a_d
                m = jnp.where(u > 0, u, 0.2 * u)
                wv[pl.ds(j * 16, 16)] = jnp.exp(e - m)
            pltpu.async_copy(wv, dacc.at[eb.at[1]], semws[b2], add=True)

            @pl.when(g >= 1)
            def _():
                pltpu.make_async_copy(
                    rowsf, acc.at[ebufs[(b4 + 3) % 4].at[1]], sems).wait()
            pltpu.make_async_copy(hb_hbm.at[eb.at[0]], rb, semgs[b2]).wait()

            def _scale(j, _):
                jv = jnp.full((16,), j, dtype=jnp.int32)
                ws = plsc.load_gather(wv, [jv])
                for k in range(4):
                    hv = rb[j, pl.ds(k * 32, 32)]
                    ha, hc = plsc.unpack(hv, format=plsc.PackFormat.INTERLEAVED)
                    rowsf[j, pl.ds(k * 32, 16)] = ha * ws
                    rowsf[j, pl.ds(k * 32 + 16, 16)] = hc * ws
                return 0

            lax.fori_loop(0, _B, _scale, 0)
            pltpu.async_copy(rowsf, acc.at[eb.at[1]], sems, add=True)
        return 0

    lax.fori_loop(0, n_my // 4, _quad, 0)
    pltpu.make_async_copy(rowsf, acc.at[e0.at[1]], sems).wait()
    for b in range(2):
        pltpu.make_async_copy(wbufs[b], dacc.at[ebufs[b].at[1]],
                              semws[b]).wait()
    plsc.subcore_barrier()

    for r in range(rows_per_tile // _ROWCHUNK):
        bb = row_base + r * _ROWCHUNK
        pltpu.sync_copy(acc.at[pl.ds(bb, _ROWCHUNK)],
                        part_hbm.at[cid, pl.ds(bb, _ROWCHUNK)])
        pltpu.sync_copy(dacc.at[pl.ds(bb, _ROWCHUNK)],
                        den_hbm.at[cid, pl.ds(bb, _ROWCHUNK)])


def kernel(x, edge_index, W, att_src, att_dst, bias):
    n, in_ch = x.shape
    hidden = att_src.shape[1]
    e = edge_index.shape[1]

    np_ = ((n + 1 + 2047) // 2048) * 2048
    rows_per_tile = np_ // 16
    chunks_per_tile = 2 * (-(-e // (2 * 32 * _B)))
    ep = chunks_per_tile * 32 * _B

    x_p = jnp.pad(x, ((0, np_ - n), (0, 0)))
    src = edge_index[0].astype(jnp.int32)
    dst = edge_index[1].astype(jnp.int32)
    src_p = jnp.pad(src, (0, ep - e))
    dst_p = jnp.pad(dst, (0, ep - e), constant_values=np_ - 1)
    eidx = jnp.stack([src_p.reshape(-1, _B), dst_p.reshape(-1, _B)],
                     axis=1).reshape(-1, _B)

    perm = np.empty(hidden, dtype=np.int32)
    for m_ in range(hidden // 32):
        base = 32 * m_
        perm[base + 0:base + 32:2] = np.arange(base, base + 16)
        perm[base + 1:base + 32:2] = np.arange(base + 16, base + 32)
    W_perm = W[:, perm]

    hb, a_src2, a_dst2, amax = pl.pallas_call(
        _tc_pre_body,
        out_shape=(
            jax.ShapeDtypeStruct((np_, hidden), jnp.bfloat16),
            jax.ShapeDtypeStruct((np_, 1), jnp.float32),
            jax.ShapeDtypeStruct((np_, 1), jnp.float32),
            jax.ShapeDtypeStruct((1, 1), jnp.float32),
        ),
    )(x_p, W, W_perm, att_src[0:1, :], att_dst[0:1, :])

    a_src = a_src2.reshape(np_)
    a_dst = a_dst2.reshape(np_)
    av = jnp.broadcast_to(amax.reshape(1), (16,))

    n_pair = chunks_per_tile * 2
    n0 = 4 * int(round(_CORE0_FRAC * n_pair / 4))
    n0 = min(max(n0, 4), n_pair - 4)
    n1 = n_pair - n0

    mesh = plsc.VectorSubcoreMesh(core_axis_name="c", subcore_axis_name="s")
    sc_fn = functools.partial(_sc_edge_kernel, n0, n1, rows_per_tile)
    part, den = pl.kernel(
        sc_fn,
        mesh=mesh,
        compiler_params=pltpu.CompilerParams(needs_layout_passes=False,
                                             use_tc_tiling_on_sc=False),
        out_type=(
            jax.ShapeDtypeStruct((2, np_, hidden), jnp.float32),
            jax.ShapeDtypeStruct((2, np_), jnp.float32),
        ),
        scratch_types=[
            pltpu.VMEM((16,), jnp.float32),
        ] + [pltpu.VMEM((2, _B), jnp.int32)] * 4 \
          + [pltpu.VMEM((_B, 128), jnp.bfloat16)] * 2 \
          + [pltpu.VMEM((_B, 128), jnp.float32)] \
          + [pltpu.VMEM((_B,), jnp.float32)] * 6 \
          + [
            pltpu.VMEM_SHARED((np_, 128), jnp.float32),
            pltpu.VMEM_SHARED((np_,), jnp.float32),
        ] + [pltpu.SemaphoreType.DMA] * 9,
    )(hb, a_src, a_dst, av, eidx)

    out = pl.pallas_call(
        _tc_merge_body,
        out_shape=jax.ShapeDtypeStruct((n, hidden), jnp.float32),
    )(part, den, bias)
    return out

# --- scband reference (transcript-rebuilt; emitter-appended) ---
"""Pipeline reference for scband-gat-66005057405234 (READ-ONLY COPY).

The authoritative reference and input builder live on the scoring server;
editing this copy changes nothing except your own understanding.
"""

import jax, jax.numpy as jnp
import numpy as np

N_NODES = 10000
N_EDGES = 320000
IN_CH = 128
HIDDEN = 128
HEADS = 1


def setup_inputs(seed: int = 0) -> dict:
    key = jax.random.key(seed)
    k1, k2, k3, k4, k5, k6 = jax.random.split(key, 6)
    x = jax.random.normal(k1, (N_NODES, IN_CH), dtype=jnp.float32)
    edge_index = jax.random.randint(k2, (2, N_EDGES), 0, N_NODES, dtype=jnp.int64)
    # learned parameters (GATConv: lin weight, att_src, att_dst, bias)
    W = jax.random.normal(k3, (IN_CH, HEADS * HIDDEN), dtype=jnp.float32) * (1.0 / np.sqrt(IN_CH))
    att_src = jax.random.normal(k4, (HEADS, HIDDEN), dtype=jnp.float32) * 0.1
    att_dst = jax.random.normal(k5, (HEADS, HIDDEN), dtype=jnp.float32) * 0.1
    bias = jnp.zeros((HEADS * HIDDEN,), dtype=jnp.float32)
    return {"x": x, "edge_index": edge_index, "W": W, "att_src": att_src, "att_dst": att_dst, "bias": bias}


def reference(x, edge_index, W, att_src, att_dst, bias):
    # GATConv forward (dropout inactive / eval mode), negative_slope=0.2
    N = x.shape[0]
    H, C = att_src.shape
    h = (x @ W).reshape(N, H, C)                      # [N, H, C]
    src = edge_index[0]
    dst = edge_index[1]
    a_src = jnp.sum(h * att_src[None, :, :], axis=-1)  # [N, H]
    a_dst = jnp.sum(h * att_dst[None, :, :], axis=-1)  # [N, H]
    e = a_src[src] + a_dst[dst]                        # [E, H] gather
    e = jax.nn.leaky_relu(e, negative_slope=0.2)
    # segment softmax over destination nodes
    e_max = jax.ops.segment_max(e, dst, num_segments=N)   # [N, H]
    e_max = jax.lax.stop_gradient(e_max)
    e_exp = jnp.exp(e - e_max[dst])                        # [E, H]
    denom = jax.ops.segment_sum(e_exp, dst, num_segments=N)  # [N, H]
    alpha = e_exp / (denom[dst] + 1e-16)                   # [E, H]
    msg = h[src] * alpha[:, :, None]                       # [E, H, C] gather
    out = jax.ops.segment_sum(msg, dst, num_segments=N)    # [N, H, C] scatter-add
    out = out.reshape(N, H * C) + bias
    return out

if __name__ == "__main__":
    import jax
    _d = setup_inputs()
    print(jax.jit(kernel)(*tuple(_d.values())))

</pallas_src>

<mosaic_0001>
#map = affine_map<(d0, d1) -> (0, 0)>
#map1 = affine_map<(d0, d1) -> (0)>
#map2 = affine_map<(d0, d1) -> (0, 0, 0)>
module attributes {stable_mosaic.version = 14 : i64} {
  func.func @_sc_edge_kernel(%arg0: i32, %arg1: i32, %arg2: memref<10240x128xbf16, #tpu.memory_space<hbm>>, %arg3: memref<10240xf32, #tpu.memory_space<hbm>>, %arg4: memref<10240xf32, #tpu.memory_space<hbm>>, %arg5: memref<16xf32, #tpu.memory_space<hbm>>, %arg6: memref<5120x128xi32, #tpu.memory_space<hbm>>, %arg7: memref<2x10240x128xf32, #tpu.memory_space<hbm>>, %arg8: memref<2x10240xf32, #tpu.memory_space<hbm>>, %arg9: memref<16xf32, #tpu.memory_space<vmem>>, %arg10: memref<2x128xi32, #tpu.memory_space<vmem>>, %arg11: memref<2x128xi32, #tpu.memory_space<vmem>>, %arg12: memref<2x128xi32, #tpu.memory_space<vmem>>, %arg13: memref<2x128xi32, #tpu.memory_space<vmem>>, %arg14: memref<128x128xbf16, #tpu.memory_space<vmem>>, %arg15: memref<128x128xbf16, #tpu.memory_space<vmem>>, %arg16: memref<128x128xf32, #tpu.memory_space<vmem>>, %arg17: memref<128xf32, #tpu.memory_space<vmem>>, %arg18: memref<128xf32, #tpu.memory_space<vmem>>, %arg19: memref<128xf32, #tpu.memory_space<vmem>>, %arg20: memref<128xf32, #tpu.memory_space<vmem>>, %arg21: memref<128xf32, #tpu.memory_space<vmem>>, %arg22: memref<128xf32, #tpu.memory_space<vmem>>, %arg23: memref<10240x128xf32, #tpu.memory_space<vmem_shared>>, %arg24: memref<10240xf32, #tpu.memory_space<vmem_shared>>, %arg25: memref<!tpu.dma_semaphore, #tpu.memory_space<semaphore_mem>>, %arg26: memref<!tpu.dma_semaphore, #tpu.memory_space<semaphore_mem>>, %arg27: memref<!tpu.dma_semaphore, #tpu.memory_space<semaphore_mem>>, %arg28: memref<!tpu.dma_semaphore, #tpu.memory_space<semaphore_mem>>, %arg29: memref<!tpu.dma_semaphore, #tpu.memory_space<semaphore_mem>>, %arg30: memref<!tpu.dma_semaphore, #tpu.memory_space<semaphore_mem>>, %arg31: memref<!tpu.dma_semaphore, #tpu.memory_space<semaphore_mem>>, %arg32: memref<!tpu.dma_semaphore, #tpu.memory_space<semaphore_mem>>, %arg33: memref<!tpu.dma_semaphore, #tpu.memory_space<semaphore_mem>>) attributes {dimension_semantics = [#tpu.dimension_semantics<core_parallel>, #tpu.dimension_semantics<subcore_parallel>], iteration_bounds = array<i64: 2, 16>, scalar_prefetch = 0 : i64, scratch_operands = 25 : i64, tpu.core_type = #tpu.core_type<sc_vector_subcore>, window_params = [{transform_indices = #map}, {transform_indices = #map1}, {transform_indices = #map1}, {transform_indices = #map1}, {transform_indices = #map}, {transform_indices = #map2}, {transform_indices = #map}]} {
    "tpu.region"() ({
      %run_scoped3A = tpu.sem_alloc : memref<!tpu.dma_semaphore, #tpu.memory_space<semaphore_mem>>
      tpu.enqueue_dma source(%arg5 : memref<16xf32, #tpu.memory_space<hbm>>) target(%arg9 : memref<16xf32, #tpu.memory_space<vmem>>) target_semaphore(%run_scoped3A : memref<!tpu.dma_semaphore, #tpu.memory_space<semaphore_mem>>)
      tpu.wait_dma2 semaphore(%run_scoped3A : memref<!tpu.dma_semaphore, #tpu.memory_space<semaphore_mem>>) src(%arg5 : memref<16xf32, #tpu.memory_space<hbm>>) dst(%arg9 : memref<16xf32, #tpu.memory_space<vmem>>)
      tpu.yield
    }) : () -> ()
    %broadcast_in_dim3A = arith.constant 0.000000e+00 : f32
    %broadcast_in_dim3A_0 = vector.broadcast %broadcast_in_dim3A : f32 to vector<16xf32>
    %scan3A = arith.constant 0 : i32
    %scan3A_1 = arith.constant 0 : i32
    %scan3A_2 = arith.constant 128 : i32
    %scan3A_3 = arith.addi %scan3A_1, %scan3A_2 : i32
    %scan3A_4 = arith.constant 1 : i32
    %scan3A_5 = scf.for %scan3A_131 = %scan3A_1 to %scan3A_3 step %scan3A_4 iter_args(%scan3A_132 = %scan3A) -> (i32)  : i32 {
      %swap3A_133 = arith.index_cast %scan3A_131 : i32 to index
      %swap3A_134 = arith.constant 0 : index
      %swap3A_135 = tpu.vector_load %arg16[%swap3A_133, %swap3A_134] {strides = array<i32>} : memref<128x128xf32, #tpu.memory_space<vmem>>, vector<16xf32>,
      tpu.vector_store %arg16[%swap3A_133, %swap3A_134], %broadcast_in_dim3A_0 {strides = array<i32>} : memref<128x128xf32, #tpu.memory_space<vmem>>, vector<16xf32>,
      %swap3A_136 = arith.index_cast %scan3A_131 : i32 to index
      %swap3A_137 = arith.constant 16 : index
      %swap3A_138 = tpu.vector_load %arg16[%swap3A_136, %swap3A_137] {strides = array<i32>} : memref<128x128xf32, #tpu.memory_space<vmem>>, vector<16xf32>,
      tpu.vector_store %arg16[%swap3A_136, %swap3A_137], %broadcast_in_dim3A_0 {strides = array<i32>} : memref<128x128xf32, #tpu.memory_space<vmem>>, vector<16xf32>,
      %swap3A_139 = arith.index_cast %scan3A_131 : i32 to index
      %swap3A_140 = arith.constant 32 : index
      %swap3A_141 = tpu.vector_load %arg16[%swap3A_139, %swap3A_140] {strides = array<i32>} : memref<128x128xf32, #tpu.memory_space<vmem>>, vector<16xf32>,
      tpu.vector_store %arg16[%swap3A_139, %swap3A_140], %broadcast_in_dim3A_0 {strides = array<i32>} : memref<128x128xf32, #tpu.memory_space<vmem>>, vector<16xf32>,
      %swap3A_142 = arith.index_cast %scan3A_131 : i32 to index
      %swap3A_143 = arith.constant 48 : index
      %swap3A_144 = tpu.vector_load %arg16[%swap3A_142, %swap3A_143] {strides = array<i32>} : memref<128x128xf32, #tpu.memory_space<vmem>>, vector<16xf32>,
      tpu.vector_store %arg16[%swap3A_142, %swap3A_143], %broadcast_in_dim3A_0 {strides = array<i32>} : memref<128x128xf32, #tpu.memory_space<vmem>>, vector<16xf32>,
      %swap3A_145 = arith.index_cast %scan3A_131 : i32 to index
      %swap3A_146 = arith.constant 64 : index
      %swap3A_147 = tpu.vector_load %arg16[%swap3A_145, %swap3A_146] {strides = array<i32>} : memref<128x128xf32, #tpu.memory_space<vmem>>, vector<16xf32>,
      tpu.vector_store %arg16[%swap3A_145, %swap3A_146], %broadcast_in_dim3A_0 {strides = array<i32>} : memref<128x128xf32, #tpu.memory_space<vmem>>, vector<16xf32>,
      %swap3A_148 = arith.index_cast %scan3A_131 : i32 to index
      %swap3A_149 = arith.constant 80 : index
      %swap3A_150 = tpu.vector_load %arg16[%swap3A_148, %swap3A_149] {strides = array<i32>} : memref<128x128xf32, #tpu.memory_space<vmem>>, vector<16xf32>,
      tpu.vector_store %arg16[%swap3A_148, %swap3A_149], %broadcast_in_dim3A_0 {strides = array<i32>} : memref<128x128xf32, #tpu.memory_space<vmem>>, vector<16xf32>,
      %swap3A_151 = arith.index_cast %scan3A_131 : i32 to index
      %swap3A_152 = arith.constant 96 : index
      %swap3A_153 = tpu.vector_load %arg16[%swap3A_151, %swap3A_152] {strides = array<i32>} : memref<128x128xf32, #tpu.memory_space<vmem>>, vector<16xf32>,
      tpu.vector_store %arg16[%swap3A_151, %swap3A_152], %broadcast_in_dim3A_0 {strides = array<i32>} : memref<128x128xf32, #tpu.memory_space<vmem>>, vector<16xf32>,
      %swap3A_154 = arith.index_cast %scan3A_131 : i32 to index
      %swap3A_155 = arith.constant 112 : index
      %swap3A_156 = tpu.vector_load %arg16[%swap3A_154, %swap3A_155] {strides = array<i32>} : memref<128x128xf32, #tpu.memory_space<vmem>>, vector<16xf32>,
      tpu.vector_store %arg16[%swap3A_154, %swap3A_155], %broadcast_in_dim3A_0 {strides = array<i32>} : memref<128x128xf32, #tpu.memory_space<vmem>>, vector<16xf32>,
      %scan3A_157 = arith.constant 0 : i32
      scf.yield %scan3A_157 : i32
    }
    %scan3A_6 = arith.constant 128 : i32
    %swap3A = arith.constant 0 : index
    %swap3A_7 = tpu.vector_load %arg21[%swap3A] {strides = array<i32>} : memref<128xf32, #tpu.memory_space<vmem>>, vector<16xf32>,
    tpu.vector_store %arg21[%swap3A], %broadcast_in_dim3A_0 {strides = array<i32>} : memref<128xf32, #tpu.memory_space<vmem>>, vector<16xf32>,
    %swap3A_8 = arith.constant 16 : index
    %swap3A_9 = tpu.vector_load %arg21[%swap3A_8] {strides = array<i32>} : memref<128xf32, #tpu.memory_space<vmem>>, vector<16xf32>,
    tpu.vector_store %arg21[%swap3A_8], %broadcast_in_dim3A_0 {strides = array<i32>} : memref<128xf32, #tpu.memory_space<vmem>>, vector<16xf32>,
    %swap3A_10 = arith.constant 32 : index
    %swap3A_11 = tpu.vector_load %arg21[%swap3A_10] {strides = array<i32>} : memref<128xf32, #tpu.memory_space<vmem>>, vector<16xf32>,
    tpu.vector_store %arg21[%swap3A_10], %broadcast_in_dim3A_0 {strides = array<i32>} : memref<128xf32, #tpu.memory_space<vmem>>, vector<16xf32>,
    %swap3A_12 = arith.constant 48 : index
    %swap3A_13 = tpu.vector_load %arg21[%swap3A_12] {strides = array<i32>} : memref<128xf32, #tpu.memory_space<vmem>>, vector<16xf32>,
    tpu.vector_store %arg21[%swap3A_12], %broadcast_in_dim3A_0 {strides = array<i32>} : memref<128xf32, #tpu.memory_space<vmem>>, vector<16xf32>,
    %swap3A_14 = arith.constant 64 : index
    %swap3A_15 = tpu.vector_load %arg21[%swap3A_14] {strides = array<i32>} : memref<128xf32, #tpu.memory_space<vmem>>, vector<16xf32>,
    tpu.vector_store %arg21[%swap3A_14], %broadcast_in_dim3A_0 {strides = array<i32>} : memref<128xf32, #tpu.memory_space<vmem>>, vector<16xf32>,
    %swap3A_16 = arith.constant 80 : index
    %swap3A_17 = tpu.vector_load %arg21[%swap3A_16] {strides = array<i32>} : memref<128xf32, #tpu.memory_space<vmem>>, vector<16xf32>,
    tpu.vector_store %arg21[%swap3A_16], %broadcast_in_dim3A_0 {strides = array<i32>} : memref<128xf32, #tpu.memory_space<vmem>>, vector<16xf32>,
    %swap3A_18 = arith.constant 96 : index
    %swap3A_19 = tpu.vector_load %arg21[%swap3A_18] {strides = array<i32>} : memref<128xf32, #tpu.memory_space<vmem>>, vector<16xf32>,
    tpu.vector_store %arg21[%swap3A_18], %broadcast_in_dim3A_0 {strides = array<i32>} : memref<128xf32, #tpu.memory_space<vmem>>, vector<16xf32>,
    %swap3A_20 = arith.constant 112 : index
    %swap3A_21 = tpu.vector_load %arg21[%swap3A_20] {strides = array<i32>} : memref<128xf32, #tpu.memory_space<vmem>>, vector<16xf32>,
    tpu.vector_store %arg21[%swap3A_20], %broadcast_in_dim3A_0 {strides = array<i32>} : memref<128xf32, #tpu.memory_space<vmem>>, vector<16xf32>,
    %mul3A = arith.constant 640 : i32
    %mul3A_22 = arith.muli %arg1, %mul3A : i32
    %add3A = arith.constant 0 : i32
    %add3A_23 = arith.addi %mul3A_22, %add3A : i32
    "tpu.region"() ({
      %run_scoped3A = tpu.sem_alloc : memref<!tpu.dma_semaphore, #tpu.memory_space<semaphore_mem>>
      %dma_start3A_131 = arith.constant 0 : i32
      %dma_start3A_132 = tpu.memref_slice %arg23[%add3A_23, %dma_start3A_131] : memref<10240x128xf32, #tpu.memory_space<vmem_shared>> -> memref<128x128xf32, #tpu.memory_space<vmem_shared>>
      %dma_start3A_133 = arith.constant 0 : i32
      %dma_start3A_134 = tpu.memref_slice %arg23[%add3A_23, %dma_start3A_133] : memref<10240x128xf32, #tpu.memory_space<vmem_shared>> -> memref<128x128xf32, #tpu.memory_space<vmem_shared>>
      tpu.enqueue_dma source(%arg16 : memref<128x128xf32, #tpu.memory_space<vmem>>) target(%dma_start3A_134 : memref<128x128xf32, #tpu.memory_space<vmem_shared>>) target_semaphore(%run_scoped3A : memref<!tpu.dma_semaphore, #tpu.memory_space<semaphore_mem>>)
      %dma_wait3A_135 = arith.constant 0 : i32
      %dma_wait3A_136 = tpu.memref_slice %arg23[%add3A_23, %dma_wait3A_135] : memref<10240x128xf32, #tpu.memory_space<vmem_shared>> -> memref<128x128xf32, #tpu.memory_space<vmem_shared>>
      %dma_wait3A_137 = arith.constant 0 : i32
      %dma_wait3A_138 = tpu.memref_slice %arg23[%add3A_23, %dma_wait3A_137] : memref<10240x128xf32, #tpu.memory_space<vmem_shared>> -> memref<128x128xf32, #tpu.memory_space<vmem_shared>>
      tpu.wait_dma2 semaphore(%run_scoped3A : memref<!tpu.dma_semaphore, #tpu.memory_space<semaphore_mem>>) src(%arg16 : memref<128x128xf32, #tpu.memory_space<vmem>>) dst(%dma_wait3A_138 : memref<128x128xf32, #tpu.memory_space<vmem_shared>>)
      tpu.yield
    }) : () -> ()
    %add3A_24 = arith.constant 0 : i32
    %add3A_25 = arith.addi %mul3A_22, %add3A_24 : i32
    "tpu.region"() ({
      %run_scoped3A = tpu.sem_alloc : memref<!tpu.dma_semaphore, #tpu.memory_space<semaphore_mem>>
      %dma_start3A_131 = tpu.memref_slice %arg24[%add3A_25] : memref<10240xf32, #tpu.memory_space<vmem_shared>> -> memref<128xf32, #tpu.memory_space<vmem_shared>>
      %dma_start3A_132 = tpu.memref_slice %arg24[%add3A_25] : memref<10240xf32, #tpu.memory_space<vmem_shared>> -> memref<128xf32, #tpu.memory_space<vmem_shared>>
      tpu.enqueue_dma source(%arg21 : memref<128xf32, #tpu.memory_space<vmem>>) target(%dma_start3A_132 : memref<128xf32, #tpu.memory_space<vmem_shared>>) target_semaphore(%run_scoped3A : memref<!tpu.dma_semaphore, #tpu.memory_space<semaphore_mem>>)
      %dma_wait3A_133 = tpu.memref_slice %arg24[%add3A_25] : memref<10240xf32, #tpu.memory_space<vmem_shared>> -> memref<128xf32, #tpu.memory_space<vmem_shared>>
      %dma_wait3A_134 = tpu.memref_slice %arg24[%add3A_25] : memref<10240xf32, #tpu.memory_space<vmem_shared>> -> memref<128xf32, #tpu.memory_space<vmem_shared>>
      tpu.wait_dma2 semaphore(%run_scoped3A : memref<!tpu.dma_semaphore, #tpu.memory_space<semaphore_mem>>) src(%arg21 : memref<128xf32, #tpu.memory_space<vmem>>) dst(%dma_wait3A_134 : memref<128xf32, #tpu.memory_space<vmem_shared>>)
      tpu.yield
    }) : () -> ()
    %add3A_26 = arith.constant 128 : i32
    %add3A_27 = arith.addi %mul3A_22, %add3A_26 : i32
    "tpu.region"() ({
      %run_scoped3A = tpu.sem_alloc : memref<!tpu.dma_semaphore, #tpu.memory_space<semaphore_mem>>
      %dma_start3A_131 = arith.constant 0 : i32
      %dma_start3A_132 = tpu.memref_slice %arg23[%add3A_27, %dma_start3A_131] : memref<10240x128xf32, #tpu.memory_space<vmem_shared>> -> memref<128x128xf32, #tpu.memory_space<vmem_shared>>
      %dma_start3A_133 = arith.constant 0 : i32
      %dma_start3A_134 = tpu.memref_slice %arg23[%add3A_27, %dma_start3A_133] : memref<10240x128xf32, #tpu.memory_space<vmem_shared>> -> memref<128x128xf32, #tpu.memory_space<vmem_shared>>
      tpu.enqueue_dma source(%arg16 : memref<128x128xf32, #tpu.memory_space<vmem>>) target(%dma_start3A_134 : memref<128x128xf32, #tpu.memory_space<vmem_shared>>) target_semaphore(%run_scoped3A : memref<!tpu.dma_semaphore, #tpu.memory_space<semaphore_mem>>)
      %dma_wait3A_135 = arith.constant 0 : i32
      %dma_wait3A_136 = tpu.memref_slice %arg23[%add3A_27, %dma_wait3A_135] : memref<10240x128xf32, #tpu.memory_space<vmem_shared>> -> memref<128x128xf32, #tpu.memory_space<vmem_shared>>
      %dma_wait3A_137 = arith.constant 0 : i32
      %dma_wait3A_138 = tpu.memref_slice %arg23[%add3A_27, %dma_wait3A_137] : memref<10240x128xf32, #tpu.memory_space<vmem_shared>> -> memref<128x128xf32, #tpu.memory_space<vmem_shared>>
      tpu.wait_dma2 semaphore(%run_scoped3A : memref<!tpu.dma_semaphore, #tpu.memory_space<semaphore_mem>>) src(%arg16 : memref<128x128xf32, #tpu.memory_space<vmem>>) dst(%dma_wait3A_138 : memref<128x128xf32, #tpu.memory_space<vmem_shared>>)
      tpu.yield
    }) : () -> ()
    %add3A_28 = arith.constant 128 : i32
    %add3A_29 = arith.addi %mul3A_22, %add3A_28 : i32
    "tpu.region"() ({
      %run_scoped3A = tpu.sem_alloc : memref<!tpu.dma_semaphore, #tpu.memory_space<semaphore_mem>>
      %dma_start3A_131 = tpu.memref_slice %arg24[%add3A_29] : memref<10240xf32, #tpu.memory_space<vmem_shared>> -> memref<128xf32, #tpu.memory_space<vmem_shared>>
      %dma_start3A_132 = tpu.memref_slice %arg24[%add3A_29] : memref<10240xf32, #tpu.memory_space<vmem_shared>> -> memref<128xf32, #tpu.memory_space<vmem_shared>>
      tpu.enqueue_dma source(%arg21 : memref<128xf32, #tpu.memory_space<vmem>>) target(%dma_start3A_132 : memref<128xf32, #tpu.memory_space<vmem_shared>>) target_semaphore(%run_scoped3A : memref<!tpu.dma_semaphore, #tpu.memory_space<semaphore_mem>>)
      %dma_wait3A_133 = tpu.memref_slice %arg24[%add3A_29] : memref<10240xf32, #tpu.memory_space<vmem_shared>> -> memref<128xf32, #tpu.memory_space<vmem_shared>>
      %dma_wait3A_134 = tpu.memref_slice %arg24[%add3A_29] : memref<10240xf32, #tpu.memory_space<vmem_shared>> -> memref<128xf32, #tpu.memory_space<vmem_shared>>
      tpu.wait_dma2 semaphore(%run_scoped3A : memref<!tpu.dma_semaphore, #tpu.memory_space<semaphore_mem>>) src(%arg21 : memref<128xf32, #tpu.memory_space<vmem>>) dst(%dma_wait3A_134 : memref<128xf32, #tpu.memory_space<vmem_shared>>)
      tpu.yield
    }) : () -> ()
    %add3A_30 = arith.constant 256 : i32
    %add3A_31 = arith.addi %mul3A_22, %add3A_30 : i32
    "tpu.region"() ({
      %run_scoped3A = tpu.sem_alloc : memref<!tpu.dma_semaphore, #tpu.memory_space<semaphore_mem>>
      %dma_start3A_131 = arith.constant 0 : i32
      %dma_start3A_132 = tpu.memref_slice %arg23[%add3A_31, %dma_start3A_131] : memref<10240x128xf32, #tpu.memory_space<vmem_shared>> -> memref<128x128xf32, #tpu.memory_space<vmem_shared>>
      %dma_start3A_133 = arith.constant 0 : i32
      %dma_start3A_134 = tpu.memref_slice %arg23[%add3A_31, %dma_start3A_133] : memref<10240x128xf32, #tpu.memory_space<vmem_shared>> -> memref<128x128xf32, #tpu.memory_space<vmem_shared>>
      tpu.enqueue_dma source(%arg16 : memref<128x128xf32, #tpu.memory_space<vmem>>) target(%dma_start3A_134 : memref<128x128xf32, #tpu.memory_space<vmem_shared>>) target_semaphore(%run_scoped3A : memref<!tpu.dma_semaphore, #tpu.memory_space<semaphore_mem>>)
      %dma_wait3A_135 = arith.constant 0 : i32
      %dma_wait3A_136 = tpu.memref_slice %arg23[%add3A_31, %dma_wait3A_135] : memref<10240x128xf32, #tpu.memory_space<vmem_shared>> -> memref<128x128xf32, #tpu.memory_space<vmem_shared>>
      %dma_wait3A_137 = arith.constant 0 : i32
      %dma_wait3A_138 = tpu.memref_slice %arg23[%add3A_31, %dma_wait3A_137] : memref<10240x128xf32, #tpu.memory_space<vmem_shared>> -> memref<128x128xf32, #tpu.memory_space<vmem_shared>>
      tpu.wait_dma2 semaphore(%run_scoped3A : memref<!tpu.dma_semaphore, #tpu.memory_space<semaphore_mem>>) src(%arg16 : memref<128x128xf32, #tpu.memory_space<vmem>>) dst(%dma_wait3A_138 : memref<128x128xf32, #tpu.memory_space<vmem_shared>>)
      tpu.yield
    }) : () -> ()
    %add3A_32 = arith.constant 256 : i32
    %add3A_33 = arith.addi %mul3A_22, %add3A_32 : i32
    "tpu.region"() ({
      %run_scoped3A = tpu.sem_alloc : memref<!tpu.dma_semaphore, #tpu.memory_space<semaphore_mem>>
      %dma_start3A_131 = tpu.memref_slice %arg24[%add3A_33] : memref<10240xf32, #tpu.memory_space<vmem_shared>> -> memref<128xf32, #tpu.memory_space<vmem_shared>>
      %dma_start3A_132 = tpu.memref_slice %arg24[%add3A_33] : memref<10240xf32, #tpu.memory_space<vmem_shared>> -> memref<128xf32, #tpu.memory_space<vmem_shared>>
      tpu.enqueue_dma source(%arg21 : memref<128xf32, #tpu.memory_space<vmem>>) target(%dma_start3A_132 : memref<128xf32, #tpu.memory_space<vmem_shared>>) target_semaphore(%run_scoped3A : memref<!tpu.dma_semaphore, #tpu.memory_space<semaphore_mem>>)
      %dma_wait3A_133 = tpu.memref_slice %arg24[%add3A_33] : memref<10240xf32, #tpu.memory_space<vmem_shared>> -> memref<128xf32, #tpu.memory_space<vmem_shared>>
      %dma_wait3A_134 = tpu.memref_slice %arg24[%add3A_33] : memref<10240xf32, #tpu.memory_space<vmem_shared>> -> memref<128xf32, #tpu.memory_space<vmem_shared>>
      tpu.wait_dma2 semaphore(%run_scoped3A : memref<!tpu.dma_semaphore, #tpu.memory_space<semaphore_mem>>) src(%arg21 : memref<128xf32, #tpu.memory_space<vmem>>) dst(%dma_wait3A_134 : memref<128xf32, #tpu.memory_space<vmem_shared>>)
      tpu.yield
    }) : () -> ()
    %add3A_34 = arith.constant 384 : i32
    %add3A_35 = arith.addi %mul3A_22, %add3A_34 : i32
    "tpu.region"() ({
      %run_scoped3A = tpu.sem_alloc : memref<!tpu.dma_semaphore, #tpu.memory_space<semaphore_mem>>
      %dma_start3A_131 = arith.constant 0 : i32
      %dma_start3A_132 = tpu.memref_slice %arg23[%add3A_35, %dma_start3A_131] : memref<10240x128xf32, #tpu.memory_space<vmem_shared>> -> memref<128x128xf32, #tpu.memory_space<vmem_shared>>
      %dma_start3A_133 = arith.constant 0 : i32
      %dma_start3A_134 = tpu.memref_slice %arg23[%add3A_35, %dma_start3A_133] : memref<10240x128xf32, #tpu.memory_space<vmem_shared>> -> memref<128x128xf32, #tpu.memory_space<vmem_shared>>
      tpu.enqueue_dma source(%arg16 : memref<128x128xf32, #tpu.memory_space<vmem>>) target(%dma_start3A_134 : memref<128x128xf32, #tpu.memory_space<vmem_shared>>) target_semaphore(%run_scoped3A : memref<!tpu.dma_semaphore, #tpu.memory_space<semaphore_mem>>)
      %dma_wait3A_135 = arith.constant 0 : i32
      %dma_wait3A_136 = tpu.memref_slice %arg23[%add3A_35, %dma_wait3A_135] : memref<10240x128xf32, #tpu.memory_space<vmem_shared>> -> memref<128x128xf32, #tpu.memory_space<vmem_shared>>
      %dma_wait3A_137 = arith.constant 0 : i32
      %dma_wait3A_138 = tpu.memref_slice %arg23[%add3A_35, %dma_wait3A_137] : memref<10240x128xf32, #tpu.memory_space<vmem_shared>> -> memref<128x128xf32, #tpu.memory_space<vmem_shared>>
      tpu.wait_dma2 semaphore(%run_scoped3A : memref<!tpu.dma_semaphore, #tpu.memory_space<semaphore_mem>>) src(%arg16 : memref<128x128xf32, #tpu.memory_space<vmem>>) dst(%dma_wait3A_138 : memref<128x128xf32, #tpu.memory_space<vmem_shared>>)
      tpu.yield
    }) : () -> ()
    %add3A_36 = arith.constant 384 : i32
    %add3A_37 = arith.addi %mul3A_22, %add3A_36 : i32
    "tpu.region"() ({
      %run_scoped3A = tpu.sem_alloc : memref<!tpu.dma_semaphore, #tpu.memory_space<semaphore_mem>>
      %dma_start3A_131 = tpu.memref_slice %arg24[%add3A_37] : memref<10240xf32, #tpu.memory_space<vmem_shared>> -> memref<128xf32, #tpu.memory_space<vmem_shared>>
      %dma_start3A_132 = tpu.memref_slice %arg24[%add3A_37] : memref<10240xf32, #tpu.memory_space<vmem_shared>> -> memref<128xf32, #tpu.memory_space<vmem_shared>>
      tpu.enqueue_dma source(%arg21 : memref<128xf32, #tpu.memory_space<vmem>>) target(%dma_start3A_132 : memref<128xf32, #tpu.memory_space<vmem_shared>>) target_semaphore(%run_scoped3A : memref<!tpu.dma_semaphore, #tpu.memory_space<semaphore_mem>>)
      %dma_wait3A_133 = tpu.memref_slice %arg24[%add3A_37] : memref<10240xf32, #tpu.memory_space<vmem_shared>> -> memref<128xf32, #tpu.memory_space<vmem_shared>>
      %dma_wait3A_134 = tpu.memref_slice %arg24[%add3A_37] : memref<10240xf32, #tpu.memory_space<vmem_shared>> -> memref<128xf32, #tpu.memory_space<vmem_shared>>
      tpu.wait_dma2 semaphore(%run_scoped3A : memref<!tpu.dma_semaphore, #tpu.memory_space<semaphore_mem>>) src(%arg21 : memref<128xf32, #tpu.memory_space<vmem>>) dst(%dma_wait3A_134 : memref<128xf32, #tpu.memory_space<vmem_shared>>)
      tpu.yield
    }) : () -> ()
    %add3A_38 = arith.constant 512 : i32
    %add3A_39 = arith.addi %mul3A_22, %add3A_38 : i32
    "tpu.region"() ({
      %run_scoped3A = tpu.sem_alloc : memref<!tpu.dma_semaphore, #tpu.memory_space<semaphore_mem>>
      %dma_start3A_131 = arith.constant 0 : i32
      %dma_start3A_132 = tpu.memref_slice %arg23[%add3A_39, %dma_start3A_131] : memref<10240x128xf32, #tpu.memory_space<vmem_shared>> -> memref<128x128xf32, #tpu.memory_space<vmem_shared>>
      %dma_start3A_133 = arith.constant 0 : i32
      %dma_start3A_134 = tpu.memref_slice %arg23[%add3A_39, %dma_start3A_133] : memref<10240x128xf32, #tpu.memory_space<vmem_shared>> -> memref<128x128xf32, #tpu.memory_space<vmem_shared>>
      tpu.enqueue_dma source(%arg16 : memref<128x128xf32, #tpu.memory_space<vmem>>) target(%dma_start3A_134 : memref<128x128xf32, #tpu.memory_space<vmem_shared>>) target_semaphore(%run_scoped3A : memref<!tpu.dma_semaphore, #tpu.memory_space<semaphore_mem>>)
      %dma_wait3A_135 = arith.constant 0 : i32
      %dma_wait3A_136 = tpu.memref_slice %arg23[%add3A_39, %dma_wait3A_135] : memref<10240x128xf32, #tpu.memory_space<vmem_shared>> -> memref<128x128xf32, #tpu.memory_space<vmem_shared>>
      %dma_wait3A_137 = arith.constant 0 : i32
      %dma_wait3A_138 = tpu.memref_slice %arg23[%add3A_39, %dma_wait3A_137] : memref<10240x128xf32, #tpu.memory_space<vmem_shared>> -> memref<128x128xf32, #tpu.memory_space<vmem_shared>>
      tpu.wait_dma2 semaphore(%run_scoped3A : memref<!tpu.dma_semaphore, #tpu.memory_space<semaphore_mem>>) src(%arg16 : memref<128x128xf32, #tpu.memory_space<vmem>>) dst(%dma_wait3A_138 : memref<128x128xf32, #tpu.memory_space<vmem_shared>>)
      tpu.yield
    }) : () -> ()
    %add3A_40 = arith.constant 512 : i32
    %add3A_41 = arith.addi %mul3A_22, %add3A_40 : i32
    "tpu.region"() ({
      %run_scoped3A = tpu.sem_alloc : memref<!tpu.dma_semaphore, #tpu.memory_space<semaphore_mem>>
      %dma_start3A_131 = tpu.memref_slice %arg24[%add3A_41] : memref<10240xf32, #tpu.memory_space<vmem_shared>> -> memref<128xf32, #tpu.memory_space<vmem_shared>>
      %dma_start3A_132 = tpu.memref_slice %arg24[%add3A_41] : memref<10240xf32, #tpu.memory_space<vmem_shared>> -> memref<128xf32, #tpu.memory_space<vmem_shared>>
      tpu.enqueue_dma source(%arg21 : memref<128xf32, #tpu.memory_space<vmem>>) target(%dma_start3A_132 : memref<128xf32, #tpu.memory_space<vmem_shared>>) target_semaphore(%run_scoped3A : memref<!tpu.dma_semaphore, #tpu.memory_space<semaphore_mem>>)
      %dma_wait3A_133 = tpu.memref_slice %arg24[%add3A_41] : memref<10240xf32, #tpu.memory_space<vmem_shared>> -> memref<128xf32, #tpu.memory_space<vmem_shared>>
      %dma_wait3A_134 = tpu.memref_slice %arg24[%add3A_41] : memref<10240xf32, #tpu.memory_space<vmem_shared>> -> memref<128xf32, #tpu.memory_space<vmem_shared>>
      tpu.wait_dma2 semaphore(%run_scoped3A : memref<!tpu.dma_semaphore, #tpu.memory_space<semaphore_mem>>) src(%arg21 : memref<128xf32, #tpu.memory_space<vmem>>) dst(%dma_wait3A_134 : memref<128xf32, #tpu.memory_space<vmem_shared>>)
      tpu.yield
    }) : () -> ()
    %barrier3A = arith.constant 0 : index
    tpu.barrier barrier_id(%barrier3A)
    %eq3A = arith.constant 0 : i32
    %eq3A_42 = arith.cmpi eq, %arg0, %eq3A : i32
    %jit3A = arith.constant 104 : i32
    %jit3A_43 = arith.constant 56 : i32
    %select_n3A = arith.select %eq3A_42, %jit3A, %jit3A_43 : i32
    %mul3A_44 = arith.constant 104 : i32
    %mul3A_45 = arith.muli %arg1, %mul3A_44 : i32
    %mul3A_46 = arith.constant 56 : i32
    %mul3A_47 = arith.muli %arg1, %mul3A_46 : i32
    %add3A_48 = arith.constant 1664 : i32
    %add3A_49 = arith.addi %add3A_48, %mul3A_47 : i32
    %select_n3A_50 = arith.select %eq3A_42, %mul3A_45, %add3A_49 : i32
    %add3A_51 = arith.constant 0 : i32
    %add3A_52 = arith.addi %select_n3A_50, %add3A_51 : i32
    %mul3A_53 = arith.constant 2 : i32
    %mul3A_54 = arith.muli %add3A_52, %mul3A_53 : i32
    "tpu.region"() ({
      %run_scoped3A = tpu.sem_alloc : memref<!tpu.dma_semaphore, #tpu.memory_space<semaphore_mem>>
      %dma_start3A_131 = arith.constant 0 : i32
      %dma_start3A_132 = tpu.memref_slice %arg6[%mul3A_54, %dma_start3A_131] : memref<5120x128xi32, #tpu.memory_space<hbm>> -> memref<2x128xi32, #tpu.memory_space<hbm>>
      %dma_start3A_133 = arith.constant 0 : i32
      %dma_start3A_134 = tpu.memref_slice %arg6[%mul3A_54, %dma_start3A_133] : memref<5120x128xi32, #tpu.memory_space<hbm>> -> memref<2x128xi32, #tpu.memory_space<hbm>>
      tpu.enqueue_dma source(%dma_start3A_134 : memref<2x128xi32, #tpu.memory_space<hbm>>) target(%arg10 : memref<2x128xi32, #tpu.memory_space<vmem>>) target_semaphore(%run_scoped3A : memref<!tpu.dma_semaphore, #tpu.memory_space<semaphore_mem>>)
      %dma_wait3A_135 = arith.constant 0 : i32
      %dma_wait3A_136 = tpu.memref_slice %arg6[%mul3A_54, %dma_wait3A_135] : memref<5120x128xi32, #tpu.memory_space<hbm>> -> memref<2x128xi32, #tpu.memory_space<hbm>>
      %dma_wait3A_137 = arith.constant 0 : i32
      %dma_wait3A_138 = tpu.memref_slice %arg6[%mul3A_54, %dma_wait3A_137] : memref<5120x128xi32, #tpu.memory_space<hbm>> -> memref<2x128xi32, #tpu.memory_space<hbm>>
      tpu.wait_dma2 semaphore(%run_scoped3A : memref<!tpu.dma_semaphore, #tpu.memory_space<semaphore_mem>>) src(%dma_wait3A_138 : memref<2x128xi32, #tpu.memory_space<hbm>>) dst(%arg10 : memref<2x128xi32, #tpu.memory_space<vmem>>)
      tpu.yield
    }) : () -> ()
    %dma_start3A = arith.constant 0 : i32
    %dma_start3A_55 = arith.constant 0 : i32
    %dma_start3A_56 = tpu.memref_slice %arg10[%dma_start3A, %dma_start3A_55] : memref<2x128xi32, #tpu.memory_space<vmem>> -> memref<1x128xi32, #tpu.memory_space<vmem>>
    %dma_start3A_57 = tpu.memref_squeeze %dma_start3A_56 : memref<1x128xi32, #tpu.memory_space<vmem>> -> memref<128xi32, #tpu.memory_space<vmem>>
    %dma_start3A_58 = arith.constant 0 : i32
    %dma_start3A_59 = arith.constant 0 : i32
    %dma_start3A_60 = tpu.memref_slice %arg2[%dma_start3A_58, %dma_start3A_59] : memref<10240x128xbf16, #tpu.memory_space<hbm>> -> memref<10240x128xbf16, #tpu.memory_space<hbm>>
    tpu.enqueue_indirect_dma source(%dma_start3A_60 : memref<10240x128xbf16, #tpu.memory_space<hbm>>) target(%arg14 : memref<128x128xbf16, #tpu.memory_space<vmem>>) offsets(%dma_start3A_57 : memref<128xi32, #tpu.memory_space<vmem>>) semaphore(%arg25 : memref<!tpu.dma_semaphore, #tpu.memory_space<semaphore_mem>>)
    %dma_start3A_61 = arith.constant 0 : i32
    %dma_start3A_62 = arith.constant 0 : i32
    %dma_start3A_63 = tpu.memref_slice %arg10[%dma_start3A_61, %dma_start3A_62] : memref<2x128xi32, #tpu.memory_space<vmem>> -> memref<1x128xi32, #tpu.memory_space<vmem>>
    %dma_start3A_64 = tpu.memref_squeeze %dma_start3A_63 : memref<1x128xi32, #tpu.memory_space<vmem>> -> memref<128xi32, #tpu.memory_space<vmem>>
    %dma_start3A_65 = arith.constant 0 : i32
    %dma_start3A_66 = tpu.memref_slice %arg3[%dma_start3A_65] : memref<10240xf32, #tpu.memory_space<hbm>> -> memref<10240xf32, #tpu.memory_space<hbm>>
    tpu.enqueue_indirect_dma source(%dma_start3A_66 : memref<10240xf32, #tpu.memory_space<hbm>>) target(%arg17 : memref<128xf32, #tpu.memory_space<vmem>>) offsets(%dma_start3A_64 : memref<128xi32, #tpu.memory_space<vmem>>) semaphore(%arg27 : memref<!tpu.dma_semaphore, #tpu.memory_space<semaphore_mem>>)
    %dma_start3A_67 = arith.constant 1 : i32
    %dma_start3A_68 = arith.constant 0 : i32
    %dma_start3A_69 = tpu.memref_slice %arg10[%dma_start3A_67, %dma_start3A_68] : memref<2x128xi32, #tpu.memory_space<vmem>> -> memref<1x128xi32, #tpu.memory_space<vmem>>
    %dma_start3A_70 = tpu.memref_squeeze %dma_start3A_69 : memref<1x128xi32, #tpu.memory_space<vmem>> -> memref<128xi32, #tpu.memory_space<vmem>>
    %dma_start3A_71 = arith.constant 0 : i32
    %dma_start3A_72 = tpu.memref_slice %arg4[%dma_start3A_71] : memref<10240xf32, #tpu.memory_space<hbm>> -> memref<10240xf32, #tpu.memory_space<hbm>>
    tpu.enqueue_indirect_dma source(%dma_start3A_72 : memref<10240xf32, #tpu.memory_space<hbm>>) target(%arg19 : memref<128xf32, #tpu.memory_space<vmem>>) offsets(%dma_start3A_70 : memref<128xi32, #tpu.memory_space<vmem>>) semaphore(%arg29 : memref<!tpu.dma_semaphore, #tpu.memory_space<semaphore_mem>>)
    %jit3A_73 = arith.constant 4 : i32
    %div3A = arith.divsi %select_n3A, %jit3A_73 : i32
    %sign3A = arith.constant 0 : i32
    %sign3A_74 = arith.cmpi sgt, %select_n3A, %sign3A : i32
    %sign3A_75 = arith.extui %sign3A_74 : i1 to i32
    %sign3A_76 = arith.constant 0 : i32
    %sign3A_77 = arith.cmpi slt, %select_n3A, %sign3A_76 : i32
    %sign3A_78 = arith.extui %sign3A_77 : i1 to i32
    %sign3A_79 = arith.subi %sign3A_75, %sign3A_78 : i32
    %sign3A_80 = arith.constant 0 : i32
    %sign3A_81 = arith.cmpi sgt, %jit3A_73, %sign3A_80 : i32
    %sign3A_82 = arith.extui %sign3A_81 : i1 to i32
    %sign3A_83 = arith.constant 0 : i32
    %sign3A_84 = arith.cmpi slt, %jit3A_73, %sign3A_83 : i32
    %sign3A_85 = arith.extui %sign3A_84 : i1 to i32
    %sign3A_86 = arith.subi %sign3A_82, %sign3A_85 : i32
    %ne3A = arith.cmpi ne, %sign3A_79, %sign3A_86 : i32
    %rem3A = arith.remsi %select_n3A, %jit3A_73 : i32
    %ne3A_87 = arith.constant 0 : i32
    %ne3A_88 = arith.cmpi ne, %rem3A, %ne3A_87 : i32
    %and3A = arith.andi %ne3A, %ne3A_88 : i1
    %sub3A = arith.constant 1 : i32
    %sub3A_89 = arith.subi %div3A, %sub3A : i32
    %select_n3A_90 = arith.select %and3A, %sub3A_89, %div3A : i32
    %while3A = arith.constant 0 : i32
    %while3A_91 = arith.constant 0 : i32
    %while3A_92 = arith.subi %select_n3A_90, %while3A : i32
    %while3A_93 = arith.addi %while3A, %while3A_92 : i32
    %while3A_94 = arith.constant 1 : i32
    %while3A_95 = arith.divsi %while3A_92, %while3A_94 : i32
    %while3A_96 = arith.muli %while3A_95, %while3A_94 : i32
    %while3A_97 = arith.addi %while3A, %while3A_96 : i32
    %while3A_98 = arith.constant 1 : i32
    %while3A_99 = scf.for %while3A_131 = %while3A to %while3A_97 step %while3A_98 iter_args(%while3A_132 = %while3A_91) -> (i32)  : i32 {
      %mul3A_133 = arith.constant 4 : i32
      %mul3A_134 = arith.muli %while3A_131, %mul3A_133 : i32
      %add3A_135 = arith.constant 0 : i32
      %add3A_136 = arith.addi %mul3A_134, %add3A_135 : i32
      %sub3A_137 = arith.constant 1 : i32
      %sub3A_138 = arith.subi %select_n3A, %sub3A_137 : i32
      %lt3A = arith.cmpi slt, %add3A_136, %sub3A_138 : i32
      %convert_element_type3A = arith.extui %lt3A : i1 to i32
      %cond3A = arith.constant 0 : i32
      %cond3A_139 = arith.cmpi ne, %convert_element_type3A, %cond3A : i32
      scf.if %cond3A_139 {
        %add3A_1139 = arith.constant 1 : i32
        %add3A_1140 = arith.addi %add3A_136, %add3A_1139 : i32
        %add3A_1141 = arith.addi %select_n3A_50, %add3A_1140 : i32
        %mul3A_1142 = arith.constant 2 : i32
        %mul3A_1143 = arith.muli %add3A_1141, %mul3A_1142 : i32
        "tpu.region"() ({
          %run_scoped3A = tpu.sem_alloc : memref<!tpu.dma_semaphore, #tpu.memory_space<semaphore_mem>>
          %dma_start3A_1163 = arith.constant 0 : i32
          %dma_start3A_1164 = tpu.memref_slice %arg6[%mul3A_1143, %dma_start3A_1163] : memref<5120x128xi32, #tpu.memory_space<hbm>> -> memref<2x128xi32, #tpu.memory_space<hbm>>
          %dma_start3A_1165 = arith.constant 0 : i32
          %dma_start3A_1166 = tpu.memref_slice %arg6[%mul3A_1143, %dma_start3A_1165] : memref<5120x128xi32, #tpu.memory_space<hbm>> -> memref<2x128xi32, #tpu.memory_space<hbm>>
          tpu.enqueue_dma source(%dma_start3A_1166 : memref<2x128xi32, #tpu.memory_space<hbm>>) target(%arg11 : memref<2x128xi32, #tpu.memory_space<vmem>>) target_semaphore(%run_scoped3A : memref<!tpu.dma_semaphore, #tpu.memory_space<semaphore_mem>>)
          %dma_wait3A_1167 = arith.constant 0 : i32
          %dma_wait3A_1168 = tpu.memref_slice %arg6[%mul3A_1143, %dma_wait3A_1167] : memref<5120x128xi32, #tpu.memory_space<hbm>> -> memref<2x128xi32, #tpu.memory_space<hbm>>
          %dma_wait3A_1169 = arith.constant 0 : i32
          %dma_wait3A_1170 = tpu.memref_slice %arg6[%mul3A_1143, %dma_wait3A_1169] : memref<5120x128xi32, #tpu.memory_space<hbm>> -> memref<2x128xi32, #tpu.memory_space<hbm>>
          tpu.wait_dma2 semaphore(%run_scoped3A : memref<!tpu.dma_semaphore, #tpu.memory_space<semaphore_mem>>) src(%dma_wait3A_1170 : memref<2x128xi32, #tpu.memory_space<hbm>>) dst(%arg11 : memref<2x128xi32, #tpu.memory_space<vmem>>)
          tpu.yield
        }) : () -> ()
        %dma_start3A_1144 = arith.constant 0 : i32
        %dma_start3A_1145 = arith.constant 0 : i32
        %dma_start3A_1146 = tpu.memref_slice %arg11[%dma_start3A_1144, %dma_start3A_1145] : memref<2x128xi32, #tpu.memory_space<vmem>> -> memref<1x128xi32, #tpu.memory_space<vmem>>
        %dma_start3A_1147 = tpu.memref_squeeze %dma_start3A_1146 : memref<1x128xi32, #tpu.memory_space<vmem>> -> memref<128xi32, #tpu.memory_space<vmem>>
        %dma_start3A_1148 = arith.constant 0 : i32
        %dma_start3A_1149 = arith.constant 0 : i32
        %dma_start3A_1150 = tpu.memref_slice %arg2[%dma_start3A_1148, %dma_start3A_1149] : memref<10240x128xbf16, #tpu.memory_space<hbm>> -> memref<10240x128xbf16, #tpu.memory_space<hbm>>
        tpu.enqueue_indirect_dma source(%dma_start3A_1150 : memref<10240x128xbf16, #tpu.memory_space<hbm>>) target(%arg15 : memref<128x128xbf16, #tpu.memory_space<vmem>>) offsets(%dma_start3A_1147 : memref<128xi32, #tpu.memory_space<vmem>>) semaphore(%arg26 : memref<!tpu.dma_semaphore, #tpu.memory_space<semaphore_mem>>)
        %dma_start3A_1151 = arith.constant 0 : i32
        %dma_start3A_1152 = arith.constant 0 : i32
        %dma_start3A_1153 = tpu.memref_slice %arg11[%dma_start3A_1151, %dma_start3A_1152] : memref<2x128xi32, #tpu.memory_space<vmem>> -> memref<1x128xi32, #tpu.memory_space<vmem>>
        %dma_start3A_1154 = tpu.memref_squeeze %dma_start3A_1153 : memref<1x128xi32, #tpu.memory_space<vmem>> -> memref<128xi32, #tpu.memory_space<vmem>>
        %dma_start3A_1155 = arith.constant 0 : i32
        %dma_start3A_1156 = tpu.memref_slice %arg3[%dma_start3A_1155] : memref<10240xf32, #tpu.memory_space<hbm>> -> memref<10240xf32, #tpu.memory_space<hbm>>
        tpu.enqueue_indirect_dma source(%dma_start3A_1156 : memref<10240xf32, #tpu.memory_space<hbm>>) target(%arg18 : memref<128xf32, #tpu.memory_space<vmem>>) offsets(%dma_start3A_1154 : memref<128xi32, #tpu.memory_space<vmem>>) semaphore(%arg28 : memref<!tpu.dma_semaphore, #tpu.memory_space<semaphore_mem>>)
        %dma_start3A_1157 = arith.constant 1 : i32
        %dma_start3A_1158 = arith.constant 0 : i32
        %dma_start3A_1159 = tpu.memref_slice %arg11[%dma_start3A_1157, %dma_start3A_1158] : memref<2x128xi32, #tpu.memory_space<vmem>> -> memref<1x128xi32, #tpu.memory_space<vmem>>
        %dma_start3A_1160 = tpu.memref_squeeze %dma_start3A_1159 : memref<1x128xi32, #tpu.memory_space<vmem>> -> memref<128xi32, #tpu.memory_space<vmem>>
        %dma_start3A_1161 = arith.constant 0 : i32
        %dma_start3A_1162 = tpu.memref_slice %arg4[%dma_start3A_1161] : memref<10240xf32, #tpu.memory_space<hbm>> -> memref<10240xf32, #tpu.memory_space<hbm>>
        tpu.enqueue_indirect_dma source(%dma_start3A_1162 : memref<10240xf32, #tpu.memory_space<hbm>>) target(%arg20 : memref<128xf32, #tpu.memory_space<vmem>>) offsets(%dma_start3A_1160 : memref<128xi32, #tpu.memory_space<vmem>>) semaphore(%arg30 : memref<!tpu.dma_semaphore, #tpu.memory_space<semaphore_mem>>)
      } else {
      }
      %get3A = arith.constant 0 : index
      %get3A_140 = tpu.vector_load %arg9[%get3A] {strides = array<i32>} : memref<16xf32, #tpu.memory_space<vmem>>, vector<16xf32>,
      %dma_wait3A_141 = arith.constant 0 : i32
      %dma_wait3A_142 = arith.constant 0 : i32
      %dma_wait3A_143 = tpu.memref_slice %arg10[%dma_wait3A_141, %dma_wait3A_142] : memref<2x128xi32, #tpu.memory_space<vmem>> -> memref<1x128xi32, #tpu.memory_space<vmem>>
      %dma_wait3A_144 = tpu.memref_squeeze %dma_wait3A_143 : memref<1x128xi32, #tpu.memory_space<vmem>> -> memref<128xi32, #tpu.memory_space<vmem>>
      %dma_wait3A_145 = arith.constant 0 : i32
      %dma_wait3A_146 = tpu.memref_slice %arg3[%dma_wait3A_145] : memref<10240xf32, #tpu.memory_space<hbm>> -> memref<10240xf32, #tpu.memory_space<hbm>>
      tpu.wait_indirect_dma semaphore(%arg27 : memref<!tpu.dma_semaphore, #tpu.memory_space<semaphore_mem>>) src(%dma_wait3A_146 : memref<10240xf32, #tpu.memory_space<hbm>>) dst(%arg17 : memref<128xf32, #tpu.memory_space<vmem>>)
      %dma_wait3A_147 = arith.constant 1 : i32
      %dma_wait3A_148 = arith.constant 0 : i32
      %dma_wait3A_149 = tpu.memref_slice %arg10[%dma_wait3A_147, %dma_wait3A_148] : memref<2x128xi32, #tpu.memory_space<vmem>> -> memref<1x128xi32, #tpu.memory_space<vmem>>
      %dma_wait3A_150 = tpu.memref_squeeze %dma_wait3A_149 : memref<1x128xi32, #tpu.memory_space<vmem>> -> memref<128xi32, #tpu.memory_space<vmem>>
      %dma_wait3A_151 = arith.constant 0 : i32
      %dma_wait3A_152 = tpu.memref_slice %arg4[%dma_wait3A_151] : memref<10240xf32, #tpu.memory_space<hbm>> -> memref<10240xf32, #tpu.memory_space<hbm>>
      tpu.wait_indirect_dma semaphore(%arg29 : memref<!tpu.dma_semaphore, #tpu.memory_space<semaphore_mem>>) src(%dma_wait3A_152 : memref<10240xf32, #tpu.memory_space<hbm>>) dst(%arg19 : memref<128xf32, #tpu.memory_space<vmem>>)
      %ge3A = arith.constant 2 : i32
      %ge3A_153 = arith.cmpi sge, %add3A_136, %ge3A : i32
      %convert_element_type3A_154 = arith.extui %ge3A_153 : i1 to i32
      %cond3A_155 = arith.constant 0 : i32
      %cond3A_156 = arith.cmpi ne, %convert_element_type3A_154, %cond3A_155 : i32
      scf.if %cond3A_156 {
        %dma_wait3A_1139 = arith.constant 1 : i32
        %dma_wait3A_1140 = arith.constant 0 : i32
        %dma_wait3A_1141 = tpu.memref_slice %arg12[%dma_wait3A_1139, %dma_wait3A_1140] : memref<2x128xi32, #tpu.memory_space<vmem>> -> memref<1x128xi32, #tpu.memory_space<vmem>>
        %dma_wait3A_1142 = tpu.memref_squeeze %dma_wait3A_1141 : memref<1x128xi32, #tpu.memory_space<vmem>> -> memref<128xi32, #tpu.memory_space<vmem>>
        %dma_wait3A_1143 = arith.constant 0 : i32
        %dma_wait3A_1144 = tpu.memref_slice %arg24[%dma_wait3A_1143] : memref<10240xf32, #tpu.memory_space<vmem_shared>> -> memref<10240xf32, #tpu.memory_space<vmem_shared>>
        tpu.wait_indirect_dma semaphore(%arg32 : memref<!tpu.dma_semaphore, #tpu.memory_space<semaphore_mem>>) src(%arg21 : memref<128xf32, #tpu.memory_space<vmem>>) dst(%dma_wait3A_1144 : memref<10240xf32, #tpu.memory_space<vmem_shared>>)
      } else {
      }
      %get3A_157 = arith.constant 0 : index
      %get3A_158 = tpu.vector_load %arg17[%get3A_157] {strides = array<i32>} : memref<128xf32, #tpu.memory_space<vmem>>, vector<16xf32>,
      %get3A_159 = arith.constant 0 : index
      %get3A_160 = tpu.vector_load %arg19[%get3A_159] {strides = array<i32>} : memref<128xf32, #tpu.memory_space<vmem>>, vector<16xf32>,
      %add3A_161 = arith.addf %get3A_158, %get3A_160 : vector<16xf32>
      %gt3A = arith.constant 0.000000e+00 : f32
      %gt3A_162 = vector.broadcast %gt3A : f32 to vector<16xf32>
      %gt3A_163 = arith.cmpf ogt, %add3A_161, %gt3A_162 : vector<16xf32>
      %mul3A_164 = arith.constant 2.000000e-01 : f32
      %mul3A_165 = vector.broadcast %mul3A_164 : f32 to vector<16xf32>
      %mul3A_166 = arith.mulf %mul3A_165, %add3A_161 : vector<16xf32>
      %select_n3A_167 = arith.select %gt3A_163, %add3A_161, %mul3A_166 : vector<16xi1>, vector<16xf32>
      %add3A_168 = arith.addf %get3A_140, %get3A_160 : vector<16xf32>
      %gt3A_169 = arith.constant 0.000000e+00 : f32
      %gt3A_170 = vector.broadcast %gt3A_169 : f32 to vector<16xf32>
      %gt3A_171 = arith.cmpf ogt, %add3A_168, %gt3A_170 : vector<16xf32>
      %mul3A_172 = arith.constant 2.000000e-01 : f32
      %mul3A_173 = vector.broadcast %mul3A_172 : f32 to vector<16xf32>
      %mul3A_174 = arith.mulf %mul3A_173, %add3A_168 : vector<16xf32>
      %select_n3A_175 = arith.select %gt3A_171, %add3A_168, %mul3A_174 : vector<16xi1>, vector<16xf32>
      %sub3A_176 = arith.subf %select_n3A_167, %select_n3A_175 : vector<16xf32>
      %exp3A = math.exp %sub3A_176 : vector<16xf32>
      %swap3A_177 = arith.constant 0 : index
      %swap3A_178 = tpu.vector_load %arg21[%swap3A_177] {strides = array<i32>} : memref<128xf32, #tpu.memory_space<vmem>>, vector<16xf32>,
      tpu.vector_store %arg21[%swap3A_177], %exp3A {strides = array<i32>} : memref<128xf32, #tpu.memory_space<vmem>>, vector<16xf32>,
      %get3A_179 = arith.constant 16 : index
      %get3A_180 = tpu.vector_load %arg17[%get3A_179] {strides = array<i32>} : memref<128xf32, #tpu.memory_space<vmem>>, vector<16xf32>,
      %get3A_181 = arith.constant 16 : index
      %get3A_182 = tpu.vector_load %arg19[%get3A_181] {strides = array<i32>} : memref<128xf32, #tpu.memory_space<vmem>>, vector<16xf32>,
      %add3A_183 = arith.addf %get3A_180, %get3A_182 : vector<16xf32>
      %gt3A_184 = arith.constant 0.000000e+00 : f32
      %gt3A_185 = vector.broadcast %gt3A_184 : f32 to vector<16xf32>
      %gt3A_186 = arith.cmpf ogt, %add3A_183, %gt3A_185 : vector<16xf32>
      %mul3A_187 = arith.constant 2.000000e-01 : f32
      %mul3A_188 = vector.broadcast %mul3A_187 : f32 to vector<16xf32>
      %mul3A_189 = arith.mulf %mul3A_188, %add3A_183 : vector<16xf32>
      %select_n3A_190 = arith.select %gt3A_186, %add3A_183, %mul3A_189 : vector<16xi1>, vector<16xf32>
      %add3A_191 = arith.addf %get3A_140, %get3A_182 : vector<16xf32>
      %gt3A_192 = arith.constant 0.000000e+00 : f32
      %gt3A_193 = vector.broadcast %gt3A_192 : f32 to vector<16xf32>
      %gt3A_194 = arith.cmpf ogt, %add3A_191, %gt3A_193 : vector<16xf32>
      %mul3A_195 = arith.constant 2.000000e-01 : f32
      %mul3A_196 = vector.broadcast %mul3A_195 : f32 to vector<16xf32>
      %mul3A_197 = arith.mulf %mul3A_196, %add3A_191 : vector<16xf32>
      %select_n3A_198 = arith.select %gt3A_194, %add3A_191, %mul3A_197 : vector<16xi1>, vector<16xf32>
      %sub3A_199 = arith.subf %select_n3A_190, %select_n3A_198 : vector<16xf32>
      %exp3A_200 = math.exp %sub3A_199 : vector<16xf32>
      %swap3A_201 = arith.constant 16 : index
      %swap3A_202 = tpu.vector_load %arg21[%swap3A_201] {strides = array<i32>} : memref<128xf32, #tpu.memory_space<vmem>>, vector<16xf32>,
      tpu.vector_store %arg21[%swap3A_201], %exp3A_200 {strides = array<i32>} : memref<128xf32, #tpu.memory_space<vmem>>, vector<16xf32>,
      %get3A_203 = arith.constant 32 : index
      %get3A_204 = tpu.vector_load %arg17[%get3A_203] {strides = array<i32>} : memref<128xf32, #tpu.memory_space<vmem>>, vector<16xf32>,
      %get3A_205 = arith.constant 32 : index
      %get3A_206 = tpu.vector_load %arg19[%get3A_205] {strides = array<i32>} : memref<128xf32, #tpu.memory_space<vmem>>, vector<16xf32>,
      %add3A_207 = arith.addf %get3A_204, %get3A_206 : vector<16xf32>
      %gt3A_208 = arith.constant 0.000000e+00 : f32
      %gt3A_209 = vector.broadcast %gt3A_208 : f32 to vector<16xf32>
      %gt3A_210 = arith.cmpf ogt, %add3A_207, %gt3A_209 : vector<16xf32>
      %mul3A_211 = arith.constant 2.000000e-01 : f32
      %mul3A_212 = vector.broadcast %mul3A_211 : f32 to vector<16xf32>
      %mul3A_213 = arith.mulf %mul3A_212, %add3A_207 : vector<16xf32>
      %select_n3A_214 = arith.select %gt3A_210, %add3A_207, %mul3A_213 : vector<16xi1>, vector<16xf32>
      %add3A_215 = arith.addf %get3A_140, %get3A_206 : vector<16xf32>
      %gt3A_216 = arith.constant 0.000000e+00 : f32
      %gt3A_217 = vector.broadcast %gt3A_216 : f32 to vector<16xf32>
      %gt3A_218 = arith.cmpf ogt, %add3A_215, %gt3A_217 : vector<16xf32>
      %mul3A_219 = arith.constant 2.000000e-01 : f32
      %mul3A_220 = vector.broadcast %mul3A_219 : f32 to vector<16xf32>
      %mul3A_221 = arith.mulf %mul3A_220, %add3A_215 : vector<16xf32>
      %select_n3A_222 = arith.select %gt3A_218, %add3A_215, %mul3A_221 : vector<16xi1>, vector<16xf32>
      %sub3A_223 = arith.subf %select_n3A_214, %select_n3A_222 : vector<16xf32>
      %exp3A_224 = math.exp %sub3A_223 : vector<16xf32>
      %swap3A_225 = arith.constant 32 : index
      %swap3A_226 = tpu.vector_load %arg21[%swap3A_225] {strides = array<i32>} : memref<128xf32, #tpu.memory_space<vmem>>, vector<16xf32>,
      tpu.vector_store %arg21[%swap3A_225], %exp3A_224 {strides = array<i32>} : memref<128xf32, #tpu.memory_space<vmem>>, vector<16xf32>,
      %get3A_227 = arith.constant 48 : index
      %get3A_228 = tpu.vector_load %arg17[%get3A_227] {strides = array<i32>} : memref<128xf32, #tpu.memory_space<vmem>>, vector<16xf32>,
      %get3A_229 = arith.constant 48 : index
      %get3A_230 = tpu.vector_load %arg19[%get3A_229] {strides = array<i32>} : memref<128xf32, #tpu.memory_space<vmem>>, vector<16xf32>,
      %add3A_231 = arith.addf %get3A_228, %get3A_230 : vector<16xf32>
      %gt3A_232 = arith.constant 0.000000e+00 : f32
      %gt3A_233 = vector.broadcast %gt3A_232 : f32 to vector<16xf32>
      %gt3A_234 = arith.cmpf ogt, %add3A_231, %gt3A_233 : vector<16xf32>
      %mul3A_235 = arith.constant 2.000000e-01 : f32
      %mul3A_236 = vector.broadcast %mul3A_235 : f32 to vector<16xf32>
      %mul3A_237 = arith.mulf %mul3A_236, %add3A_231 : vector<16xf32>
      %select_n3A_238 = arith.select %gt3A_234, %add3A_231, %mul3A_237 : vector<16xi1>, vector<16xf32>
      %add3A_239 = arith.addf %get3A_140, %get3A_230 : vector<16xf32>
      %gt3A_240 = arith.constant 0.000000e+00 : f32
      %gt3A_241 = vector.broadcast %gt3A_240 : f32 to vector<16xf32>
      %gt3A_242 = arith.cmpf ogt, %add3A_239, %gt3A_241 : vector<16xf32>
      %mul3A_243 = arith.constant 2.000000e-01 : f32
      %mul3A_244 = vector.broadcast %mul3A_243 : f32 to vector<16xf32>
      %mul3A_245 = arith.mulf %mul3A_244, %add3A_239 : vector<16xf32>
      %select_n3A_246 = arith.select %gt3A_242, %add3A_239, %mul3A_245 : vector<16xi1>, vector<16xf32>
      %sub3A_247 = arith.subf %select_n3A_238, %select_n3A_246 : vector<16xf32>
      %exp3A_248 = math.exp %sub3A_247 : vector<16xf32>
      %swap3A_249 = arith.constant 48 : index
      %swap3A_250 = tpu.vector_load %arg21[%swap3A_249] {strides = array<i32>} : memref<128xf32, #tpu.memory_space<vmem>>, vector<16xf32>,
      tpu.vector_store %arg21[%swap3A_249], %exp3A_248 {strides = array<i32>} : memref<128xf32, #tpu.memory_space<vmem>>, vector<16xf32>,
      %get3A_251 = arith.constant 64 : index
      %get3A_252 = tpu.vector_load %arg17[%get3A_251] {strides = array<i32>} : memref<128xf32, #tpu.memory_space<vmem>>, vector<16xf32>,
      %get3A_253 = arith.constant 64 : index
      %get3A_254 = tpu.vector_load %arg19[%get3A_253] {strides = array<i32>} : memref<128xf32, #tpu.memory_space<vmem>>, vector<16xf32>,
      %add3A_255 = arith.addf %get3A_252, %get3A_254 : vector<16xf32>
      %gt3A_256 = arith.constant 0.000000e+00 : f32
      %gt3A_257 = vector.broadcast %gt3A_256 : f32 to vector<16xf32>
      %gt3A_258 = arith.cmpf ogt, %add3A_255, %gt3A_257 : vector<16xf32>
      %mul3A_259 = arith.constant 2.000000e-01 : f32
      %mul3A_260 = vector.broadcast %mul3A_259 : f32 to vector<16xf32>
      %mul3A_261 = arith.mulf %mul3A_260, %add3A_255 : vector<16xf32>
      %select_n3A_262 = arith.select %gt3A_258, %add3A_255, %mul3A_261 : vector<16xi1>, vector<16xf32>
      %add3A_263 = arith.addf %get3A_140, %get3A_254 : vector<16xf32>
      %gt3A_264 = arith.constant 0.000000e+00 : f32
      %gt3A_265 = vector.broadcast %gt3A_264 : f32 to vector<16xf32>
      %gt3A_266 = arith.cmpf ogt, %add3A_263, %gt3A_265 : vector<16xf32>
      %mul3A_267 = arith.constant 2.000000e-01 : f32
      %mul3A_268 = vector.broadcast %mul3A_267 : f32 to vector<16xf32>
      %mul3A_269 = arith.mulf %mul3A_268, %add3A_263 : vector<16xf32>
      %select_n3A_270 = arith.select %gt3A_266, %add3A_263, %mul3A_269 : vector<16xi1>, vector<16xf32>
      %sub3A_271 = arith.subf %select_n3A_262, %select_n3A_270 : vector<16xf32>
      %exp3A_272 = math.exp %sub3A_271 : vector<16xf32>
      %swap3A_273 = arith.constant 64 : index
      %swap3A_274 = tpu.vector_load %arg21[%swap3A_273] {strides = array<i32>} : memref<128xf32, #tpu.memory_space<vmem>>, vector<16xf32>,
      tpu.vector_store %arg21[%swap3A_273], %exp3A_272 {strides = array<i32>} : memref<128xf32, #tpu.memory_space<vmem>>, vector<16xf32>,
      %get3A_275 = arith.constant 80 : index
      %get3A_276 = tpu.vector_load %arg17[%get3A_275] {strides = array<i32>} : memref<128xf32, #tpu.memory_space<vmem>>, vector<16xf32>,
      %get3A_277 = arith.constant 80 : index
      %get3A_278 = tpu.vector_load %arg19[%get3A_277] {strides = array<i32>} : memref<128xf32, #tpu.memory_space<vmem>>, vector<16xf32>,
      %add3A_279 = arith.addf %get3A_276, %get3A_278 : vector<16xf32>
      %gt3A_280 = arith.constant 0.000000e+00 : f32
      %gt3A_281 = vector.broadcast %gt3A_280 : f32 to vector<16xf32>
      %gt3A_282 = arith.cmpf ogt, %add3A_279, %gt3A_281 : vector<16xf32>
      %mul3A_283 = arith.constant 2.000000e-01 : f32
      %mul3A_284 = vector.broadcast %mul3A_283 : f32 to vector<16xf32>
      %mul3A_285 = arith.mulf %mul3A_284, %add3A_279 : vector<16xf32>
      %select_n3A_286 = arith.select %gt3A_282, %add3A_279, %mul3A_285 : vector<16xi1>, vector<16xf32>
      %add3A_287 = arith.addf %get3A_140, %get3A_278 : vector<16xf32>
      %gt3A_288 = arith.constant 0.000000e+00 : f32
      %gt3A_289 = vector.broadcast %gt3A_288 : f32 to vector<16xf32>
      %gt3A_290 = arith.cmpf ogt, %add3A_287, %gt3A_289 : vector<16xf32>
      %mul3A_291 = arith.constant 2.000000e-01 : f32
      %mul3A_292 = vector.broadcast %mul3A_291 : f32 to vector<16xf32>
      %mul3A_293 = arith.mulf %mul3A_292, %add3A_287 : vector<16xf32>
      %select_n3A_294 = arith.select %gt3A_290, %add3A_287, %mul3A_293 : vector<16xi1>, vector<16xf32>
      %sub3A_295 = arith.subf %select_n3A_286, %select_n3A_294 : vector<16xf32>
      %exp3A_296 = math.exp %sub3A_295 : vector<16xf32>
      %swap3A_297 = arith.constant 80 : index
      %swap3A_298 = tpu.vector_load %arg21[%swap3A_297] {strides = array<i32>} : memref<128xf32, #tpu.memory_space<vmem>>, vector<16xf32>,
      tpu.vector_store %arg21[%swap3A_297], %exp3A_296 {strides = array<i32>} : memref<128xf32, #tpu.memory_space<vmem>>, vector<16xf32>,
      %get3A_299 = arith.constant 96 : index
      %get3A_300 = tpu.vector_load %arg17[%get3A_299] {strides = array<i32>} : memref<128xf32, #tpu.memory_space<vmem>>, vector<16xf32>,
      %get3A_301 = arith.constant 96 : index
      %get3A_302 = tpu.vector_load %arg19[%get3A_301] {strides = array<i32>} : memref<128xf32, #tpu.memory_space<vmem>>, vector<16xf32>,
      %add3A_303 = arith.addf %get3A_300, %get3A_302 : vector<16xf32>
      %gt3A_304 = arith.constant 0.000000e+00 : f32
      %gt3A_305 = vector.broadcast %gt3A_304 : f32 to vector<16xf32>
      %gt3A_306 = arith.cmpf ogt, %add3A_303, %gt3A_305 : vector<16xf32>
      %mul3A_307 = arith.constant 2.000000e-01 : f32
      %mul3A_308 = vector.broadcast %mul3A_307 : f32 to vector<16xf32>
      %mul3A_309 = arith.mulf %mul3A_308, %add3A_303 : vector<16xf32>
      %select_n3A_310 = arith.select %gt3A_306, %add3A_303, %mul3A_309 : vector<16xi1>, vector<16xf32>
      %add3A_311 = arith.addf %get3A_140, %get3A_302 : vector<16xf32>
      %gt3A_312 = arith.constant 0.000000e+00 : f32
      %gt3A_313 = vector.broadcast %gt3A_312 : f32 to vector<16xf32>
      %gt3A_314 = arith.cmpf ogt, %add3A_311, %gt3A_313 : vector<16xf32>
      %mul3A_315 = arith.constant 2.000000e-01 : f32
      %mul3A_316 = vector.broadcast %mul3A_315 : f32 to vector<16xf32>
      %mul3A_317 = arith.mulf %mul3A_316, %add3A_311 : vector<16xf32>
      %select_n3A_318 = arith.select %gt3A_314, %add3A_311, %mul3A_317 : vector<16xi1>, vector<16xf32>
      %sub3A_319 = arith.subf %select_n3A_310, %select_n3A_318 : vector<16xf32>
      %exp3A_320 = math.exp %sub3A_319 : vector<16xf32>
      %swap3A_321 = arith.constant 96 : index
      %swap3A_322 = tpu.vector_load %arg21[%swap3A_321] {strides = array<i32>} : memref<128xf32, #tpu.memory_space<vmem>>, vector<16xf32>,
      tpu.vector_store %arg21[%swap3A_321], %exp3A_320 {strides = array<i32>} : memref<128xf32, #tpu.memory_space<vmem>>, vector<16xf32>,
      %get3A_323 = arith.constant 112 : index
      %get3A_324 = tpu.vector_load %arg17[%get3A_323] {strides = array<i32>} : memref<128xf32, #tpu.memory_space<vmem>>, vector<16xf32>,
      %get3A_325 = arith.constant 112 : index
      %get3A_326 = tpu.vector_load %arg19[%get3A_325] {strides = array<i32>} : memref<128xf32, #tpu.memory_space<vmem>>, vector<16xf32>,
      %add3A_327 = arith.addf %get3A_324, %get3A_326 : vector<16xf32>
      %gt3A_328 = arith.constant 0.000000e+00 : f32
      %gt3A_329 = vector.broadcast %gt3A_328 : f32 to vector<16xf32>
      %gt3A_330 = arith.cmpf ogt, %add3A_327, %gt3A_329 : vector<16xf32>
      %mul3A_331 = arith.constant 2.000000e-01 : f32
      %mul3A_332 = vector.broadcast %mul3A_331 : f32 to vector<16xf32>
      %mul3A_333 = arith.mulf %mul3A_332, %add3A_327 : vector<16xf32>
      %select_n3A_334 = arith.select %gt3A_330, %add3A_327, %mul3A_333 : vector<16xi1>, vector<16xf32>
      %add3A_335 = arith.addf %get3A_140, %get3A_326 : vector<16xf32>
      %gt3A_336 = arith.constant 0.000000e+00 : f32
      %gt3A_337 = vector.broadcast %gt3A_336 : f32 to vector<16xf32>
      %gt3A_338 = arith.cmpf ogt, %add3A_335, %gt3A_337 : vector<16xf32>
      %mul3A_339 = arith.constant 2.000000e-01 : f32
      %mul3A_340 = vector.broadcast %mul3A_339 : f32 to vector<16xf32>
      %mul3A_341 = arith.mulf %mul3A_340, %add3A_335 : vector<16xf32>
      %select_n3A_342 = arith.select %gt3A_338, %add3A_335, %mul3A_341 : vector<16xi1>, vector<16xf32>
      %sub3A_343 = arith.subf %select_n3A_334, %select_n3A_342 : vector<16xf32>
      %exp3A_344 = math.exp %sub3A_343 : vector<16xf32>
      %swap3A_345 = arith.constant 112 : index
      %swap3A_346 = tpu.vector_load %arg21[%swap3A_345] {strides = array<i32>} : memref<128xf32, #tpu.memory_space<vmem>>, vector<16xf32>,
      tpu.vector_store %arg21[%swap3A_345], %exp3A_344 {strides = array<i32>} : memref<128xf32, #tpu.memory_space<vmem>>, vector<16xf32>,
      %dma_start3A_347 = arith.constant 1 : i32
      %dma_start3A_348 = arith.constant 0 : i32
      %dma_start3A_349 = tpu.memref_slice %arg10[%dma_start3A_347, %dma_start3A_348] : memref<2x128xi32, #tpu.memory_space<vmem>> -> memref<1x128xi32, #tpu.memory_space<vmem>>
      %dma_start3A_350 = tpu.memref_squeeze %dma_start3A_349 : memref<1x128xi32, #tpu.memory_space<vmem>> -> memref<128xi32, #tpu.memory_space<vmem>>
      %dma_start3A_351 = arith.constant 0 : i32
      %dma_start3A_352 = tpu.memref_slice %arg24[%dma_start3A_351] : memref<10240xf32, #tpu.memory_space<vmem_shared>> -> memref<10240xf32, #tpu.memory_space<vmem_shared>>
      tpu.enqueue_indirect_dma source(%arg21 : memref<128xf32, #tpu.memory_space<vmem>>) target(%dma_start3A_352 : memref<10240xf32, #tpu.memory_space<vmem_shared>>) offsets(%dma_start3A_350 : memref<128xi32, #tpu.memory_space<vmem>>) semaphore(%arg32 : memref<!tpu.dma_semaphore, #tpu.memory_space<semaphore_mem>>) {add = true}
      %ge3A_353 = arith.constant 1 : i32
      %ge3A_354 = arith.cmpi sge, %add3A_136, %ge3A_353 : i32
      %convert_element_type3A_355 = arith.extui %ge3A_354 : i1 to i32
      %cond3A_356 = arith.constant 0 : i32
      %cond3A_357 = arith.cmpi ne, %convert_element_type3A_355, %cond3A_356 : i32
      scf.if %cond3A_357 {
        %dma_wait3A_1139 = arith.constant 1 : i32
        %dma_wait3A_1140 = arith.constant 0 : i32
        %dma_wait3A_1141 = tpu.memref_slice %arg13[%dma_wait3A_1139, %dma_wait3A_1140] : memref<2x128xi32, #tpu.memory_space<vmem>> -> memref<1x128xi32, #tpu.memory_space<vmem>>
        %dma_wait3A_1142 = tpu.memref_squeeze %dma_wait3A_1141 : memref<1x128xi32, #tpu.memory_space<vmem>> -> memref<128xi32, #tpu.memory_space<vmem>>
        %dma_wait3A_1143 = arith.constant 0 : i32
        %dma_wait3A_1144 = arith.constant 0 : i32
        %dma_wait3A_1145 = tpu.memref_slice %arg23[%dma_wait3A_1143, %dma_wait3A_1144] : memref<10240x128xf32, #tpu.memory_space<vmem_shared>> -> memref<10240x128xf32, #tpu.memory_space<vmem_shared>>
        tpu.wait_indirect_dma semaphore(%arg31 : memref<!tpu.dma_semaphore, #tpu.memory_space<semaphore_mem>>) src(%arg16 : memref<128x128xf32, #tpu.memory_space<vmem>>) dst(%dma_wait3A_1145 : memref<10240x128xf32, #tpu.memory_space<vmem_shared>>)
      } else {
      }
      %dma_wait3A_358 = arith.constant 0 : i32
      %dma_wait3A_359 = arith.constant 0 : i32
      %dma_wait3A_360 = tpu.memref_slice %arg10[%dma_wait3A_358, %dma_wait3A_359] : memref<2x128xi32, #tpu.memory_space<vmem>> -> memref<1x128xi32, #tpu.memory_space<vmem>>
      %dma_wait3A_361 = tpu.memref_squeeze %dma_wait3A_360 : memref<1x128xi32, #tpu.memory_space<vmem>> -> memref<128xi32, #tpu.memory_space<vmem>>
      %dma_wait3A_362 = arith.constant 0 : i32
      %dma_wait3A_363 = arith.constant 0 : i32
      %dma_wait3A_364 = tpu.memref_slice %arg2[%dma_wait3A_362, %dma_wait3A_363] : memref<10240x128xbf16, #tpu.memory_space<hbm>> -> memref<10240x128xbf16, #tpu.memory_space<hbm>>
      tpu.wait_indirect_dma semaphore(%arg25 : memref<!tpu.dma_semaphore, #tpu.memory_space<semaphore_mem>>) src(%dma_wait3A_364 : memref<10240x128xbf16, #tpu.memory_space<hbm>>) dst(%arg14 : memref<128x128xbf16, #tpu.memory_space<vmem>>)
      %scan3A_365 = arith.constant 0 : i32
      %scan3A_366 = arith.constant 0 : i32
      %scan3A_367 = arith.constant 128 : i32
      %scan3A_368 = arith.addi %scan3A_366, %scan3A_367 : i32
      %scan3A_369 = arith.constant 1 : i32
      %scan3A_370 = scf.for %scan3A_1139 = %scan3A_366 to %scan3A_368 step %scan3A_369 iter_args(%scan3A_1140 = %scan3A_365) -> (i32)  : i32 {
        %broadcast_in_dim3A_1141 = vector.broadcast %scan3A_1139 : i32 to vector<16xi32>
        %gather3A = tpu.vector_load_idx %arg21[%broadcast_in_dim3A_1141] : memref<128xf32, #tpu.memory_space<vmem>>[vector<16xi32>], vector<16xf32>,
        %get3A_1142 = arith.index_cast %scan3A_1139 : i32 to index
        %get3A_1143 = arith.constant 0 : index
        %get3A_1144 = tpu.vector_load %arg14[%get3A_1142, %get3A_1143] {strides = array<i32>} : memref<128x128xbf16, #tpu.memory_space<vmem>>, vector<32xbf16>,
        %unpack3A = tpu.unpack_subelements %get3A_1144, 0 {pack_format = #tpu.pack_format<interleaved>} : vector<32xbf16> -> vector<16xf32>
        %unpack3A_1145 = tpu.unpack_subelements %get3A_1144, 1 {pack_format = #tpu.pack_format<interleaved>} : vector<32xbf16> -> vector<16xf32>
        %mul3A_1146 = arith.mulf %unpack3A, %gather3A : vector<16xf32>
        %swap3A_1147 = arith.index_cast %scan3A_1139 : i32 to index
        %swap3A_1148 = arith.constant 0 : index
        %swap3A_1149 = tpu.vector_load %arg16[%swap3A_1147, %swap3A_1148] {strides = array<i32>} : memref<128x128xf32, #tpu.memory_space<vmem>>, vector<16xf32>,
        tpu.vector_store %arg16[%swap3A_1147, %swap3A_1148], %mul3A_1146 {strides = array<i32>} : memref<128x128xf32, #tpu.memory_space<vmem>>, vector<16xf32>,
        %mul3A_1150 = arith.mulf %unpack3A_1145, %gather3A : vector<16xf32>
        %swap3A_1151 = arith.index_cast %scan3A_1139 : i32 to index
        %swap3A_1152 = arith.constant 16 : index
        %swap3A_1153 = tpu.vector_load %arg16[%swap3A_1151, %swap3A_1152] {strides = array<i32>} : memref<128x128xf32, #tpu.memory_space<vmem>>, vector<16xf32>,
        tpu.vector_store %arg16[%swap3A_1151, %swap3A_1152], %mul3A_1150 {strides = array<i32>} : memref<128x128xf32, #tpu.memory_space<vmem>>, vector<16xf32>,
        %get3A_1154 = arith.index_cast %scan3A_1139 : i32 to index
        %get3A_1155 = arith.constant 32 : index
        %get3A_1156 = tpu.vector_load %arg14[%get3A_1154, %get3A_1155] {strides = array<i32>} : memref<128x128xbf16, #tpu.memory_space<vmem>>, vector<32xbf16>,
        %unpack3A_1157 = tpu.unpack_subelements %get3A_1156, 0 {pack_format = #tpu.pack_format<interleaved>} : vector<32xbf16> -> vector<16xf32>
        %unpack3A_1158 = tpu.unpack_subelements %get3A_1156, 1 {pack_format = #tpu.pack_format<interleaved>} : vector<32xbf16> -> vector<16xf32>
        %mul3A_1159 = arith.mulf %unpack3A_1157, %gather3A : vector<16xf32>
        %swap3A_1160 = arith.index_cast %scan3A_1139 : i32 to index
        %swap3A_1161 = arith.constant 32 : index
        %swap3A_1162 = tpu.vector_load %arg16[%swap3A_1160, %swap3A_1161] {strides = array<i32>} : memref<128x128xf32, #tpu.memory_space<vmem>>, vector<16xf32>,
        tpu.vector_store %arg16[%swap3A_1160, %swap3A_1161], %mul3A_1159 {strides = array<i32>} : memref<128x128xf32, #tpu.memory_space<vmem>>, vector<16xf32>,
        %mul3A_1163 = arith.mulf %unpack3A_1158, %gather3A : vector<16xf32>
        %swap3A_1164 = arith.index_cast %scan3A_1139 : i32 to index
        %swap3A_1165 = arith.constant 48 : index
        %swap3A_1166 = tpu.vector_load %arg16[%swap3A_1164, %swap3A_1165] {strides = array<i32>} : memref<128x128xf32, #tpu.memory_space<vmem>>, vector<16xf32>,
        tpu.vector_store %arg16[%swap3A_1164, %swap3A_1165], %mul3A_1163 {strides = array<i32>} : memref<128x128xf32, #tpu.memory_space<vmem>>, vector<16xf32>,
        %get3A_1167 = arith.index_cast %scan3A_1139 : i32 to index
        %get3A_1168 = arith.constant 64 : index
        %get3A_1169 = tpu.vector_load %arg14[%get3A_1167, %get3A_1168] {strides = array<i32>} : memref<128x128xbf16, #tpu.memory_space<vmem>>, vector<32xbf16>,
        %unpack3A_1170 = tpu.unpack_subelements %get3A_1169, 0 {pack_format = #tpu.pack_format<interleaved>} : vector<32xbf16> -> vector<16xf32>
        %unpack3A_1171 = tpu.unpack_subelements %get3A_1169, 1 {pack_format = #tpu.pack_format<interleaved>} : vector<32xbf16> -> vector<16xf32>
        %mul3A_1172 = arith.mulf %unpack3A_1170, %gather3A : vector<16xf32>
        %swap3A_1173 = arith.index_cast %scan3A_1139 : i32 to index
        %swap3A_1174 = arith.constant 64 : index
        %swap3A_1175 = tpu.vector_load %arg16[%swap3A_1173, %swap3A_1174] {strides = array<i32>} : memref<128x128xf32, #tpu.memory_space<vmem>>, vector<16xf32>,
        tpu.vector_store %arg16[%swap3A_1173, %swap3A_1174], %mul3A_1172 {strides = array<i32>} : memref<128x128xf32, #tpu.memory_space<vmem>>, vector<16xf32>,
        %mul3A_1176 = arith.mulf %unpack3A_1171, %gather3A : vector<16xf32>
        %swap3A_1177 = arith.index_cast %scan3A_1139 : i32 to index
        %swap3A_1178 = arith.constant 80 : index
        %swap3A_1179 = tpu.vector_load %arg16[%swap3A_1177, %swap3A_1178] {strides = array<i32>} : memref<128x128xf32, #tpu.memory_space<vmem>>, vector<16xf32>,
        tpu.vector_store %arg16[%swap3A_1177, %swap3A_1178], %mul3A_1176 {strides = array<i32>} : memref<128x128xf32, #tpu.memory_space<vmem>>, vector<16xf32>,
        %get3A_1180 = arith.index_cast %scan3A_1139 : i32 to index
        %get3A_1181 = arith.constant 96 : index
        %get3A_1182 = tpu.vector_load %arg14[%get3A_1180, %get3A_1181] {strides = array<i32>} : memref<128x128xbf16, #tpu.memory_space<vmem>>, vector<32xbf16>,
        %unpack3A_1183 = tpu.unpack_subelements %get3A_1182, 0 {pack_format = #tpu.pack_format<interleaved>} : vector<32xbf16> -> vector<16xf32>
        %unpack3A_1184 = tpu.unpack_subelements %get3A_1182, 1 {pack_format = #tpu.pack_format<interleaved>} : vector<32xbf16> -> vector<16xf32>
        %mul3A_1185 = arith.mulf %unpack3A_1183, %gather3A : vector<16xf32>
        %swap3A_1186 = arith.index_cast %scan3A_1139 : i32 to index
        %swap3A_1187 = arith.constant 96 : index
        %swap3A_1188 = tpu.vector_load %arg16[%swap3A_1186, %swap3A_1187] {strides = array<i32>} : memref<128x128xf32, #tpu.memory_space<vmem>>, vector<16xf32>,
        tpu.vector_store %arg16[%swap3A_1186, %swap3A_1187], %mul3A_1185 {strides = array<i32>} : memref<128x128xf32, #tpu.memory_space<vmem>>, vector<16xf32>,
        %mul3A_1189 = arith.mulf %unpack3A_1184, %gather3A : vector<16xf32>
        %swap3A_1190 = arith.index_cast %scan3A_1139 : i32 to index
        %swap3A_1191 = arith.constant 112 : index
        %swap3A_1192 = tpu.vector_load %arg16[%swap3A_1190, %swap3A_1191] {strides = array<i32>} : memref<128x128xf32, #tpu.memory_space<vmem>>, vector<16xf32>,
        tpu.vector_store %arg16[%swap3A_1190, %swap3A_1191], %mul3A_1189 {strides = array<i32>} : memref<128x128xf32, #tpu.memory_space<vmem>>, vector<16xf32>,
        %scan3A_1193 = arith.constant 0 : i32
        scf.yield %scan3A_1193 : i32
      }
      %scan3A_371 = arith.constant 128 : i32
      %dma_start3A_372 = arith.constant 1 : i32
      %dma_start3A_373 = arith.constant 0 : i32
      %dma_start3A_374 = tpu.memref_slice %arg10[%dma_start3A_372, %dma_start3A_373] : memref<2x128xi32, #tpu.memory_space<vmem>> -> memref<1x128xi32, #tpu.memory_space<vmem>>
      %dma_start3A_375 = tpu.memref_squeeze %dma_start3A_374 : memref<1x128xi32, #tpu.memory_space<vmem>> -> memref<128xi32, #tpu.memory_space<vmem>>
      %dma_start3A_376 = arith.constant 0 : i32
      %dma_start3A_377 = arith.constant 0 : i32
      %dma_start3A_378 = tpu.memref_slice %arg23[%dma_start3A_376, %dma_start3A_377] : memref<10240x128xf32, #tpu.memory_space<vmem_shared>> -> memref<10240x128xf32, #tpu.memory_space<vmem_shared>>
      tpu.enqueue_indirect_dma source(%arg16 : memref<128x128xf32, #tpu.memory_space<vmem>>) target(%dma_start3A_378 : memref<10240x128xf32, #tpu.memory_space<vmem_shared>>) offsets(%dma_start3A_375 : memref<128xi32, #tpu.memory_space<vmem>>) semaphore(%arg31 : memref<!tpu.dma_semaphore, #tpu.memory_space<semaphore_mem>>) {add = true}
      %mul3A_379 = arith.constant 4 : i32
      %mul3A_380 = arith.muli %while3A_131, %mul3A_379 : i32
      %add3A_381 = arith.constant 1 : i32
      %add3A_382 = arith.addi %mul3A_380, %add3A_381 : i32
      %sub3A_383 = arith.constant 1 : i32
      %sub3A_384 = arith.subi %select_n3A, %sub3A_383 : i32
      %lt3A_385 = arith.cmpi slt, %add3A_382, %sub3A_384 : i32
      %convert_element_type3A_386 = arith.extui %lt3A_385 : i1 to i32
      %cond3A_387 = arith.constant 0 : i32
      %cond3A_388 = arith.cmpi ne, %convert_element_type3A_386, %cond3A_387 : i32
      scf.if %cond3A_388 {
        %add3A_1139 = arith.constant 1 : i32
        %add3A_1140 = arith.addi %add3A_382, %add3A_1139 : i32
        %add3A_1141 = arith.addi %select_n3A_50, %add3A_1140 : i32
        %mul3A_1142 = arith.constant 2 : i32
        %mul3A_1143 = arith.muli %add3A_1141, %mul3A_1142 : i32
        "tpu.region"() ({
          %run_scoped3A = tpu.sem_alloc : memref<!tpu.dma_semaphore, #tpu.memory_space<semaphore_mem>>
          %dma_start3A_1163 = arith.constant 0 : i32
          %dma_start3A_1164 = tpu.memref_slice %arg6[%mul3A_1143, %dma_start3A_1163] : memref<5120x128xi32, #tpu.memory_space<hbm>> -> memref<2x128xi32, #tpu.memory_space<hbm>>
          %dma_start3A_1165 = arith.constant 0 : i32
          %dma_start3A_1166 = tpu.memref_slice %arg6[%mul3A_1143, %dma_start3A_1165] : memref<5120x128xi32, #tpu.memory_space<hbm>> -> memref<2x128xi32, #tpu.memory_space<hbm>>
          tpu.enqueue_dma source(%dma_start3A_1166 : memref<2x128xi32, #tpu.memory_space<hbm>>) target(%arg12 : memref<2x128xi32, #tpu.memory_space<vmem>>) target_semaphore(%run_scoped3A : memref<!tpu.dma_semaphore, #tpu.memory_space<semaphore_mem>>)
          %dma_wait3A_1167 = arith.constant 0 : i32
          %dma_wait3A_1168 = tpu.memref_slice %arg6[%mul3A_1143, %dma_wait3A_1167] : memref<5120x128xi32, #tpu.memory_space<hbm>> -> memref<2x128xi32, #tpu.memory_space<hbm>>
          %dma_wait3A_1169 = arith.constant 0 : i32
          %dma_wait3A_1170 = tpu.memref_slice %arg6[%mul3A_1143, %dma_wait3A_1169] : memref<5120x128xi32, #tpu.memory_space<hbm>> -> memref<2x128xi32, #tpu.memory_space<hbm>>
          tpu.wait_dma2 semaphore(%run_scoped3A : memref<!tpu.dma_semaphore, #tpu.memory_space<semaphore_mem>>) src(%dma_wait3A_1170 : memref<2x128xi32, #tpu.memory_space<hbm>>) dst(%arg12 : memref<2x128xi32, #tpu.memory_space<vmem>>)
          tpu.yield
        }) : () -> ()
        %dma_start3A_1144 = arith.constant 0 : i32
        %dma_start3A_1145 = arith.constant 0 : i32
        %dma_start3A_1146 = tpu.memref_slice %arg12[%dma_start3A_1144, %dma_start3A_1145] : memref<2x128xi32, #tpu.memory_space<vmem>> -> memref<1x128xi32, #tpu.memory_space<vmem>>
        %dma_start3A_1147 = tpu.memref_squeeze %dma_start3A_1146 : memref<1x128xi32, #tpu.memory_space<vmem>> -> memref<128xi32, #tpu.memory_space<vmem>>
        %dma_start3A_1148 = arith.constant 0 : i32
        %dma_start3A_1149 = arith.constant 0 : i32
        %dma_start3A_1150 = tpu.memref_slice %arg2[%dma_start3A_1148, %dma_start3A_1149] : memref<10240x128xbf16, #tpu.memory_space<hbm>> -> memref<10240x128xbf16, #tpu.memory_space<hbm>>
        tpu.enqueue_indirect_dma source(%dma_start3A_1150 : memref<10240x128xbf16, #tpu.memory_space<hbm>>) target(%arg14 : memref<128x128xbf16, #tpu.memory_space<vmem>>) offsets(%dma_start3A_1147 : memref<128xi32, #tpu.memory_space<vmem>>) semaphore(%arg25 : memref<!tpu.dma_semaphore, #tpu.memory_space<semaphore_mem>>)
        %dma_start3A_1151 = arith.constant 0 : i32
        %dma_start3A_1152 = arith.constant 0 : i32
        %dma_start3A_1153 = tpu.memref_slice %arg12[%dma_start3A_1151, %dma_start3A_1152] : memref<2x128xi32, #tpu.memory_space<vmem>> -> memref<1x128xi32, #tpu.memory_space<vmem>>
        %dma_start3A_1154 = tpu.memref_squeeze %dma_start3A_1153 : memref<1x128xi32, #tpu.memory_space<vmem>> -> memref<128xi32, #tpu.memory_space<vmem>>
        %dma_start3A_1155 = arith.constant 0 : i32
        %dma_start3A_1156 = tpu.memref_slice %arg3[%dma_start3A_1155] : memref<10240xf32, #tpu.memory_space<hbm>> -> memref<10240xf32, #tpu.memory_space<hbm>>
        tpu.enqueue_indirect_dma source(%dma_start3A_1156 : memref<10240xf32, #tpu.memory_space<hbm>>) target(%arg17 : memref<128xf32, #tpu.memory_space<vmem>>) offsets(%dma_start3A_1154 : memref<128xi32, #tpu.memory_space<vmem>>) semaphore(%arg27 : memref<!tpu.dma_semaphore, #tpu.memory_space<semaphore_mem>>)
        %dma_start3A_1157 = arith.constant 1 : i32
        %dma_start3A_1158 = arith.constant 0 : i32
        %dma_start3A_1159 = tpu.memref_slice %arg12[%dma_start3A_1157, %dma_start3A_1158] : memref<2x128xi32, #tpu.memory_space<vmem>> -> memref<1x128xi32, #tpu.memory_space<vmem>>
        %dma_start3A_1160 = tpu.memref_squeeze %dma_start3A_1159 : memref<1x128xi32, #tpu.memory_space<vmem>> -> memref<128xi32, #tpu.memory_space<vmem>>
        %dma_start3A_1161 = arith.constant 0 : i32
        %dma_start3A_1162 = tpu.memref_slice %arg4[%dma_start3A_1161] : memref<10240xf32, #tpu.memory_space<hbm>> -> memref<10240xf32, #tpu.memory_space<hbm>>
        tpu.enqueue_indirect_dma source(%dma_start3A_1162 : memref<10240xf32, #tpu.memory_space<hbm>>) target(%arg19 : memref<128xf32, #tpu.memory_space<vmem>>) offsets(%dma_start3A_1160 : memref<128xi32, #tpu.memory_space<vmem>>) semaphore(%arg29 : memref<!tpu.dma_semaphore, #tpu.memory_space<semaphore_mem>>)
      } else {
      }
      %get3A_389 = arith.constant 0 : index
      %get3A_390 = tpu.vector_load %arg9[%get3A_389] {strides = array<i32>} : memref<16xf32, #tpu.memory_space<vmem>>, vector<16xf32>,
      %dma_wait3A_391 = arith.constant 0 : i32
      %dma_wait3A_392 = arith.constant 0 : i32
      %dma_wait3A_393 = tpu.memref_slice %arg11[%dma_wait3A_391, %dma_wait3A_392] : memref<2x128xi32, #tpu.memory_space<vmem>> -> memref<1x128xi32, #tpu.memory_space<vmem>>
      %dma_wait3A_394 = tpu.memref_squeeze %dma_wait3A_393 : memref<1x128xi32, #tpu.memory_space<vmem>> -> memref<128xi32, #tpu.memory_space<vmem>>
      %dma_wait3A_395 = arith.constant 0 : i32
      %dma_wait3A_396 = tpu.memref_slice %arg3[%dma_wait3A_395] : memref<10240xf32, #tpu.memory_space<hbm>> -> memref<10240xf32, #tpu.memory_space<hbm>>
      tpu.wait_indirect_dma semaphore(%arg28 : memref<!tpu.dma_semaphore, #tpu.memory_space<semaphore_mem>>) src(%dma_wait3A_396 : memref<10240xf32, #tpu.memory_space<hbm>>) dst(%arg18 : memref<128xf32, #tpu.memory_space<vmem>>)
      %dma_wait3A_397 = arith.constant 1 : i32
      %dma_wait3A_398 = arith.constant 0 : i32
      %dma_wait3A_399 = tpu.memref_slice %arg11[%dma_wait3A_397, %dma_wait3A_398] : memref<2x128xi32, #tpu.memory_space<vmem>> -> memref<1x128xi32, #tpu.memory_space<vmem>>
      %dma_wait3A_400 = tpu.memref_squeeze %dma_wait3A_399 : memref<1x128xi32, #tpu.memory_space<vmem>> -> memref<128xi32, #tpu.memory_space<vmem>>
      %dma_wait3A_401 = arith.constant 0 : i32
      %dma_wait3A_402 = tpu.memref_slice %arg4[%dma_wait3A_401] : memref<10240xf32, #tpu.memory_space<hbm>> -> memref<10240xf32, #tpu.memory_space<hbm>>
      tpu.wait_indirect_dma semaphore(%arg30 : memref<!tpu.dma_semaphore, #tpu.memory_space<semaphore_mem>>) src(%dma_wait3A_402 : memref<10240xf32, #tpu.memory_space<hbm>>) dst(%arg20 : memref<128xf32, #tpu.memory_space<vmem>>)
      %ge3A_403 = arith.constant 2 : i32
      %ge3A_404 = arith.cmpi sge, %add3A_382, %ge3A_403 : i32
      %convert_element_type3A_405 = arith.extui %ge3A_404 : i1 to i32
      %cond3A_406 = arith.constant 0 : i32
      %cond3A_407 = arith.cmpi ne, %convert_element_type3A_405, %cond3A_406 : i32
      scf.if %cond3A_407 {
        %dma_wait3A_1139 = arith.constant 1 : i32
        %dma_wait3A_1140 = arith.constant 0 : i32
        %dma_wait3A_1141 = tpu.memref_slice %arg13[%dma_wait3A_1139, %dma_wait3A_1140] : memref<2x128xi32, #tpu.memory_space<vmem>> -> memref<1x128xi32, #tpu.memory_space<vmem>>
        %dma_wait3A_1142 = tpu.memref_squeeze %dma_wait3A_1141 : memref<1x128xi32, #tpu.memory_space<vmem>> -> memref<128xi32, #tpu.memory_space<vmem>>
        %dma_wait3A_1143 = arith.constant 0 : i32
        %dma_wait3A_1144 = tpu.memref_slice %arg24[%dma_wait3A_1143] : memref<10240xf32, #tpu.memory_space<vmem_shared>> -> memref<10240xf32, #tpu.memory_space<vmem_shared>>
        tpu.wait_indirect_dma semaphore(%arg33 : memref<!tpu.dma_semaphore, #tpu.memory_space<semaphore_mem>>) src(%arg22 : memref<128xf32, #tpu.memory_space<vmem>>) dst(%dma_wait3A_1144 : memref<10240xf32, #tpu.memory_space<vmem_shared>>)
      } else {
      }
      %get3A_408 = arith.constant 0 : index
      %get3A_409 = tpu.vector_load %arg18[%get3A_408] {strides = array<i32>} : memref<128xf32, #tpu.memory_space<vmem>>, vector<16xf32>,
      %get3A_410 = arith.constant 0 : index
      %get3A_411 = tpu.vector_load %arg20[%get3A_410] {strides = array<i32>} : memref<128xf32, #tpu.memory_space<vmem>>, vector<16xf32>,
      %add3A_412 = arith.addf %get3A_409, %get3A_411 : vector<16xf32>
      %gt3A_413 = arith.constant 0.000000e+00 : f32
      %gt3A_414 = vector.broadcast %gt3A_413 : f32 to vector<16xf32>
      %gt3A_415 = arith.cmpf ogt, %add3A_412, %gt3A_414 : vector<16xf32>
      %mul3A_416 = arith.constant 2.000000e-01 : f32
      %mul3A_417 = vector.broadcast %mul3A_416 : f32 to vector<16xf32>
      %mul3A_418 = arith.mulf %mul3A_417, %add3A_412 : vector<16xf32>
      %select_n3A_419 = arith.select %gt3A_415, %add3A_412, %mul3A_418 : vector<16xi1>, vector<16xf32>
      %add3A_420 = arith.addf %get3A_390, %get3A_411 : vector<16xf32>
      %gt3A_421 = arith.constant 0.000000e+00 : f32
      %gt3A_422 = vector.broadcast %gt3A_421 : f32 to vector<16xf32>
      %gt3A_423 = arith.cmpf ogt, %add3A_420, %gt3A_422 : vector<16xf32>
      %mul3A_424 = arith.constant 2.000000e-01 : f32
      %mul3A_425 = vector.broadcast %mul3A_424 : f32 to vector<16xf32>
      %mul3A_426 = arith.mulf %mul3A_425, %add3A_420 : vector<16xf32>
      %select_n3A_427 = arith.select %gt3A_423, %add3A_420, %mul3A_426 : vector<16xi1>, vector<16xf32>
      %sub3A_428 = arith.subf %select_n3A_419, %select_n3A_427 : vector<16xf32>
      %exp3A_429 = math.exp %sub3A_428 : vector<16xf32>
      %swap3A_430 = arith.constant 0 : index
      %swap3A_431 = tpu.vector_load %arg22[%swap3A_430] {strides = array<i32>} : memref<128xf32, #tpu.memory_space<vmem>>, vector<16xf32>,
      tpu.vector_store %arg22[%swap3A_430], %exp3A_429 {strides = array<i32>} : memref<128xf32, #tpu.memory_space<vmem>>, vector<16xf32>,
      %get3A_432 = arith.constant 16 : index
      %get3A_433 = tpu.vector_load %arg18[%get3A_432] {strides = array<i32>} : memref<128xf32, #tpu.memory_space<vmem>>, vector<16xf32>,
      %get3A_434 = arith.constant 16 : index
      %get3A_435 = tpu.vector_load %arg20[%get3A_434] {strides = array<i32>} : memref<128xf32, #tpu.memory_space<vmem>>, vector<16xf32>,
      %add3A_436 = arith.addf %get3A_433, %get3A_435 : vector<16xf32>
      %gt3A_437 = arith.constant 0.000000e+00 : f32
      %gt3A_438 = vector.broadcast %gt3A_437 : f32 to vector<16xf32>
      %gt3A_439 = arith.cmpf ogt, %add3A_436, %gt3A_438 : vector<16xf32>
      %mul3A_440 = arith.constant 2.000000e-01 : f32
      %mul3A_441 = vector.broadcast %mul3A_440 : f32 to vector<16xf32>
      %mul3A_442 = arith.mulf %mul3A_441, %add3A_436 : vector<16xf32>
      %select_n3A_443 = arith.select %gt3A_439, %add3A_436, %mul3A_442 : vector<16xi1>, vector<16xf32>
      %add3A_444 = arith.addf %get3A_390, %get3A_435 : vector<16xf32>
      %gt3A_445 = arith.constant 0.000000e+00 : f32
      %gt3A_446 = vector.broadcast %gt3A_445 : f32 to vector<16xf32>
      %gt3A_447 = arith.cmpf ogt, %add3A_444, %gt3A_446 : vector<16xf32>
      %mul3A_448 = arith.constant 2.000000e-01 : f32
      %mul3A_449 = vector.broadcast %mul3A_448 : f32 to vector<16xf32>
      %mul3A_450 = arith.mulf %mul3A_449, %add3A_444 : vector<16xf32>
      %select_n3A_451 = arith.select %gt3A_447, %add3A_444, %mul3A_450 : vector<16xi1>, vector<16xf32>
      %sub3A_452 = arith.subf %select_n3A_443, %select_n3A_451 : vector<16xf32>
      %exp3A_453 = math.exp %sub3A_452 : vector<16xf32>
      %swap3A_454 = arith.constant 16 : index
      %swap3A_455 = tpu.vector_load %arg22[%swap3A_454] {strides = array<i32>} : memref<128xf32, #tpu.memory_space<vmem>>, vector<16xf32>,
      tpu.vector_store %arg22[%swap3A_454], %exp3A_453 {strides = array<i32>} : memref<128xf32, #tpu.memory_space<vmem>>, vector<16xf32>,
      %get3A_456 = arith.constant 32 : index
      %get3A_457 = tpu.vector_load %arg18[%get3A_456] {strides = array<i32>} : memref<128xf32, #tpu.memory_space<vmem>>, vector<16xf32>,
      %get3A_458 = arith.constant 32 : index
      %get3A_459 = tpu.vector_load %arg20[%get3A_458] {strides = array<i32>} : memref<128xf32, #tpu.memory_space<vmem>>, vector<16xf32>,
      %add3A_460 = arith.addf %get3A_457, %get3A_459 : vector<16xf32>
      %gt3A_461 = arith.constant 0.000000e+00 : f32
      %gt3A_462 = vector.broadcast %gt3A_461 : f32 to vector<16xf32>
      %gt3A_463 = arith.cmpf ogt, %add3A_460, %gt3A_462 : vector<16xf32>
      %mul3A_464 = arith.constant 2.000000e-01 : f32
      %mul3A_465 = vector.broadcast %mul3A_464 : f32 to vector<16xf32>
      %mul3A_466 = arith.mulf %mul3A_465, %add3A_460 : vector<16xf32>
      %select_n3A_467 = arith.select %gt3A_463, %add3A_460, %mul3A_466 : vector<16xi1>, vector<16xf32>
      %add3A_468 = arith.addf %get3A_390, %get3A_459 : vector<16xf32>
      %gt3A_469 = arith.constant 0.000000e+00 : f32
      %gt3A_470 = vector.broadcast %gt3A_469 : f32 to vector<16xf32>
      %gt3A_471 = arith.cmpf ogt, %add3A_468, %gt3A_470 : vector<16xf32>
      %mul3A_472 = arith.constant 2.000000e-01 : f32
      %mul3A_473 = vector.broadcast %mul3A_472 : f32 to vector<16xf32>
      %mul3A_474 = arith.mulf %mul3A_473, %add3A_468 : vector<16xf32>
      %select_n3A_475 = arith.select %gt3A_471, %add3A_468, %mul3A_474 : vector<16xi1>, vector<16xf32>
      %sub3A_476 = arith.subf %select_n3A_467, %select_n3A_475 : vector<16xf32>
      %exp3A_477 = math.exp %sub3A_476 : vector<16xf32>
      %swap3A_478 = arith.constant 32 : index
      %swap3A_479 = tpu.vector_load %arg22[%swap3A_478] {strides = array<i32>} : memref<128xf32, #tpu.memory_space<vmem>>, vector<16xf32>,
      tpu.vector_store %arg22[%swap3A_478], %exp3A_477 {strides = array<i32>} : memref<128xf32, #tpu.memory_space<vmem>>, vector<16xf32>,
      %get3A_480 = arith.constant 48 : index
      %get3A_481 = tpu.vector_load %arg18[%get3A_480] {strides = array<i32>} : memref<128xf32, #tpu.memory_space<vmem>>, vector<16xf32>,
      %get3A_482 = arith.constant 48 : index
      %get3A_483 = tpu.vector_load %arg20[%get3A_482] {strides = array<i32>} : memref<128xf32, #tpu.memory_space<vmem>>, vector<16xf32>,
      %add3A_484 = arith.addf %get3A_481, %get3A_483 : vector<16xf32>
      %gt3A_485 = arith.constant 0.000000e+00 : f32
      %gt3A_486 = vector.broadcast %gt3A_485 : f32 to vector<16xf32>
      %gt3A_487 = arith.cmpf ogt, %add3A_484, %gt3A_486 : vector<16xf32>
      %mul3A_488 = arith.constant 2.000000e-01 : f32
      %mul3A_489 = vector.broadcast %mul3A_488 : f32 to vector<16xf32>
      %mul3A_490 = arith.mulf %mul3A_489, %add3A_484 : vector<16xf32>
      %select_n3A_491 = arith.select %gt3A_487, %add3A_484, %mul3A_490 : vector<16xi1>, vector<16xf32>
      %add3A_492 = arith.addf %get3A_390, %get3A_483 : vector<16xf32>
      %gt3A_493 = arith.constant 0.000000e+00 : f32
      %gt3A_494 = vector.broadcast %gt3A_493 : f32 to vector<16xf32>
      %gt3A_495 = arith.cmpf ogt, %add3A_492, %gt3A_494 : vector<16xf32>
      %mul3A_496 = arith.constant 2.000000e-01 : f32
      %mul3A_497 = vector.broadcast %mul3A_496 : f32 to vector<16xf32>
      %mul3A_498 = arith.mulf %mul3A_497, %add3A_492 : vector<16xf32>
      %select_n3A_499 = arith.select %gt3A_495, %add3A_492, %mul3A_498 : vector<16xi1>, vector<16xf32>
      %sub3A_500 = arith.subf %select_n3A_491, %select_n3A_499 : vector<16xf32>
      %exp3A_501 = math.exp %sub3A_500 : vector<16xf32>
      %swap3A_502 = arith.constant 48 : index
      %swap3A_503 = tpu.vector_load %arg22[%swap3A_502] {strides = array<i32>} : memref<128xf32, #tpu.memory_space<vmem>>, vector<16xf32>,
      tpu.vector_store %arg22[%swap3A_502], %exp3A_501 {strides = array<i32>} : memref<128xf32, #tpu.memory_space<vmem>>, vector<16xf32>,
      %get3A_504 = arith.constant 64 : index
      %get3A_505 = tpu.vector_load %arg18[%get3A_504] {strides = array<i32>} : memref<128xf32, #tpu.memory_space<vmem>>, vector<16xf32>,
      %get3A_506 = arith.constant 64 : index
      %get3A_507 = tpu.vector_load %arg20[%get3A_506] {strides = array<i32>} : memref<128xf32, #tpu.memory_space<vmem>>, vector<16xf32>,
      %add3A_508 = arith.addf %get3A_505, %get3A_507 : vector<16xf32>
      %gt3A_509 = arith.constant 0.000000e+00 : f32
      %gt3A_510 = vector.broadcast %gt3A_509 : f32 to vector<16xf32>
      %gt3A_511 = arith.cmpf ogt, %add3A_508, %gt3A_510 : vector<16xf32>
      %mul3A_512 = arith.constant 2.000000e-01 : f32
      %mul3A_513 = vector.broadcast %mul3A_512 : f32 to vector<16xf32>
      %mul3A_514 = arith.mulf %mul3A_513, %add3A_508 : vector<16xf32>
      %select_n3A_515 = arith.select %gt3A_511, %add3A_508, %mul3A_514 : vector<16xi1>, vector<16xf32>
      %add3A_516 = arith.addf %get3A_390, %get3A_507 : vector<16xf32>
      %gt3A_517 = arith.constant 0.000000e+00 : f32
      %gt3A_518 = vector.broadcast %gt3A_517 : f32 to vector<16xf32>
      %gt3A_519 = arith.cmpf ogt, %add3A_516, %gt3A_518 : vector<16xf32>
      %mul3A_520 = arith.constant 2.000000e-01 : f32
      %mul3A_521 = vector.broadcast %mul3A_520 : f32 to vector<16xf32>
      %mul3A_522 = arith.mulf %mul3A_521, %add3A_516 : vector<16xf32>
      %select_n3A_523 = arith.select %gt3A_519, %add3A_516, %mul3A_522 : vector<16xi1>, vector<16xf32>
      %sub3A_524 = arith.subf %select_n3A_515, %select_n3A_523 : vector<16xf32>
      %exp3A_525 = math.exp %sub3A_524 : vector<16xf32>
      %swap3A_526 = arith.constant 64 : index
      %swap3A_527 = tpu.vector_load %arg22[%swap3A_526] {strides = array<i32>} : memref<128xf32, #tpu.memory_space<vmem>>, vector<16xf32>,
      tpu.vector_store %arg22[%swap3A_526], %exp3A_525 {strides = array<i32>} : memref<128xf32, #tpu.memory_space<vmem>>, vector<16xf32>,
      %get3A_528 = arith.constant 80 : index
      %get3A_529 = tpu.vector_load %arg18[%get3A_528] {strides = array<i32>} : memref<128xf32, #tpu.memory_space<vmem>>, vector<16xf32>,
      %get3A_530 = arith.constant 80 : index
      %get3A_531 = tpu.vector_load %arg20[%get3A_530] {strides = array<i32>} : memref<128xf32, #tpu.memory_space<vmem>>, vector<16xf32>,
      %add3A_532 = arith.addf %get3A_529, %get3A_531 : vector<16xf32>
      %gt3A_533 = arith.constant 0.000000e+00 : f32
      %gt3A_534 = vector.broadcast %gt3A_533 : f32 to vector<16xf32>
      %gt3A_535 = arith.cmpf ogt, %add3A_532, %gt3A_534 : vector<16xf32>
      %mul3A_536 = arith.constant 2.000000e-01 : f32
      %mul3A_537 = vector.broadcast %mul3A_536 : f32 to vector<16xf32>
      %mul3A_538 = arith.mulf %mul3A_537, %add3A_532 : vector<16xf32>
      %select_n3A_539 = arith.select %gt3A_535, %add3A_532, %mul3A_538 : vector<16xi1>, vector<16xf32>
      %add3A_540 = arith.addf %get3A_390, %get3A_531 : vector<16xf32>
      %gt3A_541 = arith.constant 0.000000e+00 : f32
      %gt3A_542 = vector.broadcast %gt3A_541 : f32 to vector<16xf32>
      %gt3A_543 = arith.cmpf ogt, %add3A_540, %gt3A_542 : vector<16xf32>
      %mul3A_544 = arith.constant 2.000000e-01 : f32
      %mul3A_545 = vector.broadcast %mul3A_544 : f32 to vector<16xf32>
      %mul3A_546 = arith.mulf %mul3A_545, %add3A_540 : vector<16xf32>
      %select_n3A_547 = arith.select %gt3A_543, %add3A_540, %mul3A_546 : vector<16xi1>, vector<16xf32>
      %sub3A_548 = arith.subf %select_n3A_539, %select_n3A_547 : vector<16xf32>
      %exp3A_549 = math.exp %sub3A_548 : vector<16xf32>
      %swap3A_550 = arith.constant 80 : index
      %swap3A_551 = tpu.vector_load %arg22[%swap3A_550] {strides = array<i32>} : memref<128xf32, #tpu.memory_space<vmem>>, vector<16xf32>,
      tpu.vector_store %arg22[%swap3A_550], %exp3A_549 {strides = array<i32>} : memref<128xf32, #tpu.memory_space<vmem>>, vector<16xf32>,
      %get3A_552 = arith.constant 96 : index
      %get3A_553 = tpu.vector_load %arg18[%get3A_552] {strides = array<i32>} : memref<128xf32, #tpu.memory_space<vmem>>, vector<16xf32>,
      %get3A_554 = arith.constant 96 : index
      %get3A_555 = tpu.vector_load %arg20[%get3A_554] {strides = array<i32>} : memref<128xf32, #tpu.memory_space<vmem>>, vector<16xf32>,
      %add3A_556 = arith.addf %get3A_553, %get3A_555 : vector<16xf32>
      %gt3A_557 = arith.constant 0.000000e+00 : f32
      %gt3A_558 = vector.broadcast %gt3A_557 : f32 to vector<16xf32>
      %gt3A_559 = arith.cmpf ogt, %add3A_556, %gt3A_558 : vector<16xf32>
      %mul3A_560 = arith.constant 2.000000e-01 : f32
      %mul3A_561 = vector.broadcast %mul3A_560 : f32 to vector<16xf32>
      %mul3A_562 = arith.mulf %mul3A_561, %add3A_556 : vector<16xf32>
      %select_n3A_563 = arith.select %gt3A_559, %add3A_556, %mul3A_562 : vector<16xi1>, vector<16xf32>
      %add3A_564 = arith.addf %get3A_390, %get3A_555 : vector<16xf32>
      %gt3A_565 = arith.constant 0.000000e+00 : f32
      %gt3A_566 = vector.broadcast %gt3A_565 : f32 to vector<16xf32>
      %gt3A_567 = arith.cmpf ogt, %add3A_564, %gt3A_566 : vector<16xf32>
      %mul3A_568 = arith.constant 2.000000e-01 : f32
      %mul3A_569 = vector.broadcast %mul3A_568 : f32 to vector<16xf32>
      %mul3A_570 = arith.mulf %mul3A_569, %add3A_564 : vector<16xf32>
      %select_n3A_571 = arith.select %gt3A_567, %add3A_564, %mul3A_570 : vector<16xi1>, vector<16xf32>
      %sub3A_572 = arith.subf %select_n3A_563, %select_n3A_571 : vector<16xf32>
      %exp3A_573 = math.exp %sub3A_572 : vector<16xf32>
      %swap3A_574 = arith.constant 96 : index
      %swap3A_575 = tpu.vector_load %arg22[%swap3A_574] {strides = array<i32>} : memref<128xf32, #tpu.memory_space<vmem>>, vector<16xf32>,
      tpu.vector_store %arg22[%swap3A_574], %exp3A_573 {strides = array<i32>} : memref<128xf32, #tpu.memory_space<vmem>>, vector<16xf32>,
      %get3A_576 = arith.constant 112 : index
      %get3A_577 = tpu.vector_load %arg18[%get3A_576] {strides = array<i32>} : memref<128xf32, #tpu.memory_space<vmem>>, vector<16xf32>,
      %get3A_578 = arith.constant 112 : index
      %get3A_579 = tpu.vector_load %arg20[%get3A_578] {strides = array<i32>} : memref<128xf32, #tpu.memory_space<vmem>>, vector<16xf32>,
      %add3A_580 = arith.addf %get3A_577, %get3A_579 : vector<16xf32>
      %gt3A_581 = arith.constant 0.000000e+00 : f32
      %gt3A_582 = vector.broadcast %gt3A_581 : f32 to vector<16xf32>
      %gt3A_583 = arith.cmpf ogt, %add3A_580, %gt3A_582 : vector<16xf32>
      %mul3A_584 = arith.constant 2.000000e-01 : f32
      %mul3A_585 = vector.broadcast %mul3A_584 : f32 to vector<16xf32>
      %mul3A_586 = arith.mulf %mul3A_585, %add3A_580 : vector<16xf32>
      %select_n3A_587 = arith.select %gt3A_583, %add3A_580, %mul3A_586 : vector<16xi1>, vector<16xf32>
      %add3A_588 = arith.addf %get3A_390, %get3A_579 : vector<16xf32>
      %gt3A_589 = arith.constant 0.000000e+00 : f32
      %gt3A_590 = vector.broadcast %gt3A_589 : f32 to vector<16xf32>
      %gt3A_591 = arith.cmpf ogt, %add3A_588, %gt3A_590 : vector<16xf32>
      %mul3A_592 = arith.constant 2.000000e-01 : f32
      %mul3A_593 = vector.broadcast %mul3A_592 : f32 to vector<16xf32>
      %mul3A_594 = arith.mulf %mul3A_593, %add3A_588 : vector<16xf32>
      %select_n3A_595 = arith.select %gt3A_591, %add3A_588, %mul3A_594 : vector<16xi1>, vector<16xf32>
      %sub3A_596 = arith.subf %select_n3A_587, %select_n3A_595 : vector<16xf32>
      %exp3A_597 = math.exp %sub3A_596 : vector<16xf32>
      %swap3A_598 = arith.constant 112 : index
      %swap3A_599 = tpu.vector_load %arg22[%swap3A_598] {strides = array<i32>} : memref<128xf32, #tpu.memory_space<vmem>>, vector<16xf32>,
      tpu.vector_store %arg22[%swap3A_598], %exp3A_597 {strides = array<i32>} : memref<128xf32, #tpu.memory_space<vmem>>, vector<16xf32>,
      %dma_start3A_600 = arith.constant 1 : i32
      %dma_start3A_601 = arith.constant 0 : i32
      %dma_start3A_602 = tpu.memref_slice %arg11[%dma_start3A_600, %dma_start3A_601] : memref<2x128xi32, #tpu.memory_space<vmem>> -> memref<1x128xi32, #tpu.memory_space<vmem>>
      %dma_start3A_603 = tpu.memref_squeeze %dma_start3A_602 : memref<1x128xi32, #tpu.memory_space<vmem>> -> memref<128xi32, #tpu.memory_space<vmem>>
      %dma_start3A_604 = arith.constant 0 : i32
      %dma_start3A_605 = tpu.memref_slice %arg24[%dma_start3A_604] : memref<10240xf32, #tpu.memory_space<vmem_shared>> -> memref<10240xf32, #tpu.memory_space<vmem_shared>>
      tpu.enqueue_indirect_dma source(%arg22 : memref<128xf32, #tpu.memory_space<vmem>>) target(%dma_start3A_605 : memref<10240xf32, #tpu.memory_space<vmem_shared>>) offsets(%dma_start3A_603 : memref<128xi32, #tpu.memory_space<vmem>>) semaphore(%arg33 : memref<!tpu.dma_semaphore, #tpu.memory_space<semaphore_mem>>) {add = true}
      %ge3A_606 = arith.constant 1 : i32
      %ge3A_607 = arith.cmpi sge, %add3A_382, %ge3A_606 : i32
      %convert_element_type3A_608 = arith.extui %ge3A_607 : i1 to i32
      %cond3A_609 = arith.constant 0 : i32
      %cond3A_610 = arith.cmpi ne, %convert_element_type3A_608, %cond3A_609 : i32
      scf.if %cond3A_610 {
        %dma_wait3A_1139 = arith.constant 1 : i32
        %dma_wait3A_1140 = arith.constant 0 : i32
        %dma_wait3A_1141 = tpu.memref_slice %arg10[%dma_wait3A_1139, %dma_wait3A_1140] : memref<2x128xi32, #tpu.memory_space<vmem>> -> memref<1x128xi32, #tpu.memory_space<vmem>>
        %dma_wait3A_1142 = tpu.memref_squeeze %dma_wait3A_1141 : memref<1x128xi32, #tpu.memory_space<vmem>> -> memref<128xi32, #tpu.memory_space<vmem>>
        %dma_wait3A_1143 = arith.constant 0 : i32
        %dma_wait3A_1144 = arith.constant 0 : i32
        %dma_wait3A_1145 = tpu.memref_slice %arg23[%dma_wait3A_1143, %dma_wait3A_1144] : memref<10240x128xf32, #tpu.memory_space<vmem_shared>> -> memref<10240x128xf32, #tpu.memory_space<vmem_shared>>
        tpu.wait_indirect_dma semaphore(%arg31 : memref<!tpu.dma_semaphore, #tpu.memory_space<semaphore_mem>>) src(%arg16 : memref<128x128xf32, #tpu.memory_space<vmem>>) dst(%dma_wait3A_1145 : memref<10240x128xf32, #tpu.memory_space<vmem_shared>>)
      } else {
      }
      %dma_wait3A_611 = arith.constant 0 : i32
      %dma_wait3A_612 = arith.constant 0 : i32
      %dma_wait3A_613 = tpu.memref_slice %arg11[%dma_wait3A_611, %dma_wait3A_612] : memref<2x128xi32, #tpu.memory_space<vmem>> -> memref<1x128xi32, #tpu.memory_space<vmem>>
      %dma_wait3A_614 = tpu.memref_squeeze %dma_wait3A_613 : memref<1x128xi32, #tpu.memory_space<vmem>> -> memref<128xi32, #tpu.memory_space<vmem>>
      %dma_wait3A_615 = arith.constant 0 : i32
      %dma_wait3A_616 = arith.constant 0 : i32
      %dma_wait3A_617 = tpu.memref_slice %arg2[%dma_wait3A_615, %dma_wait3A_616] : memref<10240x128xbf16, #tpu.memory_space<hbm>> -> memref<10240x128xbf16, #tpu.memory_space<hbm>>
      tpu.wait_indirect_dma semaphore(%arg26 : memref<!tpu.dma_semaphore, #tpu.memory_space<semaphore_mem>>) src(%dma_wait3A_617 : memref<10240x128xbf16, #tpu.memory_space<hbm>>) dst(%arg15 : memref<128x128xbf16, #tpu.memory_space<vmem>>)
      %scan3A_618 = arith.constant 0 : i32
      %scan3A_619 = arith.constant 0 : i32
      %scan3A_620 = arith.constant 128 : i32
      %scan3A_621 = arith.addi %scan3A_619, %scan3A_620 : i32
      %scan3A_622 = arith.constant 1 : i32
      %scan3A_623 = scf.for %scan3A_1139 = %scan3A_619 to %scan3A_621 step %scan3A_622 iter_args(%scan3A_1140 = %scan3A_618) -> (i32)  : i32 {
        %broadcast_in_dim3A_1141 = vector.broadcast %scan3A_1139 : i32 to vector<16xi32>
        %gather3A = tpu.vector_load_idx %arg22[%broadcast_in_dim3A_1141] : memref<128xf32, #tpu.memory_space<vmem>>[vector<16xi32>], vector<16xf32>,
        %get3A_1142 = arith.index_cast %scan3A_1139 : i32 to index
        %get3A_1143 = arith.constant 0 : index
        %get3A_1144 = tpu.vector_load %arg15[%get3A_1142, %get3A_1143] {strides = array<i32>} : memref<128x128xbf16, #tpu.memory_space<vmem>>, vector<32xbf16>,
        %unpack3A = tpu.unpack_subelements %get3A_1144, 0 {pack_format = #tpu.pack_format<interleaved>} : vector<32xbf16> -> vector<16xf32>
        %unpack3A_1145 = tpu.unpack_subelements %get3A_1144, 1 {pack_format = #tpu.pack_format<interleaved>} : vector<32xbf16> -> vector<16xf32>
        %mul3A_1146 = arith.mulf %unpack3A, %gather3A : vector<16xf32>
        %swap3A_1147 = arith.index_cast %scan3A_1139 : i32 to index
        %swap3A_1148 = arith.constant 0 : index
        %swap3A_1149 = tpu.vector_load %arg16[%swap3A_1147, %swap3A_1148] {strides = array<i32>} : memref<128x128xf32, #tpu.memory_space<vmem>>, vector<16xf32>,
        tpu.vector_store %arg16[%swap3A_1147, %swap3A_1148], %mul3A_1146 {strides = array<i32>} : memref<128x128xf32, #tpu.memory_space<vmem>>, vector<16xf32>,
        %mul3A_1150 = arith.mulf %unpack3A_1145, %gather3A : vector<16xf32>
        %swap3A_1151 = arith.index_cast %scan3A_1139 : i32 to index
        %swap3A_1152 = arith.constant 16 : index
        %swap3A_1153 = tpu.vector_load %arg16[%swap3A_1151, %swap3A_1152] {strides = array<i32>} : memref<128x128xf32, #tpu.memory_space<vmem>>, vector<16xf32>,
        tpu.vector_store %arg16[%swap3A_1151, %swap3A_1152], %mul3A_1150 {strides = array<i32>} : memref<128x128xf32, #tpu.memory_space<vmem>>, vector<16xf32>,
        %get3A_1154 = arith.index_cast %scan3A_1139 : i32 to index
        %get3A_1155 = arith.constant 32 : index
        %get3A_1156 = tpu.vector_load %arg15[%get3A_1154, %get3A_1155] {strides = array<i32>} : memref<128x128xbf16, #tpu.memory_space<vmem>>, vector<32xbf16>,
        %unpack3A_1157 = tpu.unpack_subelements %get3A_1156, 0 {pack_format = #tpu.pack_format<interleaved>} : vector<32xbf16> -> vector<16xf32>
        %unpack3A_1158 = tpu.unpack_subelements %get3A_1156, 1 {pack_format = #tpu.pack_format<interleaved>} : vector<32xbf16> -> vector<16xf32>
        %mul3A_1159 = arith.mulf %unpack3A_1157, %gather3A : vector<16xf32>
        %swap3A_1160 = arith.index_cast %scan3A_1139 : i32 to index
        %swap3A_1161 = arith.constant 32 : index
        %swap3A_1162 = tpu.vector_load %arg16[%swap3A_1160, %swap3A_1161] {strides = array<i32>} : memref<128x128xf32, #tpu.memory_space<vmem>>, vector<16xf32>,
        tpu.vector_store %arg16[%swap3A_1160, %swap3A_1161], %mul3A_1159 {strides = array<i32>} : memref<128x128xf32, #tpu.memory_space<vmem>>, vector<16xf32>,
        %mul3A_1163 = arith.mulf %unpack3A_1158, %gather3A : vector<16xf32>
        %swap3A_1164 = arith.index_cast %scan3A_1139 : i32 to index
        %swap3A_1165 = arith.constant 48 : index
        %swap3A_1166 = tpu.vector_load %arg16[%swap3A_1164, %swap3A_1165] {strides = array<i32>} : memref<128x128xf32, #tpu.memory_space<vmem>>, vector<16xf32>,
        tpu.vector_store %arg16[%swap3A_1164, %swap3A_1165], %mul3A_1163 {strides = array<i32>} : memref<128x128xf32, #tpu.memory_space<vmem>>, vector<16xf32>,
        %get3A_1167 = arith.index_cast %scan3A_1139 : i32 to index
        %get3A_1168 = arith.constant 64 : index
        %get3A_1169 = tpu.vector_load %arg15[%get3A_1167, %get3A_1168] {strides = array<i32>} : memref<128x128xbf16, #tpu.memory_space<vmem>>, vector<32xbf16>,
        %unpack3A_1170 = tpu.unpack_subelements %get3A_1169, 0 {pack_format = #tpu.pack_format<interleaved>} : vector<32xbf16> -> vector<16xf32>
        %unpack3A_1171 = tpu.unpack_subelements %get3A_1169, 1 {pack_format = #tpu.pack_format<interleaved>} : vector<32xbf16> -> vector<16xf32>
        %mul3A_1172 = arith.mulf %unpack3A_1170, %gather3A : vector<16xf32>
        %swap3A_1173 = arith.index_cast %scan3A_1139 : i32 to index
        %swap3A_1174 = arith.constant 64 : index
        %swap3A_1175 = tpu.vector_load %arg16[%swap3A_1173, %swap3A_1174] {strides = array<i32>} : memref<128x128xf32, #tpu.memory_space<vmem>>, vector<16xf32>,
        tpu.vector_store %arg16[%swap3A_1173, %swap3A_1174], %mul3A_1172 {strides = array<i32>} : memref<128x128xf32, #tpu.memory_space<vmem>>, vector<16xf32>,
        %mul3A_1176 = arith.mulf %unpack3A_1171, %gather3A : vector<16xf32>
        %swap3A_1177 = arith.index_cast %scan3A_1139 : i32 to index
        %swap3A_1178 = arith.constant 80 : index
        %swap3A_1179 = tpu.vector_load %arg16[%swap3A_1177, %swap3A_1178] {strides = array<i32>} : memref<128x128xf32, #tpu.memory_space<vmem>>, vector<16xf32>,
        tpu.vector_store %arg16[%swap3A_1177, %swap3A_1178], %mul3A_1176 {strides = array<i32>} : memref<128x128xf32, #tpu.memory_space<vmem>>, vector<16xf32>,
        %get3A_1180 = arith.index_cast %scan3A_1139 : i32 to index
        %get3A_1181 = arith.constant 96 : index
        %get3A_1182 = tpu.vector_load %arg15[%get3A_1180, %get3A_1181] {strides = array<i32>} : memref<128x128xbf16, #tpu.memory_space<vmem>>, vector<32xbf16>,
        %unpack3A_1183 = tpu.unpack_subelements %get3A_1182, 0 {pack_format = #tpu.pack_format<interleaved>} : vector<32xbf16> -> vector<16xf32>
        %unpack3A_1184 = tpu.unpack_subelements %get3A_1182, 1 {pack_format = #tpu.pack_format<interleaved>} : vector<32xbf16> -> vector<16xf32>
        %mul3A_1185 = arith.mulf %unpack3A_1183, %gather3A : vector<16xf32>
        %swap3A_1186 = arith.index_cast %scan3A_1139 : i32 to index
        %swap3A_1187 = arith.constant 96 : index
        %swap3A_1188 = tpu.vector_load %arg16[%swap3A_1186, %swap3A_1187] {strides = array<i32>} : memref<128x128xf32, #tpu.memory_space<vmem>>, vector<16xf32>,
        tpu.vector_store %arg16[%swap3A_1186, %swap3A_1187], %mul3A_1185 {strides = array<i32>} : memref<128x128xf32, #tpu.memory_space<vmem>>, vector<16xf32>,
        %mul3A_1189 = arith.mulf %unpack3A_1184, %gather3A : vector<16xf32>
        %swap3A_1190 = arith.index_cast %scan3A_1139 : i32 to index
        %swap3A_1191 = arith.constant 112 : index
        %swap3A_1192 = tpu.vector_load %arg16[%swap3A_1190, %swap3A_1191] {strides = array<i32>} : memref<128x128xf32, #tpu.memory_space<vmem>>, vector<16xf32>,
        tpu.vector_store %arg16[%swap3A_1190, %swap3A_1191], %mul3A_1189 {strides = array<i32>} : memref<128x128xf32, #tpu.memory_space<vmem>>, vector<16xf32>,
        %scan3A_1193 = arith.constant 0 : i32
        scf.yield %scan3A_1193 : i32
      }
      %scan3A_624 = arith.constant 128 : i32
      %dma_start3A_625 = arith.constant 1 : i32
      %dma_start3A_626 = arith.constant 0 : i32
      %dma_start3A_627 = tpu.memref_slice %arg11[%dma_start3A_625, %dma_start3A_626] : memref<2x128xi32, #tpu.memory_space<vmem>> -> memref<1x128xi32, #tpu.memory_space<vmem>>
      %dma_start3A_628 = tpu.memref_squeeze %dma_start3A_627 : memref<1x128xi32, #tpu.memory_space<vmem>> -> memref<128xi32, #tpu.memory_space<vmem>>
      %dma_start3A_629 = arith.constant 0 : i32
      %dma_start3A_630 = arith.constant 0 : i32
      %dma_start3A_631 = tpu.memref_slice %arg23[%dma_start3A_629, %dma_start3A_630] : memref<10240x128xf32, #tpu.memory_space<vmem_shared>> -> memref<10240x128xf32, #tpu.memory_space<vmem_shared>>
      tpu.enqueue_indirect_dma source(%arg16 : memref<128x128xf32, #tpu.memory_space<vmem>>) target(%dma_start3A_631 : memref<10240x128xf32, #tpu.memory_space<vmem_shared>>) offsets(%dma_start3A_628 : memref<128xi32, #tpu.memory_space<vmem>>) semaphore(%arg31 : memref<!tpu.dma_semaphore, #tpu.memory_space<semaphore_mem>>) {add = true}
      %mul3A_632 = arith.constant 4 : i32
      %mul3A_633 = arith.muli %while3A_131, %mul3A_632 : i32
      %add3A_634 = arith.constant 2 : i32
      %add3A_635 = arith.addi %mul3A_633, %add3A_634 : i32
      %sub3A_636 = arith.constant 1 : i32
      %sub3A_637 = arith.subi %select_n3A, %sub3A_636 : i32
      %lt3A_638 = arith.cmpi slt, %add3A_635, %sub3A_637 : i32
      %convert_element_type3A_639 = arith.extui %lt3A_638 : i1 to i32
      %cond3A_640 = arith.constant 0 : i32
      %cond3A_641 = arith.cmpi ne, %convert_element_type3A_639, %cond3A_640 : i32
      scf.if %cond3A_641 {
        %add3A_1139 = arith.constant 1 : i32
        %add3A_1140 = arith.addi %add3A_635, %add3A_1139 : i32
        %add3A_1141 = arith.addi %select_n3A_50, %add3A_1140 : i32
        %mul3A_1142 = arith.constant 2 : i32
        %mul3A_1143 = arith.muli %add3A_1141, %mul3A_1142 : i32
        "tpu.region"() ({
          %run_scoped3A = tpu.sem_alloc : memref<!tpu.dma_semaphore, #tpu.memory_space<semaphore_mem>>
          %dma_start3A_1163 = arith.constant 0 : i32
          %dma_start3A_1164 = tpu.memref_slice %arg6[%mul3A_1143, %dma_start3A_1163] : memref<5120x128xi32, #tpu.memory_space<hbm>> -> memref<2x128xi32, #tpu.memory_space<hbm>>
          %dma_start3A_1165 = arith.constant 0 : i32
          %dma_start3A_1166 = tpu.memref_slice %arg6[%mul3A_1143, %dma_start3A_1165] : memref<5120x128xi32, #tpu.memory_space<hbm>> -> memref<2x128xi32, #tpu.memory_space<hbm>>
          tpu.enqueue_dma source(%dma_start3A_1166 : memref<2x128xi32, #tpu.memory_space<hbm>>) target(%arg13 : memref<2x128xi32, #tpu.memory_space<vmem>>) target_semaphore(%run_scoped3A : memref<!tpu.dma_semaphore, #tpu.memory_space<semaphore_mem>>)
          %dma_wait3A_1167 = arith.constant 0 : i32
          %dma_wait3A_1168 = tpu.memref_slice %arg6[%mul3A_1143, %dma_wait3A_1167] : memref<5120x128xi32, #tpu.memory_space<hbm>> -> memref<2x128xi32, #tpu.memory_space<hbm>>
          %dma_wait3A_1169 = arith.constant 0 : i32
          %dma_wait3A_1170 = tpu.memref_slice %arg6[%mul3A_1143, %dma_wait3A_1169] : memref<5120x128xi32, #tpu.memory_space<hbm>> -> memref<2x128xi32, #tpu.memory_space<hbm>>
          tpu.wait_dma2 semaphore(%run_scoped3A : memref<!tpu.dma_semaphore, #tpu.memory_space<semaphore_mem>>) src(%dma_wait3A_1170 : memref<2x128xi32, #tpu.memory_space<hbm>>) dst(%arg13 : memref<2x128xi32, #tpu.memory_space<vmem>>)
          tpu.yield
        }) : () -> ()
        %dma_start3A_1144 = arith.constant 0 : i32
        %dma_start3A_1145 = arith.constant 0 : i32
        %dma_start3A_1146 = tpu.memref_slice %arg13[%dma_start3A_1144, %dma_start3A_1145] : memref<2x128xi32, #tpu.memory_space<vmem>> -> memref<1x128xi32, #tpu.memory_space<vmem>>
        %dma_start3A_1147 = tpu.memref_squeeze %dma_start3A_1146 : memref<1x128xi32, #tpu.memory_space<vmem>> -> memref<128xi32, #tpu.memory_space<vmem>>
        %dma_start3A_1148 = arith.constant 0 : i32
        %dma_start3A_1149 = arith.constant 0 : i32
        %dma_start3A_1150 = tpu.memref_slice %arg2[%dma_start3A_1148, %dma_start3A_1149] : memref<10240x128xbf16, #tpu.memory_space<hbm>> -> memref<10240x128xbf16, #tpu.memory_space<hbm>>
        tpu.enqueue_indirect_dma source(%dma_start3A_1150 : memref<10240x128xbf16, #tpu.memory_space<hbm>>) target(%arg15 : memref<128x128xbf16, #tpu.memory_space<vmem>>) offsets(%dma_start3A_1147 : memref<128xi32, #tpu.memory_space<vmem>>) semaphore(%arg26 : memref<!tpu.dma_semaphore, #tpu.memory_space<semaphore_mem>>)
        %dma_start3A_1151 = arith.constant 0 : i32
        %dma_start3A_1152 = arith.constant 0 : i32
        %dma_start3A_1153 = tpu.memref_slice %arg13[%dma_start3A_1151, %dma_start3A_1152] : memref<2x128xi32, #tpu.memory_space<vmem>> -> memref<1x128xi32, #tpu.memory_space<vmem>>
        %dma_start3A_1154 = tpu.memref_squeeze %dma_start3A_1153 : memref<1x128xi32, #tpu.memory_space<vmem>> -> memref<128xi32, #tpu.memory_space<vmem>>
        %dma_start3A_1155 = arith.constant 0 : i32
        %dma_start3A_1156 = tpu.memref_slice %arg3[%dma_start3A_1155] : memref<10240xf32, #tpu.memory_space<hbm>> -> memref<10240xf32, #tpu.memory_space<hbm>>
        tpu.enqueue_indirect_dma source(%dma_start3A_1156 : memref<10240xf32, #tpu.memory_space<hbm>>) target(%arg18 : memref<128xf32, #tpu.memory_space<vmem>>) offsets(%dma_start3A_1154 : memref<128xi32, #tpu.memory_space<vmem>>) semaphore(%arg28 : memref<!tpu.dma_semaphore, #tpu.memory_space<semaphore_mem>>)
        %dma_start3A_1157 = arith.constant 1 : i32
        %dma_start3A_1158 = arith.constant 0 : i32
        %dma_start3A_1159 = tpu.memref_slice %arg13[%dma_start3A_1157, %dma_start3A_1158] : memref<2x128xi32, #tpu.memory_space<vmem>> -> memref<1x128xi32, #tpu.memory_space<vmem>>
        %dma_start3A_1160 = tpu.memref_squeeze %dma_start3A_1159 : memref<1x128xi32, #tpu.memory_space<vmem>> -> memref<128xi32, #tpu.memory_space<vmem>>
        %dma_start3A_1161 = arith.constant 0 : i32
        %dma_start3A_1162 = tpu.memref_slice %arg4[%dma_start3A_1161] : memref<10240xf32, #tpu.memory_space<hbm>> -> memref<10240xf32, #tpu.memory_space<hbm>>
        tpu.enqueue_indirect_dma source(%dma_start3A_1162 : memref<10240xf32, #tpu.memory_space<hbm>>) target(%arg20 : memref<128xf32, #tpu.memory_space<vmem>>) offsets(%dma_start3A_1160 : memref<128xi32, #tpu.memory_space<vmem>>) semaphore(%arg30 : memref<!tpu.dma_semaphore, #tpu.memory_space<semaphore_mem>>)
      } else {
      }
      %get3A_642 = arith.constant 0 : index
      %get3A_643 = tpu.vector_load %arg9[%get3A_642] {strides = array<i32>} : memref<16xf32, #tpu.memory_space<vmem>>, vector<16xf32>,
      %dma_wait3A_644 = arith.constant 0 : i32
      %dma_wait3A_645 = arith.constant 0 : i32
      %dma_wait3A_646 = tpu.memref_slice %arg12[%dma_wait3A_644, %dma_wait3A_645] : memref<2x128xi32, #tpu.memory_space<vmem>> -> memref<1x128xi32, #tpu.memory_space<vmem>>
      %dma_wait3A_647 = tpu.memref_squeeze %dma_wait3A_646 : memref<1x128xi32, #tpu.memory_space<vmem>> -> memref<128xi32, #tpu.memory_space<vmem>>
      %dma_wait3A_648 = arith.constant 0 : i32
      %dma_wait3A_649 = tpu.memref_slice %arg3[%dma_wait3A_648] : memref<10240xf32, #tpu.memory_space<hbm>> -> memref<10240xf32, #tpu.memory_space<hbm>>
      tpu.wait_indirect_dma semaphore(%arg27 : memref<!tpu.dma_semaphore, #tpu.memory_space<semaphore_mem>>) src(%dma_wait3A_649 : memref<10240xf32, #tpu.memory_space<hbm>>) dst(%arg17 : memref<128xf32, #tpu.memory_space<vmem>>)
      %dma_wait3A_650 = arith.constant 1 : i32
      %dma_wait3A_651 = arith.constant 0 : i32
      %dma_wait3A_652 = tpu.memref_slice %arg12[%dma_wait3A_650, %dma_wait3A_651] : memref<2x128xi32, #tpu.memory_space<vmem>> -> memref<1x128xi32, #tpu.memory_space<vmem>>
      %dma_wait3A_653 = tpu.memref_squeeze %dma_wait3A_652 : memref<1x128xi32, #tpu.memory_space<vmem>> -> memref<128xi32, #tpu.memory_space<vmem>>
      %dma_wait3A_654 = arith.constant 0 : i32
      %dma_wait3A_655 = tpu.memref_slice %arg4[%dma_wait3A_654] : memref<10240xf32, #tpu.memory_space<hbm>> -> memref<10240xf32, #tpu.memory_space<hbm>>
      tpu.wait_indirect_dma semaphore(%arg29 : memref<!tpu.dma_semaphore, #tpu.memory_space<semaphore_mem>>) src(%dma_wait3A_655 : memref<10240xf32, #tpu.memory_space<hbm>>) dst(%arg19 : memref<128xf32, #tpu.memory_space<vmem>>)
      %ge3A_656 = arith.constant 2 : i32
      %ge3A_657 = arith.cmpi sge, %add3A_635, %ge3A_656 : i32
      %convert_element_type3A_658 = arith.extui %ge3A_657 : i1 to i32
      %cond3A_659 = arith.constant 0 : i32
      %cond3A_660 = arith.cmpi ne, %convert_element_type3A_658, %cond3A_659 : i32
      scf.if %cond3A_660 {
        %dma_wait3A_1139 = arith.constant 1 : i32
        %dma_wait3A_1140 = arith.constant 0 : i32
        %dma_wait3A_1141 = tpu.memref_slice %arg10[%dma_wait3A_1139, %dma_wait3A_1140] : memref<2x128xi32, #tpu.memory_space<vmem>> -> memref<1x128xi32, #tpu.memory_space<vmem>>
        %dma_wait3A_1142 = tpu.memref_squeeze %dma_wait3A_1141 : memref<1x128xi32, #tpu.memory_space<vmem>> -> memref<128xi32, #tpu.memory_space<vmem>>
        %dma_wait3A_1143 = arith.constant 0 : i32
        %dma_wait3A_1144 = tpu.memref_slice %arg24[%dma_wait3A_1143] : memref<10240xf32, #tpu.memory_space<vmem_shared>> -> memref<10240xf32, #tpu.memory_space<vmem_shared>>
        tpu.wait_indirect_dma semaphore(%arg32 : memref<!tpu.dma_semaphore, #tpu.memory_space<semaphore_mem>>) src(%arg21 : memref<128xf32, #tpu.memory_space<vmem>>) dst(%dma_wait3A_1144 : memref<10240xf32, #tpu.memory_space<vmem_shared>>)
      } else {
      }
      %get3A_661 = arith.constant 0 : index
      %get3A_662 = tpu.vector_load %arg17[%get3A_661] {strides = array<i32>} : memref<128xf32, #tpu.memory_space<vmem>>, vector<16xf32>,
      %get3A_663 = arith.constant 0 : index
      %get3A_664 = tpu.vector_load %arg19[%get3A_663] {strides = array<i32>} : memref<128xf32, #tpu.memory_space<vmem>>, vector<16xf32>,
      %add3A_665 = arith.addf %get3A_662, %get3A_664 : vector<16xf32>
      %gt3A_666 = arith.constant 0.000000e+00 : f32
      %gt3A_667 = vector.broadcast %gt3A_666 : f32 to vector<16xf32>
      %gt3A_668 = arith.cmpf ogt, %add3A_665, %gt3A_667 : vector<16xf32>
      %mul3A_669 = arith.constant 2.000000e-01 : f32
      %mul3A_670 = vector.broadcast %mul3A_669 : f32 to vector<16xf32>
      %mul3A_671 = arith.mulf %mul3A_670, %add3A_665 : vector<16xf32>
      %select_n3A_672 = arith.select %gt3A_668, %add3A_665, %mul3A_671 : vector<16xi1>, vector<16xf32>
      %add3A_673 = arith.addf %get3A_643, %get3A_664 : vector<16xf32>
      %gt3A_674 = arith.constant 0.000000e+00 : f32
      %gt3A_675 = vector.broadcast %gt3A_674 : f32 to vector<16xf32>
      %gt3A_676 = arith.cmpf ogt, %add3A_673, %gt3A_675 : vector<16xf32>
      %mul3A_677 = arith.constant 2.000000e-01 : f32
      %mul3A_678 = vector.broadcast %mul3A_677 : f32 to vector<16xf32>
      %mul3A_679 = arith.mulf %mul3A_678, %add3A_673 : vector<16xf32>
      %select_n3A_680 = arith.select %gt3A_676, %add3A_673, %mul3A_679 : vector<16xi1>, vector<16xf32>
      %sub3A_681 = arith.subf %select_n3A_672, %select_n3A_680 : vector<16xf32>
      %exp3A_682 = math.exp %sub3A_681 : vector<16xf32>
      %swap3A_683 = arith.constant 0 : index
      %swap3A_684 = tpu.vector_load %arg21[%swap3A_683] {strides = array<i32>} : memref<128xf32, #tpu.memory_space<vmem>>, vector<16xf32>,
      tpu.vector_store %arg21[%swap3A_683], %exp3A_682 {strides = array<i32>} : memref<128xf32, #tpu.memory_space<vmem>>, vector<16xf32>,
      %get3A_685 = arith.constant 16 : index
      %get3A_686 = tpu.vector_load %arg17[%get3A_685] {strides = array<i32>} : memref<128xf32, #tpu.memory_space<vmem>>, vector<16xf32>,
      %get3A_687 = arith.constant 16 : index
      %get3A_688 = tpu.vector_load %arg19[%get3A_687] {strides = array<i32>} : memref<128xf32, #tpu.memory_space<vmem>>, vector<16xf32>,
      %add3A_689 = arith.addf %get3A_686, %get3A_688 : vector<16xf32>
      %gt3A_690 = arith.constant 0.000000e+00 : f32
      %gt3A_691 = vector.broadcast %gt3A_690 : f32 to vector<16xf32>
      %gt3A_692 = arith.cmpf ogt, %add3A_689, %gt3A_691 : vector<16xf32>
      %mul3A_693 = arith.constant 2.000000e-01 : f32
      %mul3A_694 = vector.broadcast %mul3A_693 : f32 to vector<16xf32>
      %mul3A_695 = arith.mulf %mul3A_694, %add3A_689 : vector<16xf32>
      %select_n3A_696 = arith.select %gt3A_692, %add3A_689, %mul3A_695 : vector<16xi1>, vector<16xf32>
      %add3A_697 = arith.addf %get3A_643, %get3A_688 : vector<16xf32>
      %gt3A_698 = arith.constant 0.000000e+00 : f32
      %gt3A_699 = vector.broadcast %gt3A_698 : f32 to vector<16xf32>
      %gt3A_700 = arith.cmpf ogt, %add3A_697, %gt3A_699 : vector<16xf32>
      %mul3A_701 = arith.constant 2.000000e-01 : f32
      %mul3A_702 = vector.broadcast %mul3A_701 : f32 to vector<16xf32>
      %mul3A_703 = arith.mulf %mul3A_702, %add3A_697 : vector<16xf32>
      %select_n3A_704 = arith.select %gt3A_700, %add3A_697, %mul3A_703 : vector<16xi1>, vector<16xf32>
      %sub3A_705 = arith.subf %select_n3A_696, %select_n3A_704 : vector<16xf32>
      %exp3A_706 = math.exp %sub3A_705 : vector<16xf32>
      %swap3A_707 = arith.constant 16 : index
      %swap3A_708 = tpu.vector_load %arg21[%swap3A_707] {strides = array<i32>} : memref<128xf32, #tpu.memory_space<vmem>>, vector<16xf32>,
      tpu.vector_store %arg21[%swap3A_707], %exp3A_706 {strides = array<i32>} : memref<128xf32, #tpu.memory_space<vmem>>, vector<16xf32>,
      %get3A_709 = arith.constant 32 : index
      %get3A_710 = tpu.vector_load %arg17[%get3A_709] {strides = array<i32>} : memref<128xf32, #tpu.memory_space<vmem>>, vector<16xf32>,
      %get3A_711 = arith.constant 32 : index
      %get3A_712 = tpu.vector_load %arg19[%get3A_711] {strides = array<i32>} : memref<128xf32, #tpu.memory_space<vmem>>, vector<16xf32>,
      %add3A_713 = arith.addf %get3A_710, %get3A_712 : vector<16xf32>
      %gt3A_714 = arith.constant 0.000000e+00 : f32
      %gt3A_715 = vector.broadcast %gt3A_714 : f32 to vector<16xf32>
      %gt3A_716 = arith.cmpf ogt, %add3A_713, %gt3A_715 : vector<16xf32>
      %mul3A_717 = arith.constant 2.000000e-01 : f32
      %mul3A_718 = vector.broadcast %mul3A_717 : f32 to vector<16xf32>
      %mul3A_719 = arith.mulf %mul3A_718, %add3A_713 : vector<16xf32>
      %select_n3A_720 = arith.select %gt3A_716, %add3A_713, %mul3A_719 : vector<16xi1>, vector<16xf32>
      %add3A_721 = arith.addf %get3A_643, %get3A_712 : vector<16xf32>
      %gt3A_722 = arith.constant 0.000000e+00 : f32
      %gt3A_723 = vector.broadcast %gt3A_722 : f32 to vector<16xf32>
      %gt3A_724 = arith.cmpf ogt, %add3A_721, %gt3A_723 : vector<16xf32>
      %mul3A_725 = arith.constant 2.000000e-01 : f32
      %mul3A_726 = vector.broadcast %mul3A_725 : f32 to vector<16xf32>
      %mul3A_727 = arith.mulf %mul3A_726, %add3A_721 : vector<16xf32>
      %select_n3A_728 = arith.select %gt3A_724, %add3A_721, %mul3A_727 : vector<16xi1>, vector<16xf32>
      %sub3A_729 = arith.subf %select_n3A_720, %select_n3A_728 : vector<16xf32>
      %exp3A_730 = math.exp %sub3A_729 : vector<16xf32>
      %swap3A_731 = arith.constant 32 : index
      %swap3A_732 = tpu.vector_load %arg21[%swap3A_731] {strides = array<i32>} : memref<128xf32, #tpu.memory_space<vmem>>, vector<16xf32>,
      tpu.vector_store %arg21[%swap3A_731], %exp3A_730 {strides = array<i32>} : memref<128xf32, #tpu.memory_space<vmem>>, vector<16xf32>,
      %get3A_733 = arith.constant 48 : index
      %get3A_734 = tpu.vector_load %arg17[%get3A_733] {strides = array<i32>} : memref<128xf32, #tpu.memory_space<vmem>>, vector<16xf32>,
      %get3A_735 = arith.constant 48 : index
      %get3A_736 = tpu.vector_load %arg19[%get3A_735] {strides = array<i32>} : memref<128xf32, #tpu.memory_space<vmem>>, vector<16xf32>,
      %add3A_737 = arith.addf %get3A_734, %get3A_736 : vector<16xf32>
      %gt3A_738 = arith.constant 0.000000e+00 : f32
      %gt3A_739 = vector.broadcast %gt3A_738 : f32 to vector<16xf32>
      %gt3A_740 = arith.cmpf ogt, %add3A_737, %gt3A_739 : vector<16xf32>
      %mul3A_741 = arith.constant 2.000000e-01 : f32
      %mul3A_742 = vector.broadcast %mul3A_741 : f32 to vector<16xf32>
      %mul3A_743 = arith.mulf %mul3A_742, %add3A_737 : vector<16xf32>
      %select_n3A_744 = arith.select %gt3A_740, %add3A_737, %mul3A_743 : vector<16xi1>, vector<16xf32>
      %add3A_745 = arith.addf %get3A_643, %get3A_736 : vector<16xf32>
      %gt3A_746 = arith.constant 0.000000e+00 : f32
      %gt3A_747 = vector.broadcast %gt3A_746 : f32 to vector<16xf32>
      %gt3A_748 = arith.cmpf ogt, %add3A_745, %gt3A_747 : vector<16xf32>
      %mul3A_749 = arith.constant 2.000000e-01 : f32
      %mul3A_750 = vector.broadcast %mul3A_749 : f32 to vector<16xf32>
      %mul3A_751 = arith.mulf %mul3A_750, %add3A_745 : vector<16xf32>
      %select_n3A_752 = arith.select %gt3A_748, %add3A_745, %mul3A_751 : vector<16xi1>, vector<16xf32>
      %sub3A_753 = arith.subf %select_n3A_744, %select_n3A_752 : vector<16xf32>
      %exp3A_754 = math.exp %sub3A_753 : vector<16xf32>
      %swap3A_755 = arith.constant 48 : index
      %swap3A_756 = tpu.vector_load %arg21[%swap3A_755] {strides = array<i32>} : memref<128xf32, #tpu.memory_space<vmem>>, vector<16xf32>,
      tpu.vector_store %arg21[%swap3A_755], %exp3A_754 {strides = array<i32>} : memref<128xf32, #tpu.memory_space<vmem>>, vector<16xf32>,
      %get3A_757 = arith.constant 64 : index
      %get3A_758 = tpu.vector_load %arg17[%get3A_757] {strides = array<i32>} : memref<128xf32, #tpu.memory_space<vmem>>, vector<16xf32>,
      %get3A_759 = arith.constant 64 : index
      %get3A_760 = tpu.vector_load %arg19[%get3A_759] {strides = array<i32>} : memref<128xf32, #tpu.memory_space<vmem>>, vector<16xf32>,
      %add3A_761 = arith.addf %get3A_758, %get3A_760 : vector<16xf32>
      %gt3A_762 = arith.constant 0.000000e+00 : f32
      %gt3A_763 = vector.broadcast %gt3A_762 : f32 to vector<16xf32>
      %gt3A_764 = arith.cmpf ogt, %add3A_761, %gt3A_763 : vector<16xf32>
      %mul3A_765 = arith.constant 2.000000e-01 : f32
      %mul3A_766 = vector.broadcast %mul3A_765 : f32 to vector<16xf32>
      %mul3A_767 = arith.mulf %mul3A_766, %add3A_761 : vector<16xf32>
      %select_n3A_768 = arith.select %gt3A_764, %add3A_761, %mul3A_767 : vector<16xi1>, vector<16xf32>
      %add3A_769 = arith.addf %get3A_643, %get3A_760 : vector<16xf32>
      %gt3A_770 = arith.constant 0.000000e+00 : f32
      %gt3A_771 = vector.broadcast %gt3A_770 : f32 to vector<16xf32>
      %gt3A_772 = arith.cmpf ogt, %add3A_769, %gt3A_771 : vector<16xf32>
      %mul3A_773 = arith.constant 2.000000e-01 : f32
      %mul3A_774 = vector.broadcast %mul3A_773 : f32 to vector<16xf32>
      %mul3A_775 = arith.mulf %mul3A_774, %add3A_769 : vector<16xf32>
      %select_n3A_776 = arith.select %gt3A_772, %add3A_769, %mul3A_775 : vector<16xi1>, vector<16xf32>
      %sub3A_777 = arith.subf %select_n3A_768, %select_n3A_776 : vector<16xf32>
      %exp3A_778 = math.exp %sub3A_777 : vector<16xf32>
      %swap3A_779 = arith.constant 64 : index
      %swap3A_780 = tpu.vector_load %arg21[%swap3A_779] {strides = array<i32>} : memref<128xf32, #tpu.memory_space<vmem>>, vector<16xf32>,
      tpu.vector_store %arg21[%swap3A_779], %exp3A_778 {strides = array<i32>} : memref<128xf32, #tpu.memory_space<vmem>>, vector<16xf32>,
      %get3A_781 = arith.constant 80 : index
      %get3A_782 = tpu.vector_load %arg17[%get3A_781] {strides = array<i32>} : memref<128xf32, #tpu.memory_space<vmem>>, vector<16xf32>,
      %get3A_783 = arith.constant 80 : index
      %get3A_784 = tpu.vector_load %arg19[%get3A_783] {strides = array<i32>} : memref<128xf32, #tpu.memory_space<vmem>>, vector<16xf32>,
      %add3A_785 = arith.addf %get3A_782, %get3A_784 : vector<16xf32>
      %gt3A_786 = arith.constant 0.000000e+00 : f32
      %gt3A_787 = vector.broadcast %gt3A_786 : f32 to vector<16xf32>
      %gt3A_788 = arith.cmpf ogt, %add3A_785, %gt3A_787 : vector<16xf32>
      %mul3A_789 = arith.constant 2.000000e-01 : f32
      %mul3A_790 = vector.broadcast %mul3A_789 : f32 to vector<16xf32>
      %mul3A_791 = arith.mulf %mul3A_790, %add3A_785 : vector<16xf32>
      %select_n3A_792 = arith.select %gt3A_788, %add3A_785, %mul3A_791 : vector<16xi1>, vector<16xf32>
      %add3A_793 = arith.addf %get3A_643, %get3A_784 : vector<16xf32>
      %gt3A_794 = arith.constant 0.000000e+00 : f32
      %gt3A_795 = vector.broadcast %gt3A_794 : f32 to vector<16xf32>
      %gt3A_796 = arith.cmpf ogt, %add3A_793, %gt3A_795 : vector<16xf32>
      %mul3A_797 = arith.constant 2.000000e-01 : f32
      %mul3A_798 = vector.broadcast %mul3A_797 : f32 to vector<16xf32>
      %mul3A_799 = arith.mulf %mul3A_798, %add3A_793 : vector<16xf32>
      %select_n3A_800 = arith.select %gt3A_796, %add3A_793, %mul3A_799 : vector<16xi1>, vector<16xf32>
      %sub3A_801 = arith.subf %select_n3A_792, %select_n3A_800 : vector<16xf32>
      %exp3A_802 = math.exp %sub3A_801 : vector<16xf32>
      %swap3A_803 = arith.constant 80 : index
      %swap3A_804 = tpu.vector_load %arg21[%swap3A_803] {strides = array<i32>} : memref<128xf32, #tpu.memory_space<vmem>>, vector<16xf32>,
      tpu.vector_store %arg21[%swap3A_803], %exp3A_802 {strides = array<i32>} : memref<128xf32, #tpu.memory_space<vmem>>, vector<16xf32>,
      %get3A_805 = arith.constant 96 : index
      %get3A_806 = tpu.vector_load %arg17[%get3A_805] {strides = array<i32>} : memref<128xf32, #tpu.memory_space<vmem>>, vector<16xf32>,
      %get3A_807 = arith.constant 96 : index
      %get3A_808 = tpu.vector_load %arg19[%get3A_807] {strides = array<i32>} : memref<128xf32, #tpu.memory_space<vmem>>, vector<16xf32>,
      %add3A_809 = arith.addf %get3A_806, %get3A_808 : vector<16xf32>
      %gt3A_810 = arith.constant 0.000000e+00 : f32
      %gt3A_811 = vector.broadcast %gt3A_810 : f32 to vector<16xf32>
      %gt3A_812 = arith.cmpf ogt, %add3A_809, %gt3A_811 : vector<16xf32>
      %mul3A_813 = arith.constant 2.000000e-01 : f32
      %mul3A_814 = vector.broadcast %mul3A_813 : f32 to vector<16xf32>
      %mul3A_815 = arith.mulf %mul3A_814, %add3A_809 : vector<16xf32>
      %select_n3A_816 = arith.select %gt3A_812, %add3A_809, %mul3A_815 : vector<16xi1>, vector<16xf32>
      %add3A_817 = arith.addf %get3A_643, %get3A_808 : vector<16xf32>
      %gt3A_818 = arith.constant 0.000000e+00 : f32
      %gt3A_819 = vector.broadcast %gt3A_818 : f32 to vector<16xf32>
      %gt3A_820 = arith.cmpf ogt, %add3A_817, %gt3A_819 : vector<16xf32>
      %mul3A_821 = arith.constant 2.000000e-01 : f32
      %mul3A_822 = vector.broadcast %mul3A_821 : f32 to vector<16xf32>
      %mul3A_823 = arith.mulf %mul3A_822, %add3A_817 : vector<16xf32>
      %select_n3A_824 = arith.select %gt3A_820, %add3A_817, %mul3A_823 : vector<16xi1>, vector<16xf32>
      %sub3A_825 = arith.subf %select_n3A_816, %select_n3A_824 : vector<16xf32>
      %exp3A_826 = math.exp %sub3A_825 : vector<16xf32>
      %swap3A_827 = arith.constant 96 : index
      %swap3A_828 = tpu.vector_load %arg21[%swap3A_827] {strides = array<i32>} : memref<128xf32, #tpu.memory_space<vmem>>, vector<16xf32>,
      tpu.vector_store %arg21[%swap3A_827], %exp3A_826 {strides = array<i32>} : memref<128xf32, #tpu.memory_space<vmem>>, vector<16xf32>,
      %get3A_829 = arith.constant 112 : index
      %get3A_830 = tpu.vector_load %arg17[%get3A_829] {strides = array<i32>} : memref<128xf32, #tpu.memory_space<vmem>>, vector<16xf32>,
      %get3A_831 = arith.constant 112 : index
      %get3A_832 = tpu.vector_load %arg19[%get3A_831] {strides = array<i32>} : memref<128xf32, #tpu.memory_space<vmem>>, vector<16xf32>,
      %add3A_833 = arith.addf %get3A_830, %get3A_832 : vector<16xf32>
      %gt3A_834 = arith.constant 0.000000e+00 : f32
      %gt3A_835 = vector.broadcast %gt3A_834 : f32 to vector<16xf32>
      %gt3A_836 = arith.cmpf ogt, %add3A_833, %gt3A_835 : vector<16xf32>
      %mul3A_837 = arith.constant 2.000000e-01 : f32
      %mul3A_838 = vector.broadcast %mul3A_837 : f32 to vector<16xf32>
      %mul3A_839 = arith.mulf %mul3A_838, %add3A_833 : vector<16xf32>
      %select_n3A_840 = arith.select %gt3A_836, %add3A_833, %mul3A_839 : vector<16xi1>, vector<16xf32>
      %add3A_841 = arith.addf %get3A_643, %get3A_832 : vector<16xf32>
      %gt3A_842 = arith.constant 0.000000e+00 : f32
      %gt3A_843 = vector.broadcast %gt3A_842 : f32 to vector<16xf32>
      %gt3A_844 = arith.cmpf ogt, %add3A_841, %gt3A_843 : vector<16xf32>
      %mul3A_845 = arith.constant 2.000000e-01 : f32
      %mul3A_846 = vector.broadcast %mul3A_845 : f32 to vector<16xf32>
      %mul3A_847 = arith.mulf %mul3A_846, %add3A_841 : vector<16xf32>
      %select_n3A_848 = arith.select %gt3A_844, %add3A_841, %mul3A_847 : vector<16xi1>, vector<16xf32>
      %sub3A_849 = arith.subf %select_n3A_840, %select_n3A_848 : vector<16xf32>
      %exp3A_850 = math.exp %sub3A_849 : vector<16xf32>
      %swap3A_851 = arith.constant 112 : index
      %swap3A_852 = tpu.vector_load %arg21[%swap3A_851] {strides = array<i32>} : memref<128xf32, #tpu.memory_space<vmem>>, vector<16xf32>,
      tpu.vector_store %arg21[%swap3A_851], %exp3A_850 {strides = array<i32>} : memref<128xf32, #tpu.memory_space<vmem>>, vector<16xf32>,
      %dma_start3A_853 = arith.constant 1 : i32
      %dma_start3A_854 = arith.constant 0 : i32
      %dma_start3A_855 = tpu.memref_slice %arg12[%dma_start3A_853, %dma_start3A_854] : memref<2x128xi32, #tpu.memory_space<vmem>> -> memref<1x128xi32, #tpu.memory_space<vmem>>
      %dma_start3A_856 = tpu.memref_squeeze %dma_start3A_855 : memref<1x128xi32, #tpu.memory_space<vmem>> -> memref<128xi32, #tpu.memory_space<vmem>>
      %dma_start3A_857 = arith.constant 0 : i32
      %dma_start3A_858 = tpu.memref_slice %arg24[%dma_start3A_857] : memref<10240xf32, #tpu.memory_space<vmem_shared>> -> memref<10240xf32, #tpu.memory_space<vmem_shared>>
      tpu.enqueue_indirect_dma source(%arg21 : memref<128xf32, #tpu.memory_space<vmem>>) target(%dma_start3A_858 : memref<10240xf32, #tpu.memory_space<vmem_shared>>) offsets(%dma_start3A_856 : memref<128xi32, #tpu.memory_space<vmem>>) semaphore(%arg32 : memref<!tpu.dma_semaphore, #tpu.memory_space<semaphore_mem>>) {add = true}
      %ge3A_859 = arith.constant 1 : i32
      %ge3A_860 = arith.cmpi sge, %add3A_635, %ge3A_859 : i32
      %convert_element_type3A_861 = arith.extui %ge3A_860 : i1 to i32
      %cond3A_862 = arith.constant 0 : i32
      %cond3A_863 = arith.cmpi ne, %convert_element_type3A_861, %cond3A_862 : i32
      scf.if %cond3A_863 {
        %dma_wait3A_1139 = arith.constant 1 : i32
        %dma_wait3A_1140 = arith.constant 0 : i32
        %dma_wait3A_1141 = tpu.memref_slice %arg11[%dma_wait3A_1139, %dma_wait3A_1140] : memref<2x128xi32, #tpu.memory_space<vmem>> -> memref<1x128xi32, #tpu.memory_space<vmem>>
        %dma_wait3A_1142 = tpu.memref_squeeze %dma_wait3A_1141 : memref<1x128xi32, #tpu.memory_space<vmem>> -> memref<128xi32, #tpu.memory_space<vmem>>
        %dma_wait3A_1143 = arith.constant 0 : i32
        %dma_wait3A_1144 = arith.constant 0 : i32
        %dma_wait3A_1145 = tpu.memref_slice %arg23[%dma_wait3A_1143, %dma_wait3A_1144] : memref<10240x128xf32, #tpu.memory_space<vmem_shared>> -> memref<10240x128xf32, #tpu.memory_space<vmem_shared>>
        tpu.wait_indirect_dma semaphore(%arg31 : memref<!tpu.dma_semaphore, #tpu.memory_space<semaphore_mem>>) src(%arg16 : memref<128x128xf32, #tpu.memory_space<vmem>>) dst(%dma_wait3A_1145 : memref<10240x128xf32, #tpu.memory_space<vmem_shared>>)
      } else {
      }
      %dma_wait3A_864 = arith.constant 0 : i32
      %dma_wait3A_865 = arith.constant 0 : i32
      %dma_wait3A_866 = tpu.memref_slice %arg12[%dma_wait3A_864, %dma_wait3A_865] : memref<2x128xi32, #tpu.memory_space<vmem>> -> memref<1x128xi32, #tpu.memory_space<vmem>>
      %dma_wait3A_867 = tpu.memref_squeeze %dma_wait3A_866 : memref<1x128xi32, #tpu.memory_space<vmem>> -> memref<128xi32, #tpu.memory_space<vmem>>
      %dma_wait3A_868 = arith.constant 0 : i32
      %dma_wait3A_869 = arith.constant 0 : i32
      %dma_wait3A_870 = tpu.memref_slice %arg2[%dma_wait3A_868, %dma_wait3A_869] : memref<10240x128xbf16, #tpu.memory_space<hbm>> -> memref<10240x128xbf16, #tpu.memory_space<hbm>>
      tpu.wait_indirect_dma semaphore(%arg25 : memref<!tpu.dma_semaphore, #tpu.memory_space<semaphore_mem>>) src(%dma_wait3A_870 : memref<10240x128xbf16, #tpu.memory_space<hbm>>) dst(%arg14 : memref<128x128xbf16, #tpu.memory_space<vmem>>)
      %scan3A_871 = arith.constant 0 : i32
      %scan3A_872 = arith.constant 0 : i32
      %scan3A_873 = arith.constant 128 : i32
      %scan3A_874 = arith.addi %scan3A_872, %scan3A_873 : i32
      %scan3A_875 = arith.constant 1 : i32
      %scan3A_876 = scf.for %scan3A_1139 = %scan3A_872 to %scan3A_874 step %scan3A_875 iter_args(%scan3A_1140 = %scan3A_871) -> (i32)  : i32 {
        %broadcast_in_dim3A_1141 = vector.broadcast %scan3A_1139 : i32 to vector<16xi32>
        %gather3A = tpu.vector_load_idx %arg21[%broadcast_in_dim3A_1141] : memref<128xf32, #tpu.memory_space<vmem>>[vector<16xi32>], vector<16xf32>,
        %get3A_1142 = arith.index_cast %scan3A_1139 : i32 to index
        %get3A_1143 = arith.constant 0 : index
        %get3A_1144 = tpu.vector_load %arg14[%get3A_1142, %get3A_1143] {strides = array<i32>} : memref<128x128xbf16, #tpu.memory_space<vmem>>, vector<32xbf16>,
        %unpack3A = tpu.unpack_subelements %get3A_1144, 0 {pack_format = #tpu.pack_format<interleaved>} : vector<32xbf16> -> vector<16xf32>
        %unpack3A_1145 = tpu.unpack_subelements %get3A_1144, 1 {pack_format = #tpu.pack_format<interleaved>} : vector<32xbf16> -> vector<16xf32>
        %mul3A_1146 = arith.mulf %unpack3A, %gather3A : vector<16xf32>
        %swap3A_1147 = arith.index_cast %scan3A_1139 : i32 to index
        %swap3A_1148 = arith.constant 0 : index
        %swap3A_1149 = tpu.vector_load %arg16[%swap3A_1147, %swap3A_1148] {strides = array<i32>} : memref<128x128xf32, #tpu.memory_space<vmem>>, vector<16xf32>,
        tpu.vector_store %arg16[%swap3A_1147, %swap3A_1148], %mul3A_1146 {strides = array<i32>} : memref<128x128xf32, #tpu.memory_space<vmem>>, vector<16xf32>,
        %mul3A_1150 = arith.mulf %unpack3A_1145, %gather3A : vector<16xf32>
        %swap3A_1151 = arith.index_cast %scan3A_1139 : i32 to index
        %swap3A_1152 = arith.constant 16 : index
        %swap3A_1153 = tpu.vector_load %arg16[%swap3A_1151, %swap3A_1152] {strides = array<i32>} : memref<128x128xf32, #tpu.memory_space<vmem>>, vector<16xf32>,
        tpu.vector_store %arg16[%swap3A_1151, %swap3A_1152], %mul3A_1150 {strides = array<i32>} : memref<128x128xf32, #tpu.memory_space<vmem>>, vector<16xf32>,
        %get3A_1154 = arith.index_cast %scan3A_1139 : i32 to index
        %get3A_1155 = arith.constant 32 : index
        %get3A_1156 = tpu.vector_load %arg14[%get3A_1154, %get3A_1155] {strides = array<i32>} : memref<128x128xbf16, #tpu.memory_space<vmem>>, vector<32xbf16>,
        %unpack3A_1157 = tpu.unpack_subelements %get3A_1156, 0 {pack_format = #tpu.pack_format<interleaved>} : vector<32xbf16> -> vector<16xf32>
        %unpack3A_1158 = tpu.unpack_subelements %get3A_1156, 1 {pack_format = #tpu.pack_format<interleaved>} : vector<32xbf16> -> vector<16xf32>
        %mul3A_1159 = arith.mulf %unpack3A_1157, %gather3A : vector<16xf32>
        %swap3A_1160 = arith.index_cast %scan3A_1139 : i32 to index
        %swap3A_1161 = arith.constant 32 : index
        %swap3A_1162 = tpu.vector_load %arg16[%swap3A_1160, %swap3A_1161] {strides = array<i32>} : memref<128x128xf32, #tpu.memory_space<vmem>>, vector<16xf32>,
        tpu.vector_store %arg16[%swap3A_1160, %swap3A_1161], %mul3A_1159 {strides = array<i32>} : memref<128x128xf32, #tpu.memory_space<vmem>>, vector<16xf32>,
        %mul3A_1163 = arith.mulf %unpack3A_1158, %gather3A : vector<16xf32>
        %swap3A_1164 = arith.index_cast %scan3A_1139 : i32 to index
        %swap3A_1165 = arith.constant 48 : index
        %swap3A_1166 = tpu.vector_load %arg16[%swap3A_1164, %swap3A_1165] {strides = array<i32>} : memref<128x128xf32, #tpu.memory_space<vmem>>, vector<16xf32>,
        tpu.vector_store %arg16[%swap3A_1164, %swap3A_1165], %mul3A_1163 {strides = array<i32>} : memref<128x128xf32, #tpu.memory_space<vmem>>, vector<16xf32>,
        %get3A_1167 = arith.index_cast %scan3A_1139 : i32 to index
        %get3A_1168 = arith.constant 64 : index
        %get3A_1169 = tpu.vector_load %arg14[%get3A_1167, %get3A_1168] {strides = array<i32>} : memref<128x128xbf16, #tpu.memory_space<vmem>>, vector<32xbf16>,
        %unpack3A_1170 = tpu.unpack_subelements %get3A_1169, 0 {pack_format = #tpu.pack_format<interleaved>} : vector<32xbf16> -> vector<16xf32>
        %unpack3A_1171 = tpu.unpack_subelements %get3A_1169, 1 {pack_format = #tpu.pack_format<interleaved>} : vector<32xbf16> -> vector<16xf32>
        %mul3A_1172 = arith.mulf %unpack3A_1170, %gather3A : vector<16xf32>
        %swap3A_1173 = arith.index_cast %scan3A_1139 : i32 to index
        %swap3A_1174 = arith.constant 64 : index
        %swap3A_1175 = tpu.vector_load %arg16[%swap3A_1173, %swap3A_1174] {strides = array<i32>} : memref<128x128xf32, #tpu.memory_space<vmem>>, vector<16xf32>,
        tpu.vector_store %arg16[%swap3A_1173, %swap3A_1174], %mul3A_1172 {strides = array<i32>} : memref<128x128xf32, #tpu.memory_space<vmem>>, vector<16xf32>,
        %mul3A_1176 = arith.mulf %unpack3A_1171, %gather3A : vector<16xf32>
        %swap3A_1177 = arith.index_cast %scan3A_1139 : i32 to index
        %swap3A_1178 = arith.constant 80 : index
        %swap3A_1179 = tpu.vector_load %arg16[%swap3A_1177, %swap3A_1178] {strides = array<i32>} : memref<128x128xf32, #tpu.memory_space<vmem>>, vector<16xf32>,
        tpu.vector_store %arg16[%swap3A_1177, %swap3A_1178], %mul3A_1176 {strides = array<i32>} : memref<128x128xf32, #tpu.memory_space<vmem>>, vector<16xf32>,
        %get3A_1180 = arith.index_cast %scan3A_1139 : i32 to index
        %get3A_1181 = arith.constant 96 : index
        %get3A_1182 = tpu.vector_load %arg14[%get3A_1180, %get3A_1181] {strides = array<i32>} : memref<128x128xbf16, #tpu.memory_space<vmem>>, vector<32xbf16>,
        %unpack3A_1183 = tpu.unpack_subelements %get3A_1182, 0 {pack_format = #tpu.pack_format<interleaved>} : vector<32xbf16> -> vector<16xf32>
        %unpack3A_1184 = tpu.unpack_subelements %get3A_1182, 1 {pack_format = #tpu.pack_format<interleaved>} : vector<32xbf16> -> vector<16xf32>
        %mul3A_1185 = arith.mulf %unpack3A_1183, %gather3A : vector<16xf32>
        %swap3A_1186 = arith.index_cast %scan3A_1139 : i32 to index
        %swap3A_1187 = arith.constant 96 : index
        %swap3A_1188 = tpu.vector_load %arg16[%swap3A_1186, %swap3A_1187] {strides = array<i32>} : memref<128x128xf32, #tpu.memory_space<vmem>>, vector<16xf32>,
        tpu.vector_store %arg16[%swap3A_1186, %swap3A_1187], %mul3A_1185 {strides = array<i32>} : memref<128x128xf32, #tpu.memory_space<vmem>>, vector<16xf32>,
        %mul3A_1189 = arith.mulf %unpack3A_1184, %gather3A : vector<16xf32>
        %swap3A_1190 = arith.index_cast %scan3A_1139 : i32 to index
        %swap3A_1191 = arith.constant 112 : index
        %swap3A_1192 = tpu.vector_load %arg16[%swap3A_1190, %swap3A_1191] {strides = array<i32>} : memref<128x128xf32, #tpu.memory_space<vmem>>, vector<16xf32>,
        tpu.vector_store %arg16[%swap3A_1190, %swap3A_1191], %mul3A_1189 {strides = array<i32>} : memref<128x128xf32, #tpu.memory_space<vmem>>, vector<16xf32>,
        %scan3A_1193 = arith.constant 0 : i32
        scf.yield %scan3A_1193 : i32
      }
      %scan3A_877 = arith.constant 128 : i32
      %dma_start3A_878 = arith.constant 1 : i32
      %dma_start3A_879 = arith.constant 0 : i32
      %dma_start3A_880 = tpu.memref_slice %arg12[%dma_start3A_878, %dma_start3A_879] : memref<2x128xi32, #tpu.memory_space<vmem>> -> memref<1x128xi32, #tpu.memory_space<vmem>>
      %dma_start3A_881 = tpu.memref_squeeze %dma_start3A_880 : memref<1x128xi32, #tpu.memory_space<vmem>> -> memref<128xi32, #tpu.memory_space<vmem>>
      %dma_start3A_882 = arith.constant 0 : i32
      %dma_start3A_883 = arith.constant 0 : i32
      %dma_start3A_884 = tpu.memref_slice %arg23[%dma_start3A_882, %dma_start3A_883] : memref<10240x128xf32, #tpu.memory_space<vmem_shared>> -> memref<10240x128xf32, #tpu.memory_space<vmem_shared>>
      tpu.enqueue_indirect_dma source(%arg16 : memref<128x128xf32, #tpu.memory_space<vmem>>) target(%dma_start3A_884 : memref<10240x128xf32, #tpu.memory_space<vmem_shared>>) offsets(%dma_start3A_881 : memref<128xi32, #tpu.memory_space<vmem>>) semaphore(%arg31 : memref<!tpu.dma_semaphore, #tpu.memory_space<semaphore_mem>>) {add = true}
      %mul3A_885 = arith.constant 4 : i32
      %mul3A_886 = arith.muli %while3A_131, %mul3A_885 : i32
      %add3A_887 = arith.constant 3 : i32
      %add3A_888 = arith.addi %mul3A_886, %add3A_887 : i32
      %sub3A_889 = arith.constant 1 : i32
      %sub3A_890 = arith.subi %select_n3A, %sub3A_889 : i32
      %lt3A_891 = arith.cmpi slt, %add3A_888, %sub3A_890 : i32
      %convert_element_type3A_892 = arith.extui %lt3A_891 : i1 to i32
      %cond3A_893 = arith.constant 0 : i32
      %cond3A_894 = arith.cmpi ne, %convert_element_type3A_892, %cond3A_893 : i32
      scf.if %cond3A_894 {
        %add3A_1139 = arith.constant 1 : i32
        %add3A_1140 = arith.addi %add3A_888, %add3A_1139 : i32
        %add3A_1141 = arith.addi %select_n3A_50, %add3A_1140 : i32
        %mul3A_1142 = arith.constant 2 : i32
        %mul3A_1143 = arith.muli %add3A_1141, %mul3A_1142 : i32
        "tpu.region"() ({
          %run_scoped3A = tpu.sem_alloc : memref<!tpu.dma_semaphore, #tpu.memory_space<semaphore_mem>>
          %dma_start3A_1163 = arith.constant 0 : i32
          %dma_start3A_1164 = tpu.memref_slice %arg6[%mul3A_1143, %dma_start3A_1163] : memref<5120x128xi32, #tpu.memory_space<hbm>> -> memref<2x128xi32, #tpu.memory_space<hbm>>
          %dma_start3A_1165 = arith.constant 0 : i32
          %dma_start3A_1166 = tpu.memref_slice %arg6[%mul3A_1143, %dma_start3A_1165] : memref<5120x128xi32, #tpu.memory_space<hbm>> -> memref<2x128xi32, #tpu.memory_space<hbm>>
          tpu.enqueue_dma source(%dma_start3A_1166 : memref<2x128xi32, #tpu.memory_space<hbm>>) target(%arg10 : memref<2x128xi32, #tpu.memory_space<vmem>>) target_semaphore(%run_scoped3A : memref<!tpu.dma_semaphore, #tpu.memory_space<semaphore_mem>>)
          %dma_wait3A_1167 = arith.constant 0 : i32
          %dma_wait3A_1168 = tpu.memref_slice %arg6[%mul3A_1143, %dma_wait3A_1167] : memref<5120x128xi32, #tpu.memory_space<hbm>> -> memref<2x128xi32, #tpu.memory_space<hbm>>
          %dma_wait3A_1169 = arith.constant 0 : i32
          %dma_wait3A_1170 = tpu.memref_slice %arg6[%mul3A_1143, %dma_wait3A_1169] : memref<5120x128xi32, #tpu.memory_space<hbm>> -> memref<2x128xi32, #tpu.memory_space<hbm>>
          tpu.wait_dma2 semaphore(%run_scoped3A : memref<!tpu.dma_semaphore, #tpu.memory_space<semaphore_mem>>) src(%dma_wait3A_1170 : memref<2x128xi32, #tpu.memory_space<hbm>>) dst(%arg10 : memref<2x128xi32, #tpu.memory_space<vmem>>)
          tpu.yield
        }) : () -> ()
        %dma_start3A_1144 = arith.constant 0 : i32
        %dma_start3A_1145 = arith.constant 0 : i32
        %dma_start3A_1146 = tpu.memref_slice %arg10[%dma_start3A_1144, %dma_start3A_1145] : memref<2x128xi32, #tpu.memory_space<vmem>> -> memref<1x128xi32, #tpu.memory_space<vmem>>
        %dma_start3A_1147 = tpu.memref_squeeze %dma_start3A_1146 : memref<1x128xi32, #tpu.memory_space<vmem>> -> memref<128xi32, #tpu.memory_space<vmem>>
        %dma_start3A_1148 = arith.constant 0 : i32
        %dma_start3A_1149 = arith.constant 0 : i32
        %dma_start3A_1150 = tpu.memref_slice %arg2[%dma_start3A_1148, %dma_start3A_1149] : memref<10240x128xbf16, #tpu.memory_space<hbm>> -> memref<10240x128xbf16, #tpu.memory_space<hbm>>
        tpu.enqueue_indirect_dma source(%dma_start3A_1150 : memref<10240x128xbf16, #tpu.memory_space<hbm>>) target(%arg14 : memref<128x128xbf16, #tpu.memory_space<vmem>>) offsets(%dma_start3A_1147 : memref<128xi32, #tpu.memory_space<vmem>>) semaphore(%arg25 : memref<!tpu.dma_semaphore, #tpu.memory_space<semaphore_mem>>)
        %dma_start3A_1151 = arith.constant 0 : i32
        %dma_start3A_1152 = arith.constant 0 : i32
        %dma_start3A_1153 = tpu.memref_slice %arg10[%dma_start3A_1151, %dma_start3A_1152] : memref<2x128xi32, #tpu.memory_space<vmem>> -> memref<1x128xi32, #tpu.memory_space<vmem>>
        %dma_start3A_1154 = tpu.memref_squeeze %dma_start3A_1153 : memref<1x128xi32, #tpu.memory_space<vmem>> -> memref<128xi32, #tpu.memory_space<vmem>>
        %dma_start3A_1155 = arith.constant 0 : i32
        %dma_start3A_1156 = tpu.memref_slice %arg3[%dma_start3A_1155] : memref<10240xf32, #tpu.memory_space<hbm>> -> memref<10240xf32, #tpu.memory_space<hbm>>
        tpu.enqueue_indirect_dma source(%dma_start3A_1156 : memref<10240xf32, #tpu.memory_space<hbm>>) target(%arg17 : memref<128xf32, #tpu.memory_space<vmem>>) offsets(%dma_start3A_1154 : memref<128xi32, #tpu.memory_space<vmem>>) semaphore(%arg27 : memref<!tpu.dma_semaphore, #tpu.memory_space<semaphore_mem>>)
        %dma_start3A_1157 = arith.constant 1 : i32
        %dma_start3A_1158 = arith.constant 0 : i32
        %dma_start3A_1159 = tpu.memref_slice %arg10[%dma_start3A_1157, %dma_start3A_1158] : memref<2x128xi32, #tpu.memory_space<vmem>> -> memref<1x128xi32, #tpu.memory_space<vmem>>
        %dma_start3A_1160 = tpu.memref_squeeze %dma_start3A_1159 : memref<1x128xi32, #tpu.memory_space<vmem>> -> memref<128xi32, #tpu.memory_space<vmem>>
        %dma_start3A_1161 = arith.constant 0 : i32
        %dma_start3A_1162 = tpu.memref_slice %arg4[%dma_start3A_1161] : memref<10240xf32, #tpu.memory_space<hbm>> -> memref<10240xf32, #tpu.memory_space<hbm>>
        tpu.enqueue_indirect_dma source(%dma_start3A_1162 : memref<10240xf32, #tpu.memory_space<hbm>>) target(%arg19 : memref<128xf32, #tpu.memory_space<vmem>>) offsets(%dma_start3A_1160 : memref<128xi32, #tpu.memory_space<vmem>>) semaphore(%arg29 : memref<!tpu.dma_semaphore, #tpu.memory_space<semaphore_mem>>)
      } else {
      }
      %get3A_895 = arith.constant 0 : index
      %get3A_896 = tpu.vector_load %arg9[%get3A_895] {strides = array<i32>} : memref<16xf32, #tpu.memory_space<vmem>>, vector<16xf32>,
      %dma_wait3A_897 = arith.constant 0 : i32
      %dma_wait3A_898 = arith.constant 0 : i32
      %dma_wait3A_899 = tpu.memref_slice %arg13[%dma_wait3A_897, %dma_wait3A_898] : memref<2x128xi32, #tpu.memory_space<vmem>> -> memref<1x128xi32, #tpu.memory_space<vmem>>
      %dma_wait3A_900 = tpu.memref_squeeze %dma_wait3A_899 : memref<1x128xi32, #tpu.memory_space<vmem>> -> memref<128xi32, #tpu.memory_space<vmem>>
      %dma_wait3A_901 = arith.constant 0 : i32
      %dma_wait3A_902 = tpu.memref_slice %arg3[%dma_wait3A_901] : memref<10240xf32, #tpu.memory_space<hbm>> -> memref<10240xf32, #tpu.memory_space<hbm>>
      tpu.wait_indirect_dma semaphore(%arg28 : memref<!tpu.dma_semaphore, #tpu.memory_space<semaphore_mem>>) src(%dma_wait3A_902 : memref<10240xf32, #tpu.memory_space<hbm>>) dst(%arg18 : memref<128xf32, #tpu.memory_space<vmem>>)
      %dma_wait3A_903 = arith.constant 1 : i32
      %dma_wait3A_904 = arith.constant 0 : i32
      %dma_wait3A_905 = tpu.memref_slice %arg13[%dma_wait3A_903, %dma_wait3A_904] : memref<2x128xi32, #tpu.memory_space<vmem>> -> memref<1x128xi32, #tpu.memory_space<vmem>>
      %dma_wait3A_906 = tpu.memref_squeeze %dma_wait3A_905 : memref<1x128xi32, #tpu.memory_space<vmem>> -> memref<128xi32, #tpu.memory_space<vmem>>
      %dma_wait3A_907 = arith.constant 0 : i32
      %dma_wait3A_908 = tpu.memref_slice %arg4[%dma_wait3A_907] : memref<10240xf32, #tpu.memory_space<hbm>> -> memref<10240xf32, #tpu.memory_space<hbm>>
      tpu.wait_indirect_dma semaphore(%arg30 : memref<!tpu.dma_semaphore, #tpu.memory_space<semaphore_mem>>) src(%dma_wait3A_908 : memref<10240xf32, #tpu.memory_space<hbm>>) dst(%arg20 : memref<128xf32, #tpu.memory_space<vmem>>)
      %ge3A_909 = arith.constant 2 : i32
      %ge3A_910 = arith.cmpi sge, %add3A_888, %ge3A_909 : i32
      %convert_element_type3A_911 = arith.extui %ge3A_910 : i1 to i32
      %cond3A_912 = arith.constant 0 : i32
      %cond3A_913 = arith.cmpi ne, %convert_element_type3A_911, %cond3A_912 : i32
      scf.if %cond3A_913 {
        %dma_wait3A_1139 = arith.constant 1 : i32
        %dma_wait3A_1140 = arith.constant 0 : i32
        %dma_wait3A_1141 = tpu.memref_slice %arg11[%dma_wait3A_1139, %dma_wait3A_1140] : memref<2x128xi32, #tpu.memory_space<vmem>> -> memref<1x128xi32, #tpu.memory_space<vmem>>
        %dma_wait3A_1142 = tpu.memref_squeeze %dma_wait3A_1141 : memref<1x128xi32, #tpu.memory_space<vmem>> -> memref<128xi32, #tpu.memory_space<vmem>>
        %dma_wait3A_1143 = arith.constant 0 : i32
        %dma_wait3A_1144 = tpu.memref_slice %arg24[%dma_wait3A_1143] : memref<10240xf32, #tpu.memory_space<vmem_shared>> -> memref<10240xf32, #tpu.memory_space<vmem_shared>>
        tpu.wait_indirect_dma semaphore(%arg33 : memref<!tpu.dma_semaphore, #tpu.memory_space<semaphore_mem>>) src(%arg22 : memref<128xf32, #tpu.memory_space<vmem>>) dst(%dma_wait3A_1144 : memref<10240xf32, #tpu.memory_space<vmem_shared>>)
      } else {
      }
      %get3A_914 = arith.constant 0 : index
      %get3A_915 = tpu.vector_load %arg18[%get3A_914] {strides = array<i32>} : memref<128xf32, #tpu.memory_space<vmem>>, vector<16xf32>,
      %get3A_916 = arith.constant 0 : index
      %get3A_917 = tpu.vector_load %arg20[%get3A_916] {strides = array<i32>} : memref<128xf32, #tpu.memory_space<vmem>>, vector<16xf32>,
      %add3A_918 = arith.addf %get3A_915, %get3A_917 : vector<16xf32>
      %gt3A_919 = arith.constant 0.000000e+00 : f32
      %gt3A_920 = vector.broadcast %gt3A_919 : f32 to vector<16xf32>
      %gt3A_921 = arith.cmpf ogt, %add3A_918, %gt3A_920 : vector<16xf32>
      %mul3A_922 = arith.constant 2.000000e-01 : f32
      %mul3A_923 = vector.broadcast %mul3A_922 : f32 to vector<16xf32>
      %mul3A_924 = arith.mulf %mul3A_923, %add3A_918 : vector<16xf32>
      %select_n3A_925 = arith.select %gt3A_921, %add3A_918, %mul3A_924 : vector<16xi1>, vector<16xf32>
      %add3A_926 = arith.addf %get3A_896, %get3A_917 : vector<16xf32>
      %gt3A_927 = arith.constant 0.000000e+00 : f32
      %gt3A_928 = vector.broadcast %gt3A_927 : f32 to vector<16xf32>
      %gt3A_929 = arith.cmpf ogt, %add3A_926, %gt3A_928 : vector<16xf32>
      %mul3A_930 = arith.constant 2.000000e-01 : f32
      %mul3A_931 = vector.broadcast %mul3A_930 : f32 to vector<16xf32>
      %mul3A_932 = arith.mulf %mul3A_931, %add3A_926 : vector<16xf32>
      %select_n3A_933 = arith.select %gt3A_929, %add3A_926, %mul3A_932 : vector<16xi1>, vector<16xf32>
      %sub3A_934 = arith.subf %select_n3A_925, %select_n3A_933 : vector<16xf32>
      %exp3A_935 = math.exp %sub3A_934 : vector<16xf32>
      %swap3A_936 = arith.constant 0 : index
      %swap3A_937 = tpu.vector_load %arg22[%swap3A_936] {strides = array<i32>} : memref<128xf32, #tpu.memory_space<vmem>>, vector<16xf32>,
      tpu.vector_store %arg22[%swap3A_936], %exp3A_935 {strides = array<i32>} : memref<128xf32, #tpu.memory_space<vmem>>, vector<16xf32>,
      %get3A_938 = arith.constant 16 : index
      %get3A_939 = tpu.vector_load %arg18[%get3A_938] {strides = array<i32>} : memref<128xf32, #tpu.memory_space<vmem>>, vector<16xf32>,
      %get3A_940 = arith.constant 16 : index
      %get3A_941 = tpu.vector_load %arg20[%get3A_940] {strides = array<i32>} : memref<128xf32, #tpu.memory_space<vmem>>, vector<16xf32>,
      %add3A_942 = arith.addf %get3A_939, %get3A_941 : vector<16xf32>
      %gt3A_943 = arith.constant 0.000000e+00 : f32
      %gt3A_944 = vector.broadcast %gt3A_943 : f32 to vector<16xf32>
      %gt3A_945 = arith.cmpf ogt, %add3A_942, %gt3A_944 : vector<16xf32>
      %mul3A_946 = arith.constant 2.000000e-01 : f32
      %mul3A_947 = vector.broadcast %mul3A_946 : f32 to vector<16xf32>
      %mul3A_948 = arith.mulf %mul3A_947, %add3A_942 : vector<16xf32>
      %select_n3A_949 = arith.select %gt3A_945, %add3A_942, %mul3A_948 : vector<16xi1>, vector<16xf32>
      %add3A_950 = arith.addf %get3A_896, %get3A_941 : vector<16xf32>
      %gt3A_951 = arith.constant 0.000000e+00 : f32
      %gt3A_952 = vector.broadcast %gt3A_951 : f32 to vector<16xf32>
      %gt3A_953 = arith.cmpf ogt, %add3A_950, %gt3A_952 : vector<16xf32>
      %mul3A_954 = arith.constant 2.000000e-01 : f32
      %mul3A_955 = vector.broadcast %mul3A_954 : f32 to vector<16xf32>
      %mul3A_956 = arith.mulf %mul3A_955, %add3A_950 : vector<16xf32>
      %select_n3A_957 = arith.select %gt3A_953, %add3A_950, %mul3A_956 : vector<16xi1>, vector<16xf32>
      %sub3A_958 = arith.subf %select_n3A_949, %select_n3A_957 : vector<16xf32>
      %exp3A_959 = math.exp %sub3A_958 : vector<16xf32>
      %swap3A_960 = arith.constant 16 : index
      %swap3A_961 = tpu.vector_load %arg22[%swap3A_960] {strides = array<i32>} : memref<128xf32, #tpu.memory_space<vmem>>, vector<16xf32>,
      tpu.vector_store %arg22[%swap3A_960], %exp3A_959 {strides = array<i32>} : memref<128xf32, #tpu.memory_space<vmem>>, vector<16xf32>,
      %get3A_962 = arith.constant 32 : index
      %get3A_963 = tpu.vector_load %arg18[%get3A_962] {strides = array<i32>} : memref<128xf32, #tpu.memory_space<vmem>>, vector<16xf32>,
      %get3A_964 = arith.constant 32 : index
      %get3A_965 = tpu.vector_load %arg20[%get3A_964] {strides = array<i32>} : memref<128xf32, #tpu.memory_space<vmem>>, vector<16xf32>,
      %add3A_966 = arith.addf %get3A_963, %get3A_965 : vector<16xf32>
      %gt3A_967 = arith.constant 0.000000e+00 : f32
      %gt3A_968 = vector.broadcast %gt3A_967 : f32 to vector<16xf32>
      %gt3A_969 = arith.cmpf ogt, %add3A_966, %gt3A_968 : vector<16xf32>
      %mul3A_970 = arith.constant 2.000000e-01 : f32
      %mul3A_971 = vector.broadcast %mul3A_970 : f32 to vector<16xf32>
      %mul3A_972 = arith.mulf %mul3A_971, %add3A_966 : vector<16xf32>
      %select_n3A_973 = arith.select %gt3A_969, %add3A_966, %mul3A_972 : vector<16xi1>, vector<16xf32>
      %add3A_974 = arith.addf %get3A_896, %get3A_965 : vector<16xf32>
      %gt3A_975 = arith.constant 0.000000e+00 : f32
      %gt3A_976 = vector.broadcast %gt3A_975 : f32 to vector<16xf32>
      %gt3A_977 = arith.cmpf ogt, %add3A_974, %gt3A_976 : vector<16xf32>
      %mul3A_978 = arith.constant 2.000000e-01 : f32
      %mul3A_979 = vector.broadcast %mul3A_978 : f32 to vector<16xf32>
      %mul3A_980 = arith.mulf %mul3A_979, %add3A_974 : vector<16xf32>
      %select_n3A_981 = arith.select %gt3A_977, %add3A_974, %mul3A_980 : vector<16xi1>, vector<16xf32>
      %sub3A_982 = arith.subf %select_n3A_973, %select_n3A_981 : vector<16xf32>
      %exp3A_983 = math.exp %sub3A_982 : vector<16xf32>
      %swap3A_984 = arith.constant 32 : index
      %swap3A_985 = tpu.vector_load %arg22[%swap3A_984] {strides = array<i32>} : memref<128xf32, #tpu.memory_space<vmem>>, vector<16xf32>,
      tpu.vector_store %arg22[%swap3A_984], %exp3A_983 {strides = array<i32>} : memref<128xf32, #tpu.memory_space<vmem>>, vector<16xf32>,
      %get3A_986 = arith.constant 48 : index
      %get3A_987 = tpu.vector_load %arg18[%get3A_986] {strides = array<i32>} : memref<128xf32, #tpu.memory_space<vmem>>, vector<16xf32>,
      %get3A_988 = arith.constant 48 : index
      %get3A_989 = tpu.vector_load %arg20[%get3A_988] {strides = array<i32>} : memref<128xf32, #tpu.memory_space<vmem>>, vector<16xf32>,
      %add3A_990 = arith.addf %get3A_987, %get3A_989 : vector<16xf32>
      %gt3A_991 = arith.constant 0.000000e+00 : f32
      %gt3A_992 = vector.broadcast %gt3A_991 : f32 to vector<16xf32>
      %gt3A_993 = arith.cmpf ogt, %add3A_990, %gt3A_992 : vector<16xf32>
      %mul3A_994 = arith.constant 2.000000e-01 : f32
      %mul3A_995 = vector.broadcast %mul3A_994 : f32 to vector<16xf32>
      %mul3A_996 = arith.mulf %mul3A_995, %add3A_990 : vector<16xf32>
      %select_n3A_997 = arith.select %gt3A_993, %add3A_990, %mul3A_996 : vector<16xi1>, vector<16xf32>
      %add3A_998 = arith.addf %get3A_896, %get3A_989 : vector<16xf32>
      %gt3A_999 = arith.constant 0.000000e+00 : f32
      %gt3A_1000 = vector.broadcast %gt3A_999 : f32 to vector<16xf32>
      %gt3A_1001 = arith.cmpf ogt, %add3A_998, %gt3A_1000 : vector<16xf32>
      %mul3A_1002 = arith.constant 2.000000e-01 : f32
      %mul3A_1003 = vector.broadcast %mul3A_1002 : f32 to vector<16xf32>
      %mul3A_1004 = arith.mulf %mul3A_1003, %add3A_998 : vector<16xf32>
      %select_n3A_1005 = arith.select %gt3A_1001, %add3A_998, %mul3A_1004 : vector<16xi1>, vector<16xf32>
      %sub3A_1006 = arith.subf %select_n3A_997, %select_n3A_1005 : vector<16xf32>
      %exp3A_1007 = math.exp %sub3A_1006 : vector<16xf32>
      %swap3A_1008 = arith.constant 48 : index
      %swap3A_1009 = tpu.vector_load %arg22[%swap3A_1008] {strides = array<i32>} : memref<128xf32, #tpu.memory_space<vmem>>, vector<16xf32>,
      tpu.vector_store %arg22[%swap3A_1008], %exp3A_1007 {strides = array<i32>} : memref<128xf32, #tpu.memory_space<vmem>>, vector<16xf32>,
      %get3A_1010 = arith.constant 64 : index
      %get3A_1011 = tpu.vector_load %arg18[%get3A_1010] {strides = array<i32>} : memref<128xf32, #tpu.memory_space<vmem>>, vector<16xf32>,
      %get3A_1012 = arith.constant 64 : index
      %get3A_1013 = tpu.vector_load %arg20[%get3A_1012] {strides = array<i32>} : memref<128xf32, #tpu.memory_space<vmem>>, vector<16xf32>,
      %add3A_1014 = arith.addf %get3A_1011, %get3A_1013 : vector<16xf32>
      %gt3A_1015 = arith.constant 0.000000e+00 : f32
      %gt3A_1016 = vector.broadcast %gt3A_1015 : f32 to vector<16xf32>
      %gt3A_1017 = arith.cmpf ogt, %add3A_1014, %gt3A_1016 : vector<16xf32>
      %mul3A_1018 = arith.constant 2.000000e-01 : f32
      %mul3A_1019 = vector.broadcast %mul3A_1018 : f32 to vector<16xf32>
      %mul3A_1020 = arith.mulf %mul3A_1019, %add3A_1014 : vector<16xf32>
      %select_n3A_1021 = arith.select %gt3A_1017, %add3A_1014, %mul3A_1020 : vector<16xi1>, vector<16xf32>
      %add3A_1022 = arith.addf %get3A_896, %get3A_1013 : vector<16xf32>
      %gt3A_1023 = arith.constant 0.000000e+00 : f32
      %gt3A_1024 = vector.broadcast %gt3A_1023 : f32 to vector<16xf32>
      %gt3A_1025 = arith.cmpf ogt, %add3A_1022, %gt3A_1024 : vector<16xf32>
      %mul3A_1026 = arith.constant 2.000000e-01 : f32
      %mul3A_1027 = vector.broadcast %mul3A_1026 : f32 to vector<16xf32>
      %mul3A_1028 = arith.mulf %mul3A_1027, %add3A_1022 : vector<16xf32>
      %select_n3A_1029 = arith.select %gt3A_1025, %add3A_1022, %mul3A_1028 : vector<16xi1>, vector<16xf32>
      %sub3A_1030 = arith.subf %select_n3A_1021, %select_n3A_1029 : vector<16xf32>
      %exp3A_1031 = math.exp %sub3A_1030 : vector<16xf32>
      %swap3A_1032 = arith.constant 64 : index
      %swap3A_1033 = tpu.vector_load %arg22[%swap3A_1032] {strides = array<i32>} : memref<128xf32, #tpu.memory_space<vmem>>, vector<16xf32>,
      tpu.vector_store %arg22[%swap3A_1032], %exp3A_1031 {strides = array<i32>} : memref<128xf32, #tpu.memory_space<vmem>>, vector<16xf32>,
      %get3A_1034 = arith.constant 80 : index
      %get3A_1035 = tpu.vector_load %arg18[%get3A_1034] {strides = array<i32>} : memref<128xf32, #tpu.memory_space<vmem>>, vector<16xf32>,
      %get3A_1036 = arith.constant 80 : index
      %get3A_1037 = tpu.vector_load %arg20[%get3A_1036] {strides = array<i32>} : memref<128xf32, #tpu.memory_space<vmem>>, vector<16xf32>,
      %add3A_1038 = arith.addf %get3A_1035, %get3A_1037 : vector<16xf32>
      %gt3A_1039 = arith.constant 0.000000e+00 : f32
      %gt3A_1040 = vector.broadcast %gt3A_1039 : f32 to vector<16xf32>
      %gt3A_1041 = arith.cmpf ogt, %add3A_1038, %gt3A_1040 : vector<16xf32>
      %mul3A_1042 = arith.constant 2.000000e-01 : f32
      %mul3A_1043 = vector.broadcast %mul3A_1042 : f32 to vector<16xf32>
      %mul3A_1044 = arith.mulf %mul3A_1043, %add3A_1038 : vector<16xf32>
      %select_n3A_1045 = arith.select %gt3A_1041, %add3A_1038, %mul3A_1044 : vector<16xi1>, vector<16xf32>
      %add3A_1046 = arith.addf %get3A_896, %get3A_1037 : vector<16xf32>
      %gt3A_1047 = arith.constant 0.000000e+00 : f32
      %gt3A_1048 = vector.broadcast %gt3A_1047 : f32 to vector<16xf32>
      %gt3A_1049 = arith.cmpf ogt, %add3A_1046, %gt3A_1048 : vector<16xf32>
      %mul3A_1050 = arith.constant 2.000000e-01 : f32
      %mul3A_1051 = vector.broadcast %mul3A_1050 : f32 to vector<16xf32>
      %mul3A_1052 = arith.mulf %mul3A_1051, %add3A_1046 : vector<16xf32>
      %select_n3A_1053 = arith.select %gt3A_1049, %add3A_1046, %mul3A_1052 : vector<16xi1>, vector<16xf32>
      %sub3A_1054 = arith.subf %select_n3A_1045, %select_n3A_1053 : vector<16xf32>
      %exp3A_1055 = math.exp %sub3A_1054 : vector<16xf32>
      %swap3A_1056 = arith.constant 80 : index
      %swap3A_1057 = tpu.vector_load %arg22[%swap3A_1056] {strides = array<i32>} : memref<128xf32, #tpu.memory_space<vmem>>, vector<16xf32>,
      tpu.vector_store %arg22[%swap3A_1056], %exp3A_1055 {strides = array<i32>} : memref<128xf32, #tpu.memory_space<vmem>>, vector<16xf32>,
      %get3A_1058 = arith.constant 96 : index
      %get3A_1059 = tpu.vector_load %arg18[%get3A_1058] {strides = array<i32>} : memref<128xf32, #tpu.memory_space<vmem>>, vector<16xf32>,
      %get3A_1060 = arith.constant 96 : index
      %get3A_1061 = tpu.vector_load %arg20[%get3A_1060] {strides = array<i32>} : memref<128xf32, #tpu.memory_space<vmem>>, vector<16xf32>,
      %add3A_1062 = arith.addf %get3A_1059, %get3A_1061 : vector<16xf32>
      %gt3A_1063 = arith.constant 0.000000e+00 : f32
      %gt3A_1064 = vector.broadcast %gt3A_1063 : f32 to vector<16xf32>
      %gt3A_1065 = arith.cmpf ogt, %add3A_1062, %gt3A_1064 : vector<16xf32>
      %mul3A_1066 = arith.constant 2.000000e-01 : f32
      %mul3A_1067 = vector.broadcast %mul3A_1066 : f32 to vector<16xf32>
      %mul3A_1068 = arith.mulf %mul3A_1067, %add3A_1062 : vector<16xf32>
      %select_n3A_1069 = arith.select %gt3A_1065, %add3A_1062, %mul3A_1068 : vector<16xi1>, vector<16xf32>
      %add3A_1070 = arith.addf %get3A_896, %get3A_1061 : vector<16xf32>
      %gt3A_1071 = arith.constant 0.000000e+00 : f32
      %gt3A_1072 = vector.broadcast %gt3A_1071 : f32 to vector<16xf32>
      %gt3A_1073 = arith.cmpf ogt, %add3A_1070, %gt3A_1072 : vector<16xf32>
      %mul3A_1074 = arith.constant 2.000000e-01 : f32
      %mul3A_1075 = vector.broadcast %mul3A_1074 : f32 to vector<16xf32>
      %mul3A_1076 = arith.mulf %mul3A_1075, %add3A_1070 : vector<16xf32>
      %select_n3A_1077 = arith.select %gt3A_1073, %add3A_1070, %mul3A_1076 : vector<16xi1>, vector<16xf32>
      %sub3A_1078 = arith.subf %select_n3A_1069, %select_n3A_1077 : vector<16xf32>
      %exp3A_1079 = math.exp %sub3A_1078 : vector<16xf32>
      %swap3A_1080 = arith.constant 96 : index
      %swap3A_1081 = tpu.vector_load %arg22[%swap3A_1080] {strides = array<i32>} : memref<128xf32, #tpu.memory_space<vmem>>, vector<16xf32>,
      tpu.vector_store %arg22[%swap3A_1080], %exp3A_1079 {strides = array<i32>} : memref<128xf32, #tpu.memory_space<vmem>>, vector<16xf32>,
      %get3A_1082 = arith.constant 112 : index
      %get3A_1083 = tpu.vector_load %arg18[%get3A_1082] {strides = array<i32>} : memref<128xf32, #tpu.memory_space<vmem>>, vector<16xf32>,
      %get3A_1084 = arith.constant 112 : index
      %get3A_1085 = tpu.vector_load %arg20[%get3A_1084] {strides = array<i32>} : memref<128xf32, #tpu.memory_space<vmem>>, vector<16xf32>,
      %add3A_1086 = arith.addf %get3A_1083, %get3A_1085 : vector<16xf32>
      %gt3A_1087 = arith.constant 0.000000e+00 : f32
      %gt3A_1088 = vector.broadcast %gt3A_1087 : f32 to vector<16xf32>
      %gt3A_1089 = arith.cmpf ogt, %add3A_1086, %gt3A_1088 : vector<16xf32>
      %mul3A_1090 = arith.constant 2.000000e-01 : f32
      %mul3A_1091 = vector.broadcast %mul3A_1090 : f32 to vector<16xf32>
      %mul3A_1092 = arith.mulf %mul3A_1091, %add3A_1086 : vector<16xf32>
      %select_n3A_1093 = arith.select %gt3A_1089, %add3A_1086, %mul3A_1092 : vector<16xi1>, vector<16xf32>
      %add3A_1094 = arith.addf %get3A_896, %get3A_1085 : vector<16xf32>
      %gt3A_1095 = arith.constant 0.000000e+00 : f32
      %gt3A_1096 = vector.broadcast %gt3A_1095 : f32 to vector<16xf32>
      %gt3A_1097 = arith.cmpf ogt, %add3A_1094, %gt3A_1096 : vector<16xf32>
      %mul3A_1098 = arith.constant 2.000000e-01 : f32
      %mul3A_1099 = vector.broadcast %mul3A_1098 : f32 to vector<16xf32>
      %mul3A_1100 = arith.mulf %mul3A_1099, %add3A_1094 : vector<16xf32>
      %select_n3A_1101 = arith.select %gt3A_1097, %add3A_1094, %mul3A_1100 : vector<16xi1>, vector<16xf32>
      %sub3A_1102 = arith.subf %select_n3A_1093, %select_n3A_1101 : vector<16xf32>
      %exp3A_1103 = math.exp %sub3A_1102 : vector<16xf32>
      %swap3A_1104 = arith.constant 112 : index
      %swap3A_1105 = tpu.vector_load %arg22[%swap3A_1104] {strides = array<i32>} : memref<128xf32, #tpu.memory_space<vmem>>, vector<16xf32>,
      tpu.vector_store %arg22[%swap3A_1104], %exp3A_1103 {strides = array<i32>} : memref<128xf32, #tpu.memory_space<vmem>>, vector<16xf32>,
      %dma_start3A_1106 = arith.constant 1 : i32
      %dma_start3A_1107 = arith.constant 0 : i32
      %dma_start3A_1108 = tpu.memref_slice %arg13[%dma_start3A_1106, %dma_start3A_1107] : memref<2x128xi32, #tpu.memory_space<vmem>> -> memref<1x128xi32, #tpu.memory_space<vmem>>
      %dma_start3A_1109 = tpu.memref_squeeze %dma_start3A_1108 : memref<1x128xi32, #tpu.memory_space<vmem>> -> memref<128xi32, #tpu.memory_space<vmem>>
      %dma_start3A_1110 = arith.constant 0 : i32
      %dma_start3A_1111 = tpu.memref_slice %arg24[%dma_start3A_1110] : memref<10240xf32, #tpu.memory_space<vmem_shared>> -> memref<10240xf32, #tpu.memory_space<vmem_shared>>
      tpu.enqueue_indirect_dma source(%arg22 : memref<128xf32, #tpu.memory_space<vmem>>) target(%dma_start3A_1111 : memref<10240xf32, #tpu.memory_space<vmem_shared>>) offsets(%dma_start3A_1109 : memref<128xi32, #tpu.memory_space<vmem>>) semaphore(%arg33 : memref<!tpu.dma_semaphore, #tpu.memory_space<semaphore_mem>>) {add = true}
      %ge3A_1112 = arith.constant 1 : i32
      %ge3A_1113 = arith.cmpi sge, %add3A_888, %ge3A_1112 : i32
      %convert_element_type3A_1114 = arith.extui %ge3A_1113 : i1 to i32
      %cond3A_1115 = arith.constant 0 : i32
      %cond3A_1116 = arith.cmpi ne, %convert_element_type3A_1114, %cond3A_1115 : i32
      scf.if %cond3A_1116 {
        %dma_wait3A_1139 = arith.constant 1 : i32
        %dma_wait3A_1140 = arith.constant 0 : i32
        %dma_wait3A_1141 = tpu.memref_slice %arg12[%dma_wait3A_1139, %dma_wait3A_1140] : memref<2x128xi32, #tpu.memory_space<vmem>> -> memref<1x128xi32, #tpu.memory_space<vmem>>
        %dma_wait3A_1142 = tpu.memref_squeeze %dma_wait3A_1141 : memref<1x128xi32, #tpu.memory_space<vmem>> -> memref<128xi32, #tpu.memory_space<vmem>>
        %dma_wait3A_1143 = arith.constant 0 : i32
        %dma_wait3A_1144 = arith.constant 0 : i32
        %dma_wait3A_1145 = tpu.memref_slice %arg23[%dma_wait3A_1143, %dma_wait3A_1144] : memref<10240x128xf32, #tpu.memory_space<vmem_shared>> -> memref<10240x128xf32, #tpu.memory_space<vmem_shared>>
        tpu.wait_indirect_dma semaphore(%arg31 : memref<!tpu.dma_semaphore, #tpu.memory_space<semaphore_mem>>) src(%arg16 : memref<128x128xf32, #tpu.memory_space<vmem>>) dst(%dma_wait3A_1145 : memref<10240x128xf32, #tpu.memory_space<vmem_shared>>)
      } else {
      }
      %dma_wait3A_1117 = arith.constant 0 : i32
      %dma_wait3A_1118 = arith.constant 0 : i32
      %dma_wait3A_1119 = tpu.memref_slice %arg13[%dma_wait3A_1117, %dma_wait3A_1118] : memref<2x128xi32, #tpu.memory_space<vmem>> -> memref<1x128xi32, #tpu.memory_space<vmem>>
      %dma_wait3A_1120 = tpu.memref_squeeze %dma_wait3A_1119 : memref<1x128xi32, #tpu.memory_space<vmem>> -> memref<128xi32, #tpu.memory_space<vmem>>
      %dma_wait3A_1121 = arith.constant 0 : i32
      %dma_wait3A_1122 = arith.constant 0 : i32
      %dma_wait3A_1123 = tpu.memref_slice %arg2[%dma_wait3A_1121, %dma_wait3A_1122] : memref<10240x128xbf16, #tpu.memory_space<hbm>> -> memref<10240x128xbf16, #tpu.memory_space<hbm>>
      tpu.wait_indirect_dma semaphore(%arg26 : memref<!tpu.dma_semaphore, #tpu.memory_space<semaphore_mem>>) src(%dma_wait3A_1123 : memref<10240x128xbf16, #tpu.memory_space<hbm>>) dst(%arg15 : memref<128x128xbf16, #tpu.memory_space<vmem>>)
      %scan3A_1124 = arith.constant 0 : i32
      %scan3A_1125 = arith.constant 0 : i32
      %scan3A_1126 = arith.constant 128 : i32
      %scan3A_1127 = arith.addi %scan3A_1125, %scan3A_1126 : i32
      %scan3A_1128 = arith.constant 1 : i32
      %scan3A_1129 = scf.for %scan3A_1139 = %scan3A_1125 to %scan3A_1127 step %scan3A_1128 iter_args(%scan3A_1140 = %scan3A_1124) -> (i32)  : i32 {
        %broadcast_in_dim3A_1141 = vector.broadcast %scan3A_1139 : i32 to vector<16xi32>
        %gather3A = tpu.vector_load_idx %arg22[%broadcast_in_dim3A_1141] : memref<128xf32, #tpu.memory_space<vmem>>[vector<16xi32>], vector<16xf32>,
        %get3A_1142 = arith.index_cast %scan3A_1139 : i32 to index
        %get3A_1143 = arith.constant 0 : index
        %get3A_1144 = tpu.vector_load %arg15[%get3A_1142, %get3A_1143] {strides = array<i32>} : memref<128x128xbf16, #tpu.memory_space<vmem>>, vector<32xbf16>,
        %unpack3A = tpu.unpack_subelements %get3A_1144, 0 {pack_format = #tpu.pack_format<interleaved>} : vector<32xbf16> -> vector<16xf32>
        %unpack3A_1145 = tpu.unpack_subelements %get3A_1144, 1 {pack_format = #tpu.pack_format<interleaved>} : vector<32xbf16> -> vector<16xf32>
        %mul3A_1146 = arith.mulf %unpack3A, %gather3A : vector<16xf32>
        %swap3A_1147 = arith.index_cast %scan3A_1139 : i32 to index
        %swap3A_1148 = arith.constant 0 : index
        %swap3A_1149 = tpu.vector_load %arg16[%swap3A_1147, %swap3A_1148] {strides = array<i32>} : memref<128x128xf32, #tpu.memory_space<vmem>>, vector<16xf32>,
        tpu.vector_store %arg16[%swap3A_1147, %swap3A_1148], %mul3A_1146 {strides = array<i32>} : memref<128x128xf32, #tpu.memory_space<vmem>>, vector<16xf32>,
        %mul3A_1150 = arith.mulf %unpack3A_1145, %gather3A : vector<16xf32>
        %swap3A_1151 = arith.index_cast %scan3A_1139 : i32 to index
        %swap3A_1152 = arith.constant 16 : index
        %swap3A_1153 = tpu.vector_load %arg16[%swap3A_1151, %swap3A_1152] {strides = array<i32>} : memref<128x128xf32, #tpu.memory_space<vmem>>, vector<16xf32>,
        tpu.vector_store %arg16[%swap3A_1151, %swap3A_1152], %mul3A_1150 {strides = array<i32>} : memref<128x128xf32, #tpu.memory_space<vmem>>, vector<16xf32>,
        %get3A_1154 = arith.index_cast %scan3A_1139 : i32 to index
        %get3A_1155 = arith.constant 32 : index
        %get3A_1156 = tpu.vector_load %arg15[%get3A_1154, %get3A_1155] {strides = array<i32>} : memref<128x128xbf16, #tpu.memory_space<vmem>>, vector<32xbf16>,
        %unpack3A_1157 = tpu.unpack_subelements %get3A_1156, 0 {pack_format = #tpu.pack_format<interleaved>} : vector<32xbf16> -> vector<16xf32>
        %unpack3A_1158 = tpu.unpack_subelements %get3A_1156, 1 {pack_format = #tpu.pack_format<interleaved>} : vector<32xbf16> -> vector<16xf32>
        %mul3A_1159 = arith.mulf %unpack3A_1157, %gather3A : vector<16xf32>
        %swap3A_1160 = arith.index_cast %scan3A_1139 : i32 to index
        %swap3A_1161 = arith.constant 32 : index
        %swap3A_1162 = tpu.vector_load %arg16[%swap3A_1160, %swap3A_1161] {strides = array<i32>} : memref<128x128xf32, #tpu.memory_space<vmem>>, vector<16xf32>,
        tpu.vector_store %arg16[%swap3A_1160, %swap3A_1161], %mul3A_1159 {strides = array<i32>} : memref<128x128xf32, #tpu.memory_space<vmem>>, vector<16xf32>,
        %mul3A_1163 = arith.mulf %unpack3A_1158, %gather3A : vector<16xf32>
        %swap3A_1164 = arith.index_cast %scan3A_1139 : i32 to index
        %swap3A_1165 = arith.constant 48 : index
        %swap3A_1166 = tpu.vector_load %arg16[%swap3A_1164, %swap3A_1165] {strides = array<i32>} : memref<128x128xf32, #tpu.memory_space<vmem>>, vector<16xf32>,
        tpu.vector_store %arg16[%swap3A_1164, %swap3A_1165], %mul3A_1163 {strides = array<i32>} : memref<128x128xf32, #tpu.memory_space<vmem>>, vector<16xf32>,
        %get3A_1167 = arith.index_cast %scan3A_1139 : i32 to index
        %get3A_1168 = arith.constant 64 : index
        %get3A_1169 = tpu.vector_load %arg15[%get3A_1167, %get3A_1168] {strides = array<i32>} : memref<128x128xbf16, #tpu.memory_space<vmem>>, vector<32xbf16>,
        %unpack3A_1170 = tpu.unpack_subelements %get3A_1169, 0 {pack_format = #tpu.pack_format<interleaved>} : vector<32xbf16> -> vector<16xf32>
        %unpack3A_1171 = tpu.unpack_subelements %get3A_1169, 1 {pack_format = #tpu.pack_format<interleaved>} : vector<32xbf16> -> vector<16xf32>
        %mul3A_1172 = arith.mulf %unpack3A_1170, %gather3A : vector<16xf32>
        %swap3A_1173 = arith.index_cast %scan3A_1139 : i32 to index
        %swap3A_1174 = arith.constant 64 : index
        %swap3A_1175 = tpu.vector_load %arg16[%swap3A_1173, %swap3A_1174] {strides = array<i32>} : memref<128x128xf32, #tpu.memory_space<vmem>>, vector<16xf32>,
        tpu.vector_store %arg16[%swap3A_1173, %swap3A_1174], %mul3A_1172 {strides = array<i32>} : memref<128x128xf32, #tpu.memory_space<vmem>>, vector<16xf32>,
        %mul3A_1176 = arith.mulf %unpack3A_1171, %gather3A : vector<16xf32>
        %swap3A_1177 = arith.index_cast %scan3A_1139 : i32 to index
        %swap3A_1178 = arith.constant 80 : index
        %swap3A_1179 = tpu.vector_load %arg16[%swap3A_1177, %swap3A_1178] {strides = array<i32>} : memref<128x128xf32, #tpu.memory_space<vmem>>, vector<16xf32>,
        tpu.vector_store %arg16[%swap3A_1177, %swap3A_1178], %mul3A_1176 {strides = array<i32>} : memref<128x128xf32, #tpu.memory_space<vmem>>, vector<16xf32>,
        %get3A_1180 = arith.index_cast %scan3A_1139 : i32 to index
        %get3A_1181 = arith.constant 96 : index
        %get3A_1182 = tpu.vector_load %arg15[%get3A_1180, %get3A_1181] {strides = array<i32>} : memref<128x128xbf16, #tpu.memory_space<vmem>>, vector<32xbf16>,
        %unpack3A_1183 = tpu.unpack_subelements %get3A_1182, 0 {pack_format = #tpu.pack_format<interleaved>} : vector<32xbf16> -> vector<16xf32>
        %unpack3A_1184 = tpu.unpack_subelements %get3A_1182, 1 {pack_format = #tpu.pack_format<interleaved>} : vector<32xbf16> -> vector<16xf32>
        %mul3A_1185 = arith.mulf %unpack3A_1183, %gather3A : vector<16xf32>
        %swap3A_1186 = arith.index_cast %scan3A_1139 : i32 to index
        %swap3A_1187 = arith.constant 96 : index
        %swap3A_1188 = tpu.vector_load %arg16[%swap3A_1186, %swap3A_1187] {strides = array<i32>} : memref<128x128xf32, #tpu.memory_space<vmem>>, vector<16xf32>,
        tpu.vector_store %arg16[%swap3A_1186, %swap3A_1187], %mul3A_1185 {strides = array<i32>} : memref<128x128xf32, #tpu.memory_space<vmem>>, vector<16xf32>,
        %mul3A_1189 = arith.mulf %unpack3A_1184, %gather3A : vector<16xf32>
        %swap3A_1190 = arith.index_cast %scan3A_1139 : i32 to index
        %swap3A_1191 = arith.constant 112 : index
        %swap3A_1192 = tpu.vector_load %arg16[%swap3A_1190, %swap3A_1191] {strides = array<i32>} : memref<128x128xf32, #tpu.memory_space<vmem>>, vector<16xf32>,
        tpu.vector_store %arg16[%swap3A_1190, %swap3A_1191], %mul3A_1189 {strides = array<i32>} : memref<128x128xf32, #tpu.memory_space<vmem>>, vector<16xf32>,
        %scan3A_1193 = arith.constant 0 : i32
        scf.yield %scan3A_1193 : i32
      }
      %scan3A_1130 = arith.constant 128 : i32
      %dma_start3A_1131 = arith.constant 1 : i32
      %dma_start3A_1132 = arith.constant 0 : i32
      %dma_start3A_1133 = tpu.memref_slice %arg13[%dma_start3A_1131, %dma_start3A_1132] : memref<2x128xi32, #tpu.memory_space<vmem>> -> memref<1x128xi32, #tpu.memory_space<vmem>>
      %dma_start3A_1134 = tpu.memref_squeeze %dma_start3A_1133 : memref<1x128xi32, #tpu.memory_space<vmem>> -> memref<128xi32, #tpu.memory_space<vmem>>
      %dma_start3A_1135 = arith.constant 0 : i32
      %dma_start3A_1136 = arith.constant 0 : i32
      %dma_start3A_1137 = tpu.memref_slice %arg23[%dma_start3A_1135, %dma_start3A_1136] : memref<10240x128xf32, #tpu.memory_space<vmem_shared>> -> memref<10240x128xf32, #tpu.memory_space<vmem_shared>>
      tpu.enqueue_indirect_dma source(%arg16 : memref<128x128xf32, #tpu.memory_space<vmem>>) target(%dma_start3A_1137 : memref<10240x128xf32, #tpu.memory_space<vmem_shared>>) offsets(%dma_start3A_1134 : memref<128xi32, #tpu.memory_space<vmem>>) semaphore(%arg31 : memref<!tpu.dma_semaphore, #tpu.memory_space<semaphore_mem>>) {add = true}
      %while3A_1138 = arith.constant 0 : i32
      scf.yield %while3A_1138 : i32
    }
    %while3A_100 = arith.constant 1 : i32
    %while3A_101 = scf.for %while3A_131 = %while3A_97 to %while3A_93 step %while3A_100 iter_args(%while3A_132 = %while3A_99) -> (i32)  : i32 {
      %mul3A_133 = arith.constant 4 : i32
      %mul3A_134 = arith.muli %while3A_131, %mul3A_133 : i32
      %add3A_135 = arith.constant 0 : i32
      %add3A_136 = arith.addi %mul3A_134, %add3A_135 : i32
      %sub3A_137 = arith.constant 1 : i32
      %sub3A_138 = arith.subi %select_n3A, %sub3A_137 : i32
      %lt3A = arith.cmpi slt, %add3A_136, %sub3A_138 : i32
      %convert_element_type3A = arith.extui %lt3A : i1 to i32
      %cond3A = arith.constant 0 : i32
      %cond3A_139 = arith.cmpi ne, %convert_element_type3A, %cond3A : i32
      scf.if %cond3A_139 {
        %add3A_1139 = arith.constant 1 : i32
        %add3A_1140 = arith.addi %add3A_136, %add3A_1139 : i32
        %add3A_1141 = arith.addi %select_n3A_50, %add3A_1140 : i32
        %mul3A_1142 = arith.constant 2 : i32
        %mul3A_1143 = arith.muli %add3A_1141, %mul3A_1142 : i32
        "tpu.region"() ({
          %run_scoped3A = tpu.sem_alloc : memref<!tpu.dma_semaphore, #tpu.memory_space<semaphore_mem>>
          %dma_start3A_1163 = arith.constant 0 : i32
          %dma_start3A_1164 = tpu.memref_slice %arg6[%mul3A_1143, %dma_start3A_1163] : memref<5120x128xi32, #tpu.memory_space<hbm>> -> memref<2x128xi32, #tpu.memory_space<hbm>>
          %dma_start3A_1165 = arith.constant 0 : i32
          %dma_start3A_1166 = tpu.memref_slice %arg6[%mul3A_1143, %dma_start3A_1165] : memref<5120x128xi32, #tpu.memory_space<hbm>> -> memref<2x128xi32, #tpu.memory_space<hbm>>
          tpu.enqueue_dma source(%dma_start3A_1166 : memref<2x128xi32, #tpu.memory_space<hbm>>) target(%arg11 : memref<2x128xi32, #tpu.memory_space<vmem>>) target_semaphore(%run_scoped3A : memref<!tpu.dma_semaphore, #tpu.memory_space<semaphore_mem>>)
          %dma_wait3A_1167 = arith.constant 0 : i32
          %dma_wait3A_1168 = tpu.memref_slice %arg6[%mul3A_1143, %dma_wait3A_1167] : memref<5120x128xi32, #tpu.memory_space<hbm>> -> memref<2x128xi32, #tpu.memory_space<hbm>>
          %dma_wait3A_1169 = arith.constant 0 : i32
          %dma_wait3A_1170 = tpu.memref_slice %arg6[%mul3A_1143, %dma_wait3A_1169] : memref<5120x128xi32, #tpu.memory_space<hbm>> -> memref<2x128xi32, #tpu.memory_space<hbm>>
          tpu.wait_dma2 semaphore(%run_scoped3A : memref<!tpu.dma_semaphore, #tpu.memory_space<semaphore_mem>>) src(%dma_wait3A_1170 : memref<2x128xi32, #tpu.memory_space<hbm>>) dst(%arg11 : memref<2x128xi32, #tpu.memory_space<vmem>>)
          tpu.yield
        }) : () -> ()
        %dma_start3A_1144 = arith.constant 0 : i32
        %dma_start3A_1145 = arith.constant 0 : i32
        %dma_start3A_1146 = tpu.memref_slice %arg11[%dma_start3A_1144, %dma_start3A_1145] : memref<2x128xi32, #tpu.memory_space<vmem>> -> memref<1x128xi32, #tpu.memory_space<vmem>>
        %dma_start3A_1147 = tpu.memref_squeeze %dma_start3A_1146 : memref<1x128xi32, #tpu.memory_space<vmem>> -> memref<128xi32, #tpu.memory_space<vmem>>
        %dma_start3A_1148 = arith.constant 0 : i32
        %dma_start3A_1149 = arith.constant 0 : i32
        %dma_start3A_1150 = tpu.memref_slice %arg2[%dma_start3A_1148, %dma_start3A_1149] : memref<10240x128xbf16, #tpu.memory_space<hbm>> -> memref<10240x128xbf16, #tpu.memory_space<hbm>>
        tpu.enqueue_indirect_dma source(%dma_start3A_1150 : memref<10240x128xbf16, #tpu.memory_space<hbm>>) target(%arg15 : memref<128x128xbf16, #tpu.memory_space<vmem>>) offsets(%dma_start3A_1147 : memref<128xi32, #tpu.memory_space<vmem>>) semaphore(%arg26 : memref<!tpu.dma_semaphore, #tpu.memory_space<semaphore_mem>>)
        %dma_start3A_1151 = arith.constant 0 : i32
        %dma_start3A_1152 = arith.constant 0 : i32
        %dma_start3A_1153 = tpu.memref_slice %arg11[%dma_start3A_1151, %dma_start3A_1152] : memref<2x128xi32, #tpu.memory_space<vmem>> -> memref<1x128xi32, #tpu.memory_space<vmem>>
        %dma_start3A_1154 = tpu.memref_squeeze %dma_start3A_1153 : memref<1x128xi32, #tpu.memory_space<vmem>> -> memref<128xi32, #tpu.memory_space<vmem>>
        %dma_start3A_1155 = arith.constant 0 : i32
        %dma_start3A_1156 = tpu.memref_slice %arg3[%dma_start3A_1155] : memref<10240xf32, #tpu.memory_space<hbm>> -> memref<10240xf32, #tpu.memory_space<hbm>>
        tpu.enqueue_indirect_dma source(%dma_start3A_1156 : memref<10240xf32, #tpu.memory_space<hbm>>) target(%arg18 : memref<128xf32, #tpu.memory_space<vmem>>) offsets(%dma_start3A_1154 : memref<128xi32, #tpu.memory_space<vmem>>) semaphore(%arg28 : memref<!tpu.dma_semaphore, #tpu.memory_space<semaphore_mem>>)
        %dma_start3A_1157 = arith.constant 1 : i32
        %dma_start3A_1158 = arith.constant 0 : i32
        %dma_start3A_1159 = tpu.memref_slice %arg11[%dma_start3A_1157, %dma_start3A_1158] : memref<2x128xi32, #tpu.memory_space<vmem>> -> memref<1x128xi32, #tpu.memory_space<vmem>>
        %dma_start3A_1160 = tpu.memref_squeeze %dma_start3A_1159 : memref<1x128xi32, #tpu.memory_space<vmem>> -> memref<128xi32, #tpu.memory_space<vmem>>
        %dma_start3A_1161 = arith.constant 0 : i32
        %dma_start3A_1162 = tpu.memref_slice %arg4[%dma_start3A_1161] : memref<10240xf32, #tpu.memory_space<hbm>> -> memref<10240xf32, #tpu.memory_space<hbm>>
        tpu.enqueue_indirect_dma source(%dma_start3A_1162 : memref<10240xf32, #tpu.memory_space<hbm>>) target(%arg20 : memref<128xf32, #tpu.memory_space<vmem>>) offsets(%dma_start3A_1160 : memref<128xi32, #tpu.memory_space<vmem>>) semaphore(%arg30 : memref<!tpu.dma_semaphore, #tpu.memory_space<semaphore_mem>>)
      } else {
      }
      %get3A = arith.constant 0 : index
      %get3A_140 = tpu.vector_load %arg9[%get3A] {strides = array<i32>} : memref<16xf32, #tpu.memory_space<vmem>>, vector<16xf32>,
      %dma_wait3A_141 = arith.constant 0 : i32
      %dma_wait3A_142 = arith.constant 0 : i32
      %dma_wait3A_143 = tpu.memref_slice %arg10[%dma_wait3A_141, %dma_wait3A_142] : memref<2x128xi32, #tpu.memory_space<vmem>> -> memref<1x128xi32, #tpu.memory_space<vmem>>
      %dma_wait3A_144 = tpu.memref_squeeze %dma_wait3A_143 : memref<1x128xi32, #tpu.memory_space<vmem>> -> memref<128xi32, #tpu.memory_space<vmem>>
      %dma_wait3A_145 = arith.constant 0 : i32
      %dma_wait3A_146 = tpu.memref_slice %arg3[%dma_wait3A_145] : memref<10240xf32, #tpu.memory_space<hbm>> -> memref<10240xf32, #tpu.memory_space<hbm>>
      tpu.wait_indirect_dma semaphore(%arg27 : memref<!tpu.dma_semaphore, #tpu.memory_space<semaphore_mem>>) src(%dma_wait3A_146 : memref<10240xf32, #tpu.memory_space<hbm>>) dst(%arg17 : memref<128xf32, #tpu.memory_space<vmem>>)
      %dma_wait3A_147 = arith.constant 1 : i32
      %dma_wait3A_148 = arith.constant 0 : i32
      %dma_wait3A_149 = tpu.memref_slice %arg10[%dma_wait3A_147, %dma_wait3A_148] : memref<2x128xi32, #tpu.memory_space<vmem>> -> memref<1x128xi32, #tpu.memory_space<vmem>>
      %dma_wait3A_150 = tpu.memref_squeeze %dma_wait3A_149 : memref<1x128xi32, #tpu.memory_space<vmem>> -> memref<128xi32, #tpu.memory_space<vmem>>
      %dma_wait3A_151 = arith.constant 0 : i32
      %dma_wait3A_152 = tpu.memref_slice %arg4[%dma_wait3A_151] : memref<10240xf32, #tpu.memory_space<hbm>> -> memref<10240xf32, #tpu.memory_space<hbm>>
      tpu.wait_indirect_dma semaphore(%arg29 : memref<!tpu.dma_semaphore, #tpu.memory_space<semaphore_mem>>) src(%dma_wait3A_152 : memref<10240xf32, #tpu.memory_space<hbm>>) dst(%arg19 : memref<128xf32, #tpu.memory_space<vmem>>)
      %ge3A = arith.constant 2 : i32
      %ge3A_153 = arith.cmpi sge, %add3A_136, %ge3A : i32
      %convert_element_type3A_154 = arith.extui %ge3A_153 : i1 to i32
      %cond3A_155 = arith.constant 0 : i32
      %cond3A_156 = arith.cmpi ne, %convert_element_type3A_154, %cond3A_155 : i32
      scf.if %cond3A_156 {
        %dma_wait3A_1139 = arith.constant 1 : i32
        %dma_wait3A_1140 = arith.constant 0 : i32
        %dma_wait3A_1141 = tpu.memref_slice %arg12[%dma_wait3A_1139, %dma_wait3A_1140] : memref<2x128xi32, #tpu.memory_space<vmem>> -> memref<1x128xi32, #tpu.memory_space<vmem>>
        %dma_wait3A_1142 = tpu.memref_squeeze %dma_wait3A_1141 : memref<1x128xi32, #tpu.memory_space<vmem>> -> memref<128xi32, #tpu.memory_space<vmem>>
        %dma_wait3A_1143 = arith.constant 0 : i32
        %dma_wait3A_1144 = tpu.memref_slice %arg24[%dma_wait3A_1143] : memref<10240xf32, #tpu.memory_space<vmem_shared>> -> memref<10240xf32, #tpu.memory_space<vmem_shared>>
        tpu.wait_indirect_dma semaphore(%arg32 : memref<!tpu.dma_semaphore, #tpu.memory_space<semaphore_mem>>) src(%arg21 : memref<128xf32, #tpu.memory_space<vmem>>) dst(%dma_wait3A_1144 : memref<10240xf32, #tpu.memory_space<vmem_shared>>)
      } else {
      }
      %get3A_157 = arith.constant 0 : index
      %get3A_158 = tpu.vector_load %arg17[%get3A_157] {strides = array<i32>} : memref<128xf32, #tpu.memory_space<vmem>>, vector<16xf32>,
      %get3A_159 = arith.constant 0 : index
      %get3A_160 = tpu.vector_load %arg19[%get3A_159] {strides = array<i32>} : memref<128xf32, #tpu.memory_space<vmem>>, vector<16xf32>,
      %add3A_161 = arith.addf %get3A_158, %get3A_160 : vector<16xf32>
      %gt3A = arith.constant 0.000000e+00 : f32
      %gt3A_162 = vector.broadcast %gt3A : f32 to vector<16xf32>
      %gt3A_163 = arith.cmpf ogt, %add3A_161, %gt3A_162 : vector<16xf32>
      %mul3A_164 = arith.constant 2.000000e-01 : f32
      %mul3A_165 = vector.broadcast %mul3A_164 : f32 to vector<16xf32>
      %mul3A_166 = arith.mulf %mul3A_165, %add3A_161 : vector<16xf32>
      %select_n3A_167 = arith.select %gt3A_163, %add3A_161, %mul3A_166 : vector<16xi1>, vector<16xf32>
      %add3A_168 = arith.addf %get3A_140, %get3A_160 : vector<16xf32>
      %gt3A_169 = arith.constant 0.000000e+00 : f32
      %gt3A_170 = vector.broadcast %gt3A_169 : f32 to vector<16xf32>
      %gt3A_171 = arith.cmpf ogt, %add3A_168, %gt3A_170 : vector<16xf32>
      %mul3A_172 = arith.constant 2.000000e-01 : f32
      %mul3A_173 = vector.broadcast %mul3A_172 : f32 to vector<16xf32>
      %mul3A_174 = arith.mulf %mul3A_173, %add3A_168 : vector<16xf32>
      %select_n3A_175 = arith.select %gt3A_171, %add3A_168, %mul3A_174 : vector<16xi1>, vector<16xf32>
      %sub3A_176 = arith.subf %select_n3A_167, %select_n3A_175 : vector<16xf32>
      %exp3A = math.exp %sub3A_176 : vector<16xf32>
      %swap3A_177 = arith.constant 0 : index
      %swap3A_178 = tpu.vector_load %arg21[%swap3A_177] {strides = array<i32>} : memref<128xf32, #tpu.memory_space<vmem>>, vector<16xf32>,
      tpu.vector_store %arg21[%swap3A_177], %exp3A {strides = array<i32>} : memref<128xf32, #tpu.memory_space<vmem>>, vector<16xf32>,
      %get3A_179 = arith.constant 16 : index
      %get3A_180 = tpu.vector_load %arg17[%get3A_179] {strides = array<i32>} : memref<128xf32, #tpu.memory_space<vmem>>, vector<16xf32>,
      %get3A_181 = arith.constant 16 : index
      %get3A_182 = tpu.vector_load %arg19[%get3A_181] {strides = array<i32>} : memref<128xf32, #tpu.memory_space<vmem>>, vector<16xf32>,
      %add3A_183 = arith.addf %get3A_180, %get3A_182 : vector<16xf32>
      %gt3A_184 = arith.constant 0.000000e+00 : f32
      %gt3A_185 = vector.broadcast %gt3A_184 : f32 to vector<16xf32>
      %gt3A_186 = arith.cmpf ogt, %add3A_183, %gt3A_185 : vector<16xf32>
      %mul3A_187 = arith.constant 2.000000e-01 : f32
      %mul3A_188 = vector.broadcast %mul3A_187 : f32 to vector<16xf32>
      %mul3A_189 = arith.mulf %mul3A_188, %add3A_183 : vector<16xf32>
      %select_n3A_190 = arith.select %gt3A_186, %add3A_183, %mul3A_189 : vector<16xi1>, vector<16xf32>
      %add3A_191 = arith.addf %get3A_140, %get3A_182 : vector<16xf32>
      %gt3A_192 = arith.constant 0.000000e+00 : f32
      %gt3A_193 = vector.broadcast %gt3A_192 : f32 to vector<16xf32>
      %gt3A_194 = arith.cmpf ogt, %add3A_191, %gt3A_193 : vector<16xf32>
      %mul3A_195 = arith.constant 2.000000e-01 : f32
      %mul3A_196 = vector.broadcast %mul3A_195 : f32 to vector<16xf32>
      %mul3A_197 = arith.mulf %mul3A_196, %add3A_191 : vector<16xf32>
      %select_n3A_198 = arith.select %gt3A_194, %add3A_191, %mul3A_197 : vector<16xi1>, vector<16xf32>
      %sub3A_199 = arith.subf %select_n3A_190, %select_n3A_198 : vector<16xf32>
      %exp3A_200 = math.exp %sub3A_199 : vector<16xf32>
      %swap3A_201 = arith.constant 16 : index
      %swap3A_202 = tpu.vector_load %arg21[%swap3A_201] {strides = array<i32>} : memref<128xf32, #tpu.memory_space<vmem>>, vector<16xf32>,
      tpu.vector_store %arg21[%swap3A_201], %exp3A_200 {strides = array<i32>} : memref<128xf32, #tpu.memory_space<vmem>>, vector<16xf32>,
      %get3A_203 = arith.constant 32 : index
      %get3A_204 = tpu.vector_load %arg17[%get3A_203] {strides = array<i32>} : memref<128xf32, #tpu.memory_space<vmem>>, vector<16xf32>,
      %get3A_205 = arith.constant 32 : index
      %get3A_206 = tpu.vector_load %arg19[%get3A_205] {strides = array<i32>} : memref<128xf32, #tpu.memory_space<vmem>>, vector<16xf32>,
      %add3A_207 = arith.addf %get3A_204, %get3A_206 : vector<16xf32>
      %gt3A_208 = arith.constant 0.000000e+00 : f32
      %gt3A_209 = vector.broadcast %gt3A_208 : f32 to vector<16xf32>
      %gt3A_210 = arith.cmpf ogt, %add3A_207, %gt3A_209 : vector<16xf32>
      %mul3A_211 = arith.constant 2.000000e-01 : f32
      %mul3A_212 = vector.broadcast %mul3A_211 : f32 to vector<16xf32>
      %mul3A_213 = arith.mulf %mul3A_212, %add3A_207 : vector<16xf32>
      %select_n3A_214 = arith.select %gt3A_210, %add3A_207, %mul3A_213 : vector<16xi1>, vector<16xf32>
      %add3A_215 = arith.addf %get3A_140, %get3A_206 : vector<16xf32>
      %gt3A_216 = arith.constant 0.000000e+00 : f32
      %gt3A_217 = vector.broadcast %gt3A_216 : f32 to vector<16xf32>
      %gt3A_218 = arith.cmpf ogt, %add3A_215, %gt3A_217 : vector<16xf32>
      %mul3A_219 = arith.constant 2.000000e-01 : f32
      %mul3A_220 = vector.broadcast %mul3A_219 : f32 to vector<16xf32>
      %mul3A_221 = arith.mulf %mul3A_220, %add3A_215 : vector<16xf32>
      %select_n3A_222 = arith.select %gt3A_218, %add3A_215, %mul3A_221 : vector<16xi1>, vector<16xf32>
      %sub3A_223 = arith.subf %select_n3A_214, %select_n3A_222 : vector<16xf32>
      %exp3A_224 = math.exp %sub3A_223 : vector<16xf32>
      %swap3A_225 = arith.constant 32 : index
      %swap3A_226 = tpu.vector_load %arg21[%swap3A_225] {strides = array<i32>} : memref<128xf32, #tpu.memory_space<vmem>>, vector<16xf32>,
      tpu.vector_store %arg21[%swap3A_225], %exp3A_224 {strides = array<i32>} : memref<128xf32, #tpu.memory_space<vmem>>, vector<16xf32>,
      %get3A_227 = arith.constant 48 : index
      %get3A_228 = tpu.vector_load %arg17[%get3A_227] {strides = array<i32>} : memref<128xf32, #tpu.memory_space<vmem>>, vector<16xf32>,
      %get3A_229 = arith.constant 48 : index
      %get3A_230 = tpu.vector_load %arg19[%get3A_229] {strides = array<i32>} : memref<128xf32, #tpu.memory_space<vmem>>, vector<16xf32>,
      %add3A_231 = arith.addf %get3A_228, %get3A_230 : vector<16xf32>
      %gt3A_232 = arith.constant 0.000000e+00 : f32
      %gt3A_233 = vector.broadcast %gt3A_232 : f32 to vector<16xf32>
      %gt3A_234 = arith.cmpf ogt, %add3A_231, %gt3A_233 : vector<16xf32>
      %mul3A_235 = arith.constant 2.000000e-01 : f32
      %mul3A_236 = vector.broadcast %mul3A_235 : f32 to vector<16xf32>
      %mul3A_237 = arith.mulf %mul3A_236, %add3A_231 : vector<16xf32>
      %select_n3A_238 = arith.select %gt3A_234, %add3A_231, %mul3A_237 : vector<16xi1>, vector<16xf32>
      %add3A_239 = arith.addf %get3A_140, %get3A_230 : vector<16xf32>
      %gt3A_240 = arith.constant 0.000000e+00 : f32
      %gt3A_241 = vector.broadcast %gt3A_240 : f32 to vector<16xf32>
      %gt3A_242 = arith.cmpf ogt, %add3A_239, %gt3A_241 : vector<16xf32>
      %mul3A_243 = arith.constant 2.000000e-01 : f32
      %mul3A_244 = vector.broadcast %mul3A_243 : f32 to vector<16xf32>
      %mul3A_245 = arith.mulf %mul3A_244, %add3A_239 : vector<16xf32>
      %select_n3A_246 = arith.select %gt3A_242, %add3A_239, %mul3A_245 : vector<16xi1>, vector<16xf32>
      %sub3A_247 = arith.subf %select_n3A_238, %select_n3A_246 : vector<16xf32>
      %exp3A_248 = math.exp %sub3A_247 : vector<16xf32>
      %swap3A_249 = arith.constant 48 : index
      %swap3A_250 = tpu.vector_load %arg21[%swap3A_249] {strides = array<i32>} : memref<128xf32, #tpu.memory_space<vmem>>, vector<16xf32>,
      tpu.vector_store %arg21[%swap3A_249], %exp3A_248 {strides = array<i32>} : memref<128xf32, #tpu.memory_space<vmem>>, vector<16xf32>,
      %get3A_251 = arith.constant 64 : index
      %get3A_252 = tpu.vector_load %arg17[%get3A_251] {strides = array<i32>} : memref<128xf32, #tpu.memory_space<vmem>>, vector<16xf32>,
      %get3A_253 = arith.constant 64 : index
      %get3A_254 = tpu.vector_load %arg19[%get3A_253] {strides = array<i32>} : memref<128xf32, #tpu.memory_space<vmem>>, vector<16xf32>,
      %add3A_255 = arith.addf %get3A_252, %get3A_254 : vector<16xf32>
      %gt3A_256 = arith.constant 0.000000e+00 : f32
      %gt3A_257 = vector.broadcast %gt3A_256 : f32 to vector<16xf32>
      %gt3A_258 = arith.cmpf ogt, %add3A_255, %gt3A_257 : vector<16xf32>
      %mul3A_259 = arith.constant 2.000000e-01 : f32
      %mul3A_260 = vector.broadcast %mul3A_259 : f32 to vector<16xf32>
      %mul3A_261 = arith.mulf %mul3A_260, %add3A_255 : vector<16xf32>
      %select_n3A_262 = arith.select %gt3A_258, %add3A_255, %mul3A_261 : vector<16xi1>, vector<16xf32>
      %add3A_263 = arith.addf %get3A_140, %get3A_254 : vector<16xf32>
      %gt3A_264 = arith.constant 0.000000e+00 : f32
      %gt3A_265 = vector.broadcast %gt3A_264 : f32 to vector<16xf32>
      %gt3A_266 = arith.cmpf ogt, %add3A_263, %gt3A_265 : vector<16xf32>
      %mul3A_267 = arith.constant 2.000000e-01 : f32
      %mul3A_268 = vector.broadcast %mul3A_267 : f32 to vector<16xf32>
      %mul3A_269 = arith.mulf %mul3A_268, %add3A_263 : vector<16xf32>
      %select_n3A_270 = arith.select %gt3A_266, %add3A_263, %mul3A_269 : vector<16xi1>, vector<16xf32>
      %sub3A_271 = arith.subf %select_n3A_262, %select_n3A_270 : vector<16xf32>
      %exp3A_272 = math.exp %sub3A_271 : vector<16xf32>
      %swap3A_273 = arith.constant 64 : index
      %swap3A_274 = tpu.vector_load %arg21[%swap3A_273] {strides = array<i32>} : memref<128xf32, #tpu.memory_space<vmem>>, vector<16xf32>,
      tpu.vector_store %arg21[%swap3A_273], %exp3A_272 {strides = array<i32>} : memref<128xf32, #tpu.memory_space<vmem>>, vector<16xf32>,
      %get3A_275 = arith.constant 80 : index
      %get3A_276 = tpu.vector_load %arg17[%get3A_275] {strides = array<i32>} : memref<128xf32, #tpu.memory_space<vmem>>, vector<16xf32>,
      %get3A_277 = arith.constant 80 : index
      %get3A_278 = tpu.vector_load %arg19[%get3A_277] {strides = array<i32>} : memref<128xf32, #tpu.memory_space<vmem>>, vector<16xf32>,
      %add3A_279 = arith.addf %get3A_276, %get3A_278 : vector<16xf32>
      %gt3A_280 = arith.constant 0.000000e+00 : f32
      %gt3A_281 = vector.broadcast %gt3A_280 : f32 to vector<16xf32>
      %gt3A_282 = arith.cmpf ogt, %add3A_279, %gt3A_281 : vector<16xf32>
      %mul3A_283 = arith.constant 2.000000e-01 : f32
      %mul3A_284 = vector.broadcast %mul3A_283 : f32 to vector<16xf32>
      %mul3A_285 = arith.mulf %mul3A_284, %add3A_279 : vector<16xf32>
      %select_n3A_286 = arith.select %gt3A_282, %add3A_279, %mul3A_285 : vector<16xi1>, vector<16xf32>
      %add3A_287 = arith.addf %get3A_140, %get3A_278 : vector<16xf32>
      %gt3A_288 = arith.constant 0.000000e+00 : f32
      %gt3A_289 = vector.broadcast %gt3A_288 : f32 to vector<16xf32>
      %gt3A_290 = arith.cmpf ogt, %add3A_287, %gt3A_289 : vector<16xf32>
      %mul3A_291 = arith.constant 2.000000e-01 : f32
      %mul3A_292 = vector.broadcast %mul3A_291 : f32 to vector<16xf32>
      %mul3A_293 = arith.mulf %mul3A_292, %add3A_287 : vector<16xf32>
      %select_n3A_294 = arith.select %gt3A_290, %add3A_287, %mul3A_293 : vector<16xi1>, vector<16xf32>
      %sub3A_295 = arith.subf %select_n3A_286, %select_n3A_294 : vector<16xf32>
      %exp3A_296 = math.exp %sub3A_295 : vector<16xf32>
      %swap3A_297 = arith.constant 80 : index
      %swap3A_298 = tpu.vector_load %arg21[%swap3A_297] {strides = array<i32>} : memref<128xf32, #tpu.memory_space<vmem>>, vector<16xf32>,
      tpu.vector_store %arg21[%swap3A_297], %exp3A_296 {strides = array<i32>} : memref<128xf32, #tpu.memory_space<vmem>>, vector<16xf32>,
      %get3A_299 = arith.constant 96 : index
      %get3A_300 = tpu.vector_load %arg17[%get3A_299] {strides = array<i32>} : memref<128xf32, #tpu.memory_space<vmem>>, vector<16xf32>,
      %get3A_301 = arith.constant 96 : index
      %get3A_302 = tpu.vector_load %arg19[%get3A_301] {strides = array<i32>} : memref<128xf32, #tpu.memory_space<vmem>>, vector<16xf32>,
      %add3A_303 = arith.addf %get3A_300, %get3A_302 : vector<16xf32>
      %gt3A_304 = arith.constant 0.000000e+00 : f32
      %gt3A_305 = vector.broadcast %gt3A_304 : f32 to vector<16xf32>
      %gt3A_306 = arith.cmpf ogt, %add3A_303, %gt3A_305 : vector<16xf32>
      %mul3A_307 = arith.constant 2.000000e-01 : f32
      %mul3A_308 = vector.broadcast %mul3A_307 : f32 to vector<16xf32>
      %mul3A_309 = arith.mulf %mul3A_308, %add3A_303 : vector<16xf32>
      %select_n3A_310 = arith.select %gt3A_306, %add3A_303, %mul3A_309 : vector<16xi1>, vector<16xf32>
      %add3A_311 = arith.addf %get3A_140, %get3A_302 : vector<16xf32>
      %gt3A_312 = arith.constant 0.000000e+00 : f32
      %gt3A_313 = vector.broadcast %gt3A_312 : f32 to vector<16xf32>
      %gt3A_314 = arith.cmpf ogt, %add3A_311, %gt3A_313 : vector<16xf32>
      %mul3A_315 = arith.constant 2.000000e-01 : f32
      %mul3A_316 = vector.broadcast %mul3A_315 : f32 to vector<16xf32>
      %mul3A_317 = arith.mulf %mul3A_316, %add3A_311 : vector<16xf32>
      %select_n3A_318 = arith.select %gt3A_314, %add3A_311, %mul3A_317 : vector<16xi1>, vector<16xf32>
      %sub3A_319 = arith.subf %select_n3A_310, %select_n3A_318 : vector<16xf32>
      %exp3A_320 = math.exp %sub3A_319 : vector<16xf32>
      %swap3A_321 = arith.constant 96 : index
      %swap3A_322 = tpu.vector_load %arg21[%swap3A_321] {strides = array<i32>} : memref<128xf32, #tpu.memory_space<vmem>>, vector<16xf32>,
      tpu.vector_store %arg21[%swap3A_321], %exp3A_320 {strides = array<i32>} : memref<128xf32, #tpu.memory_space<vmem>>, vector<16xf32>,
      %get3A_323 = arith.constant 112 : index
      %get3A_324 = tpu.vector_load %arg17[%get3A_323] {strides = array<i32>} : memref<128xf32, #tpu.memory_space<vmem>>, vector<16xf32>,
      %get3A_325 = arith.constant 112 : index
      %get3A_326 = tpu.vector_load %arg19[%get3A_325] {strides = array<i32>} : memref<128xf32, #tpu.memory_space<vmem>>, vector<16xf32>,
      %add3A_327 = arith.addf %get3A_324, %get3A_326 : vector<16xf32>
      %gt3A_328 = arith.constant 0.000000e+00 : f32
      %gt3A_329 = vector.broadcast %gt3A_328 : f32 to vector<16xf32>
      %gt3A_330 = arith.cmpf ogt, %add3A_327, %gt3A_329 : vector<16xf32>
      %mul3A_331 = arith.constant 2.000000e-01 : f32
      %mul3A_332 = vector.broadcast %mul3A_331 : f32 to vector<16xf32>
      %mul3A_333 = arith.mulf %mul3A_332, %add3A_327 : vector<16xf32>
      %select_n3A_334 = arith.select %gt3A_330, %add3A_327, %mul3A_333 : vector<16xi1>, vector<16xf32>
      %add3A_335 = arith.addf %get3A_140, %get3A_326 : vector<16xf32>
      %gt3A_336 = arith.constant 0.000000e+00 : f32
      %gt3A_337 = vector.broadcast %gt3A_336 : f32 to vector<16xf32>
      %gt3A_338 = arith.cmpf ogt, %add3A_335, %gt3A_337 : vector<16xf32>
      %mul3A_339 = arith.constant 2.000000e-01 : f32
      %mul3A_340 = vector.broadcast %mul3A_339 : f32 to vector<16xf32>
      %mul3A_341 = arith.mulf %mul3A_340, %add3A_335 : vector<16xf32>
      %select_n3A_342 = arith.select %gt3A_338, %add3A_335, %mul3A_341 : vector<16xi1>, vector<16xf32>
      %sub3A_343 = arith.subf %select_n3A_334, %select_n3A_342 : vector<16xf32>
      %exp3A_344 = math.exp %sub3A_343 : vector<16xf32>
      %swap3A_345 = arith.constant 112 : index
      %swap3A_346 = tpu.vector_load %arg21[%swap3A_345] {strides = array<i32>} : memref<128xf32, #tpu.memory_space<vmem>>, vector<16xf32>,
      tpu.vector_store %arg21[%swap3A_345], %exp3A_344 {strides = array<i32>} : memref<128xf32, #tpu.memory_space<vmem>>, vector<16xf32>,
      %dma_start3A_347 = arith.constant 1 : i32
      %dma_start3A_348 = arith.constant 0 : i32
      %dma_start3A_349 = tpu.memref_slice %arg10[%dma_start3A_347, %dma_start3A_348] : memref<2x128xi32, #tpu.memory_space<vmem>> -> memref<1x128xi32, #tpu.memory_space<vmem>>
      %dma_start3A_350 = tpu.memref_squeeze %dma_start3A_349 : memref<1x128xi32, #tpu.memory_space<vmem>> -> memref<128xi32, #tpu.memory_space<vmem>>
      %dma_start3A_351 = arith.constant 0 : i32
      %dma_start3A_352 = tpu.memref_slice %arg24[%dma_start3A_351] : memref<10240xf32, #tpu.memory_space<vmem_shared>> -> memref<10240xf32, #tpu.memory_space<vmem_shared>>
      tpu.enqueue_indirect_dma source(%arg21 : memref<128xf32, #tpu.memory_space<vmem>>) target(%dma_start3A_352 : memref<10240xf32, #tpu.memory_space<vmem_shared>>) offsets(%dma_start3A_350 : memref<128xi32, #tpu.memory_space<vmem>>) semaphore(%arg32 : memref<!tpu.dma_semaphore, #tpu.memory_space<semaphore_mem>>) {add = true}
      %ge3A_353 = arith.constant 1 : i32
      %ge3A_354 = arith.cmpi sge, %add3A_136, %ge3A_353 : i32
      %convert_element_type3A_355 = arith.extui %ge3A_354 : i1 to i32
      %cond3A_356 = arith.constant 0 : i32
      %cond3A_357 = arith.cmpi ne, %convert_element_type3A_355, %cond3A_356 : i32
      scf.if %cond3A_357 {
        %dma_wait3A_1139 = arith.constant 1 : i32
        %dma_wait3A_1140 = arith.constant 0 : i32
        %dma_wait3A_1141 = tpu.memref_slice %arg13[%dma_wait3A_1139, %dma_wait3A_1140] : memref<2x128xi32, #tpu.memory_space<vmem>> -> memref<1x128xi32, #tpu.memory_space<vmem>>
        %dma_wait3A_1142 = tpu.memref_squeeze %dma_wait3A_1141 : memref<1x128xi32, #tpu.memory_space<vmem>> -> memref<128xi32, #tpu.memory_space<vmem>>
        %dma_wait3A_1143 = arith.constant 0 : i32
        %dma_wait3A_1144 = arith.constant 0 : i32
        %dma_wait3A_1145 = tpu.memref_slice %arg23[%dma_wait3A_1143, %dma_wait3A_1144] : memref<10240x128xf32, #tpu.memory_space<vmem_shared>> -> memref<10240x128xf32, #tpu.memory_space<vmem_shared>>
        tpu.wait_indirect_dma semaphore(%arg31 : memref<!tpu.dma_semaphore, #tpu.memory_space<semaphore_mem>>) src(%arg16 : memref<128x128xf32, #tpu.memory_space<vmem>>) dst(%dma_wait3A_1145 : memref<10240x128xf32, #tpu.memory_space<vmem_shared>>)
      } else {
      }
      %dma_wait3A_358 = arith.constant 0 : i32
      %dma_wait3A_359 = arith.constant 0 : i32
      %dma_wait3A_360 = tpu.memref_slice %arg10[%dma_wait3A_358, %dma_wait3A_359] : memref<2x128xi32, #tpu.memory_space<vmem>> -> memref<1x128xi32, #tpu.memory_space<vmem>>
      %dma_wait3A_361 = tpu.memref_squeeze %dma_wait3A_360 : memref<1x128xi32, #tpu.memory_space<vmem>> -> memref<128xi32, #tpu.memory_space<vmem>>
      %dma_wait3A_362 = arith.constant 0 : i32
      %dma_wait3A_363 = arith.constant 0 : i32
      %dma_wait3A_364 = tpu.memref_slice %arg2[%dma_wait3A_362, %dma_wait3A_363] : memref<10240x128xbf16, #tpu.memory_space<hbm>> -> memref<10240x128xbf16, #tpu.memory_space<hbm>>
      tpu.wait_indirect_dma semaphore(%arg25 : memref<!tpu.dma_semaphore, #tpu.memory_space<semaphore_mem>>) src(%dma_wait3A_364 : memref<10240x128xbf16, #tpu.memory_space<hbm>>) dst(%arg14 : memref<128x128xbf16, #tpu.memory_space<vmem>>)
      %scan3A_365 = arith.constant 0 : i32
      %scan3A_366 = arith.constant 0 : i32
      %scan3A_367 = arith.constant 128 : i32
      %scan3A_368 = arith.addi %scan3A_366, %scan3A_367 : i32
      %scan3A_369 = arith.constant 1 : i32
      %scan3A_370 = scf.for %scan3A_1139 = %scan3A_366 to %scan3A_368 step %scan3A_369 iter_args(%scan3A_1140 = %scan3A_365) -> (i32)  : i32 {
        %broadcast_in_dim3A_1141 = vector.broadcast %scan3A_1139 : i32 to vector<16xi32>
        %gather3A = tpu.vector_load_idx %arg21[%broadcast_in_dim3A_1141] : memref<128xf32, #tpu.memory_space<vmem>>[vector<16xi32>], vector<16xf32>,
        %get3A_1142 = arith.index_cast %scan3A_1139 : i32 to index
        %get3A_1143 = arith.constant 0 : index
        %get3A_1144 = tpu.vector_load %arg14[%get3A_1142, %get3A_1143] {strides = array<i32>} : memref<128x128xbf16, #tpu.memory_space<vmem>>, vector<32xbf16>,
        %unpack3A = tpu.unpack_subelements %get3A_1144, 0 {pack_format = #tpu.pack_format<interleaved>} : vector<32xbf16> -> vector<16xf32>
        %unpack3A_1145 = tpu.unpack_subelements %get3A_1144, 1 {pack_format = #tpu.pack_format<interleaved>} : vector<32xbf16> -> vector<16xf32>
        %mul3A_1146 = arith.mulf %unpack3A, %gather3A : vector<16xf32>
        %swap3A_1147 = arith.index_cast %scan3A_1139 : i32 to index
        %swap3A_1148 = arith.constant 0 : index
        %swap3A_1149 = tpu.vector_load %arg16[%swap3A_1147, %swap3A_1148] {strides = array<i32>} : memref<128x128xf32, #tpu.memory_space<vmem>>, vector<16xf32>,
        tpu.vector_store %arg16[%swap3A_1147, %swap3A_1148], %mul3A_1146 {strides = array<i32>} : memref<128x128xf32, #tpu.memory_space<vmem>>, vector<16xf32>,
        %mul3A_1150 = arith.mulf %unpack3A_1145, %gather3A : vector<16xf32>
        %swap3A_1151 = arith.index_cast %scan3A_1139 : i32 to index
        %swap3A_1152 = arith.constant 16 : index
        %swap3A_1153 = tpu.vector_load %arg16[%swap3A_1151, %swap3A_1152] {strides = array<i32>} : memref<128x128xf32, #tpu.memory_space<vmem>>, vector<16xf32>,
        tpu.vector_store %arg16[%swap3A_1151, %swap3A_1152], %mul3A_1150 {strides = array<i32>} : memref<128x128xf32, #tpu.memory_space<vmem>>, vector<16xf32>,
        %get3A_1154 = arith.index_cast %scan3A_1139 : i32 to index
        %get3A_1155 = arith.constant 32 : index
        %get3A_1156 = tpu.vector_load %arg14[%get3A_1154, %get3A_1155] {strides = array<i32>} : memref<128x128xbf16, #tpu.memory_space<vmem>>, vector<32xbf16>,
        %unpack3A_1157 = tpu.unpack_subelements %get3A_1156, 0 {pack_format = #tpu.pack_format<interleaved>} : vector<32xbf16> -> vector<16xf32>
        %unpack3A_1158 = tpu.unpack_subelements %get3A_1156, 1 {pack_format = #tpu.pack_format<interleaved>} : vector<32xbf16> -> vector<16xf32>
        %mul3A_1159 = arith.mulf %unpack3A_1157, %gather3A : vector<16xf32>
        %swap3A_1160 = arith.index_cast %scan3A_1139 : i32 to index
        %swap3A_1161 = arith.constant 32 : index
        %swap3A_1162 = tpu.vector_load %arg16[%swap3A_1160, %swap3A_1161] {strides = array<i32>} : memref<128x128xf32, #tpu.memory_space<vmem>>, vector<16xf32>,
        tpu.vector_store %arg16[%swap3A_1160, %swap3A_1161], %mul3A_1159 {strides = array<i32>} : memref<128x128xf32, #tpu.memory_space<vmem>>, vector<16xf32>,
        %mul3A_1163 = arith.mulf %unpack3A_1158, %gather3A : vector<16xf32>
        %swap3A_1164 = arith.index_cast %scan3A_1139 : i32 to index
        %swap3A_1165 = arith.constant 48 : index
        %swap3A_1166 = tpu.vector_load %arg16[%swap3A_1164, %swap3A_1165] {strides = array<i32>} : memref<128x128xf32, #tpu.memory_space<vmem>>, vector<16xf32>,
        tpu.vector_store %arg16[%swap3A_1164, %swap3A_1165], %mul3A_1163 {strides = array<i32>} : memref<128x128xf32, #tpu.memory_space<vmem>>, vector<16xf32>,
        %get3A_1167 = arith.index_cast %scan3A_1139 : i32 to index
        %get3A_1168 = arith.constant 64 : index
        %get3A_1169 = tpu.vector_load %arg14[%get3A_1167, %get3A_1168] {strides = array<i32>} : memref<128x128xbf16, #tpu.memory_space<vmem>>, vector<32xbf16>,
        %unpack3A_1170 = tpu.unpack_subelements %get3A_1169, 0 {pack_format = #tpu.pack_format<interleaved>} : vector<32xbf16> -> vector<16xf32>
        %unpack3A_1171 = tpu.unpack_subelements %get3A_1169, 1 {pack_format = #tpu.pack_format<interleaved>} : vector<32xbf16> -> vector<16xf32>
        %mul3A_1172 = arith.mulf %unpack3A_1170, %gather3A : vector<16xf32>
        %swap3A_1173 = arith.index_cast %scan3A_1139 : i32 to index
        %swap3A_1174 = arith.constant 64 : index
        %swap3A_1175 = tpu.vector_load %arg16[%swap3A_1173, %swap3A_1174] {strides = array<i32>} : memref<128x128xf32, #tpu.memory_space<vmem>>, vector<16xf32>,
        tpu.vector_store %arg16[%swap3A_1173, %swap3A_1174], %mul3A_1172 {strides = array<i32>} : memref<128x128xf32, #tpu.memory_space<vmem>>, vector<16xf32>,
        %mul3A_1176 = arith.mulf %unpack3A_1171, %gather3A : vector<16xf32>
        %swap3A_1177 = arith.index_cast %scan3A_1139 : i32 to index
        %swap3A_1178 = arith.constant 80 : index
        %swap3A_1179 = tpu.vector_load %arg16[%swap3A_1177, %swap3A_1178] {strides = array<i32>} : memref<128x128xf32, #tpu.memory_space<vmem>>, vector<16xf32>,
        tpu.vector_store %arg16[%swap3A_1177, %swap3A_1178], %mul3A_1176 {strides = array<i32>} : memref<128x128xf32, #tpu.memory_space<vmem>>, vector<16xf32>,
        %get3A_1180 = arith.index_cast %scan3A_1139 : i32 to index
        %get3A_1181 = arith.constant 96 : index
        %get3A_1182 = tpu.vector_load %arg14[%get3A_1180, %get3A_1181] {strides = array<i32>} : memref<128x128xbf16, #tpu.memory_space<vmem>>, vector<32xbf16>,
        %unpack3A_1183 = tpu.unpack_subelements %get3A_1182, 0 {pack_format = #tpu.pack_format<interleaved>} : vector<32xbf16> -> vector<16xf32>
        %unpack3A_1184 = tpu.unpack_subelements %get3A_1182, 1 {pack_format = #tpu.pack_format<interleaved>} : vector<32xbf16> -> vector<16xf32>
        %mul3A_1185 = arith.mulf %unpack3A_1183, %gather3A : vector<16xf32>
        %swap3A_1186 = arith.index_cast %scan3A_1139 : i32 to index
        %swap3A_1187 = arith.constant 96 : index
        %swap3A_1188 = tpu.vector_load %arg16[%swap3A_1186, %swap3A_1187] {strides = array<i32>} : memref<128x128xf32, #tpu.memory_space<vmem>>, vector<16xf32>,
        tpu.vector_store %arg16[%swap3A_1186, %swap3A_1187], %mul3A_1185 {strides = array<i32>} : memref<128x128xf32, #tpu.memory_space<vmem>>, vector<16xf32>,
        %mul3A_1189 = arith.mulf %unpack3A_1184, %gather3A : vector<16xf32>
        %swap3A_1190 = arith.index_cast %scan3A_1139 : i32 to index
        %swap3A_1191 = arith.constant 112 : index
        %swap3A_1192 = tpu.vector_load %arg16[%swap3A_1190, %swap3A_1191] {strides = array<i32>} : memref<128x128xf32, #tpu.memory_space<vmem>>, vector<16xf32>,
        tpu.vector_store %arg16[%swap3A_1190, %swap3A_1191], %mul3A_1189 {strides = array<i32>} : memref<128x128xf32, #tpu.memory_space<vmem>>, vector<16xf32>,
        %scan3A_1193 = arith.constant 0 : i32
        scf.yield %scan3A_1193 : i32
      }
      %scan3A_371 = arith.constant 128 : i32
      %dma_start3A_372 = arith.constant 1 : i32
      %dma_start3A_373 = arith.constant 0 : i32
      %dma_start3A_374 = tpu.memref_slice %arg10[%dma_start3A_372, %dma_start3A_373] : memref<2x128xi32, #tpu.memory_space<vmem>> -> memref<1x128xi32, #tpu.memory_space<vmem>>
      %dma_start3A_375 = tpu.memref_squeeze %dma_start3A_374 : memref<1x128xi32, #tpu.memory_space<vmem>> -> memref<128xi32, #tpu.memory_space<vmem>>
      %dma_start3A_376 = arith.constant 0 : i32
      %dma_start3A_377 = arith.constant 0 : i32
      %dma_start3A_378 = tpu.memref_slice %arg23[%dma_start3A_376, %dma_start3A_377] : memref<10240x128xf32, #tpu.memory_space<vmem_shared>> -> memref<10240x128xf32, #tpu.memory_space<vmem_shared>>
      tpu.enqueue_indirect_dma source(%arg16 : memref<128x128xf32, #tpu.memory_space<vmem>>) target(%dma_start3A_378 : memref<10240x128xf32, #tpu.memory_space<vmem_shared>>) offsets(%dma_start3A_375 : memref<128xi32, #tpu.memory_space<vmem>>) semaphore(%arg31 : memref<!tpu.dma_semaphore, #tpu.memory_space<semaphore_mem>>) {add = true}
      %mul3A_379 = arith.constant 4 : i32
      %mul3A_380 = arith.muli %while3A_131, %mul3A_379 : i32
      %add3A_381 = arith.constant 1 : i32
      %add3A_382 = arith.addi %mul3A_380, %add3A_381 : i32
      %sub3A_383 = arith.constant 1 : i32
      %sub3A_384 = arith.subi %select_n3A, %sub3A_383 : i32
      %lt3A_385 = arith.cmpi slt, %add3A_382, %sub3A_384 : i32
      %convert_element_type3A_386 = arith.extui %lt3A_385 : i1 to i32
      %cond3A_387 = arith.constant 0 : i32
      %cond3A_388 = arith.cmpi ne, %convert_element_type3A_386, %cond3A_387 : i32
      scf.if %cond3A_388 {
        %add3A_1139 = arith.constant 1 : i32
        %add3A_1140 = arith.addi %add3A_382, %add3A_1139 : i32
        %add3A_1141 = arith.addi %select_n3A_50, %add3A_1140 : i32
        %mul3A_1142 = arith.constant 2 : i32
        %mul3A_1143 = arith.muli %add3A_1141, %mul3A_1142 : i32
        "tpu.region"() ({
          %run_scoped3A = tpu.sem_alloc : memref<!tpu.dma_semaphore, #tpu.memory_space<semaphore_mem>>
          %dma_start3A_1163 = arith.constant 0 : i32
          %dma_start3A_1164 = tpu.memref_slice %arg6[%mul3A_1143, %dma_start3A_1163] : memref<5120x128xi32, #tpu.memory_space<hbm>> -> memref<2x128xi32, #tpu.memory_space<hbm>>
          %dma_start3A_1165 = arith.constant 0 : i32
          %dma_start3A_1166 = tpu.memref_slice %arg6[%mul3A_1143, %dma_start3A_1165] : memref<5120x128xi32, #tpu.memory_space<hbm>> -> memref<2x128xi32, #tpu.memory_space<hbm>>
          tpu.enqueue_dma source(%dma_start3A_1166 : memref<2x128xi32, #tpu.memory_space<hbm>>) target(%arg12 : memref<2x128xi32, #tpu.memory_space<vmem>>) target_semaphore(%run_scoped3A : memref<!tpu.dma_semaphore, #tpu.memory_space<semaphore_mem>>)
          %dma_wait3A_1167 = arith.constant 0 : i32
          %dma_wait3A_1168 = tpu.memref_slice %arg6[%mul3A_1143, %dma_wait3A_1167] : memref<5120x128xi32, #tpu.memory_space<hbm>> -> memref<2x128xi32, #tpu.memory_space<hbm>>
          %dma_wait3A_1169 = arith.constant 0 : i32
          %dma_wait3A_1170 = tpu.memref_slice %arg6[%mul3A_1143, %dma_wait3A_1169] : memref<5120x128xi32, #tpu.memory_space<hbm>> -> memref<2x128xi32, #tpu.memory_space<hbm>>
          tpu.wait_dma2 semaphore(%run_scoped3A : memref<!tpu.dma_semaphore, #tpu.memory_space<semaphore_mem>>) src(%dma_wait3A_1170 : memref<2x128xi32, #tpu.memory_space<hbm>>) dst(%arg12 : memref<2x128xi32, #tpu.memory_space<vmem>>)
          tpu.yield
        }) : () -> ()
        %dma_start3A_1144 = arith.constant 0 : i32
        %dma_start3A_1145 = arith.constant 0 : i32
        %dma_start3A_1146 = tpu.memref_slice %arg12[%dma_start3A_1144, %dma_start3A_1145] : memref<2x128xi32, #tpu.memory_space<vmem>> -> memref<1x128xi32, #tpu.memory_space<vmem>>
        %dma_start3A_1147 = tpu.memref_squeeze %dma_start3A_1146 : memref<1x128xi32, #tpu.memory_space<vmem>> -> memref<128xi32, #tpu.memory_space<vmem>>
        %dma_start3A_1148 = arith.constant 0 : i32
        %dma_start3A_1149 = arith.constant 0 : i32
        %dma_start3A_1150 = tpu.memref_slice %arg2[%dma_start3A_1148, %dma_start3A_1149] : memref<10240x128xbf16, #tpu.memory_space<hbm>> -> memref<10240x128xbf16, #tpu.memory_space<hbm>>
        tpu.enqueue_indirect_dma source(%dma_start3A_1150 : memref<10240x128xbf16, #tpu.memory_space<hbm>>) target(%arg14 : memref<128x128xbf16, #tpu.memory_space<vmem>>) offsets(%dma_start3A_1147 : memref<128xi32, #tpu.memory_space<vmem>>) semaphore(%arg25 : memref<!tpu.dma_semaphore, #tpu.memory_space<semaphore_mem>>)
        %dma_start3A_1151 = arith.constant 0 : i32
        %dma_start3A_1152 = arith.constant 0 : i32
        %dma_start3A_1153 = tpu.memref_slice %arg12[%dma_start3A_1151, %dma_start3A_1152] : memref<2x128xi32, #tpu.memory_space<vmem>> -> memref<1x128xi32, #tpu.memory_space<vmem>>
        %dma_start3A_1154 = tpu.memref_squeeze %dma_start3A_1153 : memref<1x128xi32, #tpu.memory_space<vmem>> -> memref<128xi32, #tpu.memory_space<vmem>>
        %dma_start3A_1155 = arith.constant 0 : i32
        %dma_start3A_1156 = tpu.memref_slice %arg3[%dma_start3A_1155] : memref<10240xf32, #tpu.memory_space<hbm>> -> memref<10240xf32, #tpu.memory_space<hbm>>
        tpu.enqueue_indirect_dma source(%dma_start3A_1156 : memref<10240xf32, #tpu.memory_space<hbm>>) target(%arg17 : memref<128xf32, #tpu.memory_space<vmem>>) offsets(%dma_start3A_1154 : memref<128xi32, #tpu.memory_space<vmem>>) semaphore(%arg27 : memref<!tpu.dma_semaphore, #tpu.memory_space<semaphore_mem>>)
        %dma_start3A_1157 = arith.constant 1 : i32
        %dma_start3A_1158 = arith.constant 0 : i32
        %dma_start3A_1159 = tpu.memref_slice %arg12[%dma_start3A_1157, %dma_start3A_1158] : memref<2x128xi32, #tpu.memory_space<vmem>> -> memref<1x128xi32, #tpu.memory_space<vmem>>
        %dma_start3A_1160 = tpu.memref_squeeze %dma_start3A_1159 : memref<1x128xi32, #tpu.memory_space<vmem>> -> memref<128xi32, #tpu.memory_space<vmem>>
        %dma_start3A_1161 = arith.constant 0 : i32
        %dma_start3A_1162 = tpu.memref_slice %arg4[%dma_start3A_1161] : memref<10240xf32, #tpu.memory_space<hbm>> -> memref<10240xf32, #tpu.memory_space<hbm>>
        tpu.enqueue_indirect_dma source(%dma_start3A_1162 : memref<10240xf32, #tpu.memory_space<hbm>>) target(%arg19 : memref<128xf32, #tpu.memory_space<vmem>>) offsets(%dma_start3A_1160 : memref<128xi32, #tpu.memory_space<vmem>>) semaphore(%arg29 : memref<!tpu.dma_semaphore, #tpu.memory_space<semaphore_mem>>)
      } else {
      }
      %get3A_389 = arith.constant 0 : index
      %get3A_390 = tpu.vector_load %arg9[%get3A_389] {strides = array<i32>} : memref<16xf32, #tpu.memory_space<vmem>>, vector<16xf32>,
      %dma_wait3A_391 = arith.constant 0 : i32
      %dma_wait3A_392 = arith.constant 0 : i32
      %dma_wait3A_393 = tpu.memref_slice %arg11[%dma_wait3A_391, %dma_wait3A_392] : memref<2x128xi32, #tpu.memory_space<vmem>> -> memref<1x128xi32, #tpu.memory_space<vmem>>
      %dma_wait3A_394 = tpu.memref_squeeze %dma_wait3A_393 : memref<1x128xi32, #tpu.memory_space<vmem>> -> memref<128xi32, #tpu.memory_space<vmem>>
      %dma_wait3A_395 = arith.constant 0 : i32
      %dma_wait3A_396 = tpu.memref_slice %arg3[%dma_wait3A_395] : memref<10240xf32, #tpu.memory_space<hbm>> -> memref<10240xf32, #tpu.memory_space<hbm>>
      tpu.wait_indirect_dma semaphore(%arg28 : memref<!tpu.dma_semaphore, #tpu.memory_space<semaphore_mem>>) src(%dma_wait3A_396 : memref<10240xf32, #tpu.memory_space<hbm>>) dst(%arg18 : memref<128xf32, #tpu.memory_space<vmem>>)
      %dma_wait3A_397 = arith.constant 1 : i32
      %dma_wait3A_398 = arith.constant 0 : i32
      %dma_wait3A_399 = tpu.memref_slice %arg11[%dma_wait3A_397, %dma_wait3A_398] : memref<2x128xi32, #tpu.memory_space<vmem>> -> memref<1x128xi32, #tpu.memory_space<vmem>>
      %dma_wait3A_400 = tpu.memref_squeeze %dma_wait3A_399 : memref<1x128xi32, #tpu.memory_space<vmem>> -> memref<128xi32, #tpu.memory_space<vmem>>
      %dma_wait3A_401 = arith.constant 0 : i32
      %dma_wait3A_402 = tpu.memref_slice %arg4[%dma_wait3A_401] : memref<10240xf32, #tpu.memory_space<hbm>> -> memref<10240xf32, #tpu.memory_space<hbm>>
      tpu.wait_indirect_dma semaphore(%arg30 : memref<!tpu.dma_semaphore, #tpu.memory_space<semaphore_mem>>) src(%dma_wait3A_402 : memref<10240xf32, #tpu.memory_space<hbm>>) dst(%arg20 : memref<128xf32, #tpu.memory_space<vmem>>)
      %ge3A_403 = arith.constant 2 : i32
      %ge3A_404 = arith.cmpi sge, %add3A_382, %ge3A_403 : i32
      %convert_element_type3A_405 = arith.extui %ge3A_404 : i1 to i32
      %cond3A_406 = arith.constant 0 : i32
      %cond3A_407 = arith.cmpi ne, %convert_element_type3A_405, %cond3A_406 : i32
      scf.if %cond3A_407 {
        %dma_wait3A_1139 = arith.constant 1 : i32
        %dma_wait3A_1140 = arith.constant 0 : i32
        %dma_wait3A_1141 = tpu.memref_slice %arg13[%dma_wait3A_1139, %dma_wait3A_1140] : memref<2x128xi32, #tpu.memory_space<vmem>> -> memref<1x128xi32, #tpu.memory_space<vmem>>
        %dma_wait3A_1142 = tpu.memref_squeeze %dma_wait3A_1141 : memref<1x128xi32, #tpu.memory_space<vmem>> -> memref<128xi32, #tpu.memory_space<vmem>>
        %dma_wait3A_1143 = arith.constant 0 : i32
        %dma_wait3A_1144 = tpu.memref_slice %arg24[%dma_wait3A_1143] : memref<10240xf32, #tpu.memory_space<vmem_shared>> -> memref<10240xf32, #tpu.memory_space<vmem_shared>>
        tpu.wait_indirect_dma semaphore(%arg33 : memref<!tpu.dma_semaphore, #tpu.memory_space<semaphore_mem>>) src(%arg22 : memref<128xf32, #tpu.memory_space<vmem>>) dst(%dma_wait3A_1144 : memref<10240xf32, #tpu.memory_space<vmem_shared>>)
      } else {
      }
      %get3A_408 = arith.constant 0 : index
      %get3A_409 = tpu.vector_load %arg18[%get3A_408] {strides = array<i32>} : memref<128xf32, #tpu.memory_space<vmem>>, vector<16xf32>,
      %get3A_410 = arith.constant 0 : index
      %get3A_411 = tpu.vector_load %arg20[%get3A_410] {strides = array<i32>} : memref<128xf32, #tpu.memory_space<vmem>>, vector<16xf32>,
      %add3A_412 = arith.addf %get3A_409, %get3A_411 : vector<16xf32>
      %gt3A_413 = arith.constant 0.000000e+00 : f32
      %gt3A_414 = vector.broadcast %gt3A_413 : f32 to vector<16xf32>
      %gt3A_415 = arith.cmpf ogt, %add3A_412, %gt3A_414 : vector<16xf32>
      %mul3A_416 = arith.constant 2.000000e-01 : f32
      %mul3A_417 = vector.broadcast %mul3A_416 : f32 to vector<16xf32>
      %mul3A_418 = arith.mulf %mul3A_417, %add3A_412 : vector<16xf32>
      %select_n3A_419 = arith.select %gt3A_415, %add3A_412, %mul3A_418 : vector<16xi1>, vector<16xf32>
      %add3A_420 = arith.addf %get3A_390, %get3A_411 : vector<16xf32>
      %gt3A_421 = arith.constant 0.000000e+00 : f32
      %gt3A_422 = vector.broadcast %gt3A_421 : f32 to vector<16xf32>
      %gt3A_423 = arith.cmpf ogt, %add3A_420, %gt3A_422 : vector<16xf32>
      %mul3A_424 = arith.constant 2.000000e-01 : f32
      %mul3A_425 = vector.broadcast %mul3A_424 : f32 to vector<16xf32>
      %mul3A_426 = arith.mulf %mul3A_425, %add3A_420 : vector<16xf32>
      %select_n3A_427 = arith.select %gt3A_423, %add3A_420, %mul3A_426 : vector<16xi1>, vector<16xf32>
      %sub3A_428 = arith.subf %select_n3A_419, %select_n3A_427 : vector<16xf32>
      %exp3A_429 = math.exp %sub3A_428 : vector<16xf32>
      %swap3A_430 = arith.constant 0 : index
      %swap3A_431 = tpu.vector_load %arg22[%swap3A_430] {strides = array<i32>} : memref<128xf32, #tpu.memory_space<vmem>>, vector<16xf32>,
      tpu.vector_store %arg22[%swap3A_430], %exp3A_429 {strides = array<i32>} : memref<128xf32, #tpu.memory_space<vmem>>, vector<16xf32>,
      %get3A_432 = arith.constant 16 : index
      %get3A_433 = tpu.vector_load %arg18[%get3A_432] {strides = array<i32>} : memref<128xf32, #tpu.memory_space<vmem>>, vector<16xf32>,
      %get3A_434 = arith.constant 16 : index
      %get3A_435 = tpu.vector_load %arg20[%get3A_434] {strides = array<i32>} : memref<128xf32, #tpu.memory_space<vmem>>, vector<16xf32>,
      %add3A_436 = arith.addf %get3A_433, %get3A_435 : vector<16xf32>
      %gt3A_437 = arith.constant 0.000000e+00 : f32
      %gt3A_438 = vector.broadcast %gt3A_437 : f32 to vector<16xf32>
      %gt3A_439 = arith.cmpf ogt, %add3A_436, %gt3A_438 : vector<16xf32>
      %mul3A_440 = arith.constant 2.000000e-01 : f32
      %mul3A_441 = vector.broadcast %mul3A_440 : f32 to vector<16xf32>
      %mul3A_442 = arith.mulf %mul3A_441, %add3A_436 : vector<16xf32>
      %select_n3A_443 = arith.select %gt3A_439, %add3A_436, %mul3A_442 : vector<16xi1>, vector<16xf32>
      %add3A_444 = arith.addf %get3A_390, %get3A_435 : vector<16xf32>
      %gt3A_445 = arith.constant 0.000000e+00 : f32
      %gt3A_446 = vector.broadcast %gt3A_445 : f32 to vector<16xf32>
      %gt3A_447 = arith.cmpf ogt, %add3A_444, %gt3A_446 : vector<16xf32>
      %mul3A_448 = arith.constant 2.000000e-01 : f32
      %mul3A_449 = vector.broadcast %mul3A_448 : f32 to vector<16xf32>
      %mul3A_450 = arith.mulf %mul3A_449, %add3A_444 : vector<16xf32>
      %select_n3A_451 = arith.select %gt3A_447, %add3A_444, %mul3A_450 : vector<16xi1>, vector<16xf32>
      %sub3A_452 = arith.subf %select_n3A_443, %select_n3A_451 : vector<16xf32>
      %exp3A_453 = math.exp %sub3A_452 : vector<16xf32>
      %swap3A_454 = arith.constant 16 : index
      %swap3A_455 = tpu.vector_load %arg22[%swap3A_454] {strides = array<i32>} : memref<128xf32, #tpu.memory_space<vmem>>, vector<16xf32>,
      tpu.vector_store %arg22[%swap3A_454], %exp3A_453 {strides = array<i32>} : memref<128xf32, #tpu.memory_space<vmem>>, vector<16xf32>,
      %get3A_456 = arith.constant 32 : index
      %get3A_457 = tpu.vector_load %arg18[%get3A_456] {strides = array<i32>} : memref<128xf32, #tpu.memory_space<vmem>>, vector<16xf32>,
      %get3A_458 = arith.constant 32 : index
      %get3A_459 = tpu.vector_load %arg20[%get3A_458] {strides = array<i32>} : memref<128xf32, #tpu.memory_space<vmem>>, vector<16xf32>,
      %add3A_460 = arith.addf %get3A_457, %get3A_459 : vector<16xf32>
      %gt3A_461 = arith.constant 0.000000e+00 : f32
      %gt3A_462 = vector.broadcast %gt3A_461 : f32 to vector<16xf32>
      %gt3A_463 = arith.cmpf ogt, %add3A_460, %gt3A_462 : vector<16xf32>
      %mul3A_464 = arith.constant 2.000000e-01 : f32
      %mul3A_465 = vector.broadcast %mul3A_464 : f32 to vector<16xf32>
      %mul3A_466 = arith.mulf %mul3A_465, %add3A_460 : vector<16xf32>
      %select_n3A_467 = arith.select %gt3A_463, %add3A_460, %mul3A_466 : vector<16xi1>, vector<16xf32>
      %add3A_468 = arith.addf %get3A_390, %get3A_459 : vector<16xf32>
      %gt3A_469 = arith.constant 0.000000e+00 : f32
      %gt3A_470 = vector.broadcast %gt3A_469 : f32 to vector<16xf32>
      %gt3A_471 = arith.cmpf ogt, %add3A_468, %gt3A_470 : vector<16xf32>
      %mul3A_472 = arith.constant 2.000000e-01 : f32
      %mul3A_473 = vector.broadcast %mul3A_472 : f32 to vector<16xf32>
      %mul3A_474 = arith.mulf %mul3A_473, %add3A_468 : vector<16xf32>
      %select_n3A_475 = arith.select %gt3A_471, %add3A_468, %mul3A_474 : vector<16xi1>, vector<16xf32>
      %sub3A_476 = arith.subf %select_n3A_467, %select_n3A_475 : vector<16xf32>
      %exp3A_477 = math.exp %sub3A_476 : vector<16xf32>
      %swap3A_478 = arith.constant 32 : index
      %swap3A_479 = tpu.vector_load %arg22[%swap3A_478] {strides = array<i32>} : memref<128xf32, #tpu.memory_space<vmem>>, vector<16xf32>,
      tpu.vector_store %arg22[%swap3A_478], %exp3A_477 {strides = array<i32>} : memref<128xf32, #tpu.memory_space<vmem>>, vector<16xf32>,
      %get3A_480 = arith.constant 48 : index
      %get3A_481 = tpu.vector_load %arg18[%get3A_480] {strides = array<i32>} : memref<128xf32, #tpu.memory_space<vmem>>, vector<16xf32>,
      %get3A_482 = arith.constant 48 : index
      %get3A_483 = tpu.vector_load %arg20[%get3A_482] {strides = array<i32>} : memref<128xf32, #tpu.memory_space<vmem>>, vector<16xf32>,
      %add3A_484 = arith.addf %get3A_481, %get3A_483 : vector<16xf32>
      %gt3A_485 = arith.constant 0.000000e+00 : f32
      %gt3A_486 = vector.broadcast %gt3A_485 : f32 to vector<16xf32>
      %gt3A_487 = arith.cmpf ogt, %add3A_484, %gt3A_486 : vector<16xf32>
      %mul3A_488 = arith.constant 2.000000e-01 : f32
      %mul3A_489 = vector.broadcast %mul3A_488 : f32 to vector<16xf32>
      %mul3A_490 = arith.mulf %mul3A_489, %add3A_484 : vector<16xf32>
      %select_n3A_491 = arith.select %gt3A_487, %add3A_484, %mul3A_490 : vector<16xi1>, vector<16xf32>
      %add3A_492 = arith.addf %get3A_390, %get3A_483 : vector<16xf32>
      %gt3A_493 = arith.constant 0.000000e+00 : f32
      %gt3A_494 = vector.broadcast %gt3A_493 : f32 to vector<16xf32>
      %gt3A_495 = arith.cmpf ogt, %add3A_492, %gt3A_494 : vector<16xf32>
      %mul3A_496 = arith.constant 2.000000e-01 : f32
      %mul3A_497 = vector.broadcast %mul3A_496 : f32 to vector<16xf32>
      %mul3A_498 = arith.mulf %mul3A_497, %add3A_492 : vector<16xf32>
      %select_n3A_499 = arith.select %gt3A_495, %add3A_492, %mul3A_498 : vector<16xi1>, vector<16xf32>
      %sub3A_500 = arith.subf %select_n3A_491, %select_n3A_499 : vector<16xf32>
      %exp3A_501 = math.exp %sub3A_500 : vector<16xf32>
      %swap3A_502 = arith.constant 48 : index
      %swap3A_503 = tpu.vector_load %arg22[%swap3A_502] {strides = array<i32>} : memref<128xf32, #tpu.memory_space<vmem>>, vector<16xf32>,
      tpu.vector_store %arg22[%swap3A_502], %exp3A_501 {strides = array<i32>} : memref<128xf32, #tpu.memory_space<vmem>>, vector<16xf32>,
      %get3A_504 = arith.constant 64 : index
      %get3A_505 = tpu.vector_load %arg18[%get3A_504] {strides = array<i32>} : memref<128xf32, #tpu.memory_space<vmem>>, vector<16xf32>,
      %get3A_506 = arith.constant 64 : index
      %get3A_507 = tpu.vector_load %arg20[%get3A_506] {strides = array<i32>} : memref<128xf32, #tpu.memory_space<vmem>>, vector<16xf32>,
      %add3A_508 = arith.addf %get3A_505, %get3A_507 : vector<16xf32>
      %gt3A_509 = arith.constant 0.000000e+00 : f32
      %gt3A_510 = vector.broadcast %gt3A_509 : f32 to vector<16xf32>
      %gt3A_511 = arith.cmpf ogt, %add3A_508, %gt3A_510 : vector<16xf32>
      %mul3A_512 = arith.constant 2.000000e-01 : f32
      %mul3A_513 = vector.broadcast %mul3A_512 : f32 to vector<16xf32>
      %mul3A_514 = arith.mulf %mul3A_513, %add3A_508 : vector<16xf32>
      %select_n3A_515 = arith.select %gt3A_511, %add3A_508, %mul3A_514 : vector<16xi1>, vector<16xf32>
      %add3A_516 = arith.addf %get3A_390, %get3A_507 : vector<16xf32>
      %gt3A_517 = arith.constant 0.000000e+00 : f32
      %gt3A_518 = vector.broadcast %gt3A_517 : f32 to vector<16xf32>
      %gt3A_519 = arith.cmpf ogt, %add3A_516, %gt3A_518 : vector<16xf32>
      %mul3A_520 = arith.constant 2.000000e-01 : f32
      %mul3A_521 = vector.broadcast %mul3A_520 : f32 to vector<16xf32>
      %mul3A_522 = arith.mulf %mul3A_521, %add3A_516 : vector<16xf32>
      %select_n3A_523 = arith.select %gt3A_519, %add3A_516, %mul3A_522 : vector<16xi1>, vector<16xf32>
      %sub3A_524 = arith.subf %select_n3A_515, %select_n3A_523 : vector<16xf32>
      %exp3A_525 = math.exp %sub3A_524 : vector<16xf32>
      %swap3A_526 = arith.constant 64 : index
      %swap3A_527 = tpu.vector_load %arg22[%swap3A_526] {strides = array<i32>} : memref<128xf32, #tpu.memory_space<vmem>>, vector<16xf32>,
      tpu.vector_store %arg22[%swap3A_526], %exp3A_525 {strides = array<i32>} : memref<128xf32, #tpu.memory_space<vmem>>, vector<16xf32>,
      %get3A_528 = arith.constant 80 : index
      %get3A_529 = tpu.vector_load %arg18[%get3A_528] {strides = array<i32>} : memref<128xf32, #tpu.memory_space<vmem>>, vector<16xf32>,
      %get3A_530 = arith.constant 80 : index
      %get3A_531 = tpu.vector_load %arg20[%get3A_530] {strides = array<i32>} : memref<128xf32, #tpu.memory_space<vmem>>, vector<16xf32>,
      %add3A_532 = arith.addf %get3A_529, %get3A_531 : vector<16xf32>
      %gt3A_533 = arith.constant 0.000000e+00 : f32
      %gt3A_534 = vector.broadcast %gt3A_533 : f32 to vector<16xf32>
      %gt3A_535 = arith.cmpf ogt, %add3A_532, %gt3A_534 : vector<16xf32>
      %mul3A_536 = arith.constant 2.000000e-01 : f32
      %mul3A_537 = vector.broadcast %mul3A_536 : f32 to vector<16xf32>
      %mul3A_538 = arith.mulf %mul3A_537, %add3A_532 : vector<16xf32>
      %select_n3A_539 = arith.select %gt3A_535, %add3A_532, %mul3A_538 : vector<16xi1>, vector<16xf32>
      %add3A_540 = arith.addf %get3A_390, %get3A_531 : vector<16xf32>
      %gt3A_541 = arith.constant 0.000000e+00 : f32
      %gt3A_542 = vector.broadcast %gt3A_541 : f32 to vector<16xf32>
      %gt3A_543 = arith.cmpf ogt, %add3A_540, %gt3A_542 : vector<16xf32>
      %mul3A_544 = arith.constant 2.000000e-01 : f32
      %mul3A_545 = vector.broadcast %mul3A_544 : f32 to vector<16xf32>
      %mul3A_546 = arith.mulf %mul3A_545, %add3A_540 : vector<16xf32>
      %select_n3A_547 = arith.select %gt3A_543, %add3A_540, %mul3A_546 : vector<16xi1>, vector<16xf32>
      %sub3A_548 = arith.subf %select_n3A_539, %select_n3A_547 : vector<16xf32>
      %exp3A_549 = math.exp %sub3A_548 : vector<16xf32>
      %swap3A_550 = arith.constant 80 : index
      %swap3A_551 = tpu.vector_load %arg22[%swap3A_550] {strides = array<i32>} : memref<128xf32, #tpu.memory_space<vmem>>, vector<16xf32>,
      tpu.vector_store %arg22[%swap3A_550], %exp3A_549 {strides = array<i32>} : memref<128xf32, #tpu.memory_space<vmem>>, vector<16xf32>,
      %get3A_552 = arith.constant 96 : index
      %get3A_553 = tpu.vector_load %arg18[%get3A_552] {strides = array<i32>} : memref<128xf32, #tpu.memory_space<vmem>>, vector<16xf32>,
      %get3A_554 = arith.constant 96 : index
      %get3A_555 = tpu.vector_load %arg20[%get3A_554] {strides = array<i32>} : memref<128xf32, #tpu.memory_space<vmem>>, vector<16xf32>,
      %add3A_556 = arith.addf %get3A_553, %get3A_555 : vector<16xf32>
      %gt3A_557 = arith.constant 0.000000e+00 : f32
      %gt3A_558 = vector.broadcast %gt3A_557 : f32 to vector<16xf32>
      %gt3A_559 = arith.cmpf ogt, %add3A_556, %gt3A_558 : vector<16xf32>
      %mul3A_560 = arith.constant 2.000000e-01 : f32
      %mul3A_561 = vector.broadcast %mul3A_560 : f32 to vector<16xf32>
      %mul3A_562 = arith.mulf %mul3A_561, %add3A_556 : vector<16xf32>
      %select_n3A_563 = arith.select %gt3A_559, %add3A_556, %mul3A_562 : vector<16xi1>, vector<16xf32>
      %add3A_564 = arith.addf %get3A_390, %get3A_555 : vector<16xf32>
      %gt3A_565 = arith.constant 0.000000e+00 : f32
      %gt3A_566 = vector.broadcast %gt3A_565 : f32 to vector<16xf32>
      %gt3A_567 = arith.cmpf ogt, %add3A_564, %gt3A_566 : vector<16xf32>
      %mul3A_568 = arith.constant 2.000000e-01 : f32
      %mul3A_569 = vector.broadcast %mul3A_568 : f32 to vector<16xf32>
      %mul3A_570 = arith.mulf %mul3A_569, %add3A_564 : vector<16xf32>
      %select_n3A_571 = arith.select %gt3A_567, %add3A_564, %mul3A_570 : vector<16xi1>, vector<16xf32>
      %sub3A_572 = arith.subf %select_n3A_563, %select_n3A_571 : vector<16xf32>
      %exp3A_573 = math.exp %sub3A_572 : vector<16xf32>
      %swap3A_574 = arith.constant 96 : index
      %swap3A_575 = tpu.vector_load %arg22[%swap3A_574] {strides = array<i32>} : memref<128xf32, #tpu.memory_space<vmem>>, vector<16xf32>,
      tpu.vector_store %arg22[%swap3A_574], %exp3A_573 {strides = array<i32>} : memref<128xf32, #tpu.memory_space<vmem>>, vector<16xf32>,
      %get3A_576 = arith.constant 112 : index
      %get3A_577 = tpu.vector_load %arg18[%get3A_576] {strides = array<i32>} : memref<128xf32, #tpu.memory_space<vmem>>, vector<16xf32>,
      %get3A_578 = arith.constant 112 : index
      %get3A_579 = tpu.vector_load %arg20[%get3A_578] {strides = array<i32>} : memref<128xf32, #tpu.memory_space<vmem>>, vector<16xf32>,
      %add3A_580 = arith.addf %get3A_577, %get3A_579 : vector<16xf32>
      %gt3A_581 = arith.constant 0.000000e+00 : f32
      %gt3A_582 = vector.broadcast %gt3A_581 : f32 to vector<16xf32>
      %gt3A_583 = arith.cmpf ogt, %add3A_580, %gt3A_582 : vector<16xf32>
      %mul3A_584 = arith.constant 2.000000e-01 : f32
      %mul3A_585 = vector.broadcast %mul3A_584 : f32 to vector<16xf32>
      %mul3A_586 = arith.mulf %mul3A_585, %add3A_580 : vector<16xf32>
      %select_n3A_587 = arith.select %gt3A_583, %add3A_580, %mul3A_586 : vector<16xi1>, vector<16xf32>
      %add3A_588 = arith.addf %get3A_390, %get3A_579 : vector<16xf32>
      %gt3A_589 = arith.constant 0.000000e+00 : f32
      %gt3A_590 = vector.broadcast %gt3A_589 : f32 to vector<16xf32>
      %gt3A_591 = arith.cmpf ogt, %add3A_588, %gt3A_590 : vector<16xf32>
      %mul3A_592 = arith.constant 2.000000e-01 : f32
      %mul3A_593 = vector.broadcast %mul3A_592 : f32 to vector<16xf32>
      %mul3A_594 = arith.mulf %mul3A_593, %add3A_588 : vector<16xf32>
      %select_n3A_595 = arith.select %gt3A_591, %add3A_588, %mul3A_594 : vector<16xi1>, vector<16xf32>
      %sub3A_596 = arith.subf %select_n3A_587, %select_n3A_595 : vector<16xf32>
      %exp3A_597 = math.exp %sub3A_596 : vector<16xf32>
      %swap3A_598 = arith.constant 112 : index
      %swap3A_599 = tpu.vector_load %arg22[%swap3A_598] {strides = array<i32>} : memref<128xf32, #tpu.memory_space<vmem>>, vector<16xf32>,
      tpu.vector_store %arg22[%swap3A_598], %exp3A_597 {strides = array<i32>} : memref<128xf32, #tpu.memory_space<vmem>>, vector<16xf32>,
      %dma_start3A_600 = arith.constant 1 : i32
      %dma_start3A_601 = arith.constant 0 : i32
      %dma_start3A_602 = tpu.memref_slice %arg11[%dma_start3A_600, %dma_start3A_601] : memref<2x128xi32, #tpu.memory_space<vmem>> -> memref<1x128xi32, #tpu.memory_space<vmem>>
      %dma_start3A_603 = tpu.memref_squeeze %dma_start3A_602 : memref<1x128xi32, #tpu.memory_space<vmem>> -> memref<128xi32, #tpu.memory_space<vmem>>
      %dma_start3A_604 = arith.constant 0 : i32
      %dma_start3A_605 = tpu.memref_slice %arg24[%dma_start3A_604] : memref<10240xf32, #tpu.memory_space<vmem_shared>> -> memref<10240xf32, #tpu.memory_space<vmem_shared>>
      tpu.enqueue_indirect_dma source(%arg22 : memref<128xf32, #tpu.memory_space<vmem>>) target(%dma_start3A_605 : memref<10240xf32, #tpu.memory_space<vmem_shared>>) offsets(%dma_start3A_603 : memref<128xi32, #tpu.memory_space<vmem>>) semaphore(%arg33 : memref<!tpu.dma_semaphore, #tpu.memory_space<semaphore_mem>>) {add = true}
      %ge3A_606 = arith.constant 1 : i32
      %ge3A_607 = arith.cmpi sge, %add3A_382, %ge3A_606 : i32
      %convert_element_type3A_608 = arith.extui %ge3A_607 : i1 to i32
      %cond3A_609 = arith.constant 0 : i32
      %cond3A_610 = arith.cmpi ne, %convert_element_type3A_608, %cond3A_609 : i32
      scf.if %cond3A_610 {
        %dma_wait3A_1139 = arith.constant 1 : i32
        %dma_wait3A_1140 = arith.constant 0 : i32
        %dma_wait3A_1141 = tpu.memref_slice %arg10[%dma_wait3A_1139, %dma_wait3A_1140] : memref<2x128xi32, #tpu.memory_space<vmem>> -> memref<1x128xi32, #tpu.memory_space<vmem>>
        %dma_wait3A_1142 = tpu.memref_squeeze %dma_wait3A_1141 : memref<1x128xi32, #tpu.memory_space<vmem>> -> memref<128xi32, #tpu.memory_space<vmem>>
        %dma_wait3A_1143 = arith.constant 0 : i32
        %dma_wait3A_1144 = arith.constant 0 : i32
        %dma_wait3A_1145 = tpu.memref_slice %arg23[%dma_wait3A_1143, %dma_wait3A_1144] : memref<10240x128xf32, #tpu.memory_space<vmem_shared>> -> memref<10240x128xf32, #tpu.memory_space<vmem_shared>>
        tpu.wait_indirect_dma semaphore(%arg31 : memref<!tpu.dma_semaphore, #tpu.memory_space<semaphore_mem>>) src(%arg16 : memref<128x128xf32, #tpu.memory_space<vmem>>) dst(%dma_wait3A_1145 : memref<10240x128xf32, #tpu.memory_space<vmem_shared>>)
      } else {
      }
      %dma_wait3A_611 = arith.constant 0 : i32
      %dma_wait3A_612 = arith.constant 0 : i32
      %dma_wait3A_613 = tpu.memref_slice %arg11[%dma_wait3A_611, %dma_wait3A_612] : memref<2x128xi32, #tpu.memory_space<vmem>> -> memref<1x128xi32, #tpu.memory_space<vmem>>
      %dma_wait3A_614 = tpu.memref_squeeze %dma_wait3A_613 : memref<1x128xi32, #tpu.memory_space<vmem>> -> memref<128xi32, #tpu.memory_space<vmem>>
      %dma_wait3A_615 = arith.constant 0 : i32
      %dma_wait3A_616 = arith.constant 0 : i32
      %dma_wait3A_617 = tpu.memref_slice %arg2[%dma_wait3A_615, %dma_wait3A_616] : memref<10240x128xbf16, #tpu.memory_space<hbm>> -> memref<10240x128xbf16, #tpu.memory_space<hbm>>
      tpu.wait_indirect_dma semaphore(%arg26 : memref<!tpu.dma_semaphore, #tpu.memory_space<semaphore_mem>>) src(%dma_wait3A_617 : memref<10240x128xbf16, #tpu.memory_space<hbm>>) dst(%arg15 : memref<128x128xbf16, #tpu.memory_space<vmem>>)
      %scan3A_618 = arith.constant 0 : i32
      %scan3A_619 = arith.constant 0 : i32
      %scan3A_620 = arith.constant 128 : i32
      %scan3A_621 = arith.addi %scan3A_619, %scan3A_620 : i32
      %scan3A_622 = arith.constant 1 : i32
      %scan3A_623 = scf.for %scan3A_1139 = %scan3A_619 to %scan3A_621 step %scan3A_622 iter_args(%scan3A_1140 = %scan3A_618) -> (i32)  : i32 {
        %broadcast_in_dim3A_1141 = vector.broadcast %scan3A_1139 : i32 to vector<16xi32>
        %gather3A = tpu.vector_load_idx %arg22[%broadcast_in_dim3A_1141] : memref<128xf32, #tpu.memory_space<vmem>>[vector<16xi32>], vector<16xf32>,
        %get3A_1142 = arith.index_cast %scan3A_1139 : i32 to index
        %get3A_1143 = arith.constant 0 : index
        %get3A_1144 = tpu.vector_load %arg15[%get3A_1142, %get3A_1143] {strides = array<i32>} : memref<128x128xbf16, #tpu.memory_space<vmem>>, vector<32xbf16>,
        %unpack3A = tpu.unpack_subelements %get3A_1144, 0 {pack_format = #tpu.pack_format<interleaved>} : vector<32xbf16> -> vector<16xf32>
        %unpack3A_1145 = tpu.unpack_subelements %get3A_1144, 1 {pack_format = #tpu.pack_format<interleaved>} : vector<32xbf16> -> vector<16xf32>
        %mul3A_1146 = arith.mulf %unpack3A, %gather3A : vector<16xf32>
        %swap3A_1147 = arith.index_cast %scan3A_1139 : i32 to index
        %swap3A_1148 = arith.constant 0 : index
        %swap3A_1149 = tpu.vector_load %arg16[%swap3A_1147, %swap3A_1148] {strides = array<i32>} : memref<128x128xf32, #tpu.memory_space<vmem>>, vector<16xf32>,
        tpu.vector_store %arg16[%swap3A_1147, %swap3A_1148], %mul3A_1146 {strides = array<i32>} : memref<128x128xf32, #tpu.memory_space<vmem>>, vector<16xf32>,
        %mul3A_1150 = arith.mulf %unpack3A_1145, %gather3A : vector<16xf32>
        %swap3A_1151 = arith.index_cast %scan3A_1139 : i32 to index
        %swap3A_1152 = arith.constant 16 : index
        %swap3A_1153 = tpu.vector_load %arg16[%swap3A_1151, %swap3A_1152] {strides = array<i32>} : memref<128x128xf32, #tpu.memory_space<vmem>>, vector<16xf32>,
        tpu.vector_store %arg16[%swap3A_1151, %swap3A_1152], %mul3A_1150 {strides = array<i32>} : memref<128x128xf32, #tpu.memory_space<vmem>>, vector<16xf32>,
        %get3A_1154 = arith.index_cast %scan3A_1139 : i32 to index
        %get3A_1155 = arith.constant 32 : index
        %get3A_1156 = tpu.vector_load %arg15[%get3A_1154, %get3A_1155] {strides = array<i32>} : memref<128x128xbf16, #tpu.memory_space<vmem>>, vector<32xbf16>,
        %unpack3A_1157 = tpu.unpack_subelements %get3A_1156, 0 {pack_format = #tpu.pack_format<interleaved>} : vector<32xbf16> -> vector<16xf32>
        %unpack3A_1158 = tpu.unpack_subelements %get3A_1156, 1 {pack_format = #tpu.pack_format<interleaved>} : vector<32xbf16> -> vector<16xf32>
        %mul3A_1159 = arith.mulf %unpack3A_1157, %gather3A : vector<16xf32>
        %swap3A_1160 = arith.index_cast %scan3A_1139 : i32 to index
        %swap3A_1161 = arith.constant 32 : index
        %swap3A_1162 = tpu.vector_load %arg16[%swap3A_1160, %swap3A_1161] {strides = array<i32>} : memref<128x128xf32, #tpu.memory_space<vmem>>, vector<16xf32>,
        tpu.vector_store %arg16[%swap3A_1160, %swap3A_1161], %mul3A_1159 {strides = array<i32>} : memref<128x128xf32, #tpu.memory_space<vmem>>, vector<16xf32>,
        %mul3A_1163 = arith.mulf %unpack3A_1158, %gather3A : vector<16xf32>
        %swap3A_1164 = arith.index_cast %scan3A_1139 : i32 to index
        %swap3A_1165 = arith.constant 48 : index
        %swap3A_1166 = tpu.vector_load %arg16[%swap3A_1164, %swap3A_1165] {strides = array<i32>} : memref<128x128xf32, #tpu.memory_space<vmem>>, vector<16xf32>,
        tpu.vector_store %arg16[%swap3A_1164, %swap3A_1165], %mul3A_1163 {strides = array<i32>} : memref<128x128xf32, #tpu.memory_space<vmem>>, vector<16xf32>,
        %get3A_1167 = arith.index_cast %scan3A_1139 : i32 to index
        %get3A_1168 = arith.constant 64 : index
        %get3A_1169 = tpu.vector_load %arg15[%get3A_1167, %get3A_1168] {strides = array<i32>} : memref<128x128xbf16, #tpu.memory_space<vmem>>, vector<32xbf16>,
        %unpack3A_1170 = tpu.unpack_subelements %get3A_1169, 0 {pack_format = #tpu.pack_format<interleaved>} : vector<32xbf16> -> vector<16xf32>
        %unpack3A_1171 = tpu.unpack_subelements %get3A_1169, 1 {pack_format = #tpu.pack_format<interleaved>} : vector<32xbf16> -> vector<16xf32>
        %mul3A_1172 = arith.mulf %unpack3A_1170, %gather3A : vector<16xf32>
        %swap3A_1173 = arith.index_cast %scan3A_1139 : i32 to index
        %swap3A_1174 = arith.constant 64 : index
        %swap3A_1175 = tpu.vector_load %arg16[%swap3A_1173, %swap3A_1174] {strides = array<i32>} : memref<128x128xf32, #tpu.memory_space<vmem>>, vector<16xf32>,
        tpu.vector_store %arg16[%swap3A_1173, %swap3A_1174], %mul3A_1172 {strides = array<i32>} : memref<128x128xf32, #tpu.memory_space<vmem>>, vector<16xf32>,
        %mul3A_1176 = arith.mulf %unpack3A_1171, %gather3A : vector<16xf32>
        %swap3A_1177 = arith.index_cast %scan3A_1139 : i32 to index
        %swap3A_1178 = arith.constant 80 : index
        %swap3A_1179 = tpu.vector_load %arg16[%swap3A_1177, %swap3A_1178] {strides = array<i32>} : memref<128x128xf32, #tpu.memory_space<vmem>>, vector<16xf32>,
        tpu.vector_store %arg16[%swap3A_1177, %swap3A_1178], %mul3A_1176 {strides = array<i32>} : memref<128x128xf32, #tpu.memory_space<vmem>>, vector<16xf32>,
        %get3A_1180 = arith.index_cast %scan3A_1139 : i32 to index
        %get3A_1181 = arith.constant 96 : index
        %get3A_1182 = tpu.vector_load %arg15[%get3A_1180, %get3A_1181] {strides = array<i32>} : memref<128x128xbf16, #tpu.memory_space<vmem>>, vector<32xbf16>,
        %unpack3A_1183 = tpu.unpack_subelements %get3A_1182, 0 {pack_format = #tpu.pack_format<interleaved>} : vector<32xbf16> -> vector<16xf32>
        %unpack3A_1184 = tpu.unpack_subelements %get3A_1182, 1 {pack_format = #tpu.pack_format<interleaved>} : vector<32xbf16> -> vector<16xf32>
        %mul3A_1185 = arith.mulf %unpack3A_1183, %gather3A : vector<16xf32>
        %swap3A_1186 = arith.index_cast %scan3A_1139 : i32 to index
        %swap3A_1187 = arith.constant 96 : index
        %swap3A_1188 = tpu.vector_load %arg16[%swap3A_1186, %swap3A_1187] {strides = array<i32>} : memref<128x128xf32, #tpu.memory_space<vmem>>, vector<16xf32>,
        tpu.vector_store %arg16[%swap3A_1186, %swap3A_1187], %mul3A_1185 {strides = array<i32>} : memref<128x128xf32, #tpu.memory_space<vmem>>, vector<16xf32>,
        %mul3A_1189 = arith.mulf %unpack3A_1184, %gather3A : vector<16xf32>
        %swap3A_1190 = arith.index_cast %scan3A_1139 : i32 to index
        %swap3A_1191 = arith.constant 112 : index
        %swap3A_1192 = tpu.vector_load %arg16[%swap3A_1190, %swap3A_1191] {strides = array<i32>} : memref<128x128xf32, #tpu.memory_space<vmem>>, vector<16xf32>,
        tpu.vector_store %arg16[%swap3A_1190, %swap3A_1191], %mul3A_1189 {strides = array<i32>} : memref<128x128xf32, #tpu.memory_space<vmem>>, vector<16xf32>,
        %scan3A_1193 = arith.constant 0 : i32
        scf.yield %scan3A_1193 : i32
      }
      %scan3A_624 = arith.constant 128 : i32
      %dma_start3A_625 = arith.constant 1 : i32
      %dma_start3A_626 = arith.constant 0 : i32
      %dma_start3A_627 = tpu.memref_slice %arg11[%dma_start3A_625, %dma_start3A_626] : memref<2x128xi32, #tpu.memory_space<vmem>> -> memref<1x128xi32, #tpu.memory_space<vmem>>
      %dma_start3A_628 = tpu.memref_squeeze %dma_start3A_627 : memref<1x128xi32, #tpu.memory_space<vmem>> -> memref<128xi32, #tpu.memory_space<vmem>>
      %dma_start3A_629 = arith.constant 0 : i32
      %dma_start3A_630 = arith.constant 0 : i32
      %dma_start3A_631 = tpu.memref_slice %arg23[%dma_start3A_629, %dma_start3A_630] : memref<10240x128xf32, #tpu.memory_space<vmem_shared>> -> memref<10240x128xf32, #tpu.memory_space<vmem_shared>>
      tpu.enqueue_indirect_dma source(%arg16 : memref<128x128xf32, #tpu.memory_space<vmem>>) target(%dma_start3A_631 : memref<10240x128xf32, #tpu.memory_space<vmem_shared>>) offsets(%dma_start3A_628 : memref<128xi32, #tpu.memory_space<vmem>>) semaphore(%arg31 : memref<!tpu.dma_semaphore, #tpu.memory_space<semaphore_mem>>) {add = true}
      %mul3A_632 = arith.constant 4 : i32
      %mul3A_633 = arith.muli %while3A_131, %mul3A_632 : i32
      %add3A_634 = arith.constant 2 : i32
      %add3A_635 = arith.addi %mul3A_633, %add3A_634 : i32
      %sub3A_636 = arith.constant 1 : i32
      %sub3A_637 = arith.subi %select_n3A, %sub3A_636 : i32
      %lt3A_638 = arith.cmpi slt, %add3A_635, %sub3A_637 : i32
      %convert_element_type3A_639 = arith.extui %lt3A_638 : i1 to i32
      %cond3A_640 = arith.constant 0 : i32
      %cond3A_641 = arith.cmpi ne, %convert_element_type3A_639, %cond3A_640 : i32
      scf.if %cond3A_641 {
        %add3A_1139 = arith.constant 1 : i32
        %add3A_1140 = arith.addi %add3A_635, %add3A_1139 : i32
        %add3A_1141 = arith.addi %select_n3A_50, %add3A_1140 : i32
        %mul3A_1142 = arith.constant 2 : i32
        %mul3A_1143 = arith.muli %add3A_1141, %mul3A_1142 : i32
        "tpu.region"() ({
          %run_scoped3A = tpu.sem_alloc : memref<!tpu.dma_semaphore, #tpu.memory_space<semaphore_mem>>
          %dma_start3A_1163 = arith.constant 0 : i32
          %dma_start3A_1164 = tpu.memref_slice %arg6[%mul3A_1143, %dma_start3A_1163] : memref<5120x128xi32, #tpu.memory_space<hbm>> -> memref<2x128xi32, #tpu.memory_space<hbm>>
          %dma_start3A_1165 = arith.constant 0 : i32
          %dma_start3A_1166 = tpu.memref_slice %arg6[%mul3A_1143, %dma_start3A_1165] : memref<5120x128xi32, #tpu.memory_space<hbm>> -> memref<2x128xi32, #tpu.memory_space<hbm>>
          tpu.enqueue_dma source(%dma_start3A_1166 : memref<2x128xi32, #tpu.memory_space<hbm>>) target(%arg13 : memref<2x128xi32, #tpu.memory_space<vmem>>) target_semaphore(%run_scoped3A : memref<!tpu.dma_semaphore, #tpu.memory_space<semaphore_mem>>)
          %dma_wait3A_1167 = arith.constant 0 : i32
          %dma_wait3A_1168 = tpu.memref_slice %arg6[%mul3A_1143, %dma_wait3A_1167] : memref<5120x128xi32, #tpu.memory_space<hbm>> -> memref<2x128xi32, #tpu.memory_space<hbm>>
          %dma_wait3A_1169 = arith.constant 0 : i32
          %dma_wait3A_1170 = tpu.memref_slice %arg6[%mul3A_1143, %dma_wait3A_1169] : memref<5120x128xi32, #tpu.memory_space<hbm>> -> memref<2x128xi32, #tpu.memory_space<hbm>>
          tpu.wait_dma2 semaphore(%run_scoped3A : memref<!tpu.dma_semaphore, #tpu.memory_space<semaphore_mem>>) src(%dma_wait3A_1170 : memref<2x128xi32, #tpu.memory_space<hbm>>) dst(%arg13 : memref<2x128xi32, #tpu.memory_space<vmem>>)
          tpu.yield
        }) : () -> ()
        %dma_start3A_1144 = arith.constant 0 : i32
        %dma_start3A_1145 = arith.constant 0 : i32
        %dma_start3A_1146 = tpu.memref_slice %arg13[%dma_start3A_1144, %dma_start3A_1145] : memref<2x128xi32, #tpu.memory_space<vmem>> -> memref<1x128xi32, #tpu.memory_space<vmem>>
        %dma_start3A_1147 = tpu.memref_squeeze %dma_start3A_1146 : memref<1x128xi32, #tpu.memory_space<vmem>> -> memref<128xi32, #tpu.memory_space<vmem>>
        %dma_start3A_1148 = arith.constant 0 : i32
        %dma_start3A_1149 = arith.constant 0 : i32
        %dma_start3A_1150 = tpu.memref_slice %arg2[%dma_start3A_1148, %dma_start3A_1149] : memref<10240x128xbf16, #tpu.memory_space<hbm>> -> memref<10240x128xbf16, #tpu.memory_space<hbm>>
        tpu.enqueue_indirect_dma source(%dma_start3A_1150 : memref<10240x128xbf16, #tpu.memory_space<hbm>>) target(%arg15 : memref<128x128xbf16, #tpu.memory_space<vmem>>) offsets(%dma_start3A_1147 : memref<128xi32, #tpu.memory_space<vmem>>) semaphore(%arg26 : memref<!tpu.dma_semaphore, #tpu.memory_space<semaphore_mem>>)
        %dma_start3A_1151 = arith.constant 0 : i32
        %dma_start3A_1152 = arith.constant 0 : i32
        %dma_start3A_1153 = tpu.memref_slice %arg13[%dma_start3A_1151, %dma_start3A_1152] : memref<2x128xi32, #tpu.memory_space<vmem>> -> memref<1x128xi32, #tpu.memory_space<vmem>>
        %dma_start3A_1154 = tpu.memref_squeeze %dma_start3A_1153 : memref<1x128xi32, #tpu.memory_space<vmem>> -> memref<128xi32, #tpu.memory_space<vmem>>
        %dma_start3A_1155 = arith.constant 0 : i32
        %dma_start3A_1156 = tpu.memref_slice %arg3[%dma_start3A_1155] : memref<10240xf32, #tpu.memory_space<hbm>> -> memref<10240xf32, #tpu.memory_space<hbm>>
        tpu.enqueue_indirect_dma source(%dma_start3A_1156 : memref<10240xf32, #tpu.memory_space<hbm>>) target(%arg18 : memref<128xf32, #tpu.memory_space<vmem>>) offsets(%dma_start3A_1154 : memref<128xi32, #tpu.memory_space<vmem>>) semaphore(%arg28 : memref<!tpu.dma_semaphore, #tpu.memory_space<semaphore_mem>>)
        %dma_start3A_1157 = arith.constant 1 : i32
        %dma_start3A_1158 = arith.constant 0 : i32
        %dma_start3A_1159 = tpu.memref_slice %arg13[%dma_start3A_1157, %dma_start3A_1158] : memref<2x128xi32, #tpu.memory_space<vmem>> -> memref<1x128xi32, #tpu.memory_space<vmem>>
        %dma_start3A_1160 = tpu.memref_squeeze %dma_start3A_1159 : memref<1x128xi32, #tpu.memory_space<vmem>> -> memref<128xi32, #tpu.memory_space<vmem>>
        %dma_start3A_1161 = arith.constant 0 : i32
        %dma_start3A_1162 = tpu.memref_slice %arg4[%dma_start3A_1161] : memref<10240xf32, #tpu.memory_space<hbm>> -> memref<10240xf32, #tpu.memory_space<hbm>>
        tpu.enqueue_indirect_dma source(%dma_start3A_1162 : memref<10240xf32, #tpu.memory_space<hbm>>) target(%arg20 : memref<128xf32, #tpu.memory_space<vmem>>) offsets(%dma_start3A_1160 : memref<128xi32, #tpu.memory_space<vmem>>) semaphore(%arg30 : memref<!tpu.dma_semaphore, #tpu.memory_space<semaphore_mem>>)
      } else {
      }
      %get3A_642 = arith.constant 0 : index
      %get3A_643 = tpu.vector_load %arg9[%get3A_642] {strides = array<i32>} : memref<16xf32, #tpu.memory_space<vmem>>, vector<16xf32>,
      %dma_wait3A_644 = arith.constant 0 : i32
      %dma_wait3A_645 = arith.constant 0 : i32
      %dma_wait3A_646 = tpu.memref_slice %arg12[%dma_wait3A_644, %dma_wait3A_645] : memref<2x128xi32, #tpu.memory_space<vmem>> -> memref<1x128xi32, #tpu.memory_space<vmem>>
      %dma_wait3A_647 = tpu.memref_squeeze %dma_wait3A_646 : memref<1x128xi32, #tpu.memory_space<vmem>> -> memref<128xi32, #tpu.memory_space<vmem>>
      %dma_wait3A_648 = arith.constant 0 : i32
      %dma_wait3A_649 = tpu.memref_slice %arg3[%dma_wait3A_648] : memref<10240xf32, #tpu.memory_space<hbm>> -> memref<10240xf32, #tpu.memory_space<hbm>>
      tpu.wait_indirect_dma semaphore(%arg27 : memref<!tpu.dma_semaphore, #tpu.memory_space<semaphore_mem>>) src(%dma_wait3A_649 : memref<10240xf32, #tpu.memory_space<hbm>>) dst(%arg17 : memref<128xf32, #tpu.memory_space<vmem>>)
      %dma_wait3A_650 = arith.constant 1 : i32
      %dma_wait3A_651 = arith.constant 0 : i32
      %dma_wait3A_652 = tpu.memref_slice %arg12[%dma_wait3A_650, %dma_wait3A_651] : memref<2x128xi32, #tpu.memory_space<vmem>> -> memref<1x128xi32, #tpu.memory_space<vmem>>
      %dma_wait3A_653 = tpu.memref_squeeze %dma_wait3A_652 : memref<1x128xi32, #tpu.memory_space<vmem>> -> memref<128xi32, #tpu.memory_space<vmem>>
      %dma_wait3A_654 = arith.constant 0 : i32
      %dma_wait3A_655 = tpu.memref_slice %arg4[%dma_wait3A_654] : memref<10240xf32, #tpu.memory_space<hbm>> -> memref<10240xf32, #tpu.memory_space<hbm>>
      tpu.wait_indirect_dma semaphore(%arg29 : memref<!tpu.dma_semaphore, #tpu.memory_space<semaphore_mem>>) src(%dma_wait3A_655 : memref<10240xf32, #tpu.memory_space<hbm>>) dst(%arg19 : memref<128xf32, #tpu.memory_space<vmem>>)
      %ge3A_656 = arith.constant 2 : i32
      %ge3A_657 = arith.cmpi sge, %add3A_635, %ge3A_656 : i32
      %convert_element_type3A_658 = arith.extui %ge3A_657 : i1 to i32
      %cond3A_659 = arith.constant 0 : i32
      %cond3A_660 = arith.cmpi ne, %convert_element_type3A_658, %cond3A_659 : i32
      scf.if %cond3A_660 {
        %dma_wait3A_1139 = arith.constant 1 : i32
        %dma_wait3A_1140 = arith.constant 0 : i32
        %dma_wait3A_1141 = tpu.memref_slice %arg10[%dma_wait3A_1139, %dma_wait3A_1140] : memref<2x128xi32, #tpu.memory_space<vmem>> -> memref<1x128xi32, #tpu.memory_space<vmem>>
        %dma_wait3A_1142 = tpu.memref_squeeze %dma_wait3A_1141 : memref<1x128xi32, #tpu.memory_space<vmem>> -> memref<128xi32, #tpu.memory_space<vmem>>
        %dma_wait3A_1143 = arith.constant 0 : i32
        %dma_wait3A_1144 = tpu.memref_slice %arg24[%dma_wait3A_1143] : memref<10240xf32, #tpu.memory_space<vmem_shared>> -> memref<10240xf32, #tpu.memory_space<vmem_shared>>
        tpu.wait_indirect_dma semaphore(%arg32 : memref<!tpu.dma_semaphore, #tpu.memory_space<semaphore_mem>>) src(%arg21 : memref<128xf32, #tpu.memory_space<vmem>>) dst(%dma_wait3A_1144 : memref<10240xf32, #tpu.memory_space<vmem_shared>>)
      } else {
      }
      %get3A_661 = arith.constant 0 : index
      %get3A_662 = tpu.vector_load %arg17[%get3A_661] {strides = array<i32>} : memref<128xf32, #tpu.memory_space<vmem>>, vector<16xf32>,
      %get3A_663 = arith.constant 0 : index
      %get3A_664 = tpu.vector_load %arg19[%get3A_663] {strides = array<i32>} : memref<128xf32, #tpu.memory_space<vmem>>, vector<16xf32>,
      %add3A_665 = arith.addf %get3A_662, %get3A_664 : vector<16xf32>
      %gt3A_666 = arith.constant 0.000000e+00 : f32
      %gt3A_667 = vector.broadcast %gt3A_666 : f32 to vector<16xf32>
      %gt3A_668 = arith.cmpf ogt, %add3A_665, %gt3A_667 : vector<16xf32>
      %mul3A_669 = arith.constant 2.000000e-01 : f32
      %mul3A_670 = vector.broadcast %mul3A_669 : f32 to vector<16xf32>
      %mul3A_671 = arith.mulf %mul3A_670, %add3A_665 : vector<16xf32>
      %select_n3A_672 = arith.select %gt3A_668, %add3A_665, %mul3A_671 : vector<16xi1>, vector<16xf32>
      %add3A_673 = arith.addf %get3A_643, %get3A_664 : vector<16xf32>
      %gt3A_674 = arith.constant 0.000000e+00 : f32
      %gt3A_675 = vector.broadcast %gt3A_674 : f32 to vector<16xf32>
      %gt3A_676 = arith.cmpf ogt, %add3A_673, %gt3A_675 : vector<16xf32>
      %mul3A_677 = arith.constant 2.000000e-01 : f32
      %mul3A_678 = vector.broadcast %mul3A_677 : f32 to vector<16xf32>
      %mul3A_679 = arith.mulf %mul3A_678, %add3A_673 : vector<16xf32>
      %select_n3A_680 = arith.select %gt3A_676, %add3A_673, %mul3A_679 : vector<16xi1>, vector<16xf32>
      %sub3A_681 = arith.subf %select_n3A_672, %select_n3A_680 : vector<16xf32>
      %exp3A_682 = math.exp %sub3A_681 : vector<16xf32>
      %swap3A_683 = arith.constant 0 : index
      %swap3A_684 = tpu.vector_load %arg21[%swap3A_683] {strides = array<i32>} : memref<128xf32, #tpu.memory_space<vmem>>, vector<16xf32>,
      tpu.vector_store %arg21[%swap3A_683], %exp3A_682 {strides = array<i32>} : memref<128xf32, #tpu.memory_space<vmem>>, vector<16xf32>,
      %get3A_685 = arith.constant 16 : index
      %get3A_686 = tpu.vector_load %arg17[%get3A_685] {strides = array<i32>} : memref<128xf32, #tpu.memory_space<vmem>>, vector<16xf32>,
      %get3A_687 = arith.constant 16 : index
      %get3A_688 = tpu.vector_load %arg19[%get3A_687] {strides = array<i32>} : memref<128xf32, #tpu.memory_space<vmem>>, vector<16xf32>,
      %add3A_689 = arith.addf %get3A_686, %get3A_688 : vector<16xf32>
      %gt3A_690 = arith.constant 0.000000e+00 : f32
      %gt3A_691 = vector.broadcast %gt3A_690 : f32 to vector<16xf32>
      %gt3A_692 = arith.cmpf ogt, %add3A_689, %gt3A_691 : vector<16xf32>
      %mul3A_693 = arith.constant 2.000000e-01 : f32
      %mul3A_694 = vector.broadcast %mul3A_693 : f32 to vector<16xf32>
      %mul3A_695 = arith.mulf %mul3A_694, %add3A_689 : vector<16xf32>
      %select_n3A_696 = arith.select %gt3A_692, %add3A_689, %mul3A_695 : vector<16xi1>, vector<16xf32>
      %add3A_697 = arith.addf %get3A_643, %get3A_688 : vector<16xf32>
      %gt3A_698 = arith.constant 0.000000e+00 : f32
      %gt3A_699 = vector.broadcast %gt3A_698 : f32 to vector<16xf32>
      %gt3A_700 = arith.cmpf ogt, %add3A_697, %gt3A_699 : vector<16xf32>
      %mul3A_701 = arith.constant 2.000000e-01 : f32
      %mul3A_702 = vector.broadcast %mul3A_701 : f32 to vector<16xf32>
      %mul3A_703 = arith.mulf %mul3A_702, %add3A_697 : vector<16xf32>
      %select_n3A_704 = arith.select %gt3A_700, %add3A_697, %mul3A_703 : vector<16xi1>, vector<16xf32>
      %sub3A_705 = arith.subf %select_n3A_696, %select_n3A_704 : vector<16xf32>
      %exp3A_706 = math.exp %sub3A_705 : vector<16xf32>
      %swap3A_707 = arith.constant 16 : index
      %swap3A_708 = tpu.vector_load %arg21[%swap3A_707] {strides = array<i32>} : memref<128xf32, #tpu.memory_space<vmem>>, vector<16xf32>,
      tpu.vector_store %arg21[%swap3A_707], %exp3A_706 {strides = array<i32>} : memref<128xf32, #tpu.memory_space<vmem>>, vector<16xf32>,
      %get3A_709 = arith.constant 32 : index
      %get3A_710 = tpu.vector_load %arg17[%get3A_709] {strides = array<i32>} : memref<128xf32, #tpu.memory_space<vmem>>, vector<16xf32>,
      %get3A_711 = arith.constant 32 : index
      %get3A_712 = tpu.vector_load %arg19[%get3A_711] {strides = array<i32>} : memref<128xf32, #tpu.memory_space<vmem>>, vector<16xf32>,
      %add3A_713 = arith.addf %get3A_710, %get3A_712 : vector<16xf32>
      %gt3A_714 = arith.constant 0.000000e+00 : f32
      %gt3A_715 = vector.broadcast %gt3A_714 : f32 to vector<16xf32>
      %gt3A_716 = arith.cmpf ogt, %add3A_713, %gt3A_715 : vector<16xf32>
      %mul3A_717 = arith.constant 2.000000e-01 : f32
      %mul3A_718 = vector.broadcast %mul3A_717 : f32 to vector<16xf32>
      %mul3A_719 = arith.mulf %mul3A_718, %add3A_713 : vector<16xf32>
      %select_n3A_720 = arith.select %gt3A_716, %add3A_713, %mul3A_719 : vector<16xi1>, vector<16xf32>
      %add3A_721 = arith.addf %get3A_643, %get3A_712 : vector<16xf32>
      %gt3A_722 = arith.constant 0.000000e+00 : f32
      %gt3A_723 = vector.broadcast %gt3A_722 : f32 to vector<16xf32>
      %gt3A_724 = arith.cmpf ogt, %add3A_721, %gt3A_723 : vector<16xf32>
      %mul3A_725 = arith.constant 2.000000e-01 : f32
      %mul3A_726 = vector.broadcast %mul3A_725 : f32 to vector<16xf32>
      %mul3A_727 = arith.mulf %mul3A_726, %add3A_721 : vector<16xf32>
      %select_n3A_728 = arith.select %gt3A_724, %add3A_721, %mul3A_727 : vector<16xi1>, vector<16xf32>
      %sub3A_729 = arith.subf %select_n3A_720, %select_n3A_728 : vector<16xf32>
      %exp3A_730 = math.exp %sub3A_729 : vector<16xf32>
      %swap3A_731 = arith.constant 32 : index
      %swap3A_732 = tpu.vector_load %arg21[%swap3A_731] {strides = array<i32>} : memref<128xf32, #tpu.memory_space<vmem>>, vector<16xf32>,
      tpu.vector_store %arg21[%swap3A_731], %exp3A_730 {strides = array<i32>} : memref<128xf32, #tpu.memory_space<vmem>>, vector<16xf32>,
      %get3A_733 = arith.constant 48 : index
      %get3A_734 = tpu.vector_load %arg17[%get3A_733] {strides = array<i32>} : memref<128xf32, #tpu.memory_space<vmem>>, vector<16xf32>,
      %get3A_735 = arith.constant 48 : index
      %get3A_736 = tpu.vector_load %arg19[%get3A_735] {strides = array<i32>} : memref<128xf32, #tpu.memory_space<vmem>>, vector<16xf32>,
      %add3A_737 = arith.addf %get3A_734, %get3A_736 : vector<16xf32>
      %gt3A_738 = arith.constant 0.000000e+00 : f32
      %gt3A_739 = vector.broadcast %gt3A_738 : f32 to vector<16xf32>
      %gt3A_740 = arith.cmpf ogt, %add3A_737, %gt3A_739 : vector<16xf32>
      %mul3A_741 = arith.constant 2.000000e-01 : f32
      %mul3A_742 = vector.broadcast %mul3A_741 : f32 to vector<16xf32>
      %mul3A_743 = arith.mulf %mul3A_742, %add3A_737 : vector<16xf32>
      %select_n3A_744 = arith.select %gt3A_740, %add3A_737, %mul3A_743 : vector<16xi1>, vector<16xf32>
      %add3A_745 = arith.addf %get3A_643, %get3A_736 : vector<16xf32>
      %gt3A_746 = arith.constant 0.000000e+00 : f32
      %gt3A_747 = vector.broadcast %gt3A_746 : f32 to vector<16xf32>
      %gt3A_748 = arith.cmpf ogt, %add3A_745, %gt3A_747 : vector<16xf32>
      %mul3A_749 = arith.constant 2.000000e-01 : f32
      %mul3A_750 = vector.broadcast %mul3A_749 : f32 to vector<16xf32>
      %mul3A_751 = arith.mulf %mul3A_750, %add3A_745 : vector<16xf32>
      %select_n3A_752 = arith.select %gt3A_748, %add3A_745, %mul3A_751 : vector<16xi1>, vector<16xf32>
      %sub3A_753 = arith.subf %select_n3A_744, %select_n3A_752 : vector<16xf32>
      %exp3A_754 = math.exp %sub3A_753 : vector<16xf32>
      %swap3A_755 = arith.constant 48 : index
      %swap3A_756 = tpu.vector_load %arg21[%swap3A_755] {strides = array<i32>} : memref<128xf32, #tpu.memory_space<vmem>>, vector<16xf32>,
      tpu.vector_store %arg21[%swap3A_755], %exp3A_754 {strides = array<i32>} : memref<128xf32, #tpu.memory_space<vmem>>, vector<16xf32>,
      %get3A_757 = arith.constant 64 : index
      %get3A_758 = tpu.vector_load %arg17[%get3A_757] {strides = array<i32>} : memref<128xf32, #tpu.memory_space<vmem>>, vector<16xf32>,
      %get3A_759 = arith.constant 64 : index
      %get3A_760 = tpu.vector_load %arg19[%get3A_759] {strides = array<i32>} : memref<128xf32, #tpu.memory_space<vmem>>, vector<16xf32>,
      %add3A_761 = arith.addf %get3A_758, %get3A_760 : vector<16xf32>
      %gt3A_762 = arith.constant 0.000000e+00 : f32
      %gt3A_763 = vector.broadcast %gt3A_762 : f32 to vector<16xf32>
      %gt3A_764 = arith.cmpf ogt, %add3A_761, %gt3A_763 : vector<16xf32>
      %mul3A_765 = arith.constant 2.000000e-01 : f32
      %mul3A_766 = vector.broadcast %mul3A_765 : f32 to vector<16xf32>
      %mul3A_767 = arith.mulf %mul3A_766, %add3A_761 : vector<16xf32>
      %select_n3A_768 = arith.select %gt3A_764, %add3A_761, %mul3A_767 : vector<16xi1>, vector<16xf32>
      %add3A_769 = arith.addf %get3A_643, %get3A_760 : vector<16xf32>
      %gt3A_770 = arith.constant 0.000000e+00 : f32
      %gt3A_771 = vector.broadcast %gt3A_770 : f32 to vector<16xf32>
      %gt3A_772 = arith.cmpf ogt, %add3A_769, %gt3A_771 : vector<16xf32>
      %mul3A_773 = arith.constant 2.000000e-01 : f32
      %mul3A_774 = vector.broadcast %mul3A_773 : f32 to vector<16xf32>
      %mul3A_775 = arith.mulf %mul3A_774, %add3A_769 : vector<16xf32>
      %select_n3A_776 = arith.select %gt3A_772, %add3A_769, %mul3A_775 : vector<16xi1>, vector<16xf32>
      %sub3A_777 = arith.subf %select_n3A_768, %select_n3A_776 : vector<16xf32>
      %exp3A_778 = math.exp %sub3A_777 : vector<16xf32>
      %swap3A_779 = arith.constant 64 : index
      %swap3A_780 = tpu.vector_load %arg21[%swap3A_779] {strides = array<i32>} : memref<128xf32, #tpu.memory_space<vmem>>, vector<16xf32>,
      tpu.vector_store %arg21[%swap3A_779], %exp3A_778 {strides = array<i32>} : memref<128xf32, #tpu.memory_space<vmem>>, vector<16xf32>,
      %get3A_781 = arith.constant 80 : index
      %get3A_782 = tpu.vector_load %arg17[%get3A_781] {strides = array<i32>} : memref<128xf32, #tpu.memory_space<vmem>>, vector<16xf32>,
      %get3A_783 = arith.constant 80 : index
      %get3A_784 = tpu.vector_load %arg19[%get3A_783] {strides = array<i32>} : memref<128xf32, #tpu.memory_space<vmem>>, vector<16xf32>,
      %add3A_785 = arith.addf %get3A_782, %get3A_784 : vector<16xf32>
      %gt3A_786 = arith.constant 0.000000e+00 : f32
      %gt3A_787 = vector.broadcast %gt3A_786 : f32 to vector<16xf32>
      %gt3A_788 = arith.cmpf ogt, %add3A_785, %gt3A_787 : vector<16xf32>
      %mul3A_789 = arith.constant 2.000000e-01 : f32
      %mul3A_790 = vector.broadcast %mul3A_789 : f32 to vector<16xf32>
      %mul3A_791 = arith.mulf %mul3A_790, %add3A_785 : vector<16xf32>
      %select_n3A_792 = arith.select %gt3A_788, %add3A_785, %mul3A_791 : vector<16xi1>, vector<16xf32>
      %add3A_793 = arith.addf %get3A_643, %get3A_784 : vector<16xf32>
      %gt3A_794 = arith.constant 0.000000e+00 : f32
      %gt3A_795 = vector.broadcast %gt3A_794 : f32 to vector<16xf32>
      %gt3A_796 = arith.cmpf ogt, %add3A_793, %gt3A_795 : vector<16xf32>
      %mul3A_797 = arith.constant 2.000000e-01 : f32
      %mul3A_798 = vector.broadcast %mul3A_797 : f32 to vector<16xf32>
      %mul3A_799 = arith.mulf %mul3A_798, %add3A_793 : vector<16xf32>
      %select_n3A_800 = arith.select %gt3A_796, %add3A_793, %mul3A_799 : vector<16xi1>, vector<16xf32>
      %sub3A_801 = arith.subf %select_n3A_792, %select_n3A_800 : vector<16xf32>
      %exp3A_802 = math.exp %sub3A_801 : vector<16xf32>
      %swap3A_803 = arith.constant 80 : index
      %swap3A_804 = tpu.vector_load %arg21[%swap3A_803] {strides = array<i32>} : memref<128xf32, #tpu.memory_space<vmem>>, vector<16xf32>,
      tpu.vector_store %arg21[%swap3A_803], %exp3A_802 {strides = array<i32>} : memref<128xf32, #tpu.memory_space<vmem>>, vector<16xf32>,
      %get3A_805 = arith.constant 96 : index
      %get3A_806 = tpu.vector_load %arg17[%get3A_805] {strides = array<i32>} : memref<128xf32, #tpu.memory_space<vmem>>, vector<16xf32>,
      %get3A_807 = arith.constant 96 : index
      %get3A_808 = tpu.vector_load %arg19[%get3A_807] {strides = array<i32>} : memref<128xf32, #tpu.memory_space<vmem>>, vector<16xf32>,
      %add3A_809 = arith.addf %get3A_806, %get3A_808 : vector<16xf32>
      %gt3A_810 = arith.constant 0.000000e+00 : f32
      %gt3A_811 = vector.broadcast %gt3A_810 : f32 to vector<16xf32>
      %gt3A_812 = arith.cmpf ogt, %add3A_809, %gt3A_811 : vector<16xf32>
      %mul3A_813 = arith.constant 2.000000e-01 : f32
      %mul3A_814 = vector.broadcast %mul3A_813 : f32 to vector<16xf32>
      %mul3A_815 = arith.mulf %mul3A_814, %add3A_809 : vector<16xf32>
      %select_n3A_816 = arith.select %gt3A_812, %add3A_809, %mul3A_815 : vector<16xi1>, vector<16xf32>
      %add3A_817 = arith.addf %get3A_643, %get3A_808 : vector<16xf32>
      %gt3A_818 = arith.constant 0.000000e+00 : f32
      %gt3A_819 = vector.broadcast %gt3A_818 : f32 to vector<16xf32>
      %gt3A_820 = arith.cmpf ogt, %add3A_817, %gt3A_819 : vector<16xf32>
      %mul3A_821 = arith.constant 2.000000e-01 : f32
      %mul3A_822 = vector.broadcast %mul3A_821 : f32 to vector<16xf32>
      %mul3A_823 = arith.mulf %mul3A_822, %add3A_817 : vector<16xf32>
      %select_n3A_824 = arith.select %gt3A_820, %add3A_817, %mul3A_823 : vector<16xi1>, vector<16xf32>
      %sub3A_825 = arith.subf %select_n3A_816, %select_n3A_824 : vector<16xf32>
      %exp3A_826 = math.exp %sub3A_825 : vector<16xf32>
      %swap3A_827 = arith.constant 96 : index
      %swap3A_828 = tpu.vector_load %arg21[%swap3A_827] {strides = array<i32>} : memref<128xf32, #tpu.memory_space<vmem>>, vector<16xf32>,
      tpu.vector_store %arg21[%swap3A_827], %exp3A_826 {strides = array<i32>} : memref<128xf32, #tpu.memory_space<vmem>>, vector<16xf32>,
      %get3A_829 = arith.constant 112 : index
      %get3A_830 = tpu.vector_load %arg17[%get3A_829] {strides = array<i32>} : memref<128xf32, #tpu.memory_space<vmem>>, vector<16xf32>,
      %get3A_831 = arith.constant 112 : index
      %get3A_832 = tpu.vector_load %arg19[%get3A_831] {strides = array<i32>} : memref<128xf32, #tpu.memory_space<vmem>>, vector<16xf32>,
      %add3A_833 = arith.addf %get3A_830, %get3A_832 : vector<16xf32>
      %gt3A_834 = arith.constant 0.000000e+00 : f32
      %gt3A_835 = vector.broadcast %gt3A_834 : f32 to vector<16xf32>
      %gt3A_836 = arith.cmpf ogt, %add3A_833, %gt3A_835 : vector<16xf32>
      %mul3A_837 = arith.constant 2.000000e-01 : f32
      %mul3A_838 = vector.broadcast %mul3A_837 : f32 to vector<16xf32>
      %mul3A_839 = arith.mulf %mul3A_838, %add3A_833 : vector<16xf32>
      %select_n3A_840 = arith.select %gt3A_836, %add3A_833, %mul3A_839 : vector<16xi1>, vector<16xf32>
      %add3A_841 = arith.addf %get3A_643, %get3A_832 : vector<16xf32>
      %gt3A_842 = arith.constant 0.000000e+00 : f32
      %gt3A_843 = vector.broadcast %gt3A_842 : f32 to vector<16xf32>
      %gt3A_844 = arith.cmpf ogt, %add3A_841, %gt3A_843 : vector<16xf32>
      %mul3A_845 = arith.constant 2.000000e-01 : f32
      %mul3A_846 = vector.broadcast %mul3A_845 : f32 to vector<16xf32>
      %mul3A_847 = arith.mulf %mul3A_846, %add3A_841 : vector<16xf32>
      %select_n3A_848 = arith.select %gt3A_844, %add3A_841, %mul3A_847 : vector<16xi1>, vector<16xf32>
      %sub3A_849 = arith.subf %select_n3A_840, %select_n3A_848 : vector<16xf32>
      %exp3A_850 = math.exp %sub3A_849 : vector<16xf32>
      %swap3A_851 = arith.constant 112 : index
      %swap3A_852 = tpu.vector_load %arg21[%swap3A_851] {strides = array<i32>} : memref<128xf32, #tpu.memory_space<vmem>>, vector<16xf32>,
      tpu.vector_store %arg21[%swap3A_851], %exp3A_850 {strides = array<i32>} : memref<128xf32, #tpu.memory_space<vmem>>, vector<16xf32>,
      %dma_start3A_853 = arith.constant 1 : i32
      %dma_start3A_854 = arith.constant 0 : i32
      %dma_start3A_855 = tpu.memref_slice %arg12[%dma_start3A_853, %dma_start3A_854] : memref<2x128xi32, #tpu.memory_space<vmem>> -> memref<1x128xi32, #tpu.memory_space<vmem>>
      %dma_start3A_856 = tpu.memref_squeeze %dma_start3A_855 : memref<1x128xi32, #tpu.memory_space<vmem>> -> memref<128xi32, #tpu.memory_space<vmem>>
      %dma_start3A_857 = arith.constant 0 : i32
      %dma_start3A_858 = tpu.memref_slice %arg24[%dma_start3A_857] : memref<10240xf32, #tpu.memory_space<vmem_shared>> -> memref<10240xf32, #tpu.memory_space<vmem_shared>>
      tpu.enqueue_indirect_dma source(%arg21 : memref<128xf32, #tpu.memory_space<vmem>>) target(%dma_start3A_858 : memref<10240xf32, #tpu.memory_space<vmem_shared>>) offsets(%dma_start3A_856 : memref<128xi32, #tpu.memory_space<vmem>>) semaphore(%arg32 : memref<!tpu.dma_semaphore, #tpu.memory_space<semaphore_mem>>) {add = true}
      %ge3A_859 = arith.constant 1 : i32
      %ge3A_860 = arith.cmpi sge, %add3A_635, %ge3A_859 : i32
      %convert_element_type3A_861 = arith.extui %ge3A_860 : i1 to i32
      %cond3A_862 = arith.constant 0 : i32
      %cond3A_863 = arith.cmpi ne, %convert_element_type3A_861, %cond3A_862 : i32
      scf.if %cond3A_863 {
        %dma_wait3A_1139 = arith.constant 1 : i32
        %dma_wait3A_1140 = arith.constant 0 : i32
        %dma_wait3A_1141 = tpu.memref_slice %arg11[%dma_wait3A_1139, %dma_wait3A_1140] : memref<2x128xi32, #tpu.memory_space<vmem>> -> memref<1x128xi32, #tpu.memory_space<vmem>>
        %dma_wait3A_1142 = tpu.memref_squeeze %dma_wait3A_1141 : memref<1x128xi32, #tpu.memory_space<vmem>> -> memref<128xi32, #tpu.memory_space<vmem>>
        %dma_wait3A_1143 = arith.constant 0 : i32
        %dma_wait3A_1144 = arith.constant 0 : i32
        %dma_wait3A_1145 = tpu.memref_slice %arg23[%dma_wait3A_1143, %dma_wait3A_1144] : memref<10240x128xf32, #tpu.memory_space<vmem_shared>> -> memref<10240x128xf32, #tpu.memory_space<vmem_shared>>
        tpu.wait_indirect_dma semaphore(%arg31 : memref<!tpu.dma_semaphore, #tpu.memory_space<semaphore_mem>>) src(%arg16 : memref<128x128xf32, #tpu.memory_space<vmem>>) dst(%dma_wait3A_1145 : memref<10240x128xf32, #tpu.memory_space<vmem_shared>>)
      } else {
      }
      %dma_wait3A_864 = arith.constant 0 : i32
      %dma_wait3A_865 = arith.constant 0 : i32
      %dma_wait3A_866 = tpu.memref_slice %arg12[%dma_wait3A_864, %dma_wait3A_865] : memref<2x128xi32, #tpu.memory_space<vmem>> -> memref<1x128xi32, #tpu.memory_space<vmem>>
      %dma_wait3A_867 = tpu.memref_squeeze %dma_wait3A_866 : memref<1x128xi32, #tpu.memory_space<vmem>> -> memref<128xi32, #tpu.memory_space<vmem>>
      %dma_wait3A_868 = arith.constant 0 : i32
      %dma_wait3A_869 = arith.constant 0 : i32
      %dma_wait3A_870 = tpu.memref_slice %arg2[%dma_wait3A_868, %dma_wait3A_869] : memref<10240x128xbf16, #tpu.memory_space<hbm>> -> memref<10240x128xbf16, #tpu.memory_space<hbm>>
      tpu.wait_indirect_dma semaphore(%arg25 : memref<!tpu.dma_semaphore, #tpu.memory_space<semaphore_mem>>) src(%dma_wait3A_870 : memref<10240x128xbf16, #tpu.memory_space<hbm>>) dst(%arg14 : memref<128x128xbf16, #tpu.memory_space<vmem>>)
      %scan3A_871 = arith.constant 0 : i32
      %scan3A_872 = arith.constant 0 : i32
      %scan3A_873 = arith.constant 128 : i32
      %scan3A_874 = arith.addi %scan3A_872, %scan3A_873 : i32
      %scan3A_875 = arith.constant 1 : i32
      %scan3A_876 = scf.for %scan3A_1139 = %scan3A_872 to %scan3A_874 step %scan3A_875 iter_args(%scan3A_1140 = %scan3A_871) -> (i32)  : i32 {
        %broadcast_in_dim3A_1141 = vector.broadcast %scan3A_1139 : i32 to vector<16xi32>
        %gather3A = tpu.vector_load_idx %arg21[%broadcast_in_dim3A_1141] : memref<128xf32, #tpu.memory_space<vmem>>[vector<16xi32>], vector<16xf32>,
        %get3A_1142 = arith.index_cast %scan3A_1139 : i32 to index
        %get3A_1143 = arith.constant 0 : index
        %get3A_1144 = tpu.vector_load %arg14[%get3A_1142, %get3A_1143] {strides = array<i32>} : memref<128x128xbf16, #tpu.memory_space<vmem>>, vector<32xbf16>,
        %unpack3A = tpu.unpack_subelements %get3A_1144, 0 {pack_format = #tpu.pack_format<interleaved>} : vector<32xbf16> -> vector<16xf32>
        %unpack3A_1145 = tpu.unpack_subelements %get3A_1144, 1 {pack_format = #tpu.pack_format<interleaved>} : vector<32xbf16> -> vector<16xf32>
        %mul3A_1146 = arith.mulf %unpack3A, %gather3A : vector<16xf32>
        %swap3A_1147 = arith.index_cast %scan3A_1139 : i32 to index
        %swap3A_1148 = arith.constant 0 : index
        %swap3A_1149 = tpu.vector_load %arg16[%swap3A_1147, %swap3A_1148] {strides = array<i32>} : memref<128x128xf32, #tpu.memory_space<vmem>>, vector<16xf32>,
        tpu.vector_store %arg16[%swap3A_1147, %swap3A_1148], %mul3A_1146 {strides = array<i32>} : memref<128x128xf32, #tpu.memory_space<vmem>>, vector<16xf32>,
        %mul3A_1150 = arith.mulf %unpack3A_1145, %gather3A : vector<16xf32>
        %swap3A_1151 = arith.index_cast %scan3A_1139 : i32 to index
        %swap3A_1152 = arith.constant 16 : index
        %swap3A_1153 = tpu.vector_load %arg16[%swap3A_1151, %swap3A_1152] {strides = array<i32>} : memref<128x128xf32, #tpu.memory_space<vmem>>, vector<16xf32>,
        tpu.vector_store %arg16[%swap3A_1151, %swap3A_1152], %mul3A_1150 {strides = array<i32>} : memref<128x128xf32, #tpu.memory_space<vmem>>, vector<16xf32>,
        %get3A_1154 = arith.index_cast %scan3A_1139 : i32 to index
        %get3A_1155 = arith.constant 32 : index
        %get3A_1156 = tpu.vector_load %arg14[%get3A_1154, %get3A_1155] {strides = array<i32>} : memref<128x128xbf16, #tpu.memory_space<vmem>>, vector<32xbf16>,
        %unpack3A_1157 = tpu.unpack_subelements %get3A_1156, 0 {pack_format = #tpu.pack_format<interleaved>} : vector<32xbf16> -> vector<16xf32>
        %unpack3A_1158 = tpu.unpack_subelements %get3A_1156, 1 {pack_format = #tpu.pack_format<interleaved>} : vector<32xbf16> -> vector<16xf32>
        %mul3A_1159 = arith.mulf %unpack3A_1157, %gather3A : vector<16xf32>
        %swap3A_1160 = arith.index_cast %scan3A_1139 : i32 to index
        %swap3A_1161 = arith.constant 32 : index
        %swap3A_1162 = tpu.vector_load %arg16[%swap3A_1160, %swap3A_1161] {strides = array<i32>} : memref<128x128xf32, #tpu.memory_space<vmem>>, vector<16xf32>,
        tpu.vector_store %arg16[%swap3A_1160, %swap3A_1161], %mul3A_1159 {strides = array<i32>} : memref<128x128xf32, #tpu.memory_space<vmem>>, vector<16xf32>,
        %mul3A_1163 = arith.mulf %unpack3A_1158, %gather3A : vector<16xf32>
        %swap3A_1164 = arith.index_cast %scan3A_1139 : i32 to index
        %swap3A_1165 = arith.constant 48 : index
        %swap3A_1166 = tpu.vector_load %arg16[%swap3A_1164, %swap3A_1165] {strides = array<i32>} : memref<128x128xf32, #tpu.memory_space<vmem>>, vector<16xf32>,
        tpu.vector_store %arg16[%swap3A_1164, %swap3A_1165], %mul3A_1163 {strides = array<i32>} : memref<128x128xf32, #tpu.memory_space<vmem>>, vector<16xf32>,
        %get3A_1167 = arith.index_cast %scan3A_1139 : i32 to index
        %get3A_1168 = arith.constant 64 : index
        %get3A_1169 = tpu.vector_load %arg14[%get3A_1167, %get3A_1168] {strides = array<i32>} : memref<128x128xbf16, #tpu.memory_space<vmem>>, vector<32xbf16>,
        %unpack3A_1170 = tpu.unpack_subelements %get3A_1169, 0 {pack_format = #tpu.pack_format<interleaved>} : vector<32xbf16> -> vector<16xf32>
        %unpack3A_1171 = tpu.unpack_subelements %get3A_1169, 1 {pack_format = #tpu.pack_format<interleaved>} : vector<32xbf16> -> vector<16xf32>
        %mul3A_1172 = arith.mulf %unpack3A_1170, %gather3A : vector<16xf32>
        %swap3A_1173 = arith.index_cast %scan3A_1139 : i32 to index
        %swap3A_1174 = arith.constant 64 : index
        %swap3A_1175 = tpu.vector_load %arg16[%swap3A_1173, %swap3A_1174] {strides = array<i32>} : memref<128x128xf32, #tpu.memory_space<vmem>>, vector<16xf32>,
        tpu.vector_store %arg16[%swap3A_1173, %swap3A_1174], %mul3A_1172 {strides = array<i32>} : memref<128x128xf32, #tpu.memory_space<vmem>>, vector<16xf32>,
        %mul3A_1176 = arith.mulf %unpack3A_1171, %gather3A : vector<16xf32>
        %swap3A_1177 = arith.index_cast %scan3A_1139 : i32 to index
        %swap3A_1178 = arith.constant 80 : index
        %swap3A_1179 = tpu.vector_load %arg16[%swap3A_1177, %swap3A_1178] {strides = array<i32>} : memref<128x128xf32, #tpu.memory_space<vmem>>, vector<16xf32>,
        tpu.vector_store %arg16[%swap3A_1177, %swap3A_1178], %mul3A_1176 {strides = array<i32>} : memref<128x128xf32, #tpu.memory_space<vmem>>, vector<16xf32>,
        %get3A_1180 = arith.index_cast %scan3A_1139 : i32 to index
        %get3A_1181 = arith.constant 96 : index
        %get3A_1182 = tpu.vector_load %arg14[%get3A_1180, %get3A_1181] {strides = array<i32>} : memref<128x128xbf16, #tpu.memory_space<vmem>>, vector<32xbf16>,
        %unpack3A_1183 = tpu.unpack_subelements %get3A_1182, 0 {pack_format = #tpu.pack_format<interleaved>} : vector<32xbf16> -> vector<16xf32>
        %unpack3A_1184 = tpu.unpack_subelements %get3A_1182, 1 {pack_format = #tpu.pack_format<interleaved>} : vector<32xbf16> -> vector<16xf32>
        %mul3A_1185 = arith.mulf %unpack3A_1183, %gather3A : vector<16xf32>
        %swap3A_1186 = arith.index_cast %scan3A_1139 : i32 to index
        %swap3A_1187 = arith.constant 96 : index
        %swap3A_1188 = tpu.vector_load %arg16[%swap3A_1186, %swap3A_1187] {strides = array<i32>} : memref<128x128xf32, #tpu.memory_space<vmem>>, vector<16xf32>,
        tpu.vector_store %arg16[%swap3A_1186, %swap3A_1187], %mul3A_1185 {strides = array<i32>} : memref<128x128xf32, #tpu.memory_space<vmem>>, vector<16xf32>,
        %mul3A_1189 = arith.mulf %unpack3A_1184, %gather3A : vector<16xf32>
        %swap3A_1190 = arith.index_cast %scan3A_1139 : i32 to index
        %swap3A_1191 = arith.constant 112 : index
        %swap3A_1192 = tpu.vector_load %arg16[%swap3A_1190, %swap3A_1191] {strides = array<i32>} : memref<128x128xf32, #tpu.memory_space<vmem>>, vector<16xf32>,
        tpu.vector_store %arg16[%swap3A_1190, %swap3A_1191], %mul3A_1189 {strides = array<i32>} : memref<128x128xf32, #tpu.memory_space<vmem>>, vector<16xf32>,
        %scan3A_1193 = arith.constant 0 : i32
        scf.yield %scan3A_1193 : i32
      }
      %scan3A_877 = arith.constant 128 : i32
      %dma_start3A_878 = arith.constant 1 : i32
      %dma_start3A_879 = arith.constant 0 : i32
      %dma_start3A_880 = tpu.memref_slice %arg12[%dma_start3A_878, %dma_start3A_879] : memref<2x128xi32, #tpu.memory_space<vmem>> -> memref<1x128xi32, #tpu.memory_space<vmem>>
      %dma_start3A_881 = tpu.memref_squeeze %dma_start3A_880 : memref<1x128xi32, #tpu.memory_space<vmem>> -> memref<128xi32, #tpu.memory_space<vmem>>
      %dma_start3A_882 = arith.constant 0 : i32
      %dma_start3A_883 = arith.constant 0 : i32
      %dma_start3A_884 = tpu.memref_slice %arg23[%dma_start3A_882, %dma_start3A_883] : memref<10240x128xf32, #tpu.memory_space<vmem_shared>> -> memref<10240x128xf32, #tpu.memory_space<vmem_shared>>
      tpu.enqueue_indirect_dma source(%arg16 : memref<128x128xf32, #tpu.memory_space<vmem>>) target(%dma_start3A_884 : memref<10240x128xf32, #tpu.memory_space<vmem_shared>>) offsets(%dma_start3A_881 : memref<128xi32, #tpu.memory_space<vmem>>) semaphore(%arg31 : memref<!tpu.dma_semaphore, #tpu.memory_space<semaphore_mem>>) {add = true}
      %mul3A_885 = arith.constant 4 : i32
      %mul3A_886 = arith.muli %while3A_131, %mul3A_885 : i32
      %add3A_887 = arith.constant 3 : i32
      %add3A_888 = arith.addi %mul3A_886, %add3A_887 : i32
      %sub3A_889 = arith.constant 1 : i32
      %sub3A_890 = arith.subi %select_n3A, %sub3A_889 : i32
      %lt3A_891 = arith.cmpi slt, %add3A_888, %sub3A_890 : i32
      %convert_element_type3A_892 = arith.extui %lt3A_891 : i1 to i32
      %cond3A_893 = arith.constant 0 : i32
      %cond3A_894 = arith.cmpi ne, %convert_element_type3A_892, %cond3A_893 : i32
      scf.if %cond3A_894 {
        %add3A_1139 = arith.constant 1 : i32
        %add3A_1140 = arith.addi %add3A_888, %add3A_1139 : i32
        %add3A_1141 = arith.addi %select_n3A_50, %add3A_1140 : i32
        %mul3A_1142 = arith.constant 2 : i32
        %mul3A_1143 = arith.muli %add3A_1141, %mul3A_1142 : i32
        "tpu.region"() ({
          %run_scoped3A = tpu.sem_alloc : memref<!tpu.dma_semaphore, #tpu.memory_space<semaphore_mem>>
          %dma_start3A_1163 = arith.constant 0 : i32
          %dma_start3A_1164 = tpu.memref_slice %arg6[%mul3A_1143, %dma_start3A_1163] : memref<5120x128xi32, #tpu.memory_space<hbm>> -> memref<2x128xi32, #tpu.memory_space<hbm>>
          %dma_start3A_1165 = arith.constant 0 : i32
          %dma_start3A_1166 = tpu.memref_slice %arg6[%mul3A_1143, %dma_start3A_1165] : memref<5120x128xi32, #tpu.memory_space<hbm>> -> memref<2x128xi32, #tpu.memory_space<hbm>>
          tpu.enqueue_dma source(%dma_start3A_1166 : memref<2x128xi32, #tpu.memory_space<hbm>>) target(%arg10 : memref<2x128xi32, #tpu.memory_space<vmem>>) target_semaphore(%run_scoped3A : memref<!tpu.dma_semaphore, #tpu.memory_space<semaphore_mem>>)
          %dma_wait3A_1167 = arith.constant 0 : i32
          %dma_wait3A_1168 = tpu.memref_slice %arg6[%mul3A_1143, %dma_wait3A_1167] : memref<5120x128xi32, #tpu.memory_space<hbm>> -> memref<2x128xi32, #tpu.memory_space<hbm>>
          %dma_wait3A_1169 = arith.constant 0 : i32
          %dma_wait3A_1170 = tpu.memref_slice %arg6[%mul3A_1143, %dma_wait3A_1169] : memref<5120x128xi32, #tpu.memory_space<hbm>> -> memref<2x128xi32, #tpu.memory_space<hbm>>
          tpu.wait_dma2 semaphore(%run_scoped3A : memref<!tpu.dma_semaphore, #tpu.memory_space<semaphore_mem>>) src(%dma_wait3A_1170 : memref<2x128xi32, #tpu.memory_space<hbm>>) dst(%arg10 : memref<2x128xi32, #tpu.memory_space<vmem>>)
          tpu.yield
        }) : () -> ()
        %dma_start3A_1144 = arith.constant 0 : i32
        %dma_start3A_1145 = arith.constant 0 : i32
        %dma_start3A_1146 = tpu.memref_slice %arg10[%dma_start3A_1144, %dma_start3A_1145] : memref<2x128xi32, #tpu.memory_space<vmem>> -> memref<1x128xi32, #tpu.memory_space<vmem>>
        %dma_start3A_1147 = tpu.memref_squeeze %dma_start3A_1146 : memref<1x128xi32, #tpu.memory_space<vmem>> -> memref<128xi32, #tpu.memory_space<vmem>>
        %dma_start3A_1148 = arith.constant 0 : i32
        %dma_start3A_1149 = arith.constant 0 : i32
        %dma_start3A_1150 = tpu.memref_slice %arg2[%dma_start3A_1148, %dma_start3A_1149] : memref<10240x128xbf16, #tpu.memory_space<hbm>> -> memref<10240x128xbf16, #tpu.memory_space<hbm>>
        tpu.enqueue_indirect_dma source(%dma_start3A_1150 : memref<10240x128xbf16, #tpu.memory_space<hbm>>) target(%arg14 : memref<128x128xbf16, #tpu.memory_space<vmem>>) offsets(%dma_start3A_1147 : memref<128xi32, #tpu.memory_space<vmem>>) semaphore(%arg25 : memref<!tpu.dma_semaphore, #tpu.memory_space<semaphore_mem>>)
        %dma_start3A_1151 = arith.constant 0 : i32
        %dma_start3A_1152 = arith.constant 0 : i32
        %dma_start3A_1153 = tpu.memref_slice %arg10[%dma_start3A_1151, %dma_start3A_1152] : memref<2x128xi32, #tpu.memory_space<vmem>> -> memref<1x128xi32, #tpu.memory_space<vmem>>
        %dma_start3A_1154 = tpu.memref_squeeze %dma_start3A_1153 : memref<1x128xi32, #tpu.memory_space<vmem>> -> memref<128xi32, #tpu.memory_space<vmem>>
        %dma_start3A_1155 = arith.constant 0 : i32
        %dma_start3A_1156 = tpu.memref_slice %arg3[%dma_start3A_1155] : memref<10240xf32, #tpu.memory_space<hbm>> -> memref<10240xf32, #tpu.memory_space<hbm>>
        tpu.enqueue_indirect_dma source(%dma_start3A_1156 : memref<10240xf32, #tpu.memory_space<hbm>>) target(%arg17 : memref<128xf32, #tpu.memory_space<vmem>>) offsets(%dma_start3A_1154 : memref<128xi32, #tpu.memory_space<vmem>>) semaphore(%arg27 : memref<!tpu.dma_semaphore, #tpu.memory_space<semaphore_mem>>)
        %dma_start3A_1157 = arith.constant 1 : i32
        %dma_start3A_1158 = arith.constant 0 : i32
        %dma_start3A_1159 = tpu.memref_slice %arg10[%dma_start3A_1157, %dma_start3A_1158] : memref<2x128xi32, #tpu.memory_space<vmem>> -> memref<1x128xi32, #tpu.memory_space<vmem>>
        %dma_start3A_1160 = tpu.memref_squeeze %dma_start3A_1159 : memref<1x128xi32, #tpu.memory_space<vmem>> -> memref<128xi32, #tpu.memory_space<vmem>>
        %dma_start3A_1161 = arith.constant 0 : i32
        %dma_start3A_1162 = tpu.memref_slice %arg4[%dma_start3A_1161] : memref<10240xf32, #tpu.memory_space<hbm>> -> memref<10240xf32, #tpu.memory_space<hbm>>
        tpu.enqueue_indirect_dma source(%dma_start3A_1162 : memref<10240xf32, #tpu.memory_space<hbm>>) target(%arg19 : memref<128xf32, #tpu.memory_space<vmem>>) offsets(%dma_start3A_1160 : memref<128xi32, #tpu.memory_space<vmem>>) semaphore(%arg29 : memref<!tpu.dma_semaphore, #tpu.memory_space<semaphore_mem>>)
      } else {
      }
      %get3A_895 = arith.constant 0 : index
      %get3A_896 = tpu.vector_load %arg9[%get3A_895] {strides = array<i32>} : memref<16xf32, #tpu.memory_space<vmem>>, vector<16xf32>,
      %dma_wait3A_897 = arith.constant 0 : i32
      %dma_wait3A_898 = arith.constant 0 : i32
      %dma_wait3A_899 = tpu.memref_slice %arg13[%dma_wait3A_897, %dma_wait3A_898] : memref<2x128xi32, #tpu.memory_space<vmem>> -> memref<1x128xi32, #tpu.memory_space<vmem>>
      %dma_wait3A_900 = tpu.memref_squeeze %dma_wait3A_899 : memref<1x128xi32, #tpu.memory_space<vmem>> -> memref<128xi32, #tpu.memory_space<vmem>>
      %dma_wait3A_901 = arith.constant 0 : i32
      %dma_wait3A_902 = tpu.memref_slice %arg3[%dma_wait3A_901] : memref<10240xf32, #tpu.memory_space<hbm>> -> memref<10240xf32, #tpu.memory_space<hbm>>
      tpu.wait_indirect_dma semaphore(%arg28 : memref<!tpu.dma_semaphore, #tpu.memory_space<semaphore_mem>>) src(%dma_wait3A_902 : memref<10240xf32, #tpu.memory_space<hbm>>) dst(%arg18 : memref<128xf32, #tpu.memory_space<vmem>>)
      %dma_wait3A_903 = arith.constant 1 : i32
      %dma_wait3A_904 = arith.constant 0 : i32
      %dma_wait3A_905 = tpu.memref_slice %arg13[%dma_wait3A_903, %dma_wait3A_904] : memref<2x128xi32, #tpu.memory_space<vmem>> -> memref<1x128xi32, #tpu.memory_space<vmem>>
      %dma_wait3A_906 = tpu.memref_squeeze %dma_wait3A_905 : memref<1x128xi32, #tpu.memory_space<vmem>> -> memref<128xi32, #tpu.memory_space<vmem>>
      %dma_wait3A_907 = arith.constant 0 : i32
      %dma_wait3A_908 = tpu.memref_slice %arg4[%dma_wait3A_907] : memref<10240xf32, #tpu.memory_space<hbm>> -> memref<10240xf32, #tpu.memory_space<hbm>>
      tpu.wait_indirect_dma semaphore(%arg30 : memref<!tpu.dma_semaphore, #tpu.memory_space<semaphore_mem>>) src(%dma_wait3A_908 : memref<10240xf32, #tpu.memory_space<hbm>>) dst(%arg20 : memref<128xf32, #tpu.memory_space<vmem>>)
      %ge3A_909 = arith.constant 2 : i32
      %ge3A_910 = arith.cmpi sge, %add3A_888, %ge3A_909 : i32
      %convert_element_type3A_911 = arith.extui %ge3A_910 : i1 to i32
      %cond3A_912 = arith.constant 0 : i32
      %cond3A_913 = arith.cmpi ne, %convert_element_type3A_911, %cond3A_912 : i32
      scf.if %cond3A_913 {
        %dma_wait3A_1139 = arith.constant 1 : i32
        %dma_wait3A_1140 = arith.constant 0 : i32
        %dma_wait3A_1141 = tpu.memref_slice %arg11[%dma_wait3A_1139, %dma_wait3A_1140] : memref<2x128xi32, #tpu.memory_space<vmem>> -> memref<1x128xi32, #tpu.memory_space<vmem>>
        %dma_wait3A_1142 = tpu.memref_squeeze %dma_wait3A_1141 : memref<1x128xi32, #tpu.memory_space<vmem>> -> memref<128xi32, #tpu.memory_space<vmem>>
        %dma_wait3A_1143 = arith.constant 0 : i32
        %dma_wait3A_1144 = tpu.memref_slice %arg24[%dma_wait3A_1143] : memref<10240xf32, #tpu.memory_space<vmem_shared>> -> memref<10240xf32, #tpu.memory_space<vmem_shared>>
        tpu.wait_indirect_dma semaphore(%arg33 : memref<!tpu.dma_semaphore, #tpu.memory_space<semaphore_mem>>) src(%arg22 : memref<128xf32, #tpu.memory_space<vmem>>) dst(%dma_wait3A_1144 : memref<10240xf32, #tpu.memory_space<vmem_shared>>)
      } else {
      }
      %get3A_914 = arith.constant 0 : index
      %get3A_915 = tpu.vector_load %arg18[%get3A_914] {strides = array<i32>} : memref<128xf32, #tpu.memory_space<vmem>>, vector<16xf32>,
      %get3A_916 = arith.constant 0 : index
      %get3A_917 = tpu.vector_load %arg20[%get3A_916] {strides = array<i32>} : memref<128xf32, #tpu.memory_space<vmem>>, vector<16xf32>,
      %add3A_918 = arith.addf %get3A_915, %get3A_917 : vector<16xf32>
      %gt3A_919 = arith.constant 0.000000e+00 : f32
      %gt3A_920 = vector.broadcast %gt3A_919 : f32 to vector<16xf32>
      %gt3A_921 = arith.cmpf ogt, %add3A_918, %gt3A_920 : vector<16xf32>
      %mul3A_922 = arith.constant 2.000000e-01 : f32
      %mul3A_923 = vector.broadcast %mul3A_922 : f32 to vector<16xf32>
      %mul3A_924 = arith.mulf %mul3A_923, %add3A_918 : vector<16xf32>
      %select_n3A_925 = arith.select %gt3A_921, %add3A_918, %mul3A_924 : vector<16xi1>, vector<16xf32>
      %add3A_926 = arith.addf %get3A_896, %get3A_917 : vector<16xf32>
      %gt3A_927 = arith.constant 0.000000e+00 : f32
      %gt3A_928 = vector.broadcast %gt3A_927 : f32 to vector<16xf32>
      %gt3A_929 = arith.cmpf ogt, %add3A_926, %gt3A_928 : vector<16xf32>
      %mul3A_930 = arith.constant 2.000000e-01 : f32
      %mul3A_931 = vector.broadcast %mul3A_930 : f32 to vector<16xf32>
      %mul3A_932 = arith.mulf %mul3A_931, %add3A_926 : vector<16xf32>
      %select_n3A_933 = arith.select %gt3A_929, %add3A_926, %mul3A_932 : vector<16xi1>, vector<16xf32>
      %sub3A_934 = arith.subf %select_n3A_925, %select_n3A_933 : vector<16xf32>
      %exp3A_935 = math.exp %sub3A_934 : vector<16xf32>
      %swap3A_936 = arith.constant 0 : index
      %swap3A_937 = tpu.vector_load %arg22[%swap3A_936] {strides = array<i32>} : memref<128xf32, #tpu.memory_space<vmem>>, vector<16xf32>,
      tpu.vector_store %arg22[%swap3A_936], %exp3A_935 {strides = array<i32>} : memref<128xf32, #tpu.memory_space<vmem>>, vector<16xf32>,
      %get3A_938 = arith.constant 16 : index
      %get3A_939 = tpu.vector_load %arg18[%get3A_938] {strides = array<i32>} : memref<128xf32, #tpu.memory_space<vmem>>, vector<16xf32>,
      %get3A_940 = arith.constant 16 : index
      %get3A_941 = tpu.vector_load %arg20[%get3A_940] {strides = array<i32>} : memref<128xf32, #tpu.memory_space<vmem>>, vector<16xf32>,
      %add3A_942 = arith.addf %get3A_939, %get3A_941 : vector<16xf32>
      %gt3A_943 = arith.constant 0.000000e+00 : f32
      %gt3A_944 = vector.broadcast %gt3A_943 : f32 to vector<16xf32>
      %gt3A_945 = arith.cmpf ogt, %add3A_942, %gt3A_944 : vector<16xf32>
      %mul3A_946 = arith.constant 2.000000e-01 : f32
      %mul3A_947 = vector.broadcast %mul3A_946 : f32 to vector<16xf32>
      %mul3A_948 = arith.mulf %mul3A_947, %add3A_942 : vector<16xf32>
      %select_n3A_949 = arith.select %gt3A_945, %add3A_942, %mul3A_948 : vector<16xi1>, vector<16xf32>
      %add3A_950 = arith.addf %get3A_896, %get3A_941 : vector<16xf32>
      %gt3A_951 = arith.constant 0.000000e+00 : f32
      %gt3A_952 = vector.broadcast %gt3A_951 : f32 to vector<16xf32>
      %gt3A_953 = arith.cmpf ogt, %add3A_950, %gt3A_952 : vector<16xf32>
      %mul3A_954 = arith.constant 2.000000e-01 : f32
      %mul3A_955 = vector.broadcast %mul3A_954 : f32 to vector<16xf32>
      %mul3A_956 = arith.mulf %mul3A_955, %add3A_950 : vector<16xf32>
      %select_n3A_957 = arith.select %gt3A_953, %add3A_950, %mul3A_956 : vector<16xi1>, vector<16xf32>
      %sub3A_958 = arith.subf %select_n3A_949, %select_n3A_957 : vector<16xf32>
      %exp3A_959 = math.exp %sub3A_958 : vector<16xf32>
      %swap3A_960 = arith.constant 16 : index
      %swap3A_961 = tpu.vector_load %arg22[%swap3A_960] {strides = array<i32>} : memref<128xf32, #tpu.memory_space<vmem>>, vector<16xf32>,
      tpu.vector_store %arg22[%swap3A_960], %exp3A_959 {strides = array<i32>} : memref<128xf32, #tpu.memory_space<vmem>>, vector<16xf32>,
      %get3A_962 = arith.constant 32 : index
      %get3A_963 = tpu.vector_load %arg18[%get3A_962] {strides = array<i32>} : memref<128xf32, #tpu.memory_space<vmem>>, vector<16xf32>,
      %get3A_964 = arith.constant 32 : index
      %get3A_965 = tpu.vector_load %arg20[%get3A_964] {strides = array<i32>} : memref<128xf32, #tpu.memory_space<vmem>>, vector<16xf32>,
      %add3A_966 = arith.addf %get3A_963, %get3A_965 : vector<16xf32>
      %gt3A_967 = arith.constant 0.000000e+00 : f32
      %gt3A_968 = vector.broadcast %gt3A_967 : f32 to vector<16xf32>
      %gt3A_969 = arith.cmpf ogt, %add3A_966, %gt3A_968 : vector<16xf32>
      %mul3A_970 = arith.constant 2.000000e-01 : f32
      %mul3A_971 = vector.broadcast %mul3A_970 : f32 to vector<16xf32>
      %mul3A_972 = arith.mulf %mul3A_971, %add3A_966 : vector<16xf32>
      %select_n3A_973 = arith.select %gt3A_969, %add3A_966, %mul3A_972 : vector<16xi1>, vector<16xf32>
      %add3A_974 = arith.addf %get3A_896, %get3A_965 : vector<16xf32>
      %gt3A_975 = arith.constant 0.000000e+00 : f32
      %gt3A_976 = vector.broadcast %gt3A_975 : f32 to vector<16xf32>
      %gt3A_977 = arith.cmpf ogt, %add3A_974, %gt3A_976 : vector<16xf32>
      %mul3A_978 = arith.constant 2.000000e-01 : f32
      %mul3A_979 = vector.broadcast %mul3A_978 : f32 to vector<16xf32>
      %mul3A_980 = arith.mulf %mul3A_979, %add3A_974 : vector<16xf32>
      %select_n3A_981 = arith.select %gt3A_977, %add3A_974, %mul3A_980 : vector<16xi1>, vector<16xf32>
      %sub3A_982 = arith.subf %select_n3A_973, %select_n3A_981 : vector<16xf32>
      %exp3A_983 = math.exp %sub3A_982 : vector<16xf32>
      %swap3A_984 = arith.constant 32 : index
      %swap3A_985 = tpu.vector_load %arg22[%swap3A_984] {strides = array<i32>} : memref<128xf32, #tpu.memory_space<vmem>>, vector<16xf32>,
      tpu.vector_store %arg22[%swap3A_984], %exp3A_983 {strides = array<i32>} : memref<128xf32, #tpu.memory_space<vmem>>, vector<16xf32>,
      %get3A_986 = arith.constant 48 : index
      %get3A_987 = tpu.vector_load %arg18[%get3A_986] {strides = array<i32>} : memref<128xf32, #tpu.memory_space<vmem>>, vector<16xf32>,
      %get3A_988 = arith.constant 48 : index
      %get3A_989 = tpu.vector_load %arg20[%get3A_988] {strides = array<i32>} : memref<128xf32, #tpu.memory_space<vmem>>, vector<16xf32>,
      %add3A_990 = arith.addf %get3A_987, %get3A_989 : vector<16xf32>
      %gt3A_991 = arith.constant 0.000000e+00 : f32
      %gt3A_992 = vector.broadcast %gt3A_991 : f32 to vector<16xf32>
      %gt3A_993 = arith.cmpf ogt, %add3A_990, %gt3A_992 : vector<16xf32>
      %mul3A_994 = arith.constant 2.000000e-01 : f32
      %mul3A_995 = vector.broadcast %mul3A_994 : f32 to vector<16xf32>
      %mul3A_996 = arith.mulf %mul3A_995, %add3A_990 : vector<16xf32>
      %select_n3A_997 = arith.select %gt3A_993, %add3A_990, %mul3A_996 : vector<16xi1>, vector<16xf32>
      %add3A_998 = arith.addf %get3A_896, %get3A_989 : vector<16xf32>
      %gt3A_999 = arith.constant 0.000000e+00 : f32
      %gt3A_1000 = vector.broadcast %gt3A_999 : f32 to vector<16xf32>
      %gt3A_1001 = arith.cmpf ogt, %add3A_998, %gt3A_1000 : vector<16xf32>
      %mul3A_1002 = arith.constant 2.000000e-01 : f32
      %mul3A_1003 = vector.broadcast %mul3A_1002 : f32 to vector<16xf32>
      %mul3A_1004 = arith.mulf %mul3A_1003, %add3A_998 : vector<16xf32>
      %select_n3A_1005 = arith.select %gt3A_1001, %add3A_998, %mul3A_1004 : vector<16xi1>, vector<16xf32>
      %sub3A_1006 = arith.subf %select_n3A_997, %select_n3A_1005 : vector<16xf32>
      %exp3A_1007 = math.exp %sub3A_1006 : vector<16xf32>
      %swap3A_1008 = arith.constant 48 : index
      %swap3A_1009 = tpu.vector_load %arg22[%swap3A_1008] {strides = array<i32>} : memref<128xf32, #tpu.memory_space<vmem>>, vector<16xf32>,
      tpu.vector_store %arg22[%swap3A_1008], %exp3A_1007 {strides = array<i32>} : memref<128xf32, #tpu.memory_space<vmem>>, vector<16xf32>,
      %get3A_1010 = arith.constant 64 : index
      %get3A_1011 = tpu.vector_load %arg18[%get3A_1010] {strides = array<i32>} : memref<128xf32, #tpu.memory_space<vmem>>, vector<16xf32>,
      %get3A_1012 = arith.constant 64 : index
      %get3A_1013 = tpu.vector_load %arg20[%get3A_1012] {strides = array<i32>} : memref<128xf32, #tpu.memory_space<vmem>>, vector<16xf32>,
      %add3A_1014 = arith.addf %get3A_1011, %get3A_1013 : vector<16xf32>
      %gt3A_1015 = arith.constant 0.000000e+00 : f32
      %gt3A_1016 = vector.broadcast %gt3A_1015 : f32 to vector<16xf32>
      %gt3A_1017 = arith.cmpf ogt, %add3A_1014, %gt3A_1016 : vector<16xf32>
      %mul3A_1018 = arith.constant 2.000000e-01 : f32
      %mul3A_1019 = vector.broadcast %mul3A_1018 : f32 to vector<16xf32>
      %mul3A_1020 = arith.mulf %mul3A_1019, %add3A_1014 : vector<16xf32>
      %select_n3A_1021 = arith.select %gt3A_1017, %add3A_1014, %mul3A_1020 : vector<16xi1>, vector<16xf32>
      %add3A_1022 = arith.addf %get3A_896, %get3A_1013 : vector<16xf32>
      %gt3A_1023 = arith.constant 0.000000e+00 : f32
      %gt3A_1024 = vector.broadcast %gt3A_1023 : f32 to vector<16xf32>
      %gt3A_1025 = arith.cmpf ogt, %add3A_1022, %gt3A_1024 : vector<16xf32>
      %mul3A_1026 = arith.constant 2.000000e-01 : f32
      %mul3A_1027 = vector.broadcast %mul3A_1026 : f32 to vector<16xf32>
      %mul3A_1028 = arith.mulf %mul3A_1027, %add3A_1022 : vector<16xf32>
      %select_n3A_1029 = arith.select %gt3A_1025, %add3A_1022, %mul3A_1028 : vector<16xi1>, vector<16xf32>
      %sub3A_1030 = arith.subf %select_n3A_1021, %select_n3A_1029 : vector<16xf32>
      %exp3A_1031 = math.exp %sub3A_1030 : vector<16xf32>
      %swap3A_1032 = arith.constant 64 : index
      %swap3A_1033 = tpu.vector_load %arg22[%swap3A_1032] {strides = array<i32>} : memref<128xf32, #tpu.memory_space<vmem>>, vector<16xf32>,
      tpu.vector_store %arg22[%swap3A_1032], %exp3A_1031 {strides = array<i32>} : memref<128xf32, #tpu.memory_space<vmem>>, vector<16xf32>,
      %get3A_1034 = arith.constant 80 : index
      %get3A_1035 = tpu.vector_load %arg18[%get3A_1034] {strides = array<i32>} : memref<128xf32, #tpu.memory_space<vmem>>, vector<16xf32>,
      %get3A_1036 = arith.constant 80 : index
      %get3A_1037 = tpu.vector_load %arg20[%get3A_1036] {strides = array<i32>} : memref<128xf32, #tpu.memory_space<vmem>>, vector<16xf32>,
      %add3A_1038 = arith.addf %get3A_1035, %get3A_1037 : vector<16xf32>
      %gt3A_1039 = arith.constant 0.000000e+00 : f32
      %gt3A_1040 = vector.broadcast %gt3A_1039 : f32 to vector<16xf32>
      %gt3A_1041 = arith.cmpf ogt, %add3A_1038, %gt3A_1040 : vector<16xf32>
      %mul3A_1042 = arith.constant 2.000000e-01 : f32
      %mul3A_1043 = vector.broadcast %mul3A_1042 : f32 to vector<16xf32>
      %mul3A_1044 = arith.mulf %mul3A_1043, %add3A_1038 : vector<16xf32>
      %select_n3A_1045 = arith.select %gt3A_1041, %add3A_1038, %mul3A_1044 : vector<16xi1>, vector<16xf32>
      %add3A_1046 = arith.addf %get3A_896, %get3A_1037 : vector<16xf32>
      %gt3A_1047 = arith.constant 0.000000e+00 : f32
      %gt3A_1048 = vector.broadcast %gt3A_1047 : f32 to vector<16xf32>
      %gt3A_1049 = arith.cmpf ogt, %add3A_1046, %gt3A_1048 : vector<16xf32>
      %mul3A_1050 = arith.constant 2.000000e-01 : f32
      %mul3A_1051 = vector.broadcast %mul3A_1050 : f32 to vector<16xf32>
      %mul3A_1052 = arith.mulf %mul3A_1051, %add3A_1046 : vector<16xf32>
      %select_n3A_1053 = arith.select %gt3A_1049, %add3A_1046, %mul3A_1052 : vector<16xi1>, vector<16xf32>
      %sub3A_1054 = arith.subf %select_n3A_1045, %select_n3A_1053 : vector<16xf32>
      %exp3A_1055 = math.exp %sub3A_1054 : vector<16xf32>
      %swap3A_1056 = arith.constant 80 : index
      %swap3A_1057 = tpu.vector_load %arg22[%swap3A_1056] {strides = array<i32>} : memref<128xf32, #tpu.memory_space<vmem>>, vector<16xf32>,
      tpu.vector_store %arg22[%swap3A_1056], %exp3A_1055 {strides = array<i32>} : memref<128xf32, #tpu.memory_space<vmem>>, vector<16xf32>,
      %get3A_1058 = arith.constant 96 : index
      %get3A_1059 = tpu.vector_load %arg18[%get3A_1058] {strides = array<i32>} : memref<128xf32, #tpu.memory_space<vmem>>, vector<16xf32>,
      %get3A_1060 = arith.constant 96 : index
      %get3A_1061 = tpu.vector_load %arg20[%get3A_1060] {strides = array<i32>} : memref<128xf32, #tpu.memory_space<vmem>>, vector<16xf32>,
      %add3A_1062 = arith.addf %get3A_1059, %get3A_1061 : vector<16xf32>
      %gt3A_1063 = arith.constant 0.000000e+00 : f32
      %gt3A_1064 = vector.broadcast %gt3A_1063 : f32 to vector<16xf32>
      %gt3A_1065 = arith.cmpf ogt, %add3A_1062, %gt3A_1064 : vector<16xf32>
      %mul3A_1066 = arith.constant 2.000000e-01 : f32
      %mul3A_1067 = vector.broadcast %mul3A_1066 : f32 to vector<16xf32>
      %mul3A_1068 = arith.mulf %mul3A_1067, %add3A_1062 : vector<16xf32>
      %select_n3A_1069 = arith.select %gt3A_1065, %add3A_1062, %mul3A_1068 : vector<16xi1>, vector<16xf32>
      %add3A_1070 = arith.addf %get3A_896, %get3A_1061 : vector<16xf32>
      %gt3A_1071 = arith.constant 0.000000e+00 : f32
      %gt3A_1072 = vector.broadcast %gt3A_1071 : f32 to vector<16xf32>
      %gt3A_1073 = arith.cmpf ogt, %add3A_1070, %gt3A_1072 : vector<16xf32>
      %mul3A_1074 = arith.constant 2.000000e-01 : f32
      %mul3A_1075 = vector.broadcast %mul3A_1074 : f32 to vector<16xf32>
      %mul3A_1076 = arith.mulf %mul3A_1075, %add3A_1070 : vector<16xf32>
      %select_n3A_1077 = arith.select %gt3A_1073, %add3A_1070, %mul3A_1076 : vector<16xi1>, vector<16xf32>
      %sub3A_1078 = arith.subf %select_n3A_1069, %select_n3A_1077 : vector<16xf32>
      %exp3A_1079 = math.exp %sub3A_1078 : vector<16xf32>
      %swap3A_1080 = arith.constant 96 : index
      %swap3A_1081 = tpu.vector_load %arg22[%swap3A_1080] {strides = array<i32>} : memref<128xf32, #tpu.memory_space<vmem>>, vector<16xf32>,
      tpu.vector_store %arg22[%swap3A_1080], %exp3A_1079 {strides = array<i32>} : memref<128xf32, #tpu.memory_space<vmem>>, vector<16xf32>,
      %get3A_1082 = arith.constant 112 : index
      %get3A_1083 = tpu.vector_load %arg18[%get3A_1082] {strides = array<i32>} : memref<128xf32, #tpu.memory_space<vmem>>, vector<16xf32>,
      %get3A_1084 = arith.constant 112 : index
      %get3A_1085 = tpu.vector_load %arg20[%get3A_1084] {strides = array<i32>} : memref<128xf32, #tpu.memory_space<vmem>>, vector<16xf32>,
      %add3A_1086 = arith.addf %get3A_1083, %get3A_1085 : vector<16xf32>
      %gt3A_1087 = arith.constant 0.000000e+00 : f32
      %gt3A_1088 = vector.broadcast %gt3A_1087 : f32 to vector<16xf32>
      %gt3A_1089 = arith.cmpf ogt, %add3A_1086, %gt3A_1088 : vector<16xf32>
      %mul3A_1090 = arith.constant 2.000000e-01 : f32
      %mul3A_1091 = vector.broadcast %mul3A_1090 : f32 to vector<16xf32>
      %mul3A_1092 = arith.mulf %mul3A_1091, %add3A_1086 : vector<16xf32>
      %select_n3A_1093 = arith.select %gt3A_1089, %add3A_1086, %mul3A_1092 : vector<16xi1>, vector<16xf32>
      %add3A_1094 = arith.addf %get3A_896, %get3A_1085 : vector<16xf32>
      %gt3A_1095 = arith.constant 0.000000e+00 : f32
      %gt3A_1096 = vector.broadcast %gt3A_1095 : f32 to vector<16xf32>
      %gt3A_1097 = arith.cmpf ogt, %add3A_1094, %gt3A_1096 : vector<16xf32>
      %mul3A_1098 = arith.constant 2.000000e-01 : f32
      %mul3A_1099 = vector.broadcast %mul3A_1098 : f32 to vector<16xf32>
      %mul3A_1100 = arith.mulf %mul3A_1099, %add3A_1094 : vector<16xf32>
      %select_n3A_1101 = arith.select %gt3A_1097, %add3A_1094, %mul3A_1100 : vector<16xi1>, vector<16xf32>
      %sub3A_1102 = arith.subf %select_n3A_1093, %select_n3A_1101 : vector<16xf32>
      %exp3A_1103 = math.exp %sub3A_1102 : vector<16xf32>
      %swap3A_1104 = arith.constant 112 : index
      %swap3A_1105 = tpu.vector_load %arg22[%swap3A_1104] {strides = array<i32>} : memref<128xf32, #tpu.memory_space<vmem>>, vector<16xf32>,
      tpu.vector_store %arg22[%swap3A_1104], %exp3A_1103 {strides = array<i32>} : memref<128xf32, #tpu.memory_space<vmem>>, vector<16xf32>,
      %dma_start3A_1106 = arith.constant 1 : i32
      %dma_start3A_1107 = arith.constant 0 : i32
      %dma_start3A_1108 = tpu.memref_slice %arg13[%dma_start3A_1106, %dma_start3A_1107] : memref<2x128xi32, #tpu.memory_space<vmem>> -> memref<1x128xi32, #tpu.memory_space<vmem>>
      %dma_start3A_1109 = tpu.memref_squeeze %dma_start3A_1108 : memref<1x128xi32, #tpu.memory_space<vmem>> -> memref<128xi32, #tpu.memory_space<vmem>>
      %dma_start3A_1110 = arith.constant 0 : i32
      %dma_start3A_1111 = tpu.memref_slice %arg24[%dma_start3A_1110] : memref<10240xf32, #tpu.memory_space<vmem_shared>> -> memref<10240xf32, #tpu.memory_space<vmem_shared>>
      tpu.enqueue_indirect_dma source(%arg22 : memref<128xf32, #tpu.memory_space<vmem>>) target(%dma_start3A_1111 : memref<10240xf32, #tpu.memory_space<vmem_shared>>) offsets(%dma_start3A_1109 : memref<128xi32, #tpu.memory_space<vmem>>) semaphore(%arg33 : memref<!tpu.dma_semaphore, #tpu.memory_space<semaphore_mem>>) {add = true}
      %ge3A_1112 = arith.constant 1 : i32
      %ge3A_1113 = arith.cmpi sge, %add3A_888, %ge3A_1112 : i32
      %convert_element_type3A_1114 = arith.extui %ge3A_1113 : i1 to i32
      %cond3A_1115 = arith.constant 0 : i32
      %cond3A_1116 = arith.cmpi ne, %convert_element_type3A_1114, %cond3A_1115 : i32
      scf.if %cond3A_1116 {
        %dma_wait3A_1139 = arith.constant 1 : i32
        %dma_wait3A_1140 = arith.constant 0 : i32
        %dma_wait3A_1141 = tpu.memref_slice %arg12[%dma_wait3A_1139, %dma_wait3A_1140] : memref<2x128xi32, #tpu.memory_space<vmem>> -> memref<1x128xi32, #tpu.memory_space<vmem>>
        %dma_wait3A_1142 = tpu.memref_squeeze %dma_wait3A_1141 : memref<1x128xi32, #tpu.memory_space<vmem>> -> memref<128xi32, #tpu.memory_space<vmem>>
        %dma_wait3A_1143 = arith.constant 0 : i32
        %dma_wait3A_1144 = arith.constant 0 : i32
        %dma_wait3A_1145 = tpu.memref_slice %arg23[%dma_wait3A_1143, %dma_wait3A_1144] : memref<10240x128xf32, #tpu.memory_space<vmem_shared>> -> memref<10240x128xf32, #tpu.memory_space<vmem_shared>>
        tpu.wait_indirect_dma semaphore(%arg31 : memref<!tpu.dma_semaphore, #tpu.memory_space<semaphore_mem>>) src(%arg16 : memref<128x128xf32, #tpu.memory_space<vmem>>) dst(%dma_wait3A_1145 : memref<10240x128xf32, #tpu.memory_space<vmem_shared>>)
      } else {
      }
      %dma_wait3A_1117 = arith.constant 0 : i32
      %dma_wait3A_1118 = arith.constant 0 : i32
      %dma_wait3A_1119 = tpu.memref_slice %arg13[%dma_wait3A_1117, %dma_wait3A_1118] : memref<2x128xi32, #tpu.memory_space<vmem>> -> memref<1x128xi32, #tpu.memory_space<vmem>>
      %dma_wait3A_1120 = tpu.memref_squeeze %dma_wait3A_1119 : memref<1x128xi32, #tpu.memory_space<vmem>> -> memref<128xi32, #tpu.memory_space<vmem>>
      %dma_wait3A_1121 = arith.constant 0 : i32
      %dma_wait3A_1122 = arith.constant 0 : i32
      %dma_wait3A_1123 = tpu.memref_slice %arg2[%dma_wait3A_1121, %dma_wait3A_1122] : memref<10240x128xbf16, #tpu.memory_space<hbm>> -> memref<10240x128xbf16, #tpu.memory_space<hbm>>
      tpu.wait_indirect_dma semaphore(%arg26 : memref<!tpu.dma_semaphore, #tpu.memory_space<semaphore_mem>>) src(%dma_wait3A_1123 : memref<10240x128xbf16, #tpu.memory_space<hbm>>) dst(%arg15 : memref<128x128xbf16, #tpu.memory_space<vmem>>)
      %scan3A_1124 = arith.constant 0 : i32
      %scan3A_1125 = arith.constant 0 : i32
      %scan3A_1126 = arith.constant 128 : i32
      %scan3A_1127 = arith.addi %scan3A_1125, %scan3A_1126 : i32
      %scan3A_1128 = arith.constant 1 : i32
      %scan3A_1129 = scf.for %scan3A_1139 = %scan3A_1125 to %scan3A_1127 step %scan3A_1128 iter_args(%scan3A_1140 = %scan3A_1124) -> (i32)  : i32 {
        %broadcast_in_dim3A_1141 = vector.broadcast %scan3A_1139 : i32 to vector<16xi32>
        %gather3A = tpu.vector_load_idx %arg22[%broadcast_in_dim3A_1141] : memref<128xf32, #tpu.memory_space<vmem>>[vector<16xi32>], vector<16xf32>,
        %get3A_1142 = arith.index_cast %scan3A_1139 : i32 to index
        %get3A_1143 = arith.constant 0 : index
        %get3A_1144 = tpu.vector_load %arg15[%get3A_1142, %get3A_1143] {strides = array<i32>} : memref<128x128xbf16, #tpu.memory_space<vmem>>, vector<32xbf16>,
        %unpack3A = tpu.unpack_subelements %get3A_1144, 0 {pack_format = #tpu.pack_format<interleaved>} : vector<32xbf16> -> vector<16xf32>
        %unpack3A_1145 = tpu.unpack_subelements %get3A_1144, 1 {pack_format = #tpu.pack_format<interleaved>} : vector<32xbf16> -> vector<16xf32>
        %mul3A_1146 = arith.mulf %unpack3A, %gather3A : vector<16xf32>
        %swap3A_1147 = arith.index_cast %scan3A_1139 : i32 to index
        %swap3A_1148 = arith.constant 0 : index
        %swap3A_1149 = tpu.vector_load %arg16[%swap3A_1147, %swap3A_1148] {strides = array<i32>} : memref<128x128xf32, #tpu.memory_space<vmem>>, vector<16xf32>,
        tpu.vector_store %arg16[%swap3A_1147, %swap3A_1148], %mul3A_1146 {strides = array<i32>} : memref<128x128xf32, #tpu.memory_space<vmem>>, vector<16xf32>,
        %mul3A_1150 = arith.mulf %unpack3A_1145, %gather3A : vector<16xf32>
        %swap3A_1151 = arith.index_cast %scan3A_1139 : i32 to index
        %swap3A_1152 = arith.constant 16 : index
        %swap3A_1153 = tpu.vector_load %arg16[%swap3A_1151, %swap3A_1152] {strides = array<i32>} : memref<128x128xf32, #tpu.memory_space<vmem>>, vector<16xf32>,
        tpu.vector_store %arg16[%swap3A_1151, %swap3A_1152], %mul3A_1150 {strides = array<i32>} : memref<128x128xf32, #tpu.memory_space<vmem>>, vector<16xf32>,
        %get3A_1154 = arith.index_cast %scan3A_1139 : i32 to index
        %get3A_1155 = arith.constant 32 : index
        %get3A_1156 = tpu.vector_load %arg15[%get3A_1154, %get3A_1155] {strides = array<i32>} : memref<128x128xbf16, #tpu.memory_space<vmem>>, vector<32xbf16>,
        %unpack3A_1157 = tpu.unpack_subelements %get3A_1156, 0 {pack_format = #tpu.pack_format<interleaved>} : vector<32xbf16> -> vector<16xf32>
        %unpack3A_1158 = tpu.unpack_subelements %get3A_1156, 1 {pack_format = #tpu.pack_format<interleaved>} : vector<32xbf16> -> vector<16xf32>
        %mul3A_1159 = arith.mulf %unpack3A_1157, %gather3A : vector<16xf32>
        %swap3A_1160 = arith.index_cast %scan3A_1139 : i32 to index
        %swap3A_1161 = arith.constant 32 : index
        %swap3A_1162 = tpu.vector_load %arg16[%swap3A_1160, %swap3A_1161] {strides = array<i32>} : memref<128x128xf32, #tpu.memory_space<vmem>>, vector<16xf32>,
        tpu.vector_store %arg16[%swap3A_1160, %swap3A_1161], %mul3A_1159 {strides = array<i32>} : memref<128x128xf32, #tpu.memory_space<vmem>>, vector<16xf32>,
        %mul3A_1163 = arith.mulf %unpack3A_1158, %gather3A : vector<16xf32>
        %swap3A_1164 = arith.index_cast %scan3A_1139 : i32 to index
        %swap3A_1165 = arith.constant 48 : index
        %swap3A_1166 = tpu.vector_load %arg16[%swap3A_1164, %swap3A_1165] {strides = array<i32>} : memref<128x128xf32, #tpu.memory_space<vmem>>, vector<16xf32>,
        tpu.vector_store %arg16[%swap3A_1164, %swap3A_1165], %mul3A_1163 {strides = array<i32>} : memref<128x128xf32, #tpu.memory_space<vmem>>, vector<16xf32>,
        %get3A_1167 = arith.index_cast %scan3A_1139 : i32 to index
        %get3A_1168 = arith.constant 64 : index
        %get3A_1169 = tpu.vector_load %arg15[%get3A_1167, %get3A_1168] {strides = array<i32>} : memref<128x128xbf16, #tpu.memory_space<vmem>>, vector<32xbf16>,
        %unpack3A_1170 = tpu.unpack_subelements %get3A_1169, 0 {pack_format = #tpu.pack_format<interleaved>} : vector<32xbf16> -> vector<16xf32>
        %unpack3A_1171 = tpu.unpack_subelements %get3A_1169, 1 {pack_format = #tpu.pack_format<interleaved>} : vector<32xbf16> -> vector<16xf32>
        %mul3A_1172 = arith.mulf %unpack3A_1170, %gather3A : vector<16xf32>
        %swap3A_1173 = arith.index_cast %scan3A_1139 : i32 to index
        %swap3A_1174 = arith.constant 64 : index
        %swap3A_1175 = tpu.vector_load %arg16[%swap3A_1173, %swap3A_1174] {strides = array<i32>} : memref<128x128xf32, #tpu.memory_space<vmem>>, vector<16xf32>,
        tpu.vector_store %arg16[%swap3A_1173, %swap3A_1174], %mul3A_1172 {strides = array<i32>} : memref<128x128xf32, #tpu.memory_space<vmem>>, vector<16xf32>,
        %mul3A_1176 = arith.mulf %unpack3A_1171, %gather3A : vector<16xf32>
        %swap3A_1177 = arith.index_cast %scan3A_1139 : i32 to index
        %swap3A_1178 = arith.constant 80 : index
        %swap3A_1179 = tpu.vector_load %arg16[%swap3A_1177, %swap3A_1178] {strides = array<i32>} : memref<128x128xf32, #tpu.memory_space<vmem>>, vector<16xf32>,
        tpu.vector_store %arg16[%swap3A_1177, %swap3A_1178], %mul3A_1176 {strides = array<i32>} : memref<128x128xf32, #tpu.memory_space<vmem>>, vector<16xf32>,
        %get3A_1180 = arith.index_cast %scan3A_1139 : i32 to index
        %get3A_1181 = arith.constant 96 : index
        %get3A_1182 = tpu.vector_load %arg15[%get3A_1180, %get3A_1181] {strides = array<i32>} : memref<128x128xbf16, #tpu.memory_space<vmem>>, vector<32xbf16>,
        %unpack3A_1183 = tpu.unpack_subelements %get3A_1182, 0 {pack_format = #tpu.pack_format<interleaved>} : vector<32xbf16> -> vector<16xf32>
        %unpack3A_1184 = tpu.unpack_subelements %get3A_1182, 1 {pack_format = #tpu.pack_format<interleaved>} : vector<32xbf16> -> vector<16xf32>
        %mul3A_1185 = arith.mulf %unpack3A_1183, %gather3A : vector<16xf32>
        %swap3A_1186 = arith.index_cast %scan3A_1139 : i32 to index
        %swap3A_1187 = arith.constant 96 : index
        %swap3A_1188 = tpu.vector_load %arg16[%swap3A_1186, %swap3A_1187] {strides = array<i32>} : memref<128x128xf32, #tpu.memory_space<vmem>>, vector<16xf32>,
        tpu.vector_store %arg16[%swap3A_1186, %swap3A_1187], %mul3A_1185 {strides = array<i32>} : memref<128x128xf32, #tpu.memory_space<vmem>>, vector<16xf32>,
        %mul3A_1189 = arith.mulf %unpack3A_1184, %gather3A : vector<16xf32>
        %swap3A_1190 = arith.index_cast %scan3A_1139 : i32 to index
        %swap3A_1191 = arith.constant 112 : index
        %swap3A_1192 = tpu.vector_load %arg16[%swap3A_1190, %swap3A_1191] {strides = array<i32>} : memref<128x128xf32, #tpu.memory_space<vmem>>, vector<16xf32>,
        tpu.vector_store %arg16[%swap3A_1190, %swap3A_1191], %mul3A_1189 {strides = array<i32>} : memref<128x128xf32, #tpu.memory_space<vmem>>, vector<16xf32>,
        %scan3A_1193 = arith.constant 0 : i32
        scf.yield %scan3A_1193 : i32
      }
      %scan3A_1130 = arith.constant 128 : i32
      %dma_start3A_1131 = arith.constant 1 : i32
      %dma_start3A_1132 = arith.constant 0 : i32
      %dma_start3A_1133 = tpu.memref_slice %arg13[%dma_start3A_1131, %dma_start3A_1132] : memref<2x128xi32, #tpu.memory_space<vmem>> -> memref<1x128xi32, #tpu.memory_space<vmem>>
      %dma_start3A_1134 = tpu.memref_squeeze %dma_start3A_1133 : memref<1x128xi32, #tpu.memory_space<vmem>> -> memref<128xi32, #tpu.memory_space<vmem>>
      %dma_start3A_1135 = arith.constant 0 : i32
      %dma_start3A_1136 = arith.constant 0 : i32
      %dma_start3A_1137 = tpu.memref_slice %arg23[%dma_start3A_1135, %dma_start3A_1136] : memref<10240x128xf32, #tpu.memory_space<vmem_shared>> -> memref<10240x128xf32, #tpu.memory_space<vmem_shared>>
      tpu.enqueue_indirect_dma source(%arg16 : memref<128x128xf32, #tpu.memory_space<vmem>>) target(%dma_start3A_1137 : memref<10240x128xf32, #tpu.memory_space<vmem_shared>>) offsets(%dma_start3A_1134 : memref<128xi32, #tpu.memory_space<vmem>>) semaphore(%arg31 : memref<!tpu.dma_semaphore, #tpu.memory_space<semaphore_mem>>) {add = true}
      %while3A_1138 = arith.constant 0 : i32
      scf.yield %while3A_1138 : i32
    }
    %dma_wait3A = arith.constant 1 : i32
    %dma_wait3A_102 = arith.constant 0 : i32
    %dma_wait3A_103 = tpu.memref_slice %arg10[%dma_wait3A, %dma_wait3A_102] : memref<2x128xi32, #tpu.memory_space<vmem>> -> memref<1x128xi32, #tpu.memory_space<vmem>>
    %dma_wait3A_104 = tpu.memref_squeeze %dma_wait3A_103 : memref<1x128xi32, #tpu.memory_space<vmem>> -> memref<128xi32, #tpu.memory_space<vmem>>
    %dma_wait3A_105 = arith.constant 0 : i32
    %dma_wait3A_106 = arith.constant 0 : i32
    %dma_wait3A_107 = tpu.memref_slice %arg23[%dma_wait3A_105, %dma_wait3A_106] : memref<10240x128xf32, #tpu.memory_space<vmem_shared>> -> memref<10240x128xf32, #tpu.memory_space<vmem_shared>>
    tpu.wait_indirect_dma semaphore(%arg31 : memref<!tpu.dma_semaphore, #tpu.memory_space<semaphore_mem>>) src(%arg16 : memref<128x128xf32, #tpu.memory_space<vmem>>) dst(%dma_wait3A_107 : memref<10240x128xf32, #tpu.memory_space<vmem_shared>>)
    %dma_wait3A_108 = arith.constant 1 : i32
    %dma_wait3A_109 = arith.constant 0 : i32
    %dma_wait3A_110 = tpu.memref_slice %arg10[%dma_wait3A_108, %dma_wait3A_109] : memref<2x128xi32, #tpu.memory_space<vmem>> -> memref<1x128xi32, #tpu.memory_space<vmem>>
    %dma_wait3A_111 = tpu.memref_squeeze %dma_wait3A_110 : memref<1x128xi32, #tpu.memory_space<vmem>> -> memref<128xi32, #tpu.memory_space<vmem>>
    %dma_wait3A_112 = arith.constant 0 : i32
    %dma_wait3A_113 = tpu.memref_slice %arg24[%dma_wait3A_112] : memref<10240xf32, #tpu.memory_space<vmem_shared>> -> memref<10240xf32, #tpu.memory_space<vmem_shared>>
    tpu.wait_indirect_dma semaphore(%arg32 : memref<!tpu.dma_semaphore, #tpu.memory_space<semaphore_mem>>) src(%arg21 : memref<128xf32, #tpu.memory_space<vmem>>) dst(%dma_wait3A_113 : memref<10240xf32, #tpu.memory_space<vmem_shared>>)
    %dma_wait3A_114 = arith.constant 1 : i32
    %dma_wait3A_115 = arith.constant 0 : i32
    %dma_wait3A_116 = tpu.memref_slice %arg11[%dma_wait3A_114, %dma_wait3A_115] : memref<2x128xi32, #tpu.memory_space<vmem>> -> memref<1x128xi32, #tpu.memory_space<vmem>>
    %dma_wait3A_117 = tpu.memref_squeeze %dma_wait3A_116 : memref<1x128xi32, #tpu.memory_space<vmem>> -> memref<128xi32, #tpu.memory_space<vmem>>
    %dma_wait3A_118 = arith.constant 0 : i32
    %dma_wait3A_119 = tpu.memref_slice %arg24[%dma_wait3A_118] : memref<10240xf32, #tpu.memory_space<vmem_shared>> -> memref<10240xf32, #tpu.memory_space<vmem_shared>>
    tpu.wait_indirect_dma semaphore(%arg33 : memref<!tpu.dma_semaphore, #tpu.memory_space<semaphore_mem>>) src(%arg22 : memref<128xf32, #tpu.memory_space<vmem>>) dst(%dma_wait3A_119 : memref<10240xf32, #tpu.memory_space<vmem_shared>>)
    %barrier3A_120 = arith.constant 0 : index
    tpu.barrier barrier_id(%barrier3A_120)
    %add3A_121 = arith.constant 0 : i32
    %add3A_122 = arith.addi %mul3A_22, %add3A_121 : i32
    "tpu.region"() ({
      %run_scoped3A = tpu.sem_alloc : memref<!tpu.dma_semaphore, #tpu.memory_space<semaphore_mem>>
      %dma_start3A_131 = arith.constant 0 : i32
      %dma_start3A_132 = tpu.memref_slice %arg7[%arg0, %add3A_122, %dma_start3A_131] : memref<2x10240x128xf32, #tpu.memory_space<hbm>> -> memref<1x128x128xf32, #tpu.memory_space<hbm>>
      %dma_start3A_133 = tpu.memref_squeeze %dma_start3A_132 : memref<1x128x128xf32, #tpu.memory_space<hbm>> -> memref<128x128xf32, #tpu.memory_space<hbm>>
      %dma_start3A_134 = arith.constant 0 : i32
      %dma_start3A_135 = tpu.memref_slice %arg23[%add3A_122, %dma_start3A_134] : memref<10240x128xf32, #tpu.memory_space<vmem_shared>> -> memref<128x128xf32, #tpu.memory_space<vmem_shared>>
      tpu.enqueue_dma source(%dma_start3A_135 : memref<128x128xf32, #tpu.memory_space<vmem_shared>>) target(%dma_start3A_133 : memref<128x128xf32, #tpu.memory_space<hbm>>) target_semaphore(%run_scoped3A : memref<!tpu.dma_semaphore, #tpu.memory_space<semaphore_mem>>)
      %dma_wait3A_136 = arith.constant 0 : i32
      %dma_wait3A_137 = tpu.memref_slice %arg7[%arg0, %add3A_122, %dma_wait3A_136] : memref<2x10240x128xf32, #tpu.memory_space<hbm>> -> memref<1x128x128xf32, #tpu.memory_space<hbm>>
      %dma_wait3A_138 = tpu.memref_squeeze %dma_wait3A_137 : memref<1x128x128xf32, #tpu.memory_space<hbm>> -> memref<128x128xf32, #tpu.memory_space<hbm>>
      %dma_wait3A_139 = arith.constant 0 : i32
      %dma_wait3A_140 = tpu.memref_slice %arg23[%add3A_122, %dma_wait3A_139] : memref<10240x128xf32, #tpu.memory_space<vmem_shared>> -> memref<128x128xf32, #tpu.memory_space<vmem_shared>>
      tpu.wait_dma2 semaphore(%run_scoped3A : memref<!tpu.dma_semaphore, #tpu.memory_space<semaphore_mem>>) src(%dma_wait3A_140 : memref<128x128xf32, #tpu.memory_space<vmem_shared>>) dst(%dma_wait3A_138 : memref<128x128xf32, #tpu.memory_space<hbm>>)
      tpu.yield
    }) : () -> ()
    "tpu.region"() ({
      %run_scoped3A = tpu.sem_alloc : memref<!tpu.dma_semaphore, #tpu.memory_space<semaphore_mem>>
      %dma_start3A_131 = tpu.memref_slice %arg8[%arg0, %add3A_122] : memref<2x10240xf32, #tpu.memory_space<hbm>> -> memref<1x128xf32, #tpu.memory_space<hbm>>
      %dma_start3A_132 = tpu.memref_squeeze %dma_start3A_131 : memref<1x128xf32, #tpu.memory_space<hbm>> -> memref<128xf32, #tpu.memory_space<hbm>>
      %dma_start3A_133 = tpu.memref_slice %arg24[%add3A_122] : memref<10240xf32, #tpu.memory_space<vmem_shared>> -> memref<128xf32, #tpu.memory_space<vmem_shared>>
      tpu.enqueue_dma source(%dma_start3A_133 : memref<128xf32, #tpu.memory_space<vmem_shared>>) target(%dma_start3A_132 : memref<128xf32, #tpu.memory_space<hbm>>) target_semaphore(%run_scoped3A : memref<!tpu.dma_semaphore, #tpu.memory_space<semaphore_mem>>)
      %dma_wait3A_134 = tpu.memref_slice %arg8[%arg0, %add3A_122] : memref<2x10240xf32, #tpu.memory_space<hbm>> -> memref<1x128xf32, #tpu.memory_space<hbm>>
      %dma_wait3A_135 = tpu.memref_squeeze %dma_wait3A_134 : memref<1x128xf32, #tpu.memory_space<hbm>> -> memref<128xf32, #tpu.memory_space<hbm>>
      %dma_wait3A_136 = tpu.memref_slice %arg24[%add3A_122] : memref<10240xf32, #tpu.memory_space<vmem_shared>> -> memref<128xf32, #tpu.memory_space<vmem_shared>>
      tpu.wait_dma2 semaphore(%run_scoped3A : memref<!tpu.dma_semaphore, #tpu.memory_space<semaphore_mem>>) src(%dma_wait3A_136 : memref<128xf32, #tpu.memory_space<vmem_shared>>) dst(%dma_wait3A_135 : memref<128xf32, #tpu.memory_space<hbm>>)
      tpu.yield
    }) : () -> ()
    %add3A_123 = arith.constant 128 : i32
    %add3A_124 = arith.addi %mul3A_22, %add3A_123 : i32
    "tpu.region"() ({
      %run_scoped3A = tpu.sem_alloc : memref<!tpu.dma_semaphore, #tpu.memory_space<semaphore_mem>>
      %dma_start3A_131 = arith.constant 0 : i32
      %dma_start3A_132 = tpu.memref_slice %arg7[%arg0, %add3A_124, %dma_start3A_131] : memref<2x10240x128xf32, #tpu.memory_space<hbm>> -> memref<1x128x128xf32, #tpu.memory_space<hbm>>
      %dma_start3A_133 = tpu.memref_squeeze %dma_start3A_132 : memref<1x128x128xf32, #tpu.memory_space<hbm>> -> memref<128x128xf32, #tpu.memory_space<hbm>>
      %dma_start3A_134 = arith.constant 0 : i32
      %dma_start3A_135 = tpu.memref_slice %arg23[%add3A_124, %dma_start3A_134] : memref<10240x128xf32, #tpu.memory_space<vmem_shared>> -> memref<128x128xf32, #tpu.memory_space<vmem_shared>>
      tpu.enqueue_dma source(%dma_start3A_135 : memref<128x128xf32, #tpu.memory_space<vmem_shared>>) target(%dma_start3A_133 : memref<128x128xf32, #tpu.memory_space<hbm>>) target_semaphore(%run_scoped3A : memref<!tpu.dma_semaphore, #tpu.memory_space<semaphore_mem>>)
      %dma_wait3A_136 = arith.constant 0 : i32
      %dma_wait3A_137 = tpu.memref_slice %arg7[%arg0, %add3A_124, %dma_wait3A_136] : memref<2x10240x128xf32, #tpu.memory_space<hbm>> -> memref<1x128x128xf32, #tpu.memory_space<hbm>>
      %dma_wait3A_138 = tpu.memref_squeeze %dma_wait3A_137 : memref<1x128x128xf32, #tpu.memory_space<hbm>> -> memref<128x128xf32, #tpu.memory_space<hbm>>
      %dma_wait3A_139 = arith.constant 0 : i32
      %dma_wait3A_140 = tpu.memref_slice %arg23[%add3A_124, %dma_wait3A_139] : memref<10240x128xf32, #tpu.memory_space<vmem_shared>> -> memref<128x128xf32, #tpu.memory_space<vmem_shared>>
      tpu.wait_dma2 semaphore(%run_scoped3A : memref<!tpu.dma_semaphore, #tpu.memory_space<semaphore_mem>>) src(%dma_wait3A_140 : memref<128x128xf32, #tpu.memory_space<vmem_shared>>) dst(%dma_wait3A_138 : memref<128x128xf32, #tpu.memory_space<hbm>>)
      tpu.yield
    }) : () -> ()
    "tpu.region"() ({
      %run_scoped3A = tpu.sem_alloc : memref<!tpu.dma_semaphore, #tpu.memory_space<semaphore_mem>>
      %dma_start3A_131 = tpu.memref_slice %arg8[%arg0, %add3A_124] : memref<2x10240xf32, #tpu.memory_space<hbm>> -> memref<1x128xf32, #tpu.memory_space<hbm>>
      %dma_start3A_132 = tpu.memref_squeeze %dma_start3A_131 : memref<1x128xf32, #tpu.memory_space<hbm>> -> memref<128xf32, #tpu.memory_space<hbm>>
      %dma_start3A_133 = tpu.memref_slice %arg24[%add3A_124] : memref<10240xf32, #tpu.memory_space<vmem_shared>> -> memref<128xf32, #tpu.memory_space<vmem_shared>>
      tpu.enqueue_dma source(%dma_start3A_133 : memref<128xf32, #tpu.memory_space<vmem_shared>>) target(%dma_start3A_132 : memref<128xf32, #tpu.memory_space<hbm>>) target_semaphore(%run_scoped3A : memref<!tpu.dma_semaphore, #tpu.memory_space<semaphore_mem>>)
      %dma_wait3A_134 = tpu.memref_slice %arg8[%arg0, %add3A_124] : memref<2x10240xf32, #tpu.memory_space<hbm>> -> memref<1x128xf32, #tpu.memory_space<hbm>>
      %dma_wait3A_135 = tpu.memref_squeeze %dma_wait3A_134 : memref<1x128xf32, #tpu.memory_space<hbm>> -> memref<128xf32, #tpu.memory_space<hbm>>
      %dma_wait3A_136 = tpu.memref_slice %arg24[%add3A_124] : memref<10240xf32, #tpu.memory_space<vmem_shared>> -> memref<128xf32, #tpu.memory_space<vmem_shared>>
      tpu.wait_dma2 semaphore(%run_scoped3A : memref<!tpu.dma_semaphore, #tpu.memory_space<semaphore_mem>>) src(%dma_wait3A_136 : memref<128xf32, #tpu.memory_space<vmem_shared>>) dst(%dma_wait3A_135 : memref<128xf32, #tpu.memory_space<hbm>>)
      tpu.yield
    }) : () -> ()
    %add3A_125 = arith.constant 256 : i32
    %add3A_126 = arith.addi %mul3A_22, %add3A_125 : i32
    "tpu.region"() ({
      %run_scoped3A = tpu.sem_alloc : memref<!tpu.dma_semaphore, #tpu.memory_space<semaphore_mem>>
      %dma_start3A_131 = arith.constant 0 : i32
      %dma_start3A_132 = tpu.memref_slice %arg7[%arg0, %add3A_126, %dma_start3A_131] : memref<2x10240x128xf32, #tpu.memory_space<hbm>> -> memref<1x128x128xf32, #tpu.memory_space<hbm>>
      %dma_start3A_133 = tpu.memref_squeeze %dma_start3A_132 : memref<1x128x128xf32, #tpu.memory_space<hbm>> -> memref<128x128xf32, #tpu.memory_space<hbm>>
      %dma_start3A_134 = arith.constant 0 : i32
      %dma_start3A_135 = tpu.memref_slice %arg23[%add3A_126, %dma_start3A_134] : memref<10240x128xf32, #tpu.memory_space<vmem_shared>> -> memref<128x128xf32, #tpu.memory_space<vmem_shared>>
      tpu.enqueue_dma source(%dma_start3A_135 : memref<128x128xf32, #tpu.memory_space<vmem_shared>>) target(%dma_start3A_133 : memref<128x128xf32, #tpu.memory_space<hbm>>) target_semaphore(%run_scoped3A : memref<!tpu.dma_semaphore, #tpu.memory_space<semaphore_mem>>)
      %dma_wait3A_136 = arith.constant 0 : i32
      %dma_wait3A_137 = tpu.memref_slice %arg7[%arg0, %add3A_126, %dma_wait3A_136] : memref<2x10240x128xf32, #tpu.memory_space<hbm>> -> memref<1x128x128xf32, #tpu.memory_space<hbm>>
      %dma_wait3A_138 = tpu.memref_squeeze %dma_wait3A_137 : memref<1x128x128xf32, #tpu.memory_space<hbm>> -> memref<128x128xf32, #tpu.memory_space<hbm>>
      %dma_wait3A_139 = arith.constant 0 : i32
      %dma_wait3A_140 = tpu.memref_slice %arg23[%add3A_126, %dma_wait3A_139] : memref<10240x128xf32, #tpu.memory_space<vmem_shared>> -> memref<128x128xf32, #tpu.memory_space<vmem_shared>>
      tpu.wait_dma2 semaphore(%run_scoped3A : memref<!tpu.dma_semaphore, #tpu.memory_space<semaphore_mem>>) src(%dma_wait3A_140 : memref<128x128xf32, #tpu.memory_space<vmem_shared>>) dst(%dma_wait3A_138 : memref<128x128xf32, #tpu.memory_space<hbm>>)
      tpu.yield
    }) : () -> ()
    "tpu.region"() ({
      %run_scoped3A = tpu.sem_alloc : memref<!tpu.dma_semaphore, #tpu.memory_space<semaphore_mem>>
      %dma_start3A_131 = tpu.memref_slice %arg8[%arg0, %add3A_126] : memref<2x10240xf32, #tpu.memory_space<hbm>> -> memref<1x128xf32, #tpu.memory_space<hbm>>
      %dma_start3A_132 = tpu.memref_squeeze %dma_start3A_131 : memref<1x128xf32, #tpu.memory_space<hbm>> -> memref<128xf32, #tpu.memory_space<hbm>>
      %dma_start3A_133 = tpu.memref_slice %arg24[%add3A_126] : memref<10240xf32, #tpu.memory_space<vmem_shared>> -> memref<128xf32, #tpu.memory_space<vmem_shared>>
      tpu.enqueue_dma source(%dma_start3A_133 : memref<128xf32, #tpu.memory_space<vmem_shared>>) target(%dma_start3A_132 : memref<128xf32, #tpu.memory_space<hbm>>) target_semaphore(%run_scoped3A : memref<!tpu.dma_semaphore, #tpu.memory_space<semaphore_mem>>)
      %dma_wait3A_134 = tpu.memref_slice %arg8[%arg0, %add3A_126] : memref<2x10240xf32, #tpu.memory_space<hbm>> -> memref<1x128xf32, #tpu.memory_space<hbm>>
      %dma_wait3A_135 = tpu.memref_squeeze %dma_wait3A_134 : memref<1x128xf32, #tpu.memory_space<hbm>> -> memref<128xf32, #tpu.memory_space<hbm>>
      %dma_wait3A_136 = tpu.memref_slice %arg24[%add3A_126] : memref<10240xf32, #tpu.memory_space<vmem_shared>> -> memref<128xf32, #tpu.memory_space<vmem_shared>>
      tpu.wait_dma2 semaphore(%run_scoped3A : memref<!tpu.dma_semaphore, #tpu.memory_space<semaphore_mem>>) src(%dma_wait3A_136 : memref<128xf32, #tpu.memory_space<vmem_shared>>) dst(%dma_wait3A_135 : memref<128xf32, #tpu.memory_space<hbm>>)
      tpu.yield
    }) : () -> ()
    %add3A_127 = arith.constant 384 : i32
    %add3A_128 = arith.addi %mul3A_22, %add3A_127 : i32
    "tpu.region"() ({
      %run_scoped3A = tpu.sem_alloc : memref<!tpu.dma_semaphore, #tpu.memory_space<semaphore_mem>>
      %dma_start3A_131 = arith.constant 0 : i32
      %dma_start3A_132 = tpu.memref_slice %arg7[%arg0, %add3A_128, %dma_start3A_131] : memref<2x10240x128xf32, #tpu.memory_space<hbm>> -> memref<1x128x128xf32, #tpu.memory_space<hbm>>
      %dma_start3A_133 = tpu.memref_squeeze %dma_start3A_132 : memref<1x128x128xf32, #tpu.memory_space<hbm>> -> memref<128x128xf32, #tpu.memory_space<hbm>>
      %dma_start3A_134 = arith.constant 0 : i32
      %dma_start3A_135 = tpu.memref_slice %arg23[%add3A_128, %dma_start3A_134] : memref<10240x128xf32, #tpu.memory_space<vmem_shared>> -> memref<128x128xf32, #tpu.memory_space<vmem_shared>>
      tpu.enqueue_dma source(%dma_start3A_135 : memref<128x128xf32, #tpu.memory_space<vmem_shared>>) target(%dma_start3A_133 : memref<128x128xf32, #tpu.memory_space<hbm>>) target_semaphore(%run_scoped3A : memref<!tpu.dma_semaphore, #tpu.memory_space<semaphore_mem>>)
      %dma_wait3A_136 = arith.constant 0 : i32
      %dma_wait3A_137 = tpu.memref_slice %arg7[%arg0, %add3A_128, %dma_wait3A_136] : memref<2x10240x128xf32, #tpu.memory_space<hbm>> -> memref<1x128x128xf32, #tpu.memory_space<hbm>>
      %dma_wait3A_138 = tpu.memref_squeeze %dma_wait3A_137 : memref<1x128x128xf32, #tpu.memory_space<hbm>> -> memref<128x128xf32, #tpu.memory_space<hbm>>
      %dma_wait3A_139 = arith.constant 0 : i32
      %dma_wait3A_140 = tpu.memref_slice %arg23[%add3A_128, %dma_wait3A_139] : memref<10240x128xf32, #tpu.memory_space<vmem_shared>> -> memref<128x128xf32, #tpu.memory_space<vmem_shared>>
      tpu.wait_dma2 semaphore(%run_scoped3A : memref<!tpu.dma_semaphore, #tpu.memory_space<semaphore_mem>>) src(%dma_wait3A_140 : memref<128x128xf32, #tpu.memory_space<vmem_shared>>) dst(%dma_wait3A_138 : memref<128x128xf32, #tpu.memory_space<hbm>>)
      tpu.yield
    }) : () -> ()
    "tpu.region"() ({
      %run_scoped3A = tpu.sem_alloc : memref<!tpu.dma_semaphore, #tpu.memory_space<semaphore_mem>>
      %dma_start3A_131 = tpu.memref_slice %arg8[%arg0, %add3A_128] : memref<2x10240xf32, #tpu.memory_space<hbm>> -> memref<1x128xf32, #tpu.memory_space<hbm>>
      %dma_start3A_132 = tpu.memref_squeeze %dma_start3A_131 : memref<1x128xf32, #tpu.memory_space<hbm>> -> memref<128xf32, #tpu.memory_space<hbm>>
      %dma_start3A_133 = tpu.memref_slice %arg24[%add3A_128] : memref<10240xf32, #tpu.memory_space<vmem_shared>> -> memref<128xf32, #tpu.memory_space<vmem_shared>>
      tpu.enqueue_dma source(%dma_start3A_133 : memref<128xf32, #tpu.memory_space<vmem_shared>>) target(%dma_start3A_132 : memref<128xf32, #tpu.memory_space<hbm>>) target_semaphore(%run_scoped3A : memref<!tpu.dma_semaphore, #tpu.memory_space<semaphore_mem>>)
      %dma_wait3A_134 = tpu.memref_slice %arg8[%arg0, %add3A_128] : memref<2x10240xf32, #tpu.memory_space<hbm>> -> memref<1x128xf32, #tpu.memory_space<hbm>>
      %dma_wait3A_135 = tpu.memref_squeeze %dma_wait3A_134 : memref<1x128xf32, #tpu.memory_space<hbm>> -> memref<128xf32, #tpu.memory_space<hbm>>
      %dma_wait3A_136 = tpu.memref_slice %arg24[%add3A_128] : memref<10240xf32, #tpu.memory_space<vmem_shared>> -> memref<128xf32, #tpu.memory_space<vmem_shared>>
      tpu.wait_dma2 semaphore(%run_scoped3A : memref<!tpu.dma_semaphore, #tpu.memory_space<semaphore_mem>>) src(%dma_wait3A_136 : memref<128xf32, #tpu.memory_space<vmem_shared>>) dst(%dma_wait3A_135 : memref<128xf32, #tpu.memory_space<hbm>>)
      tpu.yield
    }) : () -> ()
    %add3A_129 = arith.constant 512 : i32
    %add3A_130 = arith.addi %mul3A_22, %add3A_129 : i32
    "tpu.region"() ({
      %run_scoped3A = tpu.sem_alloc : memref<!tpu.dma_semaphore, #tpu.memory_space<semaphore_mem>>
      %dma_start3A_131 = arith.constant 0 : i32
      %dma_start3A_132 = tpu.memref_slice %arg7[%arg0, %add3A_130, %dma_start3A_131] : memref<2x10240x128xf32, #tpu.memory_space<hbm>> -> memref<1x128x128xf32, #tpu.memory_space<hbm>>
      %dma_start3A_133 = tpu.memref_squeeze %dma_start3A_132 : memref<1x128x128xf32, #tpu.memory_space<hbm>> -> memref<128x128xf32, #tpu.memory_space<hbm>>
      %dma_start3A_134 = arith.constant 0 : i32
      %dma_start3A_135 = tpu.memref_slice %arg23[%add3A_130, %dma_start3A_134] : memref<10240x128xf32, #tpu.memory_space<vmem_shared>> -> memref<128x128xf32, #tpu.memory_space<vmem_shared>>
      tpu.enqueue_dma source(%dma_start3A_135 : memref<128x128xf32, #tpu.memory_space<vmem_shared>>) target(%dma_start3A_133 : memref<128x128xf32, #tpu.memory_space<hbm>>) target_semaphore(%run_scoped3A : memref<!tpu.dma_semaphore, #tpu.memory_space<semaphore_mem>>)
      %dma_wait3A_136 = arith.constant 0 : i32
      %dma_wait3A_137 = tpu.memref_slice %arg7[%arg0, %add3A_130, %dma_wait3A_136] : memref<2x10240x128xf32, #tpu.memory_space<hbm>> -> memref<1x128x128xf32, #tpu.memory_space<hbm>>
      %dma_wait3A_138 = tpu.memref_squeeze %dma_wait3A_137 : memref<1x128x128xf32, #tpu.memory_space<hbm>> -> memref<128x128xf32, #tpu.memory_space<hbm>>
      %dma_wait3A_139 = arith.constant 0 : i32
      %dma_wait3A_140 = tpu.memref_slice %arg23[%add3A_130, %dma_wait3A_139] : memref<10240x128xf32, #tpu.memory_space<vmem_shared>> -> memref<128x128xf32, #tpu.memory_space<vmem_shared>>
      tpu.wait_dma2 semaphore(%run_scoped3A : memref<!tpu.dma_semaphore, #tpu.memory_space<semaphore_mem>>) src(%dma_wait3A_140 : memref<128x128xf32, #tpu.memory_space<vmem_shared>>) dst(%dma_wait3A_138 : memref<128x128xf32, #tpu.memory_space<hbm>>)
      tpu.yield
    }) : () -> ()
    "tpu.region"() ({
      %run_scoped3A = tpu.sem_alloc : memref<!tpu.dma_semaphore, #tpu.memory_space<semaphore_mem>>
      %dma_start3A_131 = tpu.memref_slice %arg8[%arg0, %add3A_130] : memref<2x10240xf32, #tpu.memory_space<hbm>> -> memref<1x128xf32, #tpu.memory_space<hbm>>
      %dma_start3A_132 = tpu.memref_squeeze %dma_start3A_131 : memref<1x128xf32, #tpu.memory_space<hbm>> -> memref<128xf32, #tpu.memory_space<hbm>>
      %dma_start3A_133 = tpu.memref_slice %arg24[%add3A_130] : memref<10240xf32, #tpu.memory_space<vmem_shared>> -> memref<128xf32, #tpu.memory_space<vmem_shared>>
      tpu.enqueue_dma source(%dma_start3A_133 : memref<128xf32, #tpu.memory_space<vmem_shared>>) target(%dma_start3A_132 : memref<128xf32, #tpu.memory_space<hbm>>) target_semaphore(%run_scoped3A : memref<!tpu.dma_semaphore, #tpu.memory_space<semaphore_mem>>)
      %dma_wait3A_134 = tpu.memref_slice %arg8[%arg0, %add3A_130] : memref<2x10240xf32, #tpu.memory_space<hbm>> -> memref<1x128xf32, #tpu.memory_space<hbm>>
      %dma_wait3A_135 = tpu.memref_squeeze %dma_wait3A_134 : memref<1x128xf32, #tpu.memory_space<hbm>> -> memref<128xf32, #tpu.memory_space<hbm>>
      %dma_wait3A_136 = tpu.memref_slice %arg24[%add3A_130] : memref<10240xf32, #tpu.memory_space<vmem_shared>> -> memref<128xf32, #tpu.memory_space<vmem_shared>>
      tpu.wait_dma2 semaphore(%run_scoped3A : memref<!tpu.dma_semaphore, #tpu.memory_space<semaphore_mem>>) src(%dma_wait3A_136 : memref<128xf32, #tpu.memory_space<vmem_shared>>) dst(%dma_wait3A_135 : memref<128xf32, #tpu.memory_space<hbm>>)
      tpu.yield
    }) : () -> ()
    return
  }
}

module attributes {stable_mosaic.version = 14 : i64} {
  func.func @_tc_pre_body(%arg0: memref<10240x128xf32, #tpu.memory_space<vmem>>, %arg1: memref<128x128xf32, #tpu.memory_space<vmem>>, %arg2: memref<128x128xf32, #tpu.memory_space<vmem>>, %arg3: memref<1x128xf32, #tpu.memory_space<vmem>>, %arg4: memref<1x128xf32, #tpu.memory_space<vmem>>, %arg5: memref<10240x128xbf16, #tpu.memory_space<vmem>>, %arg6: memref<10240x1xf32, #tpu.memory_space<vmem>>, %arg7: memref<10240x1xf32, #tpu.memory_space<vmem>>, %arg8: memref<1x1xf32, #tpu.memory_space<vmem>>) attributes {dimension_semantics = [], scalar_prefetch = 0 : i64, scratch_operands = 0 : i64, tpu.core_type = #tpu.core_type<tc>} {
    %get3A = arith.constant 0 : index
    %get3A_0 = arith.constant 0 : index
    %get3A_1 = vector.load %arg0[%get3A, %get3A_0] : memref<10240x128xf32, #tpu.memory_space<vmem>>, vector<10240x128xf32>
    %get3A_2 = arith.constant 0 : index
    %get3A_3 = arith.constant 0 : index
    %get3A_4 = vector.load %arg1[%get3A_2, %get3A_3] : memref<128x128xf32, #tpu.memory_space<vmem>>, vector<128x128xf32>
    %dot_general3A = arith.constant dense<0.000000e+00> : vector<10240x128xf32>
    %dot_general3A_5 = tpu.matmul %get3A_1, %get3A_4, %dot_general3A {dimension_numbers = #tpu.dot_dimension_numbers<[1], [0], [0], [1], [0, 0, 1, 1], [], []>, transpose_lhs_hint = false} : vector<10240x128xf32>, vector<128x128xf32>, vector<10240x128xf32> -> vector<10240x128xf32>
    %get3A_6 = arith.constant 0 : index
    %get3A_7 = arith.constant 0 : index
    %get3A_8 = vector.load %arg0[%get3A_6, %get3A_7] : memref<10240x128xf32, #tpu.memory_space<vmem>>, vector<10240x128xf32>
    %get3A_9 = arith.constant 0 : index
    %get3A_10 = arith.constant 0 : index
    %get3A_11 = vector.load %arg2[%get3A_9, %get3A_10] : memref<128x128xf32, #tpu.memory_space<vmem>>, vector<128x128xf32>
    %dot_general3A_12 = arith.constant dense<0.000000e+00> : vector<10240x128xf32>
    %dot_general3A_13 = tpu.matmul %get3A_8, %get3A_11, %dot_general3A_12 {dimension_numbers = #tpu.dot_dimension_numbers<[1], [0], [0], [1], [0, 0, 1, 1], [], []>, transpose_lhs_hint = false} : vector<10240x128xf32>, vector<128x128xf32>, vector<10240x128xf32> -> vector<10240x128xf32>
    %convert_element_type3A = arith.truncf %dot_general3A_13 : vector<10240x128xf32> to vector<10240x128xbf16>
    %swap3A = arith.constant 0 : index
    %swap3A_14 = arith.constant 0 : index
    %swap3A_15 = vector.load %arg5[%swap3A, %swap3A_14] : memref<10240x128xbf16, #tpu.memory_space<vmem>>, vector<10240x128xbf16>
    tpu.vector_store %arg5[%swap3A, %swap3A_14], %convert_element_type3A {strides = array<i32>} : memref<10240x128xbf16, #tpu.memory_space<vmem>>, vector<10240x128xbf16>,
    %get3A_16 = arith.constant 0 : index
    %get3A_17 = arith.constant 0 : index
    %get3A_18 = vector.load %arg3[%get3A_16, %get3A_17] : memref<1x128xf32, #tpu.memory_space<vmem>>, vector<1x128xf32>
    %mul3A = vector.broadcast %get3A_18 : vector<1x128xf32> to vector<10240x128xf32>
    %mul3A_19 = arith.mulf %dot_general3A_5, %mul3A : vector<10240x128xf32>
    %reduce_sum3A = arith.constant dense<0.000000e+00> : vector<10240xf32>
    %reduce_sum3A_20 = vector.multi_reduction <add>, %mul3A_19, %reduce_sum3A [1] : vector<10240x128xf32> to vector<10240xf32>
    %broadcast_in_dim3A = vector.shape_cast %reduce_sum3A_20 : vector<10240xf32> to vector<10240x1xf32>
    %get3A_21 = arith.constant 0 : index
    %get3A_22 = arith.constant 0 : index
    %get3A_23 = vector.load %arg4[%get3A_21, %get3A_22] : memref<1x128xf32, #tpu.memory_space<vmem>>, vector<1x128xf32>
    %mul3A_24 = vector.broadcast %get3A_23 : vector<1x128xf32> to vector<10240x128xf32>
    %mul3A_25 = arith.mulf %dot_general3A_5, %mul3A_24 : vector<10240x128xf32>
    %reduce_sum3A_26 = arith.constant dense<0.000000e+00> : vector<10240xf32>
    %reduce_sum3A_27 = vector.multi_reduction <add>, %mul3A_25, %reduce_sum3A_26 [1] : vector<10240x128xf32> to vector<10240xf32>
    %broadcast_in_dim3A_28 = vector.shape_cast %reduce_sum3A_27 : vector<10240xf32> to vector<10240x1xf32>
    %swap3A_29 = arith.constant 0 : index
    %swap3A_30 = arith.constant 0 : index
    %swap3A_31 = vector.load %arg6[%swap3A_29, %swap3A_30] : memref<10240x1xf32, #tpu.memory_space<vmem>>, vector<10240x1xf32>
    tpu.vector_store %arg6[%swap3A_29, %swap3A_30], %broadcast_in_dim3A {strides = array<i32>} : memref<10240x1xf32, #tpu.memory_space<vmem>>, vector<10240x1xf32>,
    %swap3A_32 = arith.constant 0 : index
    %swap3A_33 = arith.constant 0 : index
    %swap3A_34 = vector.load %arg7[%swap3A_32, %swap3A_33] : memref<10240x1xf32, #tpu.memory_space<vmem>>, vector<10240x1xf32>
    tpu.vector_store %arg7[%swap3A_32, %swap3A_33], %broadcast_in_dim3A_28 {strides = array<i32>} : memref<10240x1xf32, #tpu.memory_space<vmem>>, vector<10240x1xf32>,
    %reduce_max3A = vector.shape_cast %broadcast_in_dim3A : vector<10240x1xf32> to vector<1x10240x1xf32>
    %reduce_max3A_35 = arith.constant dense<0xFF800000> : vector<1xf32>
    %reduce_max3A_36 = vector.multi_reduction <maximumf>, %reduce_max3A, %reduce_max3A_35 [1, 2] : vector<1x10240x1xf32> to vector<1xf32>
    %reduce_max3A_37 = vector.shape_cast %reduce_max3A_36 : vector<1xf32> to vector<1x1x1xf32>
    %reduce_max3A_38 = vector.extract %reduce_max3A_37[0, 0, 0] : f32 from vector<1x1x1xf32>
    %broadcast_in_dim3A_39 = vector.broadcast %reduce_max3A_38 : f32 to vector<1x1xf32>
    %swap3A_40 = arith.constant 0 : index
    %swap3A_41 = arith.constant 0 : index
    %swap3A_42 = vector.load %arg8[%swap3A_40, %swap3A_41] : memref<1x1xf32, #tpu.memory_space<vmem>>, vector<1x1xf32>
    tpu.vector_store %arg8[%swap3A_40, %swap3A_41], %broadcast_in_dim3A_39 {strides = array<i32>} : memref<1x1xf32, #tpu.memory_space<vmem>>, vector<1x1xf32>,
    return
  }
}

module attributes {stable_mosaic.version = 14 : i64} {
  func.func @_tc_merge_body(%arg0: memref<2x10240x128xf32, #tpu.memory_space<vmem>>, %arg1: memref<2x10240xf32, #tpu.memory_space<vmem>>, %arg2: memref<128xf32, #tpu.memory_space<vmem>>, %arg3: memref<10000x128xf32, #tpu.memory_space<vmem>>) attributes {dimension_semantics = [], scalar_prefetch = 0 : i64, scratch_operands = 0 : i64, tpu.core_type = #tpu.core_type<tc>} {
    %get3A = arith.constant 0 : index
    %get3A_0 = arith.constant 0 : index
    %get3A_1 = arith.constant 0 : index
    %get3A_2 = vector.load %arg0[%get3A, %get3A_0, %get3A_1] : memref<2x10240x128xf32, #tpu.memory_space<vmem>>, vector<1x10000x128xf32>
    %get3A_3 = vector.shape_cast %get3A_2 : vector<1x10000x128xf32> to vector<10000x128xf32>
    %get3A_4 = arith.constant 1 : index
    %get3A_5 = arith.constant 0 : index
    %get3A_6 = arith.constant 0 : index
    %get3A_7 = vector.load %arg0[%get3A_4, %get3A_5, %get3A_6] : memref<2x10240x128xf32, #tpu.memory_space<vmem>>, vector<1x10000x128xf32>
    %get3A_8 = vector.shape_cast %get3A_7 : vector<1x10000x128xf32> to vector<10000x128xf32>
    %add3A = arith.addf %get3A_3, %get3A_8 : vector<10000x128xf32>
    %get3A_9 = arith.constant 0 : index
    %get3A_10 = arith.constant 0 : index
    %get3A_11 = vector.load %arg1[%get3A_9, %get3A_10] : memref<2x10240xf32, #tpu.memory_space<vmem>>, vector<1x10000xf32>
    %get3A_12 = vector.shape_cast %get3A_11 : vector<1x10000xf32> to vector<10000xf32>
    %get3A_13 = arith.constant 1 : index
    %get3A_14 = arith.constant 0 : index
    %get3A_15 = vector.load %arg1[%get3A_13, %get3A_14] : memref<2x10240xf32, #tpu.memory_space<vmem>>, vector<1x10000xf32>
    %get3A_16 = vector.shape_cast %get3A_15 : vector<1x10000xf32> to vector<10000xf32>
    %add3A_17 = arith.addf %get3A_12, %get3A_16 : vector<10000xf32>
    %broadcast_in_dim3A = vector.shape_cast %add3A_17 : vector<10000xf32> to vector<10000x1xf32>
    %add3A_18 = arith.constant 1.000000e-16 : f32
    %add3A_19 = vector.broadcast %add3A_18 : f32 to vector<10000x1xf32>
    %add3A_20 = arith.addf %broadcast_in_dim3A, %add3A_19 : vector<10000x1xf32>
    %div3A = vector.broadcast %add3A_20 : vector<10000x1xf32> to vector<10000x128xf32>
    %div3A_21 = arith.divf %add3A, %div3A : vector<10000x128xf32>
    %get3A_22 = arith.constant 0 : index
    %get3A_23 = vector.load %arg2[%get3A_22] : memref<128xf32, #tpu.memory_space<vmem>>, vector<128xf32>
    %broadcast_in_dim3A_24 = vector.shape_cast %get3A_23 : vector<128xf32> to vector<1x128xf32>
    %add3A_25 = vector.broadcast %broadcast_in_dim3A_24 : vector<1x128xf32> to vector<10000x128xf32>
    %add3A_26 = arith.addf %div3A_21, %add3A_25 : vector<10000x128xf32>
    %swap3A = arith.constant 0 : index
    %swap3A_27 = arith.constant 0 : index
    %swap3A_28 = vector.load %arg3[%swap3A, %swap3A_27] : memref<10000x128xf32, #tpu.memory_space<vmem>>, vector<10000x128xf32>
    tpu.vector_store %arg3[%swap3A, %swap3A_27], %add3A_26 {strides = array<i32>} : memref<10000x128xf32, #tpu.memory_space<vmem>>, vector<10000x128xf32>,
    return
  }
}

</mosaic_0001>

<sc_bundles>
// kernel: kernel.5.cloned.1.call-start
scs
__scs_entry_jumppad:
0x0: {  	(pc) =	sbr.rel $0x88, $3  }
0x1: {  	(tag) =	ssettag $0x0;
	lr =	simm.s32 $0x1  }
0x2: {  	[smem:$0x3F9B] =	sst lr;
	_ =	strace $0xD0000000  }
0x3: {  	_ = 	snop  }
0x4: {  	_ = 	snop  }
0x5: {  	_ = 	snop  }
0x6: {  	_ = 	snop  }
0x7: {  	_ = 	snop  }
__scs_overlays_trampoline_lowered:
0x8: {  	[smem:$0x3FAA] =	sst s0  }
0x9: {  	[smem:$0x3FAB] =	sst s1  }
0xa: {  	[smem:$0x3FAC] =	sst s2  }
0xb: {  	[smem:$0x3FAD] =	sst s3  }
0xc: {  	[smem:$0x3FAE] =	sst s4  }
0xd: {  	[smem:$0x3FAF] =	sst s5  }
0xe: {  	[smem:$0x3FB0] =	sst s6  }
0xf: {  	[smem:$0x3FB1] =	sst s7  }
0x10: {  	[smem:$0x3FB2] =	sst s8  }
0x11: {  	[smem:$0x3FB3] =	sst s9;
	s0 =	simm.s32 @!p0 $0x0  }
0x12: {  	s1 =	sld [smem:$0x3F99];
	s0 =	simm.s32 @p0 $0x1  }
0x13: {  	[smem:$0x3FB4] =	sst s0;
	s0 =	simm.s32 @!p1 $0x0  }
0x14: {  	s2 =	sld [smem:$0x3F98];
	s0 =	simm.s32 @p1 $0x1  }
0x15: {  	[smem:$0x3FB5] =	sst s0;
	s0 =	simm.s32 @!p2 $0x0  }
0x16: {  	s3 =	sld [smem:$0x3FDB];
	s0 =	simm.s32 @p2 $0x1  }
0x17: {  	s4 =	simm.s32 $0x1BF5;
	[smem:$0x3FB7] =	sst s0  }
0x18: {  	s0 =	sld [smem:$0x3F9A];
	_ =	swait.ge [sflag:s4], $0x0  }
0x19: {  	s7 =	sld [smem:$0x3F9B]  }
0x1a: {  	s8 =	sadd.s32 $0xFFFFE003, lr  }
0x1b: {  	s9 =	sadd.s32 $0xFFFFFEF7, lr;
	s5 =	simm.s32 $0xFFFFFFFF;
	p2 =	slt.u32 s8, $0xFFFFF086  }
0x1c: {  	p1 =	slt.u32 s9, $0xF7A;
	s5 =	simm.s32 @!p2 $0x0  }
0x1d: {  	s5 =	simm.s32 @p1 $0x1;
	p0 =	seq.s32 s7, s2  }
0x1e: {  	s7 =	smul.u32 @!p0 $0xF7A, s2;
	p2 =	seq.s32 @!p0 s5, $0x0  }
0x1f: {  	s9 =	smul.u32 $0xF7A, s1;
	s8 =	simm.s32 @!p0 $0x1BF5;
	p2 =	por !p2, p0  }
0x20: {  	[sflag:s8] =	ssyncset.s32 @!p0 $0xFFFFF086;
	s6 =	sadd.s32 @!p0 s3, s7;
	s7 =	simm.s32 @!p0 $0x108  }
0x21: {  	s3 =	sadd.s32 s3, s9;
	s6 =	sadd.s32 @!p0 $0x88, s6;
	s7 =	simm.s32 @p2 $0x1082  }
0x22: {  	[simem:s7], [sflag:s8] =	dma.local @!p0 [hbm:s6], $0xF7A  }
0x23: {  	s9 =	sor.u32 $0xD0000000, s2;
	s6 =	simm.s32 $0x108;
	_ =	swait.ge @!p0 [sflag:s8], $0x0  }
0x24: {  	s3 =	sadd.s32 $0x88, s3;
	s6 =	simm.s32 @!p1 $0x1082;
	[sflag:s4] =	ssyncset.s32 $0xFFFFF086  }
0x25: {  	[simem:s6], [sflag:s4] =	dma.local [hbm:s3], $0xF7A  }
0x26: {  	[smem:$0x3F9B] =	sst s1;
	(tag) =	ssettag s2;
	_ =	strace s9  }
0x27: {  	s1 =	sld [smem:$0x3FAB]  }
0x28: {  	s2 =	sld [smem:$0x3FAC]  }
0x29: {  	s4 =	sld [smem:$0x3FAE]  }
0x2a: {  	p0 =	seq.s32 s5, $0x0;
	s5 =	sld [smem:$0x3FAF]  }
0x2b: {  	s6 =	sld [smem:$0x3FB0]  }
0x2c: {  	s7 =	sld [smem:$0x3FB1]  }
0x2d: {  	s3 =	simm.s32 $0x108;
	s8 =	sld [smem:$0x3FB2]  }
0x2e: {  	s3 =	simm.s32 @!p0 $0x1082;
	s9 =	sld [smem:$0x3FB3]  }
0x2f: {  	lr =	sadd.s32 s0, s3;
	s0 =	sld [smem:$0x3FAA]  }
0x30: {  	s3 =	sld [smem:$0x3FAD]  }
0x31: {  	[smem:$0x3FB6] =	sst s10  }
0x32: {  	s10 =	sld [smem:$0x3FB4];
	_ =	sdelay $0x3  }
0x33: {  	p0 =	seq.s32 s10, $0x1;
	s10 =	sld [smem:$0x3FB6];
	_ =	sdelay $0x3  }
0x34: {  	[smem:$0x3FB6] =	sst s10  }
0x35: {  	s10 =	sld [smem:$0x3FB5];
	_ =	sdelay $0x3  }
0x36: {  	p1 =	seq.s32 s10, $0x1;
	s10 =	sld [smem:$0x3FB6];
	_ =	sdelay $0x3  }
0x37: {  	[smem:$0x3FB6] =	sst s10  }
0x38: {  	s10 =	sld [smem:$0x3FB7]  }
0x39: {  	_ = 	snop;
	(pc) =	sbr.ind lr, $3  }
0x3a: {  	_ = 	snop  }
0x3b: {  	_ = 	snop  }
0x3c: {  	p2 =	seq.s32 s10, $0x1;
	s10 =	sld [smem:$0x3FB6]  }
0x3d: {  	_ =	shalt  }
0x3e: {  	_ =	shalt  }
0x3f: {  	_ =	shalt  }
0x40: {  	_ =	shalt  }
0x41: {  	_ =	shalt  }
0x42: {  	_ =	shalt  }
0x43: {  	_ =	shalt  }
0x44: {  	_ =	shalt  }
0x45: {  	_ =	shalt  }
0x46: {  	_ =	shalt  }
0x47: {  	_ =	shalt  }
0x48: {  	_ =	shalt  }
0x49: {  	_ =	shalt  }
0x4a: {  	_ =	shalt  }
0x4b: {  	_ =	shalt  }
0x4c: {  	_ =	shalt  }
0x4d: {  	_ =	shalt  }
0x4e: {  	_ =	shalt  }
0x4f: {  	_ =	shalt  }
0x50: {  	_ =	shalt  }
0x51: {  	_ =	shalt  }
0x52: {  	_ =	shalt  }
0x53: {  	_ =	shalt  }
0x54: {  	_ =	shalt  }
0x55: {  	_ =	shalt  }
0x56: {  	_ =	shalt  }
0x57: {  	_ =	shalt  }
0x58: {  	_ =	shalt  }
0x59: {  	_ =	shalt  }
0x5a: {  	_ =	shalt  }
0x5b: {  	_ =	shalt  }
0x5c: {  	_ =	shalt  }
0x5d: {  	_ =	shalt  }
0x5e: {  	_ =	shalt  }
0x5f: {  	_ =	shalt  }
0x60: {  	_ =	shalt  }
0x61: {  	_ =	shalt  }
0x62: {  	_ =	shalt  }
0x63: {  	_ =	shalt  }
0x64: {  	_ =	shalt  }
0x65: {  	_ =	shalt  }
0x66: {  	_ =	shalt  }
0x67: {  	_ =	shalt  }
0x68: {  	_ =	shalt  }
0x69: {  	_ =	shalt  }
0x6a: {  	_ =	shalt  }
0x6b: {  	_ =	shalt  }
0x6c: {  	_ =	shalt  }
0x6d: {  	_ =	shalt  }
0x6e: {  	_ =	shalt  }
0x6f: {  	_ =	shalt  }
0x70: {  	_ =	shalt  }
0x71: {  	_ =	shalt  }
0x72: {  	_ =	shalt  }
0x73: {  	_ =	shalt  }
0x74: {  	_ =	shalt  }
0x75: {  	_ =	shalt  }
0x76: {  	_ =	shalt  }
0x77: {  	_ =	shalt  }
0x78: {  	_ =	shalt  }
0x79: {  	_ =	shalt  }
0x7a: {  	_ =	shalt  }
0x7b: {  	_ =	shalt  }
0x7c: {  	_ =	shalt  }
0x7d: {  	_ =	shalt  }
0x7e: {  	_ =	shalt  }
0x7f: {  	_ =	shalt  }
0x80: {  	_ =	shalt  }
0x81: {  	_ =	shalt  }
0x82: {  	_ =	shalt  }
0x83: {  	_ =	shalt  }
0x84: {  	_ =	shalt  }
0x85: {  	_ =	shalt  }
0x86: {  	_ =	shalt  }
0x87: {  	_ =	shalt  }
.Lfunc_end0:
.L_simem_size_0:
called_computation_lowered:
.L_overlay_start_0:
0x88: {  	s2 =	sld [smem:$0x3FD9]  }
0x89: {  	s3 =	sld [smem:$0x3FFE];
	_ =	sdelay $0x1  }
0x8a: {  	s1 =	srdreg.scid  }
0x8b: {  	s0 =	sand.u32 $0x1, s1  }
0x8c: {  	s17 =	sshll.u32 s0, $0xA;
	s2 =	sadd.s32 s3, s2  }
0x8d: {  	s2 =	sadd.s32 s2, s17  }
0x8e: {  	[smem:$0x3FC2] =	sst s2  }
0x8f: {  	_ = 	snop  }
0x90: {  	s2 =	sld [smem:$0x3FD0];
	(tm) =	ssettm $0x1  }
0x91: {  	s18 =	sld [smem:$0x3FFB];
	_ =	sdelay $0x3  }
0x92: {  	_ =	strace s18  }
0x93: {  	s3 =	sld [smem:$0x3FFC];
	_ =	sdelay $0x3  }
0x94: {  	_ =	strace s3  }
0x95: {  	s3 =	sld [smem:$0x3FFD];
	_ =	sdelay $0x3  }
0x96: {  	_ =	strace s3  }
0x97: {  	_ =	strace $0x8FFFFFFF  }
0x98: {  	s19 =	sld [smem:$0x3FDB];
	_ =	sdelay $0x1  }
0x99: {  	s4 =	simm.s32 $_scs_section_size  }
0x9a: {  	s5 =	simm.s32 $_size__tile_overlayer_lowered;
	s6 =	simm.s32 $_tile_overlayer_lowered  }
0x9b: {  	s22 =	simm.s32 $0x1BFF;
	s21 =	sshll.u32 s6, $0x1;
	s3 =	sadd.s32 s4, s19  }
0x9c: {  	s7 =	simm.s32 $0x0;
	s20 =	sshll.u32 s5, $0x1;
	s5 =	sadd.s32 s21, s3  }
0x9d: {  	[timem:s7], [sflag:s22] =	dma.local [hbm:s5], s20  }
0x9e: {  	_ =	swait.ge [sflag:s22], s20  }
0x9f: {  	s4 =	ssub.s32 $0x0, s20;
	[sflag:s22] =	ssyncset.done $0x0  }
0xa0: {  	[sflag:s22] =	ssyncadd.s32 s4;
	_ =	sdelay $0x1  }
0xa1: {  	s23 =	simm.s32 $0x1B8B  }
0xa2: {  	_ =	swait.ge [sflag:s23], $0x1  }
0xa3: {  	[sflag:s23] =	ssyncset.done $0x0  }
0xa4: {  	s25 =	simm.s32 $0x1B8E;
	s24 =	sld [smem:$0x3FFE];
	[sflag:s23] =	ssyncadd.s32 $0xFFFFFFFF  }
0xa5: {  	s26 =	simm.s32 $execute0_lowered;
	[smem:$0x3FD2] =	sst s25  }
0xa6: {  	s5 =	sshll.u32 s26, $0x1;
	_ =	strace $0x80000046;
	[dreg:$0x1] =	wrdreg $0xFFFFFFFF  }
0xa7: {  	s28 =	simm.s32 $_size_execute0_lowered;
	s3 =	sadd.s32 s3, s5;
	[dreg:$0x0] =	wrdreg $0x0  }
0xa8: {  	s5 =	sshll.u32 s28, $0x1;
	[dreg:$0x2] =	wrdreg s3  }
0xa9: {  	[dreg:$0x3] =	wrdreg s5  }
0xaa: {  	[dreg:$0x4] =	wrdreg $0xC0  }
0xab: {  	_ =	task [dreg:s7], $0x5FFFF  }
0xac: {  	[dreg:$0x1] =	wrdreg $0xFFFFFFFF  }
0xad: {  	[dreg:$0x0] =	wrdreg $0x60  }
0xae: {  	[dreg:$0x2] =	wrdreg s2  }
0xaf: {  	[dreg:$0x3] =	wrdreg s24  }
0xb0: {  	[dreg:$0x4] =	wrdreg $0x87100  }
0xb1: {  	[dreg:$0x5] =	wrdreg $0x1C7100  }
0xb2: {  	[dreg:$0x6] =	wrdreg $0x9  }
0xb3: {  	_ =	task.clear_ibuf [dreg:s7], $0x7FFFF;
	_ =	strace $0x90000046  }
0xb4: {  	s29 =	simm.s32 $0x9;
	_ =	strace $0x80000048  }
0xb5: {  	_ =	swait.ge [sflag:s29], $0x1  }
0xb6: {  	[sflag:s29] =	ssyncadd.s32 $0xFFFFFFFF  }
0xb7: {  	_ =	strace $0x90000048  }
0xb8: {  	_ =	sfence  }
0xb9: {  	s30 =	sld [smem:$0x0];
	_ =	sdelay $0x2  }
0xba: {  	s31 =	sshll.u32 s1, $0xD;
	s1 =	sshrl.u32 s1, $0x2  }
0xbb: {  	s3 =	sand.u32 $0x4000, s31;
	s1 =	sadd.s32 s1, s30  }
0xbc: {  	s0 =	sor.u32 s3, s0;
	s1 =	sshll.u32 s1, $0x11  }
0xbd: {  	s0 =	sor.u32 s1, s0  }
0xbe: {  	s0 =	sadd.s32 $0x8F2B, s0  }
0xbf: {  	[sflag:s0] =	ssyncadd.remote.s32 $0x1  }
0xc0: {  	_ =	sfence.sel $0xFFFF  }
0xc1: {  	[dreg:$0x0] =	wrdreg $0xFFFFFFFF;
	(pc) =	sbr.abs _section_cstart, $3  }
0xc2: {  	[dreg:$0x1] =	wrdreg $0xFFFFFFFF  }
0xc3: {  	_ =	task.clear_ibuf [dreg:s7], $0x2FFFF;
	_ =	strace $0x9FFFFFFF  }
0xc4: {  	(tm) =	ssettm $0x7FFFFFFF  }
0xc5: {  	_ =	shalt  }
tec
execute0_lowered:
.L_overlay_start_1:
0x0: {  	(tag) =	ssettag $0x1  }
0x1: {  	s13 =	stileid.u32  }
0x2: {  	s1 =	rddreg [dreg:$0x0];
	s5 =	smul.u32 $0x280, s13  }
0x3: {  	s2 =	rddreg [dreg:$0x1];
	s8 =	smul.u32 $0x14000, s13  }
0x4: {  	s0 =	srdreg.scid;
	s3 =	simm.s32 $0x0;
	s12 =	smul.u32 $0x68, s13  }
0x5: {  	s4 =	sand.u32 $0x1, s0;
	[smem:$0x7FF] =	sst s3;
	s21 =	smul.u32 $0x38, s13  }
0x6: {  	s6 =	sadd.s32 $0x15C00, s2;
	s7 =	sadd.s32 $0x15200, s2;
	s22 =	smul.u32 $0x140000, s4  }
0x7: {  	s0 =	ssub.s32 $0x2, s4;
	p0 =	seq.s32 s4, $0x0;
	s4 =	smul.u32 $0x2800, s4  }
0x8: {  	s20 =	sshrl.u32 s0, $0x1;
	s9 =	sadd.s32 $0x80, s5;
	s11 =	sadd.s32 $0x100, s5  }
0x9: {  	s15 =	sadd.s32 $0x180, s5;
	s3 =	sadd.s32 $0x680, s21;
	s0 =	ssub.s32 s0, s20  }
0xa: {  	s10 =	sshll.u32 s9, $0x7;
	s14 =	sshll.u32 s11, $0x7;
	s18 =	sshll.u32 s15, $0x7  }
0xb: {  	s20 =	sadd.s32 $0x200, s5;
	s3 =	smov.u32 @p0 s12;
	s23 =	sadd.s32 s8, s22  }
0xc: {  	s16 =	sadd.s32 s5, s4;
	s26 =	sadd.s32 s4, s9;
	s21 =	sshll.u32 s20, $0x7  }
0xd: {  	s12 =	sshrl.u32 s23, $0x3;
	s17 =	sadd.s32 s22, s10;
	s24 =	sshrl.u32 s16, $0x3  }
0xe: {  	s19 =	sadd.s32 s22, s14;
	s12 =	sadd.s32 s6, s12;
	s25 =	sshrl.u32 s17, $0x3  }
0xf: {  	s17 =	sshrl.u32 s19, $0x3;
	[dreg:$0x5] =	wrdreg s12;
	s16 =	sadd.s32 s6, s25  }
0x10: {  	s19 =	sadd.s32 s22, s18;
	s17 =	sadd.s32 s6, s17;
	[dreg:$0x6] =	wrdreg s16  }
0x11: {  	s13 =	sadd.s32 s22, s21;
	s12 =	sadd.s32 s7, s24;
	[dreg:$0x7] =	wrdreg s17  }
0x12: {  	s22 =	sshrl.u32 s19, $0x3;
	s13 =	sshrl.u32 s13, $0x3;
	[dreg:$0xa] =	wrdreg s12  }
0x13: {  	s17 =	sadd.s32 s6, s22;
	s6 =	sadd.s32 s6, s13;
	s13 =	rddreg [dreg:$0x3]  }
0x14: {  	s23 =	sadd.s32 s4, s11;
	s24 =	sshrl.u32 s26, $0x3;
	[dreg:$0x8] =	wrdreg s17  }
0x15: {  	s25 =	sadd.s32 s4, s15;
	s12 =	sadd.s32 s7, s24;
	[dreg:$0x9] =	wrdreg s6  }
0x16: {  	s4 =	sadd.s32 s4, s20;
	s6 =	sshrl.u32 s23, $0x3;
	[dreg:$0xb] =	wrdreg s12  }
0x17: {  	s4 =	sshrl.u32 s4, $0x3;
	s12 =	rddreg [dreg:$0x2];
	s6 =	sadd.s32 s7, s6  }
0x18: {  	s4 =	sadd.s32 s7, s4;
	[dreg:$0xc] =	wrdreg s6;
	s6 =	sshrl.u32 s25, $0x3  }
0x19: {  	s31 =	simm.s32 $0x80;
	[dreg:$0xe] =	wrdreg s4;
	s6 =	sadd.s32 s7, s6  }
0x1a: {  	s26 =	sadd.s32 $0x15000, s2;
	s19 =	sadd.s32 $0x1000, s2;
	[dreg:$0xd] =	wrdreg s6  }
0x1b: {  	s4 =	sadd.s32 s9, s13;
	_ =	strace $0x80000047;
	[dreg:$0xf] =	wrdreg s26  }
0x1c: {  	s6 =	sadd.s32 s8, s12;
	s8 =	sadd.s32 s14, s12;
	[dreg:$0x13] =	wrdreg s4  }
0x1d: {  	s16 =	sadd.s32 $0xA00, s2;
	s9 =	sadd.s32 s11, s13;
	[dreg:$0x14] =	wrdreg s8  }
0x1e: {  	s7 =	sadd.s32 s10, s12;
	s10 =	sadd.s32 s18, s12;
	[dreg:$0x15] =	wrdreg s9  }
0x1f: {  	s17 =	sadd.s32 $0x400, s2;
	s11 =	sadd.s32 s15, s13;
	[dreg:$0x16] =	wrdreg s10  }
0x20: {  	s2 =	simm.s32 $0x68;
	s14 =	sadd.s32 s21, s12;
	[dreg:$0x17] =	wrdreg s11  }
0x21: {  	s2 =	simm.s32 @!p0 $0x38;
	s18 =	sadd.s32 s20, s13;
	[dreg:$0x18] =	wrdreg s14  }
0x22: {  	s28 =	simm.s32 $0x2;
	s20 =	sshrl.u32 s2, $0x2;
	[dreg:$0x19] =	wrdreg s18  }
0x23: {  	s29 =	simm.s32 $0x8;
	s21 =	sadd.s32 $0xFFFFFFFF, s2;
	[dreg:$0x1b] =	wrdreg s20  }
0x24: {  	s30 =	simm.s32 $0x290;
	s22 =	sadd.s32 $0xFFFFFFFE, s2;
	[dreg:$0x1c] =	wrdreg s21  }
0x25: {  	s0 =	smax.u32 s0, $0x1;
	s23 =	sadd.s32 $0xFFFFFFFD, s2;
	[dreg:$0x1d] =	wrdreg s22  }
0x26: {  	s24 =	sor.u32 $0x1, s3;
	s2 =	sadd.s32 $0xFFFFFFFC, s2;
	[dreg:$0x1e] =	wrdreg s23  }
0x27: {  	s5 =	sadd.s32 s5, s13;
	s15 =	sshll.u32 s3, $0x5;
	[dreg:$0x1f] =	wrdreg s2  }
0x28: {  	s25 =	sor.u32 $0x2, s3;
	s4 =	sadd.s32 s19, s15;
	[smem:$0x7FA] =	sst s24  }
0x29: {  	[smem:$0x7FB] =	sst s25;
	s26 =	sor.u32 $0x3, s3;
	s8 =	sor.u32 $0x4, s3  }
0x2a: {  	[smem:$0x7FD] =	sst s0;
	s10 =	simm.s32 $0xA;
	s14 =	simm.s32 $0x4410  }
0x2b: {  	s15 =	simm.s32 $0x8610;
	s9 =	simm.s32 $0x90;
	s18 =	simm.s32 $0x3  }
0x2c: {  	s20 =	simm.s32 $0x5;
	s21 =	simm.s32 $0x1;
	[dreg:$0x10] =	wrdreg s6  }
0x2d: {  	s22 =	simm.s32 $0x4;
	s23 =	simm.s32 $0x6;
	[dreg:$0x11] =	wrdreg s5  }
0x2e: {  	s24 =	simm.s32 $0x190;
	s25 =	simm.s32 $0x8690;
	[dreg:$0x12] =	wrdreg s7  }
0x2f: {  	s11 =	simm.s32 $0x9;
	s2 =	simm.s32 $0x390;
	[dreg:$0x1a] =	wrdreg s4  }
0x30: {  	v0 =	vimm.f32 $0.0e+00;
	s3 =	simm.s32 $0x0;
	[smem:$0x7FC] =	sst s26;
	s26 =	simm.s32 $0x7  }
.LBB2_1:
0x31: {  	[smem:$0x7F9] =	sst s3  }
0x32: {  	s0 =	simm.s32 $0x0;
	s4 =	rddreg [dreg:$0xf]  }
0x33: {  	[tilespmem:s0], [sflag:$0xA] =	stream.linear.gather [hbm4b:s4+s0], $0x10, $0x38;
	[tilespmem:$0x1C990] =	vst v63  }
0x34: {  	_ =	swait.ge [sflag:s10], $0x10  }
0x35: {  	[sflag:s10] =	ssyncset.done $0x0  }
0x36: {  	s3 =	simm.s32 $0x200;
	s0 =	simm.s32 $0x0;
	[sflag:s10] =	ssyncadd.s32 $0xFFFFFFF0  }
.LBB2_2:
0x37: {  	p0 =	sne.s32 s3, $0xFE00;
	[tilespmem:s0+$0x4480] =	vst v0  }
0x38: {  	[tilespmem:s0+$0x4410] =	vst v0  }
0x39: {  	[tilespmem:s0+$0x4420] =	vst v0  }
.Ltmp0:
0x3a: {  	[tilespmem:s0+$0x4430] =	vst v0;
	(pc) =	sbr.rel @p0 .LBB2_2-.Ltmp0, $4  }
0x3b: {  	[tilespmem:s0+$0x4440] =	vst v0  }
0x3c: {  	[tilespmem:s0+$0x4450] =	vst v0  }
0x3d: {  	[tilespmem:s0+$0x4460] =	vst v0  }
0x3e: {  	[tilespmem:s0+$0x4470] =	vst v0;
	s0 =	sshra.s32 s3, $0x2;
	s3 =	sadd.s32 $0x200, s3  }
0x3f: {  	[tilespmem:s0+$0x4480] =	vst v0  }
0x40: {  	[tilespmem:s0+$0x4410] =	vst v0  }
0x41: {  	[tilespmem:s0+$0x4420] =	vst v0  }
0x42: {  	[tilespmem:s0+$0x4430] =	vst v0  }
0x43: {  	[tilespmem:s0+$0x4440] =	vst v0  }
0x44: {  	[tilespmem:s0+$0x4450] =	vst v0  }
0x45: {  	[tilespmem:s0+$0x4460] =	vst v0  }
0x46: {  	[tilespmem:s0+$0x4470] =	vst v0  }
0x47: {  	[tilespmem:$0x8610] =	vst v0  }
0x48: {  	[tilespmem:$0x8620] =	vst v0  }
0x49: {  	[tilespmem:$0x8630] =	vst v0  }
0x4a: {  	[tilespmem:$0x8640] =	vst v0  }
0x4b: {  	[tilespmem:$0x8650] =	vst v0  }
0x4c: {  	[tilespmem:$0x8660] =	vst v0  }
0x4d: {  	[tilespmem:$0x8670] =	vst v0  }
0x4e: {  	[tilespmem:$0x8680] =	vst v0  }
0x4f: {  	[spmem:s6] =	stream.linear.scatter [tilespmem:s14], [sflag:$0xA], $0x4000, $0x38;
	[tilespmem:$0x1C990] =	vst v63  }
0x50: {  	_ =	swait.ge [sflag:s10], $0x4000  }
0x51: {  	[sflag:s10] =	ssyncset.done $0x0  }
0x52: {  	[sflag:s10] =	ssyncadd.s32 $0xFFFFC000  }
0x53: {  	[spmem:s5] =	stream.linear.scatter [tilespmem:s15], [sflag:$0xA], $0x80, $0x38;
	[tilespmem:$0x1C990] =	vst v63  }
0x54: {  	_ =	swait.ge [sflag:s10], $0x80  }
0x55: {  	[sflag:s10] =	ssyncset.done $0x0  }
0x56: {  	[sflag:s10] =	ssyncadd.s32 $0xFFFFFF80  }
0x57: {  	[spmem:s7] =	stream.linear.scatter [tilespmem:s14], [sflag:$0xA], $0x4000, $0x38;
	[tilespmem:$0x1C990] =	vst v63  }
0x58: {  	_ =	swait.ge [sflag:s10], $0x4000  }
0x59: {  	[sflag:s10] =	ssyncset.done $0x0  }
0x5a: {  	s5 =	rddreg [dreg:$0x13];
	[sflag:s10] =	ssyncadd.s32 $0xFFFFC000  }
0x5b: {  	[spmem:s5] =	stream.linear.scatter [tilespmem:s15], [sflag:$0xA], $0x80, $0x38;
	[tilespmem:$0x1C990] =	vst v63  }
0x5c: {  	_ =	swait.ge [sflag:s10], $0x80  }
0x5d: {  	[sflag:s10] =	ssyncset.done $0x0  }
0x5e: {  	s6 =	rddreg [dreg:$0x14];
	[sflag:s10] =	ssyncadd.s32 $0xFFFFFF80  }
0x5f: {  	[spmem:s6] =	stream.linear.scatter [tilespmem:s14], [sflag:$0xA], $0x4000, $0x38;
	[tilespmem:$0x1C990] =	vst v63  }
0x60: {  	_ =	swait.ge [sflag:s10], $0x4000  }
0x61: {  	[sflag:s10] =	ssyncset.done $0x0  }
0x62: {  	s7 =	rddreg [dreg:$0x15];
	[sflag:s10] =	ssyncadd.s32 $0xFFFFC000  }
0x63: {  	[spmem:s7] =	stream.linear.scatter [tilespmem:s15], [sflag:$0xA], $0x80, $0x38;
	[tilespmem:$0x1C990] =	vst v63  }
0x64: {  	_ =	swait.ge [sflag:s10], $0x80  }
0x65: {  	[sflag:s10] =	ssyncset.done $0x0  }
0x66: {  	s3 =	rddreg [dreg:$0x16];
	[sflag:s10] =	ssyncadd.s32 $0xFFFFFF80  }
0x67: {  	[spmem:s3] =	stream.linear.scatter [tilespmem:s14], [sflag:$0xA], $0x4000, $0x38;
	[tilespmem:$0x1C990] =	vst v63  }
0x68: {  	_ =	swait.ge [sflag:s10], $0x4000  }
0x69: {  	[sflag:s10] =	ssyncset.done $0x0  }
0x6a: {  	s4 =	rddreg [dreg:$0x17];
	[sflag:s10] =	ssyncadd.s32 $0xFFFFC000  }
0x6b: {  	[spmem:s4] =	stream.linear.scatter [tilespmem:s15], [sflag:$0xA], $0x80, $0x38;
	[tilespmem:$0x1C990] =	vst v63  }
0x6c: {  	_ =	swait.ge [sflag:s10], $0x80  }
0x6d: {  	[sflag:s10] =	ssyncset.done $0x0  }
0x6e: {  	s5 =	rddreg [dreg:$0x18];
	[sflag:s10] =	ssyncadd.s32 $0xFFFFFF80  }
0x6f: {  	[spmem:s5] =	stream.linear.scatter [tilespmem:s14], [sflag:$0xA], $0x4000, $0x38;
	[tilespmem:$0x1C990] =	vst v63  }
0x70: {  	_ =	swait.ge [sflag:s10], $0x4000  }
0x71: {  	[sflag:s10] =	ssyncset.done $0x0  }
0x72: {  	s6 =	rddreg [dreg:$0x19];
	[sflag:s10] =	ssyncadd.s32 $0xFFFFC000  }
0x73: {  	[spmem:s6] =	stream.linear.scatter [tilespmem:s15], [sflag:$0xA], $0x80, $0x38;
	[tilespmem:$0x1C990] =	vst v63  }
0x74: {  	_ =	swait.ge [sflag:s10], $0x80  }
0x75: {  	[sflag:s10] =	ssyncset.done $0x0  }
0x76: {  	[sflag:s10] =	ssyncadd.s32 $0xFFFFFF80  }
0x77: {  	[bflag:$0x0] =	sbarrier.arrive $0xFFFF  }
0x78: {  	s3 =	simm.s32 $0x10;
	s4 =	simm.s32 $0x0;
	s7 =	rddreg [dreg:$0x1a]  }
0x79: {  	[tilespmem:s3], [sflag:$0xA] =	stream.linear.gather [hbm4b:s7+s4], $0x100, $0x38;
	[tilespmem:$0x1C990] =	vst v63  }
0x7a: {  	_ =	swait.ge [sflag:s10], $0x100  }
0x7b: {  	[sflag:s10] =	ssyncset.done $0x0  }
0x7c: {  	s5 =	simm.s32 $0x410;
	[sflag:s10] =	ssyncadd.s32 $0xFFFFFF00  }
0x7d: {  	[tilespmem:s5], [sflag:$0x1] =	stream.indirect.gather [hbm4b:s1+s31], $0x40, s3, s31, $0xb8;
	[tilespmem:$0x1C990] =	vst v63  }
0x7e: {  	s6 =	simm.s32 $0x8410  }
0x7f: {  	[tilespmem:s6], [sflag:$0x3] =	stream.indirect.gather [hbm4b:s16+s31], $0x1, s3, s31, $0xb8;
	[tilespmem:$0x1C990] =	vst v63  }
0x80: {  	s0 =	simm.s32 $0x0;
	s7 =	simm.s32 $0x8510  }
0x81: {  	[tilespmem:s7], [sflag:$0x5] =	stream.indirect.gather [hbm4b:s17+s31], $0x1, s9, s31, $0xb8;
	[tilespmem:$0x1C990] =	vst v63  }
.LBB2_4:
0x82: {  	s3 =	sshll.u32 s0, $0x2;
	s4 =	rddreg [dreg:$0x1c]  }
0x83: {  	p0 =	sge.u32 s3, s4;
	s4 =	sld [smem:$0x7FA];
	_ =	sdelay $0x2  }
0x84: {  	s4 =	sadd.s32 @!p0 s3, s4  }
0x85: {  	s4 =	sshll.u32 @!p0 s4, $0x5  }
0x86: {  	s5 =	simm.s32 @!p0 $0x0;
	s6 =	simm.s32 @!p0 $0x110;
	s4 =	sadd.s32 @!p0 s19, s4  }
0x87: {  	[tilespmem:s6], [sflag:$0xA] =	stream.linear.gather @!p0 [hbm4b:s4+s5], $0x100, $0x38;
	[tilespmem:$0x1C990] =	vst v63  }
0x88: {  	s4 =	simm.s32 @!p0 $0xA  }
0x89: {  	_ =	swait.ge @!p0 [sflag:s4], $0x100  }
0x8a: {  	[sflag:s4] =	ssyncset.done @!p0 $0x0  }
0x8b: {  	s5 =	simm.s32 @!p0 $0x2410;
	[sflag:s4] =	ssyncadd.s32 @!p0 $0xFFFFFF00;
	s4 =	simm.s32 @!p0 $0x80  }
0x8c: {  	[tilespmem:s5], [sflag:$0x2] =	stream.indirect.gather @!p0 [hbm4b:s1+s4], $0x40, s6, s4, $0xb8;
	[tilespmem:$0x1C990] =	vst v63  }
0x8d: {  	s5 =	simm.s32 @!p0 $0x8490  }
0x8e: {  	[tilespmem:s5], [sflag:$0x4] =	stream.indirect.gather @!p0 [hbm4b:s16+s4], $0x1, s6, s4, $0xb8;
	[tilespmem:$0x1C990] =	vst v63  }
0x8f: {  	s5 =	simm.s32 @!p0 $0x190;
	s6 =	simm.s32 @!p0 $0x8590  }
0x90: {  	[tilespmem:s6], [sflag:$0x6] =	stream.indirect.gather @!p0 [hbm4b:s17+s4], $0x1, s5, s4, $0xb8;
	[tilespmem:$0x1C990] =	vst v63  }
0x91: {  	v1 =	vld [tilespmem:$0x0];
	_ =	swait.ge [sflag:s18], $0x80  }
0x92: {  	[sflag:s18] =	ssyncset.done $0x0  }
0x93: {  	[sflag:s18] =	ssyncadd.s32 $0xFFFFFF80  }
0x94: {  	_ =	swait.ge [sflag:s20], $0x80  }
0x95: {  	p0 =	seq.s32 s3, $0x0;
	[sflag:s20] =	ssyncset.done $0x0  }
0x96: {  	s4 =	simm.s32 @!p0 $0x8;
	[sflag:s20] =	ssyncadd.s32 $0xFFFFFF80  }
0x97: {  	_ =	swait.ge @!p0 [sflag:s4], $0x80  }
0x98: {  	[sflag:s4] =	ssyncset.done @!p0 $0x0  }
0x99: {  	[sflag:s4] =	ssyncadd.s32 @!p0 $0xFFFFFF80  }
0x9a: {  	v2 =	vld [tilespmem:$0x8410]  }
0x9b: {  	v3 =	vld [tilespmem:$0x8510]  }
0x9c: {  	v4 =	vld [tilespmem:$0x8420]  }
0x9d: {  	v5 =	vld [tilespmem:$0x8520]  }
0x9e: {  	v6 =	vld [tilespmem:$0x8430]  }
0x9f: {  	v7 =	vld [tilespmem:$0x8530]  }
0xa0: {  	v39 =	vld [tilespmem:$0x8440]  }
0xa1: {  	v11 =	vld [tilespmem:$0x8540]  }
0xa2: {  	v42 =	vld [tilespmem:$0x8450]  }
0xa3: {  	v43 =	vld [tilespmem:$0x8550]  }
0xa4: {  	v52 =	vld [tilespmem:$0x8570]  }
0xa5: {  	v53 =	vld [tilespmem:$0x8480]  }
0xa6: {  	v12 =	vld [tilespmem:$0x8580];
	v2 =	vadd.f32 v3, v2;
	v3 =	vadd.f32 v3, v1  }
0xa7: {  	v4 =	vadd.f32 v5, v4;
	v5 =	vadd.f32 v5, v1  }
0xa8: {  	v6 =	vadd.f32 v7, v6;
	v7 =	vadd.f32 v7, v1  }
0xa9: {  	v44 =	vadd.f32 v11, v39;
	v46 =	vadd.f32 v11, v1  }
0xaa: {  	v49 =	vadd.f32 v43, v42;
	v51 =	vadd.f32 v43, v1  }
0xab: {  	v58 =	vadd.f32 v52, v1;
	v60 =	vadd.f32 v12, v53;
	v8 =	vmul.f32 $2.000000030e-01, v2  }
0xac: {  	v9 =	vmul.f32 $2.000000030e-01, v3;
	vm0 =	vgt.f32 v2, $0.0e+00;
	vm1 =	vgt.f32 v3, $0.0e+00  }
0xad: {  	v38 =	vmul.f32 $2.000000030e-01, v4;
	vm14 =	vgt.f32 v4, $0.0e+00;
	v10 =	vmul.f32 $2.000000030e-01, v5  }
0xae: {  	v45 =	vld [tilespmem:$0x8460];
	vm15 =	vgt.f32 v5, $0.0e+00;
	v40 =	vmul.f32 $2.000000030e-01, v6;
	vm4 =	vgt.f32 v6, $0.0e+00  }
0xaf: {  	v47 =	vld [tilespmem:$0x8560];
	v41 =	vmul.f32 $2.000000030e-01, v7;
	vm5 =	vgt.f32 v7, $0.0e+00;
	vm6 =	vgt.f32 v44, $0.0e+00  }
0xb0: {  	v50 =	vld [tilespmem:$0x8470];
	v48 =	vmul.f32 $2.000000030e-01, v46;
	vm7 =	vgt.f32 v46, $0.0e+00;
	vm8 =	vgt.f32 v49, $0.0e+00  }
0xb1: {  	v54 =	vmul.f32 $2.000000030e-01, v51;
	vm9 =	vgt.f32 v51, $0.0e+00;
	v61 =	vmul.f32 $2.000000030e-01, v58  }
0xb2: {  	vm13 =	vgt.f32 v58, $0.0e+00;
	v2 =	vsel vm0, v2, v8;
	v3 =	vsel vm1, v3, v9  }
0xb3: {  	v4 =	vsel vm14, v4, v38;
	v2 =	vsub.f32 v2, v3;
	v3 =	vsel vm15, v5, v10  }
0xb4: {  	v62 =	vmul.f32 $2.000000030e-01, v60;
	v9 =	vadd.f32 v47, v45;
	v3 =	vsub.f32 v4, v3  }
0xb5: {  	v8 =	vadd.f32 v52, v50;
	vm14 =	vgt.f32 v60, $0.0e+00;
	v2 =	vmul.f32 $1.442695020e+00, v2  }
0xb6: {  	v5 =	vsel vm4, v6, v40;
	v4 =	vsel vm5, v7, v41;
	v3 =	vmul.f32 $1.442695020e+00, v3  }
0xb7: {  	v55 =	vmul.f32 $2.000000030e-01, v9;
	(erf) = vpow2.f32 v2;
	v2 =	vsub.f32 v5, v4  }
0xb8: {  	vm10 =	vgt.f32 v9, $0.0e+00;
	v59 =	vmul.f32 $2.000000030e-01, v8;
	(erf) = vpow2.f32 v3  }
0xb9: {  	vm12 =	vgt.f32 v8, $0.0e+00;
	v3 =	vmul.f32 $2.000000030e-01, v44;
	v2 =	vmul.f32 $1.442695020e+00, v2  }
0xba: {  	v7 =	vsel vm10, v9, v55;
	v6 =	vsel vm12, v8, v59;
	v5 =	vadd.f32 v47, v1  }
0xbb: {  	v3 =	vsel vm6, v44, v3;
	(erf) = vpow2.f32 v2;
	v2 =	vsel vm7, v46, v48  }
0xbc: {  	v1 =	vadd.f32 v12, v1;
	v2 =	vsub.f32 v3, v2;
	v3 =	vmul.f32 $2.000000030e-01, v49  }
0xbd: {  	v4 =	vsel vm9, v51, v54;
	v56 =	vmul.f32 $2.000000030e-01, v5;
	vm11 =	vgt.f32 v5, $0.0e+00  }
0xbe: {  	v63 =	vmul.f32 $2.000000030e-01, v1;
	vm15 =	vgt.f32 v1, $0.0e+00;
	v3 =	vsel vm8, v49, v3  }
0xbf: {  	v57 =	vsel vm11, v5, v56;
	v5 =	vsel vm13, v58, v61;
	v3 =	vsub.f32 v3, v4  }
0xc0: {  	v1 =	vsel vm15, v1, v63;
	v2 =	vmul.f32 $1.442695020e+00, v2;
	v4 =	vsub.f32 v7, v57  }
0xc1: {  	v5 =	vsub.f32 v6, v5;
	v7 =	vsel vm14, v60, v62;
	v3 =	vmul.f32 $1.442695020e+00, v3  }
0xc2: {  	(erf) = vpow2.f32 v2;
	v1 =	vsub.f32 v7, v1;
	v2 =	vmul.f32 $1.442695020e+00, v4  }
0xc3: {  	(erf) = vpow2.f32 v3;
	v3 =	vmul.f32 $1.442695020e+00, v5  }
0xc4: {  	v1 =	vmul.f32 $1.442695020e+00, v1;
	(erf) = vpow2.f32 v2  }
0xc5: {  	(erf) = vpow2.f32 v3  }
0xc6: {  	(erf) = vpow2.f32 v1;
	_ =	sdelay $0x1  }
0xc7: {  	v1 =	vpop (erf)  }
0xc8: {  	v2 =	vpop (erf);
	[tilespmem:$0x8610] =	vst v1  }
0xc9: {  	v1 =	vpop (erf);
	[tilespmem:$0x8620] =	vst v2  }
0xca: {  	v2 =	vpop (erf);
	[tilespmem:$0x8630] =	vst v1  }
0xcb: {  	[tilespmem:$0x8640] =	vst v2;
	v1 =	vpop (erf)  }
0xcc: {  	v2 =	vpop (erf);
	[tilespmem:$0x8650] =	vst v1  }
0xcd: {  	v1 =	vpop (erf);
	[tilespmem:$0x8660] =	vst v2  }
0xce: {  	[tilespmem:$0x8670] =	vst v1;
	v1 =	vpop (erf)  }
0xcf: {  	s4 =	simm.s32 @!p0 $0x7;
	[tilespmem:$0x8680] =	vst v1  }
0xd0: {  	[spmem:s13] =	stream.indirect.scatter.add.f32 [tilespmem:s15], [sflag:$0x8], $0x1, s9, s31, $0xb8;
	[tilespmem:$0x1C990] =	vst v63  }
0xd1: {  	_ =	swait.ge @!p0 [sflag:s4], $0x4000  }
0xd2: {  	s7 =	simm.s32 $0x0;
	[sflag:s4] =	ssyncset.done @!p0 $0x0  }
0xd3: {  	v1 =	vmov s7;
	[sflag:s4] =	ssyncadd.s32 @!p0 $0xFFFFC000  }
0xd4: {  	_ =	swait.ge [sflag:s21], $0x2000  }
0xd5: {  	[sflag:s21] =	ssyncset.done $0x0  }
0xd6: {  	s4 =	simm.s32 $0x430;
	[sflag:s21] =	ssyncadd.s32 $0xFFFFE000  }
0xd7: {  	v2 =	vld [tilespmem:s4+$0xFFFFFFE0]  }
0xd8: {  	v1 =	vld.idx.msk [tilespmem:v1+s15+$0x0], $0xffff;
	_ =	sdelay $0x3  }
0xd9: {  	v3 =	vunpack.i.l.bf16.f32 v2  }
0xda: {  	v2 =	vunpack.i.u.bf16.f32 v2;
	v3 =	vmul.f32 v3, v1  }
0xdb: {  	s5 =	simm.s32 $0x4450;
	v2 =	vmul.f32 v2, v1  }
0xdc: {  	[tilespmem:s5+$0xFFFFFFC0] =	vst v3  }
0xdd: {  	[tilespmem:s5+$0xFFFFFFD0] =	vst v2  }
0xde: {  	v2 =	vld [tilespmem:s4+$0xFFFFFFF0];
	_ =	sdelay $0x4  }
0xdf: {  	v3 =	vunpack.i.l.bf16.f32 v2  }
0xe0: {  	v2 =	vunpack.i.u.bf16.f32 v2;
	v3 =	vmul.f32 v3, v1  }
0xe1: {  	v2 =	vmul.f32 v2, v1  }
0xe2: {  	[tilespmem:s5+$0xFFFFFFE0] =	vst v3  }
0xe3: {  	[tilespmem:s5+$0xFFFFFFF0] =	vst v2  }
0xe4: {  	v2 =	vld [tilespmem:s4+$0x0];
	_ =	sdelay $0x4  }
0xe5: {  	v3 =	vunpack.i.l.bf16.f32 v2  }
0xe6: {  	v2 =	vunpack.i.u.bf16.f32 v2;
	v3 =	vmul.f32 v3, v1  }
0xe7: {  	v2 =	vmul.f32 v2, v1  }
0xe8: {  	[tilespmem:s5+$0x0] =	vst v3  }
0xe9: {  	[tilespmem:s5+$0x10] =	vst v2  }
0xea: {  	s6 =	simm.s32 $0x4450;
	s7 =	simm.s32 $0x1;
	v2 =	vld [tilespmem:s4+$0x10]  }
.LBB2_5:
0xeb: {  	_ =	sdelay $0x3  }
0xec: {  	p1 =	sne.s32 s7, $0x7F;
	s5 =	sadd.s32 $0x80, s5;
	s4 =	sadd.s32 $0x40, s4;
	v3 =	vunpack.i.u.bf16.f32 v2;
	v2 =	vunpack.i.l.bf16.f32 v2  }
0xed: {  	v4 =	vmov s7;
	s7 =	sadd.s32 $0x1, s7;
	v2 =	vmul.f32 v2, v1;
	v1 =	vmul.f32 v3, v1;
	_ =	sdelay $0x1  }
0xee: {  	[tilespmem:s6+$0x20] =	vst v2  }
0xef: {  	[tilespmem:s6+$0x30] =	vst v1;
	s6 =	smov.u32 s5  }
0xf0: {  	v2 =	vld [tilespmem:s4+$0xFFFFFFE0]  }
0xf1: {  	v1 =	vld.idx.msk [tilespmem:v4+s15+$0x0], $0xffff;
	_ =	sdelay $0x4  }
0xf2: {  	v3 =	vunpack.i.u.bf16.f32 v2;
	v2 =	vunpack.i.l.bf16.f32 v2  }
0xf3: {  	v2 =	vmul.f32 v2, v1;
	v3 =	vmul.f32 v3, v1;
	_ =	sdelay $0x1  }
0xf4: {  	[tilespmem:s5+$0xFFFFFFC0] =	vst v2  }
0xf5: {  	[tilespmem:s5+$0xFFFFFFD0] =	vst v3  }
0xf6: {  	v2 =	vld [tilespmem:s4+$0xFFFFFFF0];
	_ =	sdelay $0x4  }
0xf7: {  	v3 =	vunpack.i.u.bf16.f32 v2;
	v2 =	vunpack.i.l.bf16.f32 v2  }
0xf8: {  	v2 =	vmul.f32 v2, v1;
	v3 =	vmul.f32 v3, v1;
	_ =	sdelay $0x1  }
0xf9: {  	[tilespmem:s5+$0xFFFFFFE0] =	vst v2  }
0xfa: {  	[tilespmem:s5+$0xFFFFFFF0] =	vst v3  }
0xfb: {  	v2 =	vld [tilespmem:s4+$0x0];
	_ =	sdelay $0x4  }
0xfc: {  	v3 =	vunpack.i.u.bf16.f32 v2;
	v2 =	vunpack.i.l.bf16.f32 v2  }
.Ltmp1:
0xfd: {  	v2 =	vmul.f32 v2, v1;
	v3 =	vmul.f32 v3, v1;
	(pc) =	sbr.rel @p1 .LBB2_5-.Ltmp1, $4  }
0xfe: {  	_ = 	snop  }
0xff: {  	[tilespmem:s5+$0x0] =	vst v2  }
0x100: {  	[tilespmem:s5+$0x10] =	vst v3  }
0x101: {  	v2 =	vld [tilespmem:s4+$0x10]  }
0x102: {  	_ =	sdelay $0x2  }
0x103: {  	s4 =	rddreg [dreg:$0x1d]  }
0x104: {  	p1 =	sge.u32 s3, s4;
	s4 =	sld [smem:$0x7FB];
	v3 =	vunpack.i.l.bf16.f32 v2  }
0x105: {  	v2 =	vunpack.i.u.bf16.f32 v2;
	v3 =	vmul.f32 v3, v1  }
0x106: {  	v1 =	vmul.f32 v2, v1  }
0x107: {  	s4 =	sadd.s32 @!p1 s3, s4;
	[tilespmem:s6+$0x20] =	vst v3  }
0x108: {  	s4 =	sshll.u32 @!p1 s4, $0x5;
	[tilespmem:s6+$0x30] =	vst v1  }
0x109: {  	[spmem:s12] =	stream.indirect.scatter.add.f32 [tilespmem:s14], [sflag:$0x7], $0x80, s9, s31, $0xb8;
	[tilespmem:$0x1C990] =	vst v63  }
0x10a: {  	s5 =	simm.s32 @!p1 $0x0;
	s4 =	sadd.s32 @!p1 s19, s4;
	s6 =	simm.s32 @!p1 $0x210  }
0x10b: {  	[tilespmem:s6], [sflag:$0xA] =	stream.linear.gather @!p1 [hbm4b:s4+s5], $0x100, $0x38;
	[tilespmem:$0x1C990] =	vst v63  }
0x10c: {  	s4 =	simm.s32 @!p1 $0xA  }
0x10d: {  	_ =	swait.ge @!p1 [sflag:s4], $0x100  }
0x10e: {  	[sflag:s4] =	ssyncset.done @!p1 $0x0  }
0x10f: {  	s5 =	simm.s32 @!p1 $0x410;
	[sflag:s4] =	ssyncadd.s32 @!p1 $0xFFFFFF00;
	s4 =	simm.s32 @!p1 $0x80  }
0x110: {  	[tilespmem:s5], [sflag:$0x1] =	stream.indirect.gather @!p1 [hbm4b:s1+s4], $0x40, s6, s4, $0xb8;
	[tilespmem:$0x1C990] =	vst v63  }
0x111: {  	s5 =	simm.s32 @!p1 $0x8410  }
0x112: {  	[tilespmem:s5], [sflag:$0x3] =	stream.indirect.gather @!p1 [hbm4b:s16+s4], $0x1, s6, s4, $0xb8;
	[tilespmem:$0x1C990] =	vst v63  }
0x113: {  	s5 =	simm.s32 @!p1 $0x290;
	s6 =	simm.s32 @!p1 $0x8510  }
0x114: {  	[tilespmem:s6], [sflag:$0x5] =	stream.indirect.gather @!p1 [hbm4b:s17+s4], $0x1, s5, s4, $0xb8;
	[tilespmem:$0x1C990] =	vst v63  }
0x115: {  	v1 =	vld [tilespmem:$0x0];
	_ =	swait.ge [sflag:s22], $0x80  }
0x116: {  	[sflag:s22] =	ssyncset.done $0x0  }
0x117: {  	[sflag:s22] =	ssyncadd.s32 $0xFFFFFF80  }
0x118: {  	_ =	swait.ge [sflag:s23], $0x80  }
0x119: {  	[sflag:s23] =	ssyncset.done $0x0  }
0x11a: {  	s4 =	simm.s32 @!p0 $0x9;
	[sflag:s23] =	ssyncadd.s32 $0xFFFFFF80  }
0x11b: {  	_ =	swait.ge @!p0 [sflag:s4], $0x80  }
0x11c: {  	[sflag:s4] =	ssyncset.done @!p0 $0x0  }
0x11d: {  	[sflag:s4] =	ssyncadd.s32 @!p0 $0xFFFFFF80  }
0x11e: {  	v2 =	vld [tilespmem:$0x8490]  }
0x11f: {  	v3 =	vld [tilespmem:$0x8590]  }
0x120: {  	v4 =	vld [tilespmem:$0x84A0]  }
0x121: {  	v5 =	vld [tilespmem:$0x85A0]  }
0x122: {  	v6 =	vld [tilespmem:$0x84B0]  }
0x123: {  	v7 =	vld [tilespmem:$0x85B0]  }
0x124: {  	v39 =	vld [tilespmem:$0x84C0]  }
0x125: {  	v11 =	vld [tilespmem:$0x85C0]  }
0x126: {  	v42 =	vld [tilespmem:$0x84D0]  }
0x127: {  	v43 =	vld [tilespmem:$0x85D0]  }
0x128: {  	v52 =	vld [tilespmem:$0x85F0]  }
0x129: {  	v53 =	vld [tilespmem:$0x8500]  }
0x12a: {  	v12 =	vld [tilespmem:$0x8600];
	v2 =	vadd.f32 v3, v2;
	v3 =	vadd.f32 v3, v1  }
0x12b: {  	v4 =	vadd.f32 v5, v4;
	v5 =	vadd.f32 v5, v1  }
0x12c: {  	v6 =	vadd.f32 v7, v6;
	v7 =	vadd.f32 v7, v1  }
0x12d: {  	v44 =	vadd.f32 v11, v39;
	v46 =	vadd.f32 v11, v1  }
0x12e: {  	v49 =	vadd.f32 v43, v42;
	v51 =	vadd.f32 v43, v1  }
0x12f: {  	v58 =	vadd.f32 v52, v1;
	v60 =	vadd.f32 v12, v53;
	v8 =	vmul.f32 $2.000000030e-01, v2  }
0x130: {  	v9 =	vmul.f32 $2.000000030e-01, v3;
	vm0 =	vgt.f32 v2, $0.0e+00;
	vm1 =	vgt.f32 v3, $0.0e+00  }
0x131: {  	v38 =	vmul.f32 $2.000000030e-01, v4;
	vm14 =	vgt.f32 v4, $0.0e+00;
	v10 =	vmul.f32 $2.000000030e-01, v5  }
0x132: {  	v45 =	vld [tilespmem:$0x84E0];
	vm15 =	vgt.f32 v5, $0.0e+00;
	v40 =	vmul.f32 $2.000000030e-01, v6;
	vm4 =	vgt.f32 v6, $0.0e+00  }
0x133: {  	v47 =	vld [tilespmem:$0x85E0];
	v41 =	vmul.f32 $2.000000030e-01, v7;
	vm5 =	vgt.f32 v7, $0.0e+00;
	vm6 =	vgt.f32 v44, $0.0e+00  }
0x134: {  	v50 =	vld [tilespmem:$0x84F0];
	v48 =	vmul.f32 $2.000000030e-01, v46;
	vm7 =	vgt.f32 v46, $0.0e+00;
	vm8 =	vgt.f32 v49, $0.0e+00  }
0x135: {  	v54 =	vmul.f32 $2.000000030e-01, v51;
	vm9 =	vgt.f32 v51, $0.0e+00;
	v61 =	vmul.f32 $2.000000030e-01, v58  }
0x136: {  	vm13 =	vgt.f32 v58, $0.0e+00;
	v2 =	vsel vm0, v2, v8;
	v3 =	vsel vm1, v3, v9  }
0x137: {  	v4 =	vsel vm14, v4, v38;
	v2 =	vsub.f32 v2, v3;
	v3 =	vsel vm15, v5, v10  }
0x138: {  	v62 =	vmul.f32 $2.000000030e-01, v60;
	v9 =	vadd.f32 v47, v45;
	v3 =	vsub.f32 v4, v3  }
0x139: {  	v8 =	vadd.f32 v52, v50;
	vm14 =	vgt.f32 v60, $0.0e+00;
	v2 =	vmul.f32 $1.442695020e+00, v2  }
0x13a: {  	v5 =	vsel vm4, v6, v40;
	v4 =	vsel vm5, v7, v41;
	v3 =	vmul.f32 $1.442695020e+00, v3  }
0x13b: {  	v55 =	vmul.f32 $2.000000030e-01, v9;
	(erf) = vpow2.f32 v2;
	v2 =	vsub.f32 v5, v4  }
0x13c: {  	vm10 =	vgt.f32 v9, $0.0e+00;
	v59 =	vmul.f32 $2.000000030e-01, v8;
	(erf) = vpow2.f32 v3  }
0x13d: {  	vm12 =	vgt.f32 v8, $0.0e+00;
	v3 =	vmul.f32 $2.000000030e-01, v44;
	v2 =	vmul.f32 $1.442695020e+00, v2  }
0x13e: {  	v7 =	vsel vm10, v9, v55;
	v6 =	vsel vm12, v8, v59;
	v5 =	vadd.f32 v47, v1  }
0x13f: {  	v3 =	vsel vm6, v44, v3;
	(erf) = vpow2.f32 v2;
	v2 =	vsel vm7, v46, v48  }
0x140: {  	v1 =	vadd.f32 v12, v1;
	v2 =	vsub.f32 v3, v2;
	v3 =	vmul.f32 $2.000000030e-01, v49  }
0x141: {  	v4 =	vsel vm9, v51, v54;
	v56 =	vmul.f32 $2.000000030e-01, v5;
	vm11 =	vgt.f32 v5, $0.0e+00  }
0x142: {  	v63 =	vmul.f32 $2.000000030e-01, v1;
	vm15 =	vgt.f32 v1, $0.0e+00;
	v3 =	vsel vm8, v49, v3  }
0x143: {  	v57 =	vsel vm11, v5, v56;
	v5 =	vsel vm13, v58, v61;
	v3 =	vsub.f32 v3, v4  }
0x144: {  	v1 =	vsel vm15, v1, v63;
	v2 =	vmul.f32 $1.442695020e+00, v2;
	v4 =	vsub.f32 v7, v57  }
0x145: {  	v5 =	vsub.f32 v6, v5;
	v7 =	vsel vm14, v60, v62;
	v3 =	vmul.f32 $1.442695020e+00, v3  }
0x146: {  	(erf) = vpow2.f32 v2;
	v1 =	vsub.f32 v7, v1;
	v2 =	vmul.f32 $1.442695020e+00, v4  }
0x147: {  	(erf) = vpow2.f32 v3;
	v3 =	vmul.f32 $1.442695020e+00, v5  }
0x148: {  	v1 =	vmul.f32 $1.442695020e+00, v1;
	(erf) = vpow2.f32 v2  }
0x149: {  	(erf) = vpow2.f32 v3  }
0x14a: {  	(erf) = vpow2.f32 v1;
	_ =	sdelay $0x1  }
0x14b: {  	v1 =	vpop (erf)  }
0x14c: {  	v2 =	vpop (erf);
	[tilespmem:$0x8690] =	vst v1  }
0x14d: {  	v1 =	vpop (erf);
	[tilespmem:$0x86A0] =	vst v2  }
0x14e: {  	v2 =	vpop (erf);
	[tilespmem:$0x86B0] =	vst v1  }
0x14f: {  	[tilespmem:$0x86C0] =	vst v2;
	v1 =	vpop (erf)  }
0x150: {  	v2 =	vpop (erf);
	[tilespmem:$0x86D0] =	vst v1  }
0x151: {  	v1 =	vpop (erf);
	[tilespmem:$0x86E0] =	vst v2  }
0x152: {  	[tilespmem:$0x86F0] =	vst v1;
	v1 =	vpop (erf)  }
0x153: {  	[tilespmem:$0x8700] =	vst v1  }
0x154: {  	[spmem:s13] =	stream.indirect.scatter.add.f32 [tilespmem:s25], [sflag:$0x9], $0x1, s24, s31, $0xb8;
	[tilespmem:$0x1C990] =	vst v63  }
0x155: {  	_ =	swait.ge [sflag:s26], $0x4000  }
0x156: {  	s7 =	simm.s32 $0x0;
	[sflag:s26] =	ssyncset.done $0x0  }
0x157: {  	v1 =	vmov s7;
	[sflag:s26] =	ssyncadd.s32 $0xFFFFC000  }
0x158: {  	_ =	swait.ge [sflag:s28], $0x2000  }
0x159: {  	[sflag:s28] =	ssyncset.done $0x0  }
0x15a: {  	s4 =	simm.s32 $0x2430;
	[sflag:s28] =	ssyncadd.s32 $0xFFFFE000  }
0x15b: {  	v2 =	vld [tilespmem:s4+$0xFFFFFFE0]  }
0x15c: {  	v1 =	vld.idx.msk [tilespmem:v1+s25+$0x0], $0xffff;
	_ =	sdelay $0x3  }
0x15d: {  	v3 =	vunpack.i.l.bf16.f32 v2  }
0x15e: {  	v2 =	vunpack.i.u.bf16.f32 v2;
	v3 =	vmul.f32 v3, v1  }
0x15f: {  	s5 =	simm.s32 $0x4450;
	v2 =	vmul.f32 v2, v1  }
0x160: {  	[tilespmem:s5+$0xFFFFFFC0] =	vst v3  }
0x161: {  	[tilespmem:s5+$0xFFFFFFD0] =	vst v2  }
0x162: {  	v2 =	vld [tilespmem:s4+$0xFFFFFFF0];
	_ =	sdelay $0x4  }
0x163: {  	v3 =	vunpack.i.l.bf16.f32 v2  }
0x164: {  	v2 =	vunpack.i.u.bf16.f32 v2;
	v3 =	vmul.f32 v3, v1  }
0x165: {  	v2 =	vmul.f32 v2, v1  }
0x166: {  	[tilespmem:s5+$0xFFFFFFE0] =	vst v3  }
0x167: {  	[tilespmem:s5+$0xFFFFFFF0] =	vst v2  }
0x168: {  	v2 =	vld [tilespmem:s4+$0x0];
	_ =	sdelay $0x4  }
0x169: {  	v3 =	vunpack.i.l.bf16.f32 v2  }
0x16a: {  	v2 =	vunpack.i.u.bf16.f32 v2;
	v3 =	vmul.f32 v3, v1  }
0x16b: {  	v2 =	vmul.f32 v2, v1  }
0x16c: {  	[tilespmem:s5+$0x0] =	vst v3  }
0x16d: {  	[tilespmem:s5+$0x10] =	vst v2  }
0x16e: {  	s6 =	simm.s32 $0x4450;
	s7 =	simm.s32 $0x1;
	v2 =	vld [tilespmem:s4+$0x10]  }
.LBB2_7:
0x16f: {  	_ =	sdelay $0x3  }
0x170: {  	p0 =	sne.s32 s7, $0x7F;
	s5 =	sadd.s32 $0x80, s5;
	s4 =	sadd.s32 $0x40, s4;
	v3 =	vunpack.i.u.bf16.f32 v2;
	v2 =	vunpack.i.l.bf16.f32 v2  }
0x171: {  	v4 =	vmov s7;
	s7 =	sadd.s32 $0x1, s7;
	v2 =	vmul.f32 v2, v1;
	v1 =	vmul.f32 v3, v1;
	_ =	sdelay $0x1  }
0x172: {  	[tilespmem:s6+$0x20] =	vst v2  }
0x173: {  	[tilespmem:s6+$0x30] =	vst v1;
	s6 =	smov.u32 s5  }
0x174: {  	v2 =	vld [tilespmem:s4+$0xFFFFFFE0]  }
0x175: {  	v1 =	vld.idx.msk [tilespmem:v4+s25+$0x0], $0xffff;
	_ =	sdelay $0x4  }
0x176: {  	v3 =	vunpack.i.u.bf16.f32 v2;
	v2 =	vunpack.i.l.bf16.f32 v2  }
0x177: {  	v2 =	vmul.f32 v2, v1;
	v3 =	vmul.f32 v3, v1;
	_ =	sdelay $0x1  }
0x178: {  	[tilespmem:s5+$0xFFFFFFC0] =	vst v2  }
0x179: {  	[tilespmem:s5+$0xFFFFFFD0] =	vst v3  }
0x17a: {  	v2 =	vld [tilespmem:s4+$0xFFFFFFF0];
	_ =	sdelay $0x4  }
0x17b: {  	v3 =	vunpack.i.u.bf16.f32 v2;
	v2 =	vunpack.i.l.bf16.f32 v2  }
0x17c: {  	v2 =	vmul.f32 v2, v1;
	v3 =	vmul.f32 v3, v1;
	_ =	sdelay $0x1  }
0x17d: {  	[tilespmem:s5+$0xFFFFFFE0] =	vst v2  }
0x17e: {  	[tilespmem:s5+$0xFFFFFFF0] =	vst v3  }
0x17f: {  	v2 =	vld [tilespmem:s4+$0x0];
	_ =	sdelay $0x4  }
0x180: {  	v3 =	vunpack.i.u.bf16.f32 v2;
	v2 =	vunpack.i.l.bf16.f32 v2  }
.Ltmp2:
0x181: {  	v2 =	vmul.f32 v2, v1;
	v3 =	vmul.f32 v3, v1;
	(pc) =	sbr.rel @p0 .LBB2_7-.Ltmp2, $4  }
0x182: {  	_ = 	snop  }
0x183: {  	[tilespmem:s5+$0x0] =	vst v2  }
0x184: {  	[tilespmem:s5+$0x10] =	vst v3  }
0x185: {  	v2 =	vld [tilespmem:s4+$0x10]  }
0x186: {  	_ =	sdelay $0x2  }
0x187: {  	s4 =	rddreg [dreg:$0x1e]  }
0x188: {  	p0 =	sge.u32 s3, s4;
	s4 =	sld [smem:$0x7FC];
	v3 =	vunpack.i.l.bf16.f32 v2  }
0x189: {  	v2 =	vunpack.i.u.bf16.f32 v2;
	v3 =	vmul.f32 v3, v1  }
0x18a: {  	v1 =	vmul.f32 v2, v1  }
0x18b: {  	s4 =	sadd.s32 @!p0 s3, s4;
	[tilespmem:s6+$0x20] =	vst v3  }
0x18c: {  	s4 =	sshll.u32 @!p0 s4, $0x5;
	[tilespmem:s6+$0x30] =	vst v1  }
0x18d: {  	[spmem:s12] =	stream.indirect.scatter.add.f32 [tilespmem:s14], [sflag:$0x7], $0x80, s24, s31, $0xb8;
	[tilespmem:$0x1C990] =	vst v63  }
0x18e: {  	s5 =	simm.s32 @!p0 $0x0;
	s4 =	sadd.s32 @!p0 s19, s4;
	s6 =	simm.s32 @!p0 $0x310  }
0x18f: {  	[tilespmem:s6], [sflag:$0xA] =	stream.linear.gather @!p0 [hbm4b:s4+s5], $0x100, $0x38;
	[tilespmem:$0x1C990] =	vst v63  }
0x190: {  	s4 =	simm.s32 @!p0 $0xA  }
0x191: {  	_ =	swait.ge @!p0 [sflag:s4], $0x100  }
0x192: {  	[sflag:s4] =	ssyncset.done @!p0 $0x0  }
0x193: {  	s5 =	simm.s32 @!p0 $0x2410;
	[sflag:s4] =	ssyncadd.s32 @!p0 $0xFFFFFF00;
	s4 =	simm.s32 @!p0 $0x80  }
0x194: {  	[tilespmem:s5], [sflag:$0x2] =	stream.indirect.gather @!p0 [hbm4b:s1+s4], $0x40, s6, s4, $0xb8;
	[tilespmem:$0x1C990] =	vst v63  }
0x195: {  	s5 =	simm.s32 @!p0 $0x8490  }
0x196: {  	[tilespmem:s5], [sflag:$0x4] =	stream.indirect.gather @!p0 [hbm4b:s16+s4], $0x1, s6, s4, $0xb8;
	[tilespmem:$0x1C990] =	vst v63  }
0x197: {  	s5 =	simm.s32 @!p0 $0x390;
	s6 =	simm.s32 @!p0 $0x8590  }
0x198: {  	[tilespmem:s6], [sflag:$0x6] =	stream.indirect.gather @!p0 [hbm4b:s17+s4], $0x1, s5, s4, $0xb8;
	[tilespmem:$0x1C990] =	vst v63  }
0x199: {  	v1 =	vld [tilespmem:$0x0];
	_ =	swait.ge [sflag:s18], $0x80  }
0x19a: {  	[sflag:s18] =	ssyncset.done $0x0  }
0x19b: {  	[sflag:s18] =	ssyncadd.s32 $0xFFFFFF80  }
0x19c: {  	_ =	swait.ge [sflag:s20], $0x80  }
0x19d: {  	[sflag:s20] =	ssyncset.done $0x0  }
0x19e: {  	[sflag:s20] =	ssyncadd.s32 $0xFFFFFF80  }
0x19f: {  	_ =	swait.ge [sflag:s29], $0x80  }
0x1a0: {  	[sflag:s29] =	ssyncset.done $0x0  }
0x1a1: {  	[sflag:s29] =	ssyncadd.s32 $0xFFFFFF80  }
0x1a2: {  	v2 =	vld [tilespmem:$0x8410]  }
0x1a3: {  	v3 =	vld [tilespmem:$0x8510]  }
0x1a4: {  	v4 =	vld [tilespmem:$0x8420]  }
0x1a5: {  	v5 =	vld [tilespmem:$0x8520]  }
0x1a6: {  	v6 =	vld [tilespmem:$0x8430]  }
0x1a7: {  	v7 =	vld [tilespmem:$0x8530]  }
0x1a8: {  	v39 =	vld [tilespmem:$0x8440]  }
0x1a9: {  	v11 =	vld [tilespmem:$0x8540]  }
0x1aa: {  	v42 =	vld [tilespmem:$0x8450]  }
0x1ab: {  	v43 =	vld [tilespmem:$0x8550]  }
0x1ac: {  	v52 =	vld [tilespmem:$0x8570]  }
0x1ad: {  	v53 =	vld [tilespmem:$0x8480]  }
0x1ae: {  	v12 =	vld [tilespmem:$0x8580];
	v2 =	vadd.f32 v3, v2;
	v3 =	vadd.f32 v3, v1  }
0x1af: {  	v4 =	vadd.f32 v5, v4;
	v5 =	vadd.f32 v5, v1  }
0x1b0: {  	v6 =	vadd.f32 v7, v6;
	v7 =	vadd.f32 v7, v1  }
0x1b1: {  	v44 =	vadd.f32 v11, v39;
	v46 =	vadd.f32 v11, v1  }
0x1b2: {  	v49 =	vadd.f32 v43, v42;
	v51 =	vadd.f32 v43, v1  }
0x1b3: {  	v58 =	vadd.f32 v52, v1;
	v60 =	vadd.f32 v12, v53;
	v8 =	vmul.f32 $2.000000030e-01, v2  }
0x1b4: {  	v9 =	vmul.f32 $2.000000030e-01, v3;
	vm0 =	vgt.f32 v2, $0.0e+00;
	vm1 =	vgt.f32 v3, $0.0e+00  }
0x1b5: {  	v38 =	vmul.f32 $2.000000030e-01, v4;
	vm14 =	vgt.f32 v4, $0.0e+00;
	v10 =	vmul.f32 $2.000000030e-01, v5  }
0x1b6: {  	v45 =	vld [tilespmem:$0x8460];
	vm15 =	vgt.f32 v5, $0.0e+00;
	v40 =	vmul.f32 $2.000000030e-01, v6;
	vm4 =	vgt.f32 v6, $0.0e+00  }
0x1b7: {  	v47 =	vld [tilespmem:$0x8560];
	v41 =	vmul.f32 $2.000000030e-01, v7;
	vm5 =	vgt.f32 v7, $0.0e+00;
	vm6 =	vgt.f32 v44, $0.0e+00  }
0x1b8: {  	v50 =	vld [tilespmem:$0x8470];
	v48 =	vmul.f32 $2.000000030e-01, v46;
	vm7 =	vgt.f32 v46, $0.0e+00;
	vm8 =	vgt.f32 v49, $0.0e+00  }
0x1b9: {  	v54 =	vmul.f32 $2.000000030e-01, v51;
	vm9 =	vgt.f32 v51, $0.0e+00;
	v61 =	vmul.f32 $2.000000030e-01, v58  }
0x1ba: {  	vm13 =	vgt.f32 v58, $0.0e+00;
	v2 =	vsel vm0, v2, v8;
	v3 =	vsel vm1, v3, v9  }
0x1bb: {  	v4 =	vsel vm14, v4, v38;
	v2 =	vsub.f32 v2, v3;
	v3 =	vsel vm15, v5, v10  }
0x1bc: {  	v62 =	vmul.f32 $2.000000030e-01, v60;
	v9 =	vadd.f32 v47, v45;
	v3 =	vsub.f32 v4, v3  }
0x1bd: {  	v8 =	vadd.f32 v52, v50;
	vm14 =	vgt.f32 v60, $0.0e+00;
	v2 =	vmul.f32 $1.442695020e+00, v2  }
0x1be: {  	v5 =	vsel vm4, v6, v40;
	v4 =	vsel vm5, v7, v41;
	v3 =	vmul.f32 $1.442695020e+00, v3  }
0x1bf: {  	v55 =	vmul.f32 $2.000000030e-01, v9;
	(erf) = vpow2.f32 v2;
	v2 =	vsub.f32 v5, v4  }
0x1c0: {  	vm10 =	vgt.f32 v9, $0.0e+00;
	v59 =	vmul.f32 $2.000000030e-01, v8;
	(erf) = vpow2.f32 v3  }
0x1c1: {  	vm12 =	vgt.f32 v8, $0.0e+00;
	v3 =	vmul.f32 $2.000000030e-01, v44;
	v2 =	vmul.f32 $1.442695020e+00, v2  }
0x1c2: {  	v7 =	vsel vm10, v9, v55;
	v6 =	vsel vm12, v8, v59;
	v5 =	vadd.f32 v47, v1  }
0x1c3: {  	v3 =	vsel vm6, v44, v3;
	(erf) = vpow2.f32 v2;
	v2 =	vsel vm7, v46, v48  }
0x1c4: {  	v1 =	vadd.f32 v12, v1;
	v2 =	vsub.f32 v3, v2;
	v3 =	vmul.f32 $2.000000030e-01, v49  }
0x1c5: {  	v4 =	vsel vm9, v51, v54;
	v56 =	vmul.f32 $2.000000030e-01, v5;
	vm11 =	vgt.f32 v5, $0.0e+00  }
0x1c6: {  	v63 =	vmul.f32 $2.000000030e-01, v1;
	vm15 =	vgt.f32 v1, $0.0e+00;
	v3 =	vsel vm8, v49, v3  }
0x1c7: {  	v57 =	vsel vm11, v5, v56;
	v5 =	vsel vm13, v58, v61;
	v3 =	vsub.f32 v3, v4  }
0x1c8: {  	v1 =	vsel vm15, v1, v63;
	v2 =	vmul.f32 $1.442695020e+00, v2;
	v4 =	vsub.f32 v7, v57  }
0x1c9: {  	v5 =	vsub.f32 v6, v5;
	v7 =	vsel vm14, v60, v62;
	v3 =	vmul.f32 $1.442695020e+00, v3  }
0x1ca: {  	(erf) = vpow2.f32 v2;
	v1 =	vsub.f32 v7, v1;
	v2 =	vmul.f32 $1.442695020e+00, v4  }
0x1cb: {  	(erf) = vpow2.f32 v3;
	v3 =	vmul.f32 $1.442695020e+00, v5  }
0x1cc: {  	v1 =	vmul.f32 $1.442695020e+00, v1;
	(erf) = vpow2.f32 v2  }
0x1cd: {  	(erf) = vpow2.f32 v3  }
0x1ce: {  	(erf) = vpow2.f32 v1;
	_ =	sdelay $0x1  }
0x1cf: {  	v1 =	vpop (erf)  }
0x1d0: {  	v2 =	vpop (erf);
	[tilespmem:$0x8610] =	vst v1  }
0x1d1: {  	v1 =	vpop (erf);
	[tilespmem:$0x8620] =	vst v2  }
0x1d2: {  	v2 =	vpop (erf);
	[tilespmem:$0x8630] =	vst v1  }
0x1d3: {  	[tilespmem:$0x8640] =	vst v2;
	v1 =	vpop (erf)  }
0x1d4: {  	v2 =	vpop (erf);
	[tilespmem:$0x8650] =	vst v1  }
0x1d5: {  	v1 =	vpop (erf);
	[tilespmem:$0x8660] =	vst v2  }
0x1d6: {  	[tilespmem:$0x8670] =	vst v1;
	v1 =	vpop (erf)  }
0x1d7: {  	[tilespmem:$0x8680] =	vst v1  }
0x1d8: {  	[spmem:s13] =	stream.indirect.scatter.add.f32 [tilespmem:s15], [sflag:$0x8], $0x1, s30, s31, $0xb8;
	[tilespmem:$0x1C990] =	vst v63  }
0x1d9: {  	_ =	swait.ge [sflag:s26], $0x4000  }
0x1da: {  	s7 =	simm.s32 $0x0;
	[sflag:s26] =	ssyncset.done $0x0  }
0x1db: {  	v1 =	vmov s7;
	[sflag:s26] =	ssyncadd.s32 $0xFFFFC000  }
0x1dc: {  	_ =	swait.ge [sflag:s21], $0x2000  }
0x1dd: {  	[sflag:s21] =	ssyncset.done $0x0  }
0x1de: {  	s4 =	simm.s32 $0x430;
	[sflag:s21] =	ssyncadd.s32 $0xFFFFE000  }
0x1df: {  	v2 =	vld [tilespmem:s4+$0xFFFFFFE0]  }
0x1e0: {  	v1 =	vld.idx.msk [tilespmem:v1+s15+$0x0], $0xffff;
	_ =	sdelay $0x3  }
0x1e1: {  	v3 =	vunpack.i.l.bf16.f32 v2  }
0x1e2: {  	v2 =	vunpack.i.u.bf16.f32 v2;
	v3 =	vmul.f32 v3, v1  }
0x1e3: {  	s5 =	simm.s32 $0x4450;
	v2 =	vmul.f32 v2, v1  }
0x1e4: {  	[tilespmem:s5+$0xFFFFFFC0] =	vst v3  }
0x1e5: {  	[tilespmem:s5+$0xFFFFFFD0] =	vst v2  }
0x1e6: {  	v2 =	vld [tilespmem:s4+$0xFFFFFFF0];
	_ =	sdelay $0x4  }
0x1e7: {  	v3 =	vunpack.i.l.bf16.f32 v2  }
0x1e8: {  	v2 =	vunpack.i.u.bf16.f32 v2;
	v3 =	vmul.f32 v3, v1  }
0x1e9: {  	v2 =	vmul.f32 v2, v1  }
0x1ea: {  	[tilespmem:s5+$0xFFFFFFE0] =	vst v3  }
0x1eb: {  	[tilespmem:s5+$0xFFFFFFF0] =	vst v2  }
0x1ec: {  	v2 =	vld [tilespmem:s4+$0x0];
	_ =	sdelay $0x4  }
0x1ed: {  	v3 =	vunpack.i.l.bf16.f32 v2  }
0x1ee: {  	v2 =	vunpack.i.u.bf16.f32 v2;
	v3 =	vmul.f32 v3, v1  }
0x1ef: {  	v2 =	vmul.f32 v2, v1  }
0x1f0: {  	[tilespmem:s5+$0x0] =	vst v3  }
0x1f1: {  	[tilespmem:s5+$0x10] =	vst v2  }
0x1f2: {  	s6 =	simm.s32 $0x4450;
	s7 =	simm.s32 $0x1;
	v2 =	vld [tilespmem:s4+$0x10]  }
.LBB2_9:
0x1f3: {  	_ =	sdelay $0x3  }
0x1f4: {  	p0 =	sne.s32 s7, $0x7F;
	s5 =	sadd.s32 $0x80, s5;
	s4 =	sadd.s32 $0x40, s4;
	v3 =	vunpack.i.u.bf16.f32 v2;
	v2 =	vunpack.i.l.bf16.f32 v2  }
0x1f5: {  	v4 =	vmov s7;
	s7 =	sadd.s32 $0x1, s7;
	v2 =	vmul.f32 v2, v1;
	v1 =	vmul.f32 v3, v1;
	_ =	sdelay $0x1  }
0x1f6: {  	[tilespmem:s6+$0x20] =	vst v2  }
0x1f7: {  	[tilespmem:s6+$0x30] =	vst v1;
	s6 =	smov.u32 s5  }
0x1f8: {  	v2 =	vld [tilespmem:s4+$0xFFFFFFE0]  }
0x1f9: {  	v1 =	vld.idx.msk [tilespmem:v4+s15+$0x0], $0xffff;
	_ =	sdelay $0x4  }
0x1fa: {  	v3 =	vunpack.i.u.bf16.f32 v2;
	v2 =	vunpack.i.l.bf16.f32 v2  }
0x1fb: {  	v2 =	vmul.f32 v2, v1;
	v3 =	vmul.f32 v3, v1;
	_ =	sdelay $0x1  }
0x1fc: {  	[tilespmem:s5+$0xFFFFFFC0] =	vst v2  }
0x1fd: {  	[tilespmem:s5+$0xFFFFFFD0] =	vst v3  }
0x1fe: {  	v2 =	vld [tilespmem:s4+$0xFFFFFFF0];
	_ =	sdelay $0x4  }
0x1ff: {  	v3 =	vunpack.i.u.bf16.f32 v2;
	v2 =	vunpack.i.l.bf16.f32 v2  }
0x200: {  	v2 =	vmul.f32 v2, v1;
	v3 =	vmul.f32 v3, v1;
	_ =	sdelay $0x1  }
0x201: {  	[tilespmem:s5+$0xFFFFFFE0] =	vst v2  }
0x202: {  	[tilespmem:s5+$0xFFFFFFF0] =	vst v3  }
0x203: {  	v2 =	vld [tilespmem:s4+$0x0];
	_ =	sdelay $0x4  }
0x204: {  	v3 =	vunpack.i.u.bf16.f32 v2;
	v2 =	vunpack.i.l.bf16.f32 v2  }
.Ltmp3:
0x205: {  	v2 =	vmul.f32 v2, v1;
	v3 =	vmul.f32 v3, v1;
	(pc) =	sbr.rel @p0 .LBB2_9-.Ltmp3, $4  }
0x206: {  	_ = 	snop  }
0x207: {  	[tilespmem:s5+$0x0] =	vst v2  }
0x208: {  	[tilespmem:s5+$0x10] =	vst v3  }
0x209: {  	v2 =	vld [tilespmem:s4+$0x10]  }
0x20a: {  	_ =	sdelay $0x3  }
0x20b: {  	v3 =	vunpack.i.l.bf16.f32 v2  }
0x20c: {  	s4 =	rddreg [dreg:$0x1f];
	v2 =	vunpack.i.u.bf16.f32 v2;
	v3 =	vmul.f32 v3, v1  }
0x20d: {  	p0 =	sge.u32 s3, s4;
	v1 =	vmul.f32 v2, v1  }
0x20e: {  	s3 =	sadd.s32 @!p0 s3, s8;
	[tilespmem:s6+$0x20] =	vst v3  }
0x20f: {  	s3 =	sshll.u32 @!p0 s3, $0x5;
	[tilespmem:s6+$0x30] =	vst v1  }
0x210: {  	[spmem:s12] =	stream.indirect.scatter.add.f32 [tilespmem:s14], [sflag:$0x7], $0x80, s30, s31, $0xb8;
	[tilespmem:$0x1C990] =	vst v63  }
0x211: {  	s4 =	simm.s32 @!p0 $0x0;
	s5 =	simm.s32 @!p0 $0x10;
	s3 =	sadd.s32 @!p0 s19, s3  }
0x212: {  	[tilespmem:s5], [sflag:$0xA] =	stream.linear.gather @!p0 [hbm4b:s3+s4], $0x100, $0x38;
	[tilespmem:$0x1C990] =	vst v63  }
0x213: {  	s3 =	simm.s32 @!p0 $0xA  }
0x214: {  	_ =	swait.ge @!p0 [sflag:s3], $0x100  }
0x215: {  	[sflag:s3] =	ssyncset.done @!p0 $0x0  }
0x216: {  	s4 =	simm.s32 @!p0 $0x410;
	[sflag:s3] =	ssyncadd.s32 @!p0 $0xFFFFFF00;
	s3 =	simm.s32 @!p0 $0x80  }
0x217: {  	[tilespmem:s4], [sflag:$0x1] =	stream.indirect.gather @!p0 [hbm4b:s1+s3], $0x40, s5, s3, $0xb8;
	[tilespmem:$0x1C990] =	vst v63  }
0x218: {  	s4 =	simm.s32 @!p0 $0x8410  }
0x219: {  	[tilespmem:s4], [sflag:$0x3] =	stream.indirect.gather @!p0 [hbm4b:s16+s3], $0x1, s5, s3, $0xb8;
	[tilespmem:$0x1C990] =	vst v63  }
0x21a: {  	s4 =	simm.s32 @!p0 $0x90;
	s5 =	simm.s32 @!p0 $0x8510  }
0x21b: {  	[tilespmem:s5], [sflag:$0x5] =	stream.indirect.gather @!p0 [hbm4b:s17+s3], $0x1, s4, s3, $0xb8;
	[tilespmem:$0x1C990] =	vst v63  }
0x21c: {  	v1 =	vld [tilespmem:$0x0];
	_ =	swait.ge [sflag:s22], $0x80  }
0x21d: {  	[sflag:s22] =	ssyncset.done $0x0  }
0x21e: {  	[sflag:s22] =	ssyncadd.s32 $0xFFFFFF80  }
0x21f: {  	_ =	swait.ge [sflag:s23], $0x80  }
0x220: {  	[sflag:s23] =	ssyncset.done $0x0  }
0x221: {  	[sflag:s23] =	ssyncadd.s32 $0xFFFFFF80  }
0x222: {  	_ =	swait.ge [sflag:s11], $0x80  }
0x223: {  	[sflag:s11] =	ssyncset.done $0x0  }
0x224: {  	[sflag:s11] =	ssyncadd.s32 $0xFFFFFF80  }
0x225: {  	v2 =	vld [tilespmem:$0x8490]  }
0x226: {  	v3 =	vld [tilespmem:$0x8590]  }
0x227: {  	v4 =	vld [tilespmem:$0x84A0]  }
0x228: {  	v5 =	vld [tilespmem:$0x85A0]  }
0x229: {  	v6 =	vld [tilespmem:$0x84B0]  }
0x22a: {  	v7 =	vld [tilespmem:$0x85B0]  }
0x22b: {  	v39 =	vld [tilespmem:$0x84C0]  }
0x22c: {  	v11 =	vld [tilespmem:$0x85C0]  }
0x22d: {  	v42 =	vld [tilespmem:$0x84D0]  }
0x22e: {  	v43 =	vld [tilespmem:$0x85D0]  }
0x22f: {  	v52 =	vld [tilespmem:$0x85F0]  }
0x230: {  	v53 =	vld [tilespmem:$0x8500]  }
0x231: {  	v12 =	vld [tilespmem:$0x8600];
	v2 =	vadd.f32 v3, v2;
	v3 =	vadd.f32 v3, v1  }
0x232: {  	v4 =	vadd.f32 v5, v4;
	v5 =	vadd.f32 v5, v1  }
0x233: {  	v6 =	vadd.f32 v7, v6;
	v7 =	vadd.f32 v7, v1  }
0x234: {  	v44 =	vadd.f32 v11, v39;
	v46 =	vadd.f32 v11, v1  }
0x235: {  	v49 =	vadd.f32 v43, v42;
	v51 =	vadd.f32 v43, v1  }
0x236: {  	v58 =	vadd.f32 v52, v1;
	v60 =	vadd.f32 v12, v53;
	v8 =	vmul.f32 $2.000000030e-01, v2  }
0x237: {  	v9 =	vmul.f32 $2.000000030e-01, v3;
	vm0 =	vgt.f32 v2, $0.0e+00;
	vm1 =	vgt.f32 v3, $0.0e+00  }
0x238: {  	v38 =	vmul.f32 $2.000000030e-01, v4;
	vm14 =	vgt.f32 v4, $0.0e+00;
	v10 =	vmul.f32 $2.000000030e-01, v5  }
0x239: {  	v45 =	vld [tilespmem:$0x84E0];
	vm15 =	vgt.f32 v5, $0.0e+00;
	v40 =	vmul.f32 $2.000000030e-01, v6;
	vm4 =	vgt.f32 v6, $0.0e+00  }
0x23a: {  	v47 =	vld [tilespmem:$0x85E0];
	v41 =	vmul.f32 $2.000000030e-01, v7;
	vm5 =	vgt.f32 v7, $0.0e+00;
	vm6 =	vgt.f32 v44, $0.0e+00  }
0x23b: {  	v50 =	vld [tilespmem:$0x84F0];
	v48 =	vmul.f32 $2.000000030e-01, v46;
	vm7 =	vgt.f32 v46, $0.0e+00;
	vm8 =	vgt.f32 v49, $0.0e+00  }
0x23c: {  	v54 =	vmul.f32 $2.000000030e-01, v51;
	vm9 =	vgt.f32 v51, $0.0e+00;
	v61 =	vmul.f32 $2.000000030e-01, v58  }
0x23d: {  	vm13 =	vgt.f32 v58, $0.0e+00;
	v2 =	vsel vm0, v2, v8;
	v3 =	vsel vm1, v3, v9  }
0x23e: {  	v4 =	vsel vm14, v4, v38;
	v2 =	vsub.f32 v2, v3;
	v3 =	vsel vm15, v5, v10  }
0x23f: {  	v62 =	vmul.f32 $2.000000030e-01, v60;
	v9 =	vadd.f32 v47, v45;
	v3 =	vsub.f32 v4, v3  }
0x240: {  	v8 =	vadd.f32 v52, v50;
	vm14 =	vgt.f32 v60, $0.0e+00;
	v2 =	vmul.f32 $1.442695020e+00, v2  }
0x241: {  	v5 =	vsel vm4, v6, v40;
	v4 =	vsel vm5, v7, v41;
	v3 =	vmul.f32 $1.442695020e+00, v3  }
0x242: {  	v55 =	vmul.f32 $2.000000030e-01, v9;
	(erf) = vpow2.f32 v2;
	v2 =	vsub.f32 v5, v4  }
0x243: {  	vm10 =	vgt.f32 v9, $0.0e+00;
	v59 =	vmul.f32 $2.000000030e-01, v8;
	(erf) = vpow2.f32 v3  }
0x244: {  	vm12 =	vgt.f32 v8, $0.0e+00;
	v3 =	vmul.f32 $2.000000030e-01, v44;
	v2 =	vmul.f32 $1.442695020e+00, v2  }
0x245: {  	v7 =	vsel vm10, v9, v55;
	v6 =	vsel vm12, v8, v59;
	v5 =	vadd.f32 v47, v1  }
0x246: {  	v3 =	vsel vm6, v44, v3;
	(erf) = vpow2.f32 v2;
	v2 =	vsel vm7, v46, v48  }
0x247: {  	v1 =	vadd.f32 v12, v1;
	v2 =	vsub.f32 v3, v2;
	v3 =	vmul.f32 $2.000000030e-01, v49  }
0x248: {  	v4 =	vsel vm9, v51, v54;
	v56 =	vmul.f32 $2.000000030e-01, v5;
	vm11 =	vgt.f32 v5, $0.0e+00  }
0x249: {  	v63 =	vmul.f32 $2.000000030e-01, v1;
	vm15 =	vgt.f32 v1, $0.0e+00;
	v3 =	vsel vm8, v49, v3  }
0x24a: {  	v57 =	vsel vm11, v5, v56;
	v5 =	vsel vm13, v58, v61;
	v3 =	vsub.f32 v3, v4  }
0x24b: {  	v1 =	vsel vm15, v1, v63;
	v2 =	vmul.f32 $1.442695020e+00, v2;
	v4 =	vsub.f32 v7, v57  }
0x24c: {  	v5 =	vsub.f32 v6, v5;
	v7 =	vsel vm14, v60, v62;
	v3 =	vmul.f32 $1.442695020e+00, v3  }
0x24d: {  	(erf) = vpow2.f32 v2;
	v1 =	vsub.f32 v7, v1;
	v2 =	vmul.f32 $1.442695020e+00, v4  }
0x24e: {  	(erf) = vpow2.f32 v3;
	v3 =	vmul.f32 $1.442695020e+00, v5  }
0x24f: {  	v1 =	vmul.f32 $1.442695020e+00, v1;
	(erf) = vpow2.f32 v2  }
0x250: {  	(erf) = vpow2.f32 v3  }
0x251: {  	(erf) = vpow2.f32 v1;
	_ =	sdelay $0x1  }
0x252: {  	v1 =	vpop (erf)  }
0x253: {  	v2 =	vpop (erf);
	[tilespmem:$0x8690] =	vst v1  }
0x254: {  	v1 =	vpop (erf);
	[tilespmem:$0x86A0] =	vst v2  }
0x255: {  	v2 =	vpop (erf);
	[tilespmem:$0x86B0] =	vst v1  }
0x256: {  	[tilespmem:$0x86C0] =	vst v2;
	v1 =	vpop (erf)  }
0x257: {  	v2 =	vpop (erf);
	[tilespmem:$0x86D0] =	vst v1  }
0x258: {  	v1 =	vpop (erf);
	[tilespmem:$0x86E0] =	vst v2  }
0x259: {  	[tilespmem:$0x86F0] =	vst v1;
	v1 =	vpop (erf)  }
0x25a: {  	[tilespmem:$0x8700] =	vst v1  }
0x25b: {  	[spmem:s13] =	stream.indirect.scatter.add.f32 [tilespmem:s25], [sflag:$0x9], $0x1, s2, s31, $0xb8;
	[tilespmem:$0x1C990] =	vst v63  }
0x25c: {  	_ =	swait.ge [sflag:s26], $0x4000  }
0x25d: {  	s7 =	simm.s32 $0x0;
	[sflag:s26] =	ssyncset.done $0x0  }
0x25e: {  	v1 =	vmov s7;
	[sflag:s26] =	ssyncadd.s32 $0xFFFFC000  }
0x25f: {  	_ =	swait.ge [sflag:s28], $0x2000  }
0x260: {  	[sflag:s28] =	ssyncset.done $0x0  }
0x261: {  	s3 =	simm.s32 $0x2430;
	[sflag:s28] =	ssyncadd.s32 $0xFFFFE000  }
0x262: {  	v2 =	vld [tilespmem:s3+$0xFFFFFFE0]  }
0x263: {  	v1 =	vld.idx.msk [tilespmem:v1+s25+$0x0], $0xffff;
	_ =	sdelay $0x3  }
0x264: {  	v3 =	vunpack.i.l.bf16.f32 v2  }
0x265: {  	v2 =	vunpack.i.u.bf16.f32 v2;
	v3 =	vmul.f32 v3, v1  }
0x266: {  	s4 =	simm.s32 $0x4450;
	v2 =	vmul.f32 v2, v1  }
0x267: {  	[tilespmem:s4+$0xFFFFFFC0] =	vst v3  }
0x268: {  	[tilespmem:s4+$0xFFFFFFD0] =	vst v2  }
0x269: {  	v2 =	vld [tilespmem:s3+$0xFFFFFFF0];
	_ =	sdelay $0x4  }
0x26a: {  	v3 =	vunpack.i.l.bf16.f32 v2  }
0x26b: {  	v2 =	vunpack.i.u.bf16.f32 v2;
	v3 =	vmul.f32 v3, v1  }
0x26c: {  	v2 =	vmul.f32 v2, v1  }
0x26d: {  	[tilespmem:s4+$0xFFFFFFE0] =	vst v3  }
0x26e: {  	[tilespmem:s4+$0xFFFFFFF0] =	vst v2  }
0x26f: {  	v2 =	vld [tilespmem:s3+$0x0];
	_ =	sdelay $0x4  }
0x270: {  	v3 =	vunpack.i.l.bf16.f32 v2  }
0x271: {  	v2 =	vunpack.i.u.bf16.f32 v2;
	v3 =	vmul.f32 v3, v1  }
0x272: {  	v2 =	vmul.f32 v2, v1  }
0x273: {  	[tilespmem:s4+$0x0] =	vst v3  }
0x274: {  	[tilespmem:s4+$0x10] =	vst v2  }
0x275: {  	s6 =	simm.s32 $0x1;
	s5 =	simm.s32 $0x4450;
	v2 =	vld [tilespmem:s3+$0x10]  }
.LBB2_11:
0x276: {  	_ =	sdelay $0x3  }
0x277: {  	p0 =	sne.s32 s6, $0x7F;
	s4 =	sadd.s32 $0x80, s4;
	s3 =	sadd.s32 $0x40, s3;
	v3 =	vunpack.i.u.bf16.f32 v2;
	v2 =	vunpack.i.l.bf16.f32 v2  }
0x278: {  	v4 =	vmov s6;
	s6 =	sadd.s32 $0x1, s6;
	v2 =	vmul.f32 v2, v1;
	v1 =	vmul.f32 v3, v1;
	_ =	sdelay $0x1  }
0x279: {  	[tilespmem:s5+$0x20] =	vst v2  }
0x27a: {  	[tilespmem:s5+$0x30] =	vst v1;
	s5 =	smov.u32 s4  }
0x27b: {  	v2 =	vld [tilespmem:s3+$0xFFFFFFE0]  }
0x27c: {  	v1 =	vld.idx.msk [tilespmem:v4+s25+$0x0], $0xffff;
	_ =	sdelay $0x4  }
0x27d: {  	v3 =	vunpack.i.u.bf16.f32 v2;
	v2 =	vunpack.i.l.bf16.f32 v2  }
0x27e: {  	v2 =	vmul.f32 v2, v1;
	v3 =	vmul.f32 v3, v1;
	_ =	sdelay $0x1  }
0x27f: {  	[tilespmem:s4+$0xFFFFFFC0] =	vst v2  }
0x280: {  	[tilespmem:s4+$0xFFFFFFD0] =	vst v3  }
0x281: {  	v2 =	vld [tilespmem:s3+$0xFFFFFFF0];
	_ =	sdelay $0x4  }
0x282: {  	v3 =	vunpack.i.u.bf16.f32 v2;
	v2 =	vunpack.i.l.bf16.f32 v2  }
0x283: {  	v2 =	vmul.f32 v2, v1;
	v3 =	vmul.f32 v3, v1;
	_ =	sdelay $0x1  }
0x284: {  	[tilespmem:s4+$0xFFFFFFE0] =	vst v2  }
0x285: {  	[tilespmem:s4+$0xFFFFFFF0] =	vst v3  }
0x286: {  	v2 =	vld [tilespmem:s3+$0x0];
	_ =	sdelay $0x4  }
0x287: {  	v3 =	vunpack.i.u.bf16.f32 v2;
	v2 =	vunpack.i.l.bf16.f32 v2  }
.Ltmp4:
0x288: {  	v2 =	vmul.f32 v2, v1;
	v3 =	vmul.f32 v3, v1;
	(pc) =	sbr.rel @p0 .LBB2_11-.Ltmp4, $4  }
0x289: {  	_ = 	snop  }
0x28a: {  	[tilespmem:s4+$0x0] =	vst v2  }
0x28b: {  	[tilespmem:s4+$0x10] =	vst v3  }
0x28c: {  	v2 =	vld [tilespmem:s3+$0x10]  }
0x28d: {  	_ =	sdelay $0x2  }
0x28e: {  	s0 =	sadd.s32 $0x1, s0;
	s3 =	rddreg [dreg:$0x1b]  }
0x28f: {  	p0 =	sne.s32 s0, s3;
	v3 =	vunpack.i.l.bf16.f32 v2  }
.Ltmp5:
0x290: {  	v2 =	vunpack.i.u.bf16.f32 v2;
	v3 =	vmul.f32 v3, v1;
	(pc) =	sbr.rel @p0 .LBB2_4-.Ltmp5, $4  }
0x291: {  	v1 =	vmul.f32 v2, v1  }
0x292: {  	[tilespmem:s5+$0x20] =	vst v3  }
0x293: {  	[tilespmem:s5+$0x30] =	vst v1  }
0x294: {  	[spmem:s12] =	stream.indirect.scatter.add.f32 [tilespmem:s14], [sflag:$0x7], $0x80, s2, s31, $0xb8;
	[tilespmem:$0x1C990] =	vst v63  }
0x295: {  	_ =	swait.ge [sflag:s26], $0x4000  }
0x296: {  	[sflag:s26] =	ssyncset.done $0x0  }
0x297: {  	[sflag:s26] =	ssyncadd.s32 $0xFFFFC000  }
0x298: {  	_ =	swait.ge [sflag:s29], $0x80  }
0x299: {  	[sflag:s29] =	ssyncset.done $0x0  }
0x29a: {  	[sflag:s29] =	ssyncadd.s32 $0xFFFFFF80  }
0x29b: {  	_ =	swait.ge [sflag:s11], $0x80  }
0x29c: {  	[sflag:s11] =	ssyncset.done $0x0  }
0x29d: {  	[sflag:s11] =	ssyncadd.s32 $0xFFFFFF80  }
0x29e: {  	s0 =	stileid.u32;
	[bflag:$0x0] =	sbarrier.arrive $0xFFFF  }
0x29f: {  	s0 =	sshll.u32 s0, $0x6;
	s6 =	rddreg [dreg:$0x10]  }
0x2a0: {  	s0 =	sor.u32 $0x1C0A, s0;
	s4 =	rddreg [dreg:$0x5];
	s3 =	sshrl.u32 s6, $0x3  }
0x2a1: {  	[hbm:s4], [sflag:s0] =	dma.local [spmem:s3], $0x800  }
0x2a2: {  	_ =	swait.ge [sflag:s10], $0x800  }
0x2a3: {  	[sflag:s10] =	ssyncset.done $0x0;
	s5 =	rddreg [dreg:$0x11]  }
0x2a4: {  	s7 =	rddreg [dreg:$0xa];
	[sflag:s10] =	ssyncadd.s32 $0xFFFFF800;
	s4 =	sshrl.u32 s5, $0x3  }
0x2a5: {  	[hbm:s7], [sflag:s0] =	dma.local [spmem:s4], $0x10  }
0x2a6: {  	_ =	swait.ge [sflag:s10], $0x10  }
0x2a7: {  	[sflag:s10] =	ssyncset.done $0x0;
	s7 =	rddreg [dreg:$0x12]  }
0x2a8: {  	s4 =	rddreg [dreg:$0x6];
	[sflag:s10] =	ssyncadd.s32 $0xFFFFFFF0;
	s3 =	sshrl.u32 s7, $0x3  }
0x2a9: {  	[hbm:s4], [sflag:s0] =	dma.local [spmem:s3], $0x800  }
0x2aa: {  	_ =	swait.ge [sflag:s10], $0x800  }
0x2ab: {  	[sflag:s10] =	ssyncset.done $0x0;
	s4 =	rddreg [dreg:$0x13]  }
0x2ac: {  	[sflag:s10] =	ssyncadd.s32 $0xFFFFF800;
	s3 =	sshrl.u32 s4, $0x3;
	s4 =	rddreg [dreg:$0xb]  }
0x2ad: {  	[hbm:s4], [sflag:s0] =	dma.local [spmem:s3], $0x10  }
0x2ae: {  	_ =	swait.ge [sflag:s10], $0x10  }
0x2af: {  	[sflag:s10] =	ssyncset.done $0x0;
	s4 =	rddreg [dreg:$0x14]  }
0x2b0: {  	[sflag:s10] =	ssyncadd.s32 $0xFFFFFFF0;
	s3 =	sshrl.u32 s4, $0x3;
	s4 =	rddreg [dreg:$0x7]  }
0x2b1: {  	[hbm:s4], [sflag:s0] =	dma.local [spmem:s3], $0x800  }
0x2b2: {  	_ =	swait.ge [sflag:s10], $0x800  }
0x2b3: {  	[sflag:s10] =	ssyncset.done $0x0;
	s4 =	rddreg [dreg:$0x15]  }
0x2b4: {  	[sflag:s10] =	ssyncadd.s32 $0xFFFFF800;
	s3 =	sshrl.u32 s4, $0x3;
	s4 =	rddreg [dreg:$0xc]  }
0x2b5: {  	[hbm:s4], [sflag:s0] =	dma.local [spmem:s3], $0x10  }
0x2b6: {  	_ =	swait.ge [sflag:s10], $0x10  }
0x2b7: {  	[sflag:s10] =	ssyncset.done $0x0;
	s4 =	rddreg [dreg:$0x16]  }
0x2b8: {  	[sflag:s10] =	ssyncadd.s32 $0xFFFFFFF0;
	s3 =	sshrl.u32 s4, $0x3;
	s4 =	rddreg [dreg:$0x8]  }
0x2b9: {  	[hbm:s4], [sflag:s0] =	dma.local [spmem:s3], $0x800  }
0x2ba: {  	_ =	swait.ge [sflag:s10], $0x800  }
0x2bb: {  	[sflag:s10] =	ssyncset.done $0x0;
	s4 =	rddreg [dreg:$0x17]  }
0x2bc: {  	[sflag:s10] =	ssyncadd.s32 $0xFFFFF800;
	s3 =	sshrl.u32 s4, $0x3;
	s4 =	rddreg [dreg:$0xd]  }
0x2bd: {  	[hbm:s4], [sflag:s0] =	dma.local [spmem:s3], $0x10  }
0x2be: {  	_ =	swait.ge [sflag:s10], $0x10  }
0x2bf: {  	[sflag:s10] =	ssyncset.done $0x0;
	s4 =	rddreg [dreg:$0x18]  }
0x2c0: {  	[sflag:s10] =	ssyncadd.s32 $0xFFFFFFF0;
	s3 =	sshrl.u32 s4, $0x3;
	s4 =	rddreg [dreg:$0x9]  }
0x2c1: {  	[hbm:s4], [sflag:s0] =	dma.local [spmem:s3], $0x800  }
0x2c2: {  	_ =	swait.ge [sflag:s10], $0x800  }
0x2c3: {  	[sflag:s10] =	ssyncset.done $0x0;
	s4 =	rddreg [dreg:$0x19]  }
0x2c4: {  	[sflag:s10] =	ssyncadd.s32 $0xFFFFF800;
	s3 =	sshrl.u32 s4, $0x3;
	s4 =	rddreg [dreg:$0xe]  }
0x2c5: {  	[hbm:s4], [sflag:s0] =	dma.local [spmem:s3], $0x10  }
0x2c6: {  	_ =	swait.ge [sflag:s10], $0x10  }
0x2c7: {  	s0 =	sld [smem:$0x7F9]  }
0x2c8: {  	s4 =	sld [smem:$0x7FD];
	_ =	sdelay $0x1  }
0x2c9: {  	s3 =	sadd.s32 $0x1, s0  }
0x2ca: {  	p0 =	sne.s32 s3, s4  }
.Ltmp6:
0x2cb: {  	_ = 	snop;
	(pc) =	sbr.rel @p0 .LBB2_1-.Ltmp6, $3  }
0x2cc: {  	_ =	sdelay $0x1  }
0x2cd: {  	[sflag:s10] =	ssyncset.done $0x0  }
0x2ce: {  	[sflag:s10] =	ssyncadd.s32 $0xFFFFFFF0  }
0x2cf: {  	_ =	sfence.sel $0x180000  }
0x2d0: {  	[bflag:$0x0] =	sbarrier.arrive $0xFFFF  }
0x2d1: {  	_ =	strace $0x90000047  }
0x2d2: {  	s0 =	stileid.u32;
	[bflag:$0x2] =	sbarrier.arrive $0xFFFF  }
0x2d3: {  	p0 =	sne.s32 s0, $0x0;
	s0 =	rddreg [dreg:$0x4]  }
0x2d4: {  	s0 =	sadd.s32 @!p0 $0x100000, s0  }
0x2d5: {  	[sflag:s0] =	ssyncadd.tile.s32 @!p0 $0x1;
	_ =	shalt  }
.Lfunc_end2:
_tile_overlayer_lowered:
.L_overlay_start_2:
0x2d6: {  	(tag) =	ssettag $0x2  }
0x2d7: {  	s0 =	rddreg [dreg:$0x0];
	s2 =	stileid.u32  }
0x2d8: {  	s1 =	rddreg [dreg:$0x1];
	p0 =	sne.s32 s2, $0x0  }
0x2d9: {  	s3 =	rddreg [dreg:$0x2];
	[bflag:$0x3] =	sbarrier.arrive $0xFFFF;
	s2 =	simm.s32 @!p0 $0x1C0A  }
0x2da: {  	[timem:s3], [sflag:s2] =	dma.local @!p0 [hbm:s0], s1  }
0x2db: {  	s0 =	simm.s32 @!p0 $0xA  }
0x2dc: {  	_ =	swait.ge @!p0 [sflag:s0], s1  }
0x2dd: {  	s1 =	ssub.s32 @!p0 $0x0, s1;
	[sflag:s0] =	ssyncset.done @!p0 $0x0  }
0x2de: {  	[sflag:s0] =	ssyncadd.s32 @!p0 s1  }
0x2df: {  	[bflag:$0x3] =	sbarrier.arrive $0xFFFF  }
0x2e0: {  	_ =	shalt  }

</sc_bundles>
